<compile_context>
chip_gen: v7x
topology: tpu7x:2x2x1
jax: 0.10.2.dev20260603
libtpu: 0.0.44.dev20260713+nightly
codegen_flags: <defaults>
</compile_context>

<pallas_src>
import functools

import jax
import jax.numpy as jnp
from jax import lax
from jax.experimental import pallas as pl
from jax.experimental.pallas import tpu as pltpu
from jax.experimental.pallas import tpu_sc as plsc

N_NODES = 10000
N_PAD = 10112
D = 128
E = 320000
EPS = 1e-5

NC, NS = 2, 16
NW = NC * NS
EPT = E // NW
K = 80
NCH = EPT // K
RPT = N_PAD // NS
DEGW = 16
BNC = 80
GK = 64
_GROUPS = [(0, 64), (64, 61)]

_BCHUNKS = [(i * BNC, min(BNC, RPT - i * BNC)) for i in range((RPT + BNC - 1) // BNC)]


def _fill_shared(src_vmem, shared, row0):
    for off, sz in _BCHUNKS:
        pltpu.sync_copy(src_vmem.at[pl.ds(0, sz)], shared.at[pl.ds(row0 + off, sz)])


def _readout_shared(shared, bounce, hbm, c, row0):
    for off, sz in _BCHUNKS:
        pltpu.sync_copy(shared.at[pl.ds(row0 + off, sz)], bounce.at[pl.ds(0, sz)])
        pltpu.sync_copy(bounce.at[pl.ds(0, sz)], hbm.at[c, pl.ds(row0 + off, sz)])



def _deg_body(dst_hbm, z128_hbm, ones_hbm,
              deg_hbm,
              deg_sh, dstv, zbuf, onesv):
    c = lax.axis_index("c")
    s = lax.axis_index("s")
    wid = c * NS + s
    row0 = s * RPT

    pltpu.sync_copy(dst_hbm.at[wid], dstv)
    pltpu.sync_copy(z128_hbm, zbuf)
    pltpu.sync_copy(ones_hbm, onesv)
    _fill_shared(zbuf, deg_sh, row0)
    plsc.subcore_barrier()

    def chunk(j, carry):
        pltpu.sync_copy(onesv, deg_sh.at[dstv.at[j]], add=True)
        return carry

    lax.fori_loop(0, NCH, chunk, 0)
    plsc.subcore_barrier()
    _readout_shared(deg_sh, zbuf, deg_hbm, c, row0)


def _deg_hist_body(dst_hbm, z1_hbm,
                   deg_hbm,
                   degp, dstv):
    c = lax.axis_index("c")
    s = lax.axis_index("s")
    wid = c * NS + s

    pltpu.sync_copy(dst_hbm.at[wid], dstv)
    pltpu.sync_copy(z1_hbm, degp)
    ones16 = jnp.ones((16,), jnp.float32)

    def chunk(j, carry):
        for u in range(K // 16):
            idx = dstv[j, pl.ds(u * 16, 16)]
            plsc.addupdate_scatter(degp, [idx], ones16)
        return carry

    lax.fori_loop(0, NCH, chunk, 0)
    pltpu.sync_copy(degp, deg_hbm.at[wid])


def _agg_body(x_hbm, src_hbm, dst_hbm, z128_hbm,
              acc_hbm,
              acc_sh, srcg, dstg, rows0, rows1, rows2, sem0, sem1, sem2):
    c = lax.axis_index("c")
    s = lax.axis_index("s")
    wid = c * NS + s
    row0 = s * RPT

    pltpu.sync_copy(z128_hbm, rows0)
    _fill_shared(rows0, acc_sh, row0)
    plsc.subcore_barrier()

    bufs = (rows0, rows1, rows2)
    sems = (sem0, sem1, sem2)

    def gather(j, b):
        pltpu.async_copy(x_hbm.at[srcg.at[j]], bufs[b], sems[b])

    def gwait(j, b):
        pltpu.make_async_copy(x_hbm.at[srcg.at[j]], bufs[b], sems[b]).wait()

    def scat(j, b):
        pltpu.sync_copy(bufs[b], acc_sh.at[dstg.at[j]], add=True)

    for goff, cnt in _GROUPS:
        pltpu.sync_copy(src_hbm.at[wid, pl.ds(goff, cnt)], srcg.at[pl.ds(0, cnt)])
        pltpu.sync_copy(dst_hbm.at[wid, pl.ds(goff, cnt)], dstg.at[pl.ds(0, cnt)])

        for b in range(2):
            gather(b, b)
        trips = (cnt - 2) // 3

        def trip(q, carry):
            j = 3 * q
            for b in range(3):
                gwait(j + b, b)
                gather(j + b + 2, (b + 2) % 3)
                scat(j + b, b)
            return carry

        lax.fori_loop(0, trips, trip, 0)

        t = 3 * trips
        for r in range(cnt - t):
            b = r % 3
            if r >= 2:
                gather(t + r, b)
            gwait(t + r, b)
            scat(t + r, b)

    plsc.subcore_barrier()
    _readout_shared(acc_sh, rows0, acc_hbm, c, row0)


@functools.cache
def _sc_mesh():
    return plsc.VectorSubcoreMesh(core_axis_name="c", subcore_axis_name="s",
                                  num_cores=NC, num_subcores=NS)


@functools.cache
def _deg_call():
    return pl.kernel(
        _deg_body,
        out_type=jax.ShapeDtypeStruct((NC, N_PAD, D), jnp.float32),
        mesh=_sc_mesh(),
        scratch_types=[
            pltpu.VMEM_SHARED((N_PAD, D), jnp.float32),
            pltpu.VMEM((NCH, K), jnp.int32),
            pltpu.VMEM((BNC, D), jnp.float32),
            pltpu.VMEM((K, D), jnp.float32),
        ],
    )


@functools.cache
def _deg_hist_call():
    return pl.kernel(
        _deg_hist_body,
        out_type=jax.ShapeDtypeStruct((NW, N_PAD), jnp.float32),
        mesh=_sc_mesh(),
        scratch_types=[
            pltpu.VMEM((N_PAD,), jnp.float32),
            pltpu.VMEM((NCH, K), jnp.int32),
        ],
    )


@functools.cache
def _agg_call():
    return pl.kernel(
        _agg_body,
        out_type=jax.ShapeDtypeStruct((NC, N_PAD, D), jnp.float32),
        mesh=_sc_mesh(),
        scratch_types=[
            pltpu.VMEM_SHARED((N_PAD, D), jnp.float32),
            pltpu.VMEM((GK, K), jnp.int32),
            pltpu.VMEM((GK, K), jnp.int32),
            pltpu.VMEM((K, D), jnp.float32),
            pltpu.VMEM((K, D), jnp.float32),
            pltpu.VMEM((K, D), jnp.float32),
            pltpu.SemaphoreType.DMA,
            pltpu.SemaphoreType.DMA,
            pltpu.SemaphoreType.DMA,
        ],
    )



def _rowsum(v):
    return jnp.sum(v, axis=0, keepdims=True)


def _sage_gn(acc, deg, x, wl, bl, wr, gw, gb, gms, mask):
    agg = acc[0] + acc[1]
    mean = agg / jnp.maximum(deg, 1.0)
    pre = (lax.dot_general(mean, wl, (((1,), (1,)), ((), ())),
                           preferred_element_type=jnp.float32)
           + bl[None, :]
           + lax.dot_general(x, wr, (((1,), (1,)), ((), ())),
                             preferred_element_type=jnp.float32))
    n = float(N_NODES)
    cm = _rowsum(pre * mask) / n
    outc = pre - gms[None, :] * cm
    var = _rowsum(outc * outc * mask) / n
    h = gw[None, :] * outc * lax.rsqrt(var + EPS) + gb[None, :]
    h = jnp.where(h >= 0, h, 0.01 * h)
    return h * mask


def _bn_relu(a, w, b, mask):
    n = float(N_NODES)
    m = _rowsum(a * mask) / n
    d = a - m
    var = _rowsum(d * d * mask) / n
    return jnp.maximum(w[None, :] * d * lax.rsqrt(var + EPS) + b[None, :], 0.0)


def _l1_body(acc_ref, deg_ref, x_ref, wl_ref, bl_ref, wr_ref,
             gw_ref, gb_ref, gms_ref, o_ref):
    mask = (lax.broadcasted_iota(jnp.int32, (N_PAD, 1), 0)
            < N_NODES).astype(jnp.float32)
    deg = deg_ref[0, :, 0:1] + deg_ref[1, :, 0:1]
    o_ref[...] = _sage_gn(acc_ref[...], deg, x_ref[...], wl_ref[...],
                          bl_ref[...], wr_ref[...], gw_ref[...], gb_ref[...],
                          gms_ref[...], mask)


def _l2_body(acc_ref, deg_ref, h_ref, wl_ref, bl_ref, wr_ref,
             gw_ref, gb_ref, gms_ref,
             m1w_ref, m1b_ref, b1w_ref, b1b_ref,
             m2w_ref, m2b_ref, b2w_ref, b2b_ref,
             m3w_ref, m3b_ref, o_ref):
    mask = (lax.broadcasted_iota(jnp.int32, (N_PAD, 1), 0)
            < N_NODES).astype(jnp.float32)
    deg = deg_ref[0, :, 0:1] + deg_ref[1, :, 0:1]
    h2 = _sage_gn(acc_ref[...], deg, h_ref[...], wl_ref[...], bl_ref[...],
                  wr_ref[...], gw_ref[...], gb_ref[...], gms_ref[...], mask)
    a1 = lax.dot_general(h2, m1w_ref[...], (((1,), (1,)), ((), ())),
                         preferred_element_type=jnp.float32) + m1b_ref[...][None, :]
    r1 = _bn_relu(a1, b1w_ref[...], b1b_ref[...], mask)
    a2 = lax.dot_general(r1, m2w_ref[...], (((1,), (1,)), ((), ())),
                         preferred_element_type=jnp.float32) + m2b_ref[...][None, :]
    r2 = _bn_relu(a2, b2w_ref[...], b2b_ref[...], mask)
    out = jnp.sum(r2 * m3w_ref[0][None, :], axis=1, keepdims=True) + m3b_ref[0]
    o_ref[...] = out


_l1_call = pl.pallas_call(
    _l1_body,
    out_shape=jax.ShapeDtypeStruct((N_PAD, D), jnp.float32),
)

_l2_call = pl.pallas_call(
    _l2_body,
    out_shape=jax.ShapeDtypeStruct((N_PAD, 1), jnp.float32),
)



def kernel(x, edge_index, Wl1, bl1, Wr1, gn1_w, gn1_b, gn1_ms,
           Wl2, bl2, Wr2, gn2_w, gn2_b, gn2_ms,
           M1_W, M1_b, bn1_w, bn1_b, M2_W, M2_b, bn2_w, bn2_b, M3_W, M3_b):
    src = edge_index[0].reshape(NW, NCH, K)
    dst = edge_index[1].reshape(NW, NCH, K)
    z128 = jnp.zeros((BNC, D), jnp.float32)
    ones = jnp.ones((K, D), jnp.float32)

    degacc = _deg_call()(dst, z128, ones)[:, :, :DEGW]
    acc1 = _agg_call()(x, src, dst, z128)

    x_pad = jnp.pad(x, ((0, N_PAD - N_NODES), (0, 0)))
    h1 = _l1_call(acc1, degacc, x_pad, Wl1, bl1, Wr1, gn1_w, gn1_b, gn1_ms)

    acc2 = _agg_call()(h1, src, dst, z128)

    out = _l2_call(acc2, degacc, h1, Wl2, bl2, Wr2, gn2_w, gn2_b, gn2_ms,
                   M1_W, M1_b, bn1_w, bn1_b, M2_W, M2_b, bn2_w, bn2_b,
                   M3_W, M3_b)
    return out[:N_NODES]

# --- scband reference (transcript-rebuilt; emitter-appended) ---
"""Pipeline reference for scband-sageregressor-12549894439325 (READ-ONLY COPY).

The authoritative reference and input builder live on the scoring server;
editing this copy changes nothing except your own understanding.
"""

import jax, jax.numpy as jnp
import numpy as np

N_NODES = 10000
N_EDGES = 320000
D_IN = 128
H = 128
EPS = 1e-5

def _glorot(key, out_dim, in_dim):
    lim = float(np.sqrt(6.0 / (in_dim + out_dim)))
    return jax.random.uniform(key, (out_dim, in_dim), minval=-lim, maxval=lim, dtype=jnp.float32)

def setup_inputs(seed: int = 0):
    key = jax.random.key(seed)
    ks = jax.random.split(key, 16)
    inp = {}
    inp['x'] = jax.random.normal(ks[0], (N_NODES, D_IN), dtype=jnp.float32)
    inp['edge_index'] = jax.random.randint(ks[1], (2, N_EDGES), 0, N_NODES, dtype=jnp.int32)
    # SAGEConv layer 1 (aggr='mean'): lin_l applied to aggregated neighbors (with bias), lin_r to root
    inp['Wl1'] = _glorot(ks[2], H, D_IN); inp['bl1'] = jnp.zeros((H,), jnp.float32)
    inp['Wr1'] = _glorot(ks[3], H, D_IN)
    inp['gn1_w'] = jnp.ones((H,), jnp.float32); inp['gn1_b'] = jnp.zeros((H,), jnp.float32); inp['gn1_ms'] = jnp.ones((H,), jnp.float32)
    # SAGEConv layer 2
    inp['Wl2'] = _glorot(ks[4], H, H); inp['bl2'] = jnp.zeros((H,), jnp.float32)
    inp['Wr2'] = _glorot(ks[5], H, H)
    inp['gn2_w'] = jnp.ones((H,), jnp.float32); inp['gn2_b'] = jnp.zeros((H,), jnp.float32); inp['gn2_ms'] = jnp.ones((H,), jnp.float32)
    # MLP [128, 64, 32, 1] with batch_norm + relu on hidden layers, plain last
    inp['M1_W'] = _glorot(ks[6], 64, 128); inp['M1_b'] = jnp.zeros((64,), jnp.float32)
    inp['bn1_w'] = jnp.ones((64,), jnp.float32); inp['bn1_b'] = jnp.zeros((64,), jnp.float32)
    inp['M2_W'] = _glorot(ks[7], 32, 64); inp['M2_b'] = jnp.zeros((32,), jnp.float32)
    inp['bn2_w'] = jnp.ones((32,), jnp.float32); inp['bn2_b'] = jnp.zeros((32,), jnp.float32)
    inp['M3_W'] = _glorot(ks[8], 1, 32); inp['M3_b'] = jnp.zeros((1,), jnp.float32)
    return inp

def _sage(x, src, dst, Wl, bl, Wr):
    agg = jax.ops.segment_sum(x[src], dst, num_segments=N_NODES)
    deg = jax.ops.segment_sum(jnp.ones_like(dst, dtype=x.dtype), dst, num_segments=N_NODES)
    mean = agg / jnp.clip(deg, 1.0, None)[:, None]
    return mean @ Wl.T + bl + x @ Wr.T

def _graph_norm(x, w, b, ms):
    mean = jnp.mean(x, axis=0, keepdims=True)
    out = x - ms * mean
    var = jnp.mean(out * out, axis=0, keepdims=True)
    return w * out / jnp.sqrt(var + EPS) + b

def _bn(x, w, b):
    mean = jnp.mean(x, axis=0)
    var = jnp.var(x, axis=0)
    return w * (x - mean) / jnp.sqrt(var + EPS) + b

def reference(x, edge_index, Wl1, bl1, Wr1, gn1_w, gn1_b, gn1_ms, Wl2, bl2, Wr2, gn2_w, gn2_b, gn2_ms, M1_W, M1_b, bn1_w, bn1_b, M2_W, M2_b, bn2_w, bn2_b, M3_W, M3_b):
    src = edge_index[0]
    dst = edge_index[1]
    h = _sage(x, src, dst, Wl1, bl1, Wr1)
    h = jax.nn.leaky_relu(_graph_norm(h, gn1_w, gn1_b, gn1_ms), 0.01)
    # Dropout(p=0.1) -> identity in eval mode
    h = _sage(h, src, dst, Wl2, bl2, Wr2)
    h = jax.nn.leaky_relu(_graph_norm(h, gn2_w, gn2_b, gn2_ms), 0.01)
    h = jax.nn.relu(_bn(h @ M1_W.T + M1_b, bn1_w, bn1_b))
    h = jax.nn.relu(_bn(h @ M2_W.T + M2_b, bn2_w, bn2_b))
    return h @ M3_W.T + M3_b

if __name__ == "__main__":
    import jax
    _d = setup_inputs()
    print(jax.jit(kernel)(*tuple(_d.values())))

</pallas_src>

<mosaic_0001>
#map = affine_map<(d0, d1) -> (0, 0, 0)>
#map1 = affine_map<(d0, d1) -> (0, 0)>
module attributes {stable_mosaic.version = 14 : i64} {
  func.func @_deg_body(%arg0: i32, %arg1: i32, %arg2: memref<32x125x80xi32, #tpu.memory_space<hbm>>, %arg3: memref<80x128xf32, #tpu.memory_space<hbm>>, %arg4: memref<80x128xf32, #tpu.memory_space<hbm>>, %arg5: memref<2x10112x128xf32, #tpu.memory_space<hbm>>, %arg6: memref<10112x128xf32, #tpu.memory_space<vmem_shared>>, %arg7: memref<125x80xi32, #tpu.memory_space<vmem>>, %arg8: memref<80x128xf32, #tpu.memory_space<vmem>>, %arg9: memref<80x128xf32, #tpu.memory_space<vmem>>) attributes {dimension_semantics = [#tpu.dimension_semantics<core_parallel>, #tpu.dimension_semantics<subcore_parallel>], iteration_bounds = array<i64: 2, 16>, scalar_prefetch = 0 : i64, scratch_operands = 4 : i64, tpu.core_type = #tpu.core_type<sc_vector_subcore>, window_params = [{transform_indices = #map}, {transform_indices = #map1}, {transform_indices = #map1}, {transform_indices = #map}]} {
    %mul3A = arith.constant 16 : i32
    %mul3A_0 = arith.muli %arg0, %mul3A : i32
    %add3A = arith.addi %mul3A_0, %arg1 : i32
    %mul3A_1 = arith.constant 632 : i32
    %mul3A_2 = arith.muli %arg1, %mul3A_1 : i32
    "tpu.region"() ({
      %run_scoped3A = tpu.sem_alloc : memref<!tpu.dma_semaphore, #tpu.memory_space<semaphore_mem>>
      %dma_start3A = arith.constant 0 : i32
      %dma_start3A_57 = arith.constant 0 : i32
      %dma_start3A_58 = tpu.memref_slice %arg2[%add3A, %dma_start3A, %dma_start3A_57] : memref<32x125x80xi32, #tpu.memory_space<hbm>> -> memref<1x125x80xi32, #tpu.memory_space<hbm>>
      %dma_start3A_59 = tpu.memref_squeeze %dma_start3A_58 : memref<1x125x80xi32, #tpu.memory_space<hbm>> -> memref<125x80xi32, #tpu.memory_space<hbm>>
      %dma_start3A_60 = arith.constant 0 : i32
      %dma_start3A_61 = arith.constant 0 : i32
      %dma_start3A_62 = tpu.memref_slice %arg2[%add3A, %dma_start3A_60, %dma_start3A_61] : memref<32x125x80xi32, #tpu.memory_space<hbm>> -> memref<1x125x80xi32, #tpu.memory_space<hbm>>
      %dma_start3A_63 = tpu.memref_squeeze %dma_start3A_62 : memref<1x125x80xi32, #tpu.memory_space<hbm>> -> memref<125x80xi32, #tpu.memory_space<hbm>>
      tpu.enqueue_dma source(%dma_start3A_63 : memref<125x80xi32, #tpu.memory_space<hbm>>) target(%arg7 : memref<125x80xi32, #tpu.memory_space<vmem>>) target_semaphore(%run_scoped3A : memref<!tpu.dma_semaphore, #tpu.memory_space<semaphore_mem>>)
      %dma_wait3A = arith.constant 0 : i32
      %dma_wait3A_64 = arith.constant 0 : i32
      %dma_wait3A_65 = tpu.memref_slice %arg2[%add3A, %dma_wait3A, %dma_wait3A_64] : memref<32x125x80xi32, #tpu.memory_space<hbm>> -> memref<1x125x80xi32, #tpu.memory_space<hbm>>
      %dma_wait3A_66 = tpu.memref_squeeze %dma_wait3A_65 : memref<1x125x80xi32, #tpu.memory_space<hbm>> -> memref<125x80xi32, #tpu.memory_space<hbm>>
      %dma_wait3A_67 = arith.constant 0 : i32
      %dma_wait3A_68 = arith.constant 0 : i32
      %dma_wait3A_69 = tpu.memref_slice %arg2[%add3A, %dma_wait3A_67, %dma_wait3A_68] : memref<32x125x80xi32, #tpu.memory_space<hbm>> -> memref<1x125x80xi32, #tpu.memory_space<hbm>>
      %dma_wait3A_70 = tpu.memref_squeeze %dma_wait3A_69 : memref<1x125x80xi32, #tpu.memory_space<hbm>> -> memref<125x80xi32, #tpu.memory_space<hbm>>
      tpu.wait_dma2 semaphore(%run_scoped3A : memref<!tpu.dma_semaphore, #tpu.memory_space<semaphore_mem>>) src(%dma_wait3A_70 : memref<125x80xi32, #tpu.memory_space<hbm>>) dst(%arg7 : memref<125x80xi32, #tpu.memory_space<vmem>>)
      tpu.yield
    }) : () -> ()
    "tpu.region"() ({
      %run_scoped3A = tpu.sem_alloc : memref<!tpu.dma_semaphore, #tpu.memory_space<semaphore_mem>>
      tpu.enqueue_dma source(%arg3 : memref<80x128xf32, #tpu.memory_space<hbm>>) target(%arg8 : memref<80x128xf32, #tpu.memory_space<vmem>>) target_semaphore(%run_scoped3A : memref<!tpu.dma_semaphore, #tpu.memory_space<semaphore_mem>>)
      tpu.wait_dma2 semaphore(%run_scoped3A : memref<!tpu.dma_semaphore, #tpu.memory_space<semaphore_mem>>) src(%arg3 : memref<80x128xf32, #tpu.memory_space<hbm>>) dst(%arg8 : memref<80x128xf32, #tpu.memory_space<vmem>>)
      tpu.yield
    }) : () -> ()
    "tpu.region"() ({
      %run_scoped3A = tpu.sem_alloc : memref<!tpu.dma_semaphore, #tpu.memory_space<semaphore_mem>>
      tpu.enqueue_dma source(%arg4 : memref<80x128xf32, #tpu.memory_space<hbm>>) target(%arg9 : memref<80x128xf32, #tpu.memory_space<vmem>>) target_semaphore(%run_scoped3A : memref<!tpu.dma_semaphore, #tpu.memory_space<semaphore_mem>>)
      tpu.wait_dma2 semaphore(%run_scoped3A : memref<!tpu.dma_semaphore, #tpu.memory_space<semaphore_mem>>) src(%arg4 : memref<80x128xf32, #tpu.memory_space<hbm>>) dst(%arg9 : memref<80x128xf32, #tpu.memory_space<vmem>>)
      tpu.yield
    }) : () -> ()
    %add3A_3 = arith.constant 0 : i32
    %add3A_4 = arith.addi %mul3A_2, %add3A_3 : i32
    "tpu.region"() ({
      %run_scoped3A = tpu.sem_alloc : memref<!tpu.dma_semaphore, #tpu.memory_space<semaphore_mem>>
      %dma_start3A = arith.constant 0 : i32
      %dma_start3A_57 = arith.constant 0 : i32
      %dma_start3A_58 = tpu.memref_slice %arg8[%dma_start3A, %dma_start3A_57] : memref<80x128xf32, #tpu.memory_space<vmem>> -> memref<80x128xf32, #tpu.memory_space<vmem>>
      %dma_start3A_59 = arith.constant 0 : i32
      %dma_start3A_60 = tpu.memref_slice %arg6[%add3A_4, %dma_start3A_59] : memref<10112x128xf32, #tpu.memory_space<vmem_shared>> -> memref<80x128xf32, #tpu.memory_space<vmem_shared>>
      %dma_start3A_61 = arith.constant 0 : i32
      %dma_start3A_62 = tpu.memref_slice %arg6[%add3A_4, %dma_start3A_61] : memref<10112x128xf32, #tpu.memory_space<vmem_shared>> -> memref<80x128xf32, #tpu.memory_space<vmem_shared>>
      %dma_start3A_63 = arith.constant 0 : i32
      %dma_start3A_64 = arith.constant 0 : i32
      %dma_start3A_65 = tpu.memref_slice %arg8[%dma_start3A_63, %dma_start3A_64] : memref<80x128xf32, #tpu.memory_space<vmem>> -> memref<80x128xf32, #tpu.memory_space<vmem>>
      tpu.enqueue_dma source(%dma_start3A_65 : memref<80x128xf32, #tpu.memory_space<vmem>>) target(%dma_start3A_62 : memref<80x128xf32, #tpu.memory_space<vmem_shared>>) target_semaphore(%run_scoped3A : memref<!tpu.dma_semaphore, #tpu.memory_space<semaphore_mem>>)
      %dma_wait3A = arith.constant 0 : i32
      %dma_wait3A_66 = arith.constant 0 : i32
      %dma_wait3A_67 = tpu.memref_slice %arg8[%dma_wait3A, %dma_wait3A_66] : memref<80x128xf32, #tpu.memory_space<vmem>> -> memref<80x128xf32, #tpu.memory_space<vmem>>
      %dma_wait3A_68 = arith.constant 0 : i32
      %dma_wait3A_69 = tpu.memref_slice %arg6[%add3A_4, %dma_wait3A_68] : memref<10112x128xf32, #tpu.memory_space<vmem_shared>> -> memref<80x128xf32, #tpu.memory_space<vmem_shared>>
      %dma_wait3A_70 = arith.constant 0 : i32
      %dma_wait3A_71 = tpu.memref_slice %arg6[%add3A_4, %dma_wait3A_70] : memref<10112x128xf32, #tpu.memory_space<vmem_shared>> -> memref<80x128xf32, #tpu.memory_space<vmem_shared>>
      %dma_wait3A_72 = arith.constant 0 : i32
      %dma_wait3A_73 = arith.constant 0 : i32
      %dma_wait3A_74 = tpu.memref_slice %arg8[%dma_wait3A_72, %dma_wait3A_73] : memref<80x128xf32, #tpu.memory_space<vmem>> -> memref<80x128xf32, #tpu.memory_space<vmem>>
      tpu.wait_dma2 semaphore(%run_scoped3A : memref<!tpu.dma_semaphore, #tpu.memory_space<semaphore_mem>>) src(%dma_wait3A_74 : memref<80x128xf32, #tpu.memory_space<vmem>>) dst(%dma_wait3A_71 : memref<80x128xf32, #tpu.memory_space<vmem_shared>>)
      tpu.yield
    }) : () -> ()
    %add3A_5 = arith.constant 80 : i32
    %add3A_6 = arith.addi %mul3A_2, %add3A_5 : i32
    "tpu.region"() ({
      %run_scoped3A = tpu.sem_alloc : memref<!tpu.dma_semaphore, #tpu.memory_space<semaphore_mem>>
      %dma_start3A = arith.constant 0 : i32
      %dma_start3A_57 = arith.constant 0 : i32
      %dma_start3A_58 = tpu.memref_slice %arg8[%dma_start3A, %dma_start3A_57] : memref<80x128xf32, #tpu.memory_space<vmem>> -> memref<80x128xf32, #tpu.memory_space<vmem>>
      %dma_start3A_59 = arith.constant 0 : i32
      %dma_start3A_60 = tpu.memref_slice %arg6[%add3A_6, %dma_start3A_59] : memref<10112x128xf32, #tpu.memory_space<vmem_shared>> -> memref<80x128xf32, #tpu.memory_space<vmem_shared>>
      %dma_start3A_61 = arith.constant 0 : i32
      %dma_start3A_62 = tpu.memref_slice %arg6[%add3A_6, %dma_start3A_61] : memref<10112x128xf32, #tpu.memory_space<vmem_shared>> -> memref<80x128xf32, #tpu.memory_space<vmem_shared>>
      %dma_start3A_63 = arith.constant 0 : i32
      %dma_start3A_64 = arith.constant 0 : i32
      %dma_start3A_65 = tpu.memref_slice %arg8[%dma_start3A_63, %dma_start3A_64] : memref<80x128xf32, #tpu.memory_space<vmem>> -> memref<80x128xf32, #tpu.memory_space<vmem>>
      tpu.enqueue_dma source(%dma_start3A_65 : memref<80x128xf32, #tpu.memory_space<vmem>>) target(%dma_start3A_62 : memref<80x128xf32, #tpu.memory_space<vmem_shared>>) target_semaphore(%run_scoped3A : memref<!tpu.dma_semaphore, #tpu.memory_space<semaphore_mem>>)
      %dma_wait3A = arith.constant 0 : i32
      %dma_wait3A_66 = arith.constant 0 : i32
      %dma_wait3A_67 = tpu.memref_slice %arg8[%dma_wait3A, %dma_wait3A_66] : memref<80x128xf32, #tpu.memory_space<vmem>> -> memref<80x128xf32, #tpu.memory_space<vmem>>
      %dma_wait3A_68 = arith.constant 0 : i32
      %dma_wait3A_69 = tpu.memref_slice %arg6[%add3A_6, %dma_wait3A_68] : memref<10112x128xf32, #tpu.memory_space<vmem_shared>> -> memref<80x128xf32, #tpu.memory_space<vmem_shared>>
      %dma_wait3A_70 = arith.constant 0 : i32
      %dma_wait3A_71 = tpu.memref_slice %arg6[%add3A_6, %dma_wait3A_70] : memref<10112x128xf32, #tpu.memory_space<vmem_shared>> -> memref<80x128xf32, #tpu.memory_space<vmem_shared>>
      %dma_wait3A_72 = arith.constant 0 : i32
      %dma_wait3A_73 = arith.constant 0 : i32
      %dma_wait3A_74 = tpu.memref_slice %arg8[%dma_wait3A_72, %dma_wait3A_73] : memref<80x128xf32, #tpu.memory_space<vmem>> -> memref<80x128xf32, #tpu.memory_space<vmem>>
      tpu.wait_dma2 semaphore(%run_scoped3A : memref<!tpu.dma_semaphore, #tpu.memory_space<semaphore_mem>>) src(%dma_wait3A_74 : memref<80x128xf32, #tpu.memory_space<vmem>>) dst(%dma_wait3A_71 : memref<80x128xf32, #tpu.memory_space<vmem_shared>>)
      tpu.yield
    }) : () -> ()
    %add3A_7 = arith.constant 160 : i32
    %add3A_8 = arith.addi %mul3A_2, %add3A_7 : i32
    "tpu.region"() ({
      %run_scoped3A = tpu.sem_alloc : memref<!tpu.dma_semaphore, #tpu.memory_space<semaphore_mem>>
      %dma_start3A = arith.constant 0 : i32
      %dma_start3A_57 = arith.constant 0 : i32
      %dma_start3A_58 = tpu.memref_slice %arg8[%dma_start3A, %dma_start3A_57] : memref<80x128xf32, #tpu.memory_space<vmem>> -> memref<80x128xf32, #tpu.memory_space<vmem>>
      %dma_start3A_59 = arith.constant 0 : i32
      %dma_start3A_60 = tpu.memref_slice %arg6[%add3A_8, %dma_start3A_59] : memref<10112x128xf32, #tpu.memory_space<vmem_shared>> -> memref<80x128xf32, #tpu.memory_space<vmem_shared>>
      %dma_start3A_61 = arith.constant 0 : i32
      %dma_start3A_62 = tpu.memref_slice %arg6[%add3A_8, %dma_start3A_61] : memref<10112x128xf32, #tpu.memory_space<vmem_shared>> -> memref<80x128xf32, #tpu.memory_space<vmem_shared>>
      %dma_start3A_63 = arith.constant 0 : i32
      %dma_start3A_64 = arith.constant 0 : i32
      %dma_start3A_65 = tpu.memref_slice %arg8[%dma_start3A_63, %dma_start3A_64] : memref<80x128xf32, #tpu.memory_space<vmem>> -> memref<80x128xf32, #tpu.memory_space<vmem>>
      tpu.enqueue_dma source(%dma_start3A_65 : memref<80x128xf32, #tpu.memory_space<vmem>>) target(%dma_start3A_62 : memref<80x128xf32, #tpu.memory_space<vmem_shared>>) target_semaphore(%run_scoped3A : memref<!tpu.dma_semaphore, #tpu.memory_space<semaphore_mem>>)
      %dma_wait3A = arith.constant 0 : i32
      %dma_wait3A_66 = arith.constant 0 : i32
      %dma_wait3A_67 = tpu.memref_slice %arg8[%dma_wait3A, %dma_wait3A_66] : memref<80x128xf32, #tpu.memory_space<vmem>> -> memref<80x128xf32, #tpu.memory_space<vmem>>
      %dma_wait3A_68 = arith.constant 0 : i32
      %dma_wait3A_69 = tpu.memref_slice %arg6[%add3A_8, %dma_wait3A_68] : memref<10112x128xf32, #tpu.memory_space<vmem_shared>> -> memref<80x128xf32, #tpu.memory_space<vmem_shared>>
      %dma_wait3A_70 = arith.constant 0 : i32
      %dma_wait3A_71 = tpu.memref_slice %arg6[%add3A_8, %dma_wait3A_70] : memref<10112x128xf32, #tpu.memory_space<vmem_shared>> -> memref<80x128xf32, #tpu.memory_space<vmem_shared>>
      %dma_wait3A_72 = arith.constant 0 : i32
      %dma_wait3A_73 = arith.constant 0 : i32
      %dma_wait3A_74 = tpu.memref_slice %arg8[%dma_wait3A_72, %dma_wait3A_73] : memref<80x128xf32, #tpu.memory_space<vmem>> -> memref<80x128xf32, #tpu.memory_space<vmem>>
      tpu.wait_dma2 semaphore(%run_scoped3A : memref<!tpu.dma_semaphore, #tpu.memory_space<semaphore_mem>>) src(%dma_wait3A_74 : memref<80x128xf32, #tpu.memory_space<vmem>>) dst(%dma_wait3A_71 : memref<80x128xf32, #tpu.memory_space<vmem_shared>>)
      tpu.yield
    }) : () -> ()
    %add3A_9 = arith.constant 240 : i32
    %add3A_10 = arith.addi %mul3A_2, %add3A_9 : i32
    "tpu.region"() ({
      %run_scoped3A = tpu.sem_alloc : memref<!tpu.dma_semaphore, #tpu.memory_space<semaphore_mem>>
      %dma_start3A = arith.constant 0 : i32
      %dma_start3A_57 = arith.constant 0 : i32
      %dma_start3A_58 = tpu.memref_slice %arg8[%dma_start3A, %dma_start3A_57] : memref<80x128xf32, #tpu.memory_space<vmem>> -> memref<80x128xf32, #tpu.memory_space<vmem>>
      %dma_start3A_59 = arith.constant 0 : i32
      %dma_start3A_60 = tpu.memref_slice %arg6[%add3A_10, %dma_start3A_59] : memref<10112x128xf32, #tpu.memory_space<vmem_shared>> -> memref<80x128xf32, #tpu.memory_space<vmem_shared>>
      %dma_start3A_61 = arith.constant 0 : i32
      %dma_start3A_62 = tpu.memref_slice %arg6[%add3A_10, %dma_start3A_61] : memref<10112x128xf32, #tpu.memory_space<vmem_shared>> -> memref<80x128xf32, #tpu.memory_space<vmem_shared>>
      %dma_start3A_63 = arith.constant 0 : i32
      %dma_start3A_64 = arith.constant 0 : i32
      %dma_start3A_65 = tpu.memref_slice %arg8[%dma_start3A_63, %dma_start3A_64] : memref<80x128xf32, #tpu.memory_space<vmem>> -> memref<80x128xf32, #tpu.memory_space<vmem>>
      tpu.enqueue_dma source(%dma_start3A_65 : memref<80x128xf32, #tpu.memory_space<vmem>>) target(%dma_start3A_62 : memref<80x128xf32, #tpu.memory_space<vmem_shared>>) target_semaphore(%run_scoped3A : memref<!tpu.dma_semaphore, #tpu.memory_space<semaphore_mem>>)
      %dma_wait3A = arith.constant 0 : i32
      %dma_wait3A_66 = arith.constant 0 : i32
      %dma_wait3A_67 = tpu.memref_slice %arg8[%dma_wait3A, %dma_wait3A_66] : memref<80x128xf32, #tpu.memory_space<vmem>> -> memref<80x128xf32, #tpu.memory_space<vmem>>
      %dma_wait3A_68 = arith.constant 0 : i32
      %dma_wait3A_69 = tpu.memref_slice %arg6[%add3A_10, %dma_wait3A_68] : memref<10112x128xf32, #tpu.memory_space<vmem_shared>> -> memref<80x128xf32, #tpu.memory_space<vmem_shared>>
      %dma_wait3A_70 = arith.constant 0 : i32
      %dma_wait3A_71 = tpu.memref_slice %arg6[%add3A_10, %dma_wait3A_70] : memref<10112x128xf32, #tpu.memory_space<vmem_shared>> -> memref<80x128xf32, #tpu.memory_space<vmem_shared>>
      %dma_wait3A_72 = arith.constant 0 : i32
      %dma_wait3A_73 = arith.constant 0 : i32
      %dma_wait3A_74 = tpu.memref_slice %arg8[%dma_wait3A_72, %dma_wait3A_73] : memref<80x128xf32, #tpu.memory_space<vmem>> -> memref<80x128xf32, #tpu.memory_space<vmem>>
      tpu.wait_dma2 semaphore(%run_scoped3A : memref<!tpu.dma_semaphore, #tpu.memory_space<semaphore_mem>>) src(%dma_wait3A_74 : memref<80x128xf32, #tpu.memory_space<vmem>>) dst(%dma_wait3A_71 : memref<80x128xf32, #tpu.memory_space<vmem_shared>>)
      tpu.yield
    }) : () -> ()
    %add3A_11 = arith.constant 320 : i32
    %add3A_12 = arith.addi %mul3A_2, %add3A_11 : i32
    "tpu.region"() ({
      %run_scoped3A = tpu.sem_alloc : memref<!tpu.dma_semaphore, #tpu.memory_space<semaphore_mem>>
      %dma_start3A = arith.constant 0 : i32
      %dma_start3A_57 = arith.constant 0 : i32
      %dma_start3A_58 = tpu.memref_slice %arg8[%dma_start3A, %dma_start3A_57] : memref<80x128xf32, #tpu.memory_space<vmem>> -> memref<80x128xf32, #tpu.memory_space<vmem>>
      %dma_start3A_59 = arith.constant 0 : i32
      %dma_start3A_60 = tpu.memref_slice %arg6[%add3A_12, %dma_start3A_59] : memref<10112x128xf32, #tpu.memory_space<vmem_shared>> -> memref<80x128xf32, #tpu.memory_space<vmem_shared>>
      %dma_start3A_61 = arith.constant 0 : i32
      %dma_start3A_62 = tpu.memref_slice %arg6[%add3A_12, %dma_start3A_61] : memref<10112x128xf32, #tpu.memory_space<vmem_shared>> -> memref<80x128xf32, #tpu.memory_space<vmem_shared>>
      %dma_start3A_63 = arith.constant 0 : i32
      %dma_start3A_64 = arith.constant 0 : i32
      %dma_start3A_65 = tpu.memref_slice %arg8[%dma_start3A_63, %dma_start3A_64] : memref<80x128xf32, #tpu.memory_space<vmem>> -> memref<80x128xf32, #tpu.memory_space<vmem>>
      tpu.enqueue_dma source(%dma_start3A_65 : memref<80x128xf32, #tpu.memory_space<vmem>>) target(%dma_start3A_62 : memref<80x128xf32, #tpu.memory_space<vmem_shared>>) target_semaphore(%run_scoped3A : memref<!tpu.dma_semaphore, #tpu.memory_space<semaphore_mem>>)
      %dma_wait3A = arith.constant 0 : i32
      %dma_wait3A_66 = arith.constant 0 : i32
      %dma_wait3A_67 = tpu.memref_slice %arg8[%dma_wait3A, %dma_wait3A_66] : memref<80x128xf32, #tpu.memory_space<vmem>> -> memref<80x128xf32, #tpu.memory_space<vmem>>
      %dma_wait3A_68 = arith.constant 0 : i32
      %dma_wait3A_69 = tpu.memref_slice %arg6[%add3A_12, %dma_wait3A_68] : memref<10112x128xf32, #tpu.memory_space<vmem_shared>> -> memref<80x128xf32, #tpu.memory_space<vmem_shared>>
      %dma_wait3A_70 = arith.constant 0 : i32
      %dma_wait3A_71 = tpu.memref_slice %arg6[%add3A_12, %dma_wait3A_70] : memref<10112x128xf32, #tpu.memory_space<vmem_shared>> -> memref<80x128xf32, #tpu.memory_space<vmem_shared>>
      %dma_wait3A_72 = arith.constant 0 : i32
      %dma_wait3A_73 = arith.constant 0 : i32
      %dma_wait3A_74 = tpu.memref_slice %arg8[%dma_wait3A_72, %dma_wait3A_73] : memref<80x128xf32, #tpu.memory_space<vmem>> -> memref<80x128xf32, #tpu.memory_space<vmem>>
      tpu.wait_dma2 semaphore(%run_scoped3A : memref<!tpu.dma_semaphore, #tpu.memory_space<semaphore_mem>>) src(%dma_wait3A_74 : memref<80x128xf32, #tpu.memory_space<vmem>>) dst(%dma_wait3A_71 : memref<80x128xf32, #tpu.memory_space<vmem_shared>>)
      tpu.yield
    }) : () -> ()
    %add3A_13 = arith.constant 400 : i32
    %add3A_14 = arith.addi %mul3A_2, %add3A_13 : i32
    "tpu.region"() ({
      %run_scoped3A = tpu.sem_alloc : memref<!tpu.dma_semaphore, #tpu.memory_space<semaphore_mem>>
      %dma_start3A = arith.constant 0 : i32
      %dma_start3A_57 = arith.constant 0 : i32
      %dma_start3A_58 = tpu.memref_slice %arg8[%dma_start3A, %dma_start3A_57] : memref<80x128xf32, #tpu.memory_space<vmem>> -> memref<80x128xf32, #tpu.memory_space<vmem>>
      %dma_start3A_59 = arith.constant 0 : i32
      %dma_start3A_60 = tpu.memref_slice %arg6[%add3A_14, %dma_start3A_59] : memref<10112x128xf32, #tpu.memory_space<vmem_shared>> -> memref<80x128xf32, #tpu.memory_space<vmem_shared>>
      %dma_start3A_61 = arith.constant 0 : i32
      %dma_start3A_62 = tpu.memref_slice %arg6[%add3A_14, %dma_start3A_61] : memref<10112x128xf32, #tpu.memory_space<vmem_shared>> -> memref<80x128xf32, #tpu.memory_space<vmem_shared>>
      %dma_start3A_63 = arith.constant 0 : i32
      %dma_start3A_64 = arith.constant 0 : i32
      %dma_start3A_65 = tpu.memref_slice %arg8[%dma_start3A_63, %dma_start3A_64] : memref<80x128xf32, #tpu.memory_space<vmem>> -> memref<80x128xf32, #tpu.memory_space<vmem>>
      tpu.enqueue_dma source(%dma_start3A_65 : memref<80x128xf32, #tpu.memory_space<vmem>>) target(%dma_start3A_62 : memref<80x128xf32, #tpu.memory_space<vmem_shared>>) target_semaphore(%run_scoped3A : memref<!tpu.dma_semaphore, #tpu.memory_space<semaphore_mem>>)
      %dma_wait3A = arith.constant 0 : i32
      %dma_wait3A_66 = arith.constant 0 : i32
      %dma_wait3A_67 = tpu.memref_slice %arg8[%dma_wait3A, %dma_wait3A_66] : memref<80x128xf32, #tpu.memory_space<vmem>> -> memref<80x128xf32, #tpu.memory_space<vmem>>
      %dma_wait3A_68 = arith.constant 0 : i32
      %dma_wait3A_69 = tpu.memref_slice %arg6[%add3A_14, %dma_wait3A_68] : memref<10112x128xf32, #tpu.memory_space<vmem_shared>> -> memref<80x128xf32, #tpu.memory_space<vmem_shared>>
      %dma_wait3A_70 = arith.constant 0 : i32
      %dma_wait3A_71 = tpu.memref_slice %arg6[%add3A_14, %dma_wait3A_70] : memref<10112x128xf32, #tpu.memory_space<vmem_shared>> -> memref<80x128xf32, #tpu.memory_space<vmem_shared>>
      %dma_wait3A_72 = arith.constant 0 : i32
      %dma_wait3A_73 = arith.constant 0 : i32
      %dma_wait3A_74 = tpu.memref_slice %arg8[%dma_wait3A_72, %dma_wait3A_73] : memref<80x128xf32, #tpu.memory_space<vmem>> -> memref<80x128xf32, #tpu.memory_space<vmem>>
      tpu.wait_dma2 semaphore(%run_scoped3A : memref<!tpu.dma_semaphore, #tpu.memory_space<semaphore_mem>>) src(%dma_wait3A_74 : memref<80x128xf32, #tpu.memory_space<vmem>>) dst(%dma_wait3A_71 : memref<80x128xf32, #tpu.memory_space<vmem_shared>>)
      tpu.yield
    }) : () -> ()
    %add3A_15 = arith.constant 480 : i32
    %add3A_16 = arith.addi %mul3A_2, %add3A_15 : i32
    "tpu.region"() ({
      %run_scoped3A = tpu.sem_alloc : memref<!tpu.dma_semaphore, #tpu.memory_space<semaphore_mem>>
      %dma_start3A = arith.constant 0 : i32
      %dma_start3A_57 = arith.constant 0 : i32
      %dma_start3A_58 = tpu.memref_slice %arg8[%dma_start3A, %dma_start3A_57] : memref<80x128xf32, #tpu.memory_space<vmem>> -> memref<80x128xf32, #tpu.memory_space<vmem>>
      %dma_start3A_59 = arith.constant 0 : i32
      %dma_start3A_60 = tpu.memref_slice %arg6[%add3A_16, %dma_start3A_59] : memref<10112x128xf32, #tpu.memory_space<vmem_shared>> -> memref<80x128xf32, #tpu.memory_space<vmem_shared>>
      %dma_start3A_61 = arith.constant 0 : i32
      %dma_start3A_62 = tpu.memref_slice %arg6[%add3A_16, %dma_start3A_61] : memref<10112x128xf32, #tpu.memory_space<vmem_shared>> -> memref<80x128xf32, #tpu.memory_space<vmem_shared>>
      %dma_start3A_63 = arith.constant 0 : i32
      %dma_start3A_64 = arith.constant 0 : i32
      %dma_start3A_65 = tpu.memref_slice %arg8[%dma_start3A_63, %dma_start3A_64] : memref<80x128xf32, #tpu.memory_space<vmem>> -> memref<80x128xf32, #tpu.memory_space<vmem>>
      tpu.enqueue_dma source(%dma_start3A_65 : memref<80x128xf32, #tpu.memory_space<vmem>>) target(%dma_start3A_62 : memref<80x128xf32, #tpu.memory_space<vmem_shared>>) target_semaphore(%run_scoped3A : memref<!tpu.dma_semaphore, #tpu.memory_space<semaphore_mem>>)
      %dma_wait3A = arith.constant 0 : i32
      %dma_wait3A_66 = arith.constant 0 : i32
      %dma_wait3A_67 = tpu.memref_slice %arg8[%dma_wait3A, %dma_wait3A_66] : memref<80x128xf32, #tpu.memory_space<vmem>> -> memref<80x128xf32, #tpu.memory_space<vmem>>
      %dma_wait3A_68 = arith.constant 0 : i32
      %dma_wait3A_69 = tpu.memref_slice %arg6[%add3A_16, %dma_wait3A_68] : memref<10112x128xf32, #tpu.memory_space<vmem_shared>> -> memref<80x128xf32, #tpu.memory_space<vmem_shared>>
      %dma_wait3A_70 = arith.constant 0 : i32
      %dma_wait3A_71 = tpu.memref_slice %arg6[%add3A_16, %dma_wait3A_70] : memref<10112x128xf32, #tpu.memory_space<vmem_shared>> -> memref<80x128xf32, #tpu.memory_space<vmem_shared>>
      %dma_wait3A_72 = arith.constant 0 : i32
      %dma_wait3A_73 = arith.constant 0 : i32
      %dma_wait3A_74 = tpu.memref_slice %arg8[%dma_wait3A_72, %dma_wait3A_73] : memref<80x128xf32, #tpu.memory_space<vmem>> -> memref<80x128xf32, #tpu.memory_space<vmem>>
      tpu.wait_dma2 semaphore(%run_scoped3A : memref<!tpu.dma_semaphore, #tpu.memory_space<semaphore_mem>>) src(%dma_wait3A_74 : memref<80x128xf32, #tpu.memory_space<vmem>>) dst(%dma_wait3A_71 : memref<80x128xf32, #tpu.memory_space<vmem_shared>>)
      tpu.yield
    }) : () -> ()
    %add3A_17 = arith.constant 560 : i32
    %add3A_18 = arith.addi %mul3A_2, %add3A_17 : i32
    "tpu.region"() ({
      %run_scoped3A = tpu.sem_alloc : memref<!tpu.dma_semaphore, #tpu.memory_space<semaphore_mem>>
      %dma_start3A = arith.constant 0 : i32
      %dma_start3A_57 = arith.constant 0 : i32
      %dma_start3A_58 = tpu.memref_slice %arg8[%dma_start3A, %dma_start3A_57] : memref<80x128xf32, #tpu.memory_space<vmem>> -> memref<72x128xf32, #tpu.memory_space<vmem>>
      %dma_start3A_59 = arith.constant 0 : i32
      %dma_start3A_60 = tpu.memref_slice %arg6[%add3A_18, %dma_start3A_59] : memref<10112x128xf32, #tpu.memory_space<vmem_shared>> -> memref<72x128xf32, #tpu.memory_space<vmem_shared>>
      %dma_start3A_61 = arith.constant 0 : i32
      %dma_start3A_62 = tpu.memref_slice %arg6[%add3A_18, %dma_start3A_61] : memref<10112x128xf32, #tpu.memory_space<vmem_shared>> -> memref<72x128xf32, #tpu.memory_space<vmem_shared>>
      %dma_start3A_63 = arith.constant 0 : i32
      %dma_start3A_64 = arith.constant 0 : i32
      %dma_start3A_65 = tpu.memref_slice %arg8[%dma_start3A_63, %dma_start3A_64] : memref<80x128xf32, #tpu.memory_space<vmem>> -> memref<72x128xf32, #tpu.memory_space<vmem>>
      tpu.enqueue_dma source(%dma_start3A_65 : memref<72x128xf32, #tpu.memory_space<vmem>>) target(%dma_start3A_62 : memref<72x128xf32, #tpu.memory_space<vmem_shared>>) target_semaphore(%run_scoped3A : memref<!tpu.dma_semaphore, #tpu.memory_space<semaphore_mem>>)
      %dma_wait3A = arith.constant 0 : i32
      %dma_wait3A_66 = arith.constant 0 : i32
      %dma_wait3A_67 = tpu.memref_slice %arg8[%dma_wait3A, %dma_wait3A_66] : memref<80x128xf32, #tpu.memory_space<vmem>> -> memref<72x128xf32, #tpu.memory_space<vmem>>
      %dma_wait3A_68 = arith.constant 0 : i32
      %dma_wait3A_69 = tpu.memref_slice %arg6[%add3A_18, %dma_wait3A_68] : memref<10112x128xf32, #tpu.memory_space<vmem_shared>> -> memref<72x128xf32, #tpu.memory_space<vmem_shared>>
      %dma_wait3A_70 = arith.constant 0 : i32
      %dma_wait3A_71 = tpu.memref_slice %arg6[%add3A_18, %dma_wait3A_70] : memref<10112x128xf32, #tpu.memory_space<vmem_shared>> -> memref<72x128xf32, #tpu.memory_space<vmem_shared>>
      %dma_wait3A_72 = arith.constant 0 : i32
      %dma_wait3A_73 = arith.constant 0 : i32
      %dma_wait3A_74 = tpu.memref_slice %arg8[%dma_wait3A_72, %dma_wait3A_73] : memref<80x128xf32, #tpu.memory_space<vmem>> -> memref<72x128xf32, #tpu.memory_space<vmem>>
      tpu.wait_dma2 semaphore(%run_scoped3A : memref<!tpu.dma_semaphore, #tpu.memory_space<semaphore_mem>>) src(%dma_wait3A_74 : memref<72x128xf32, #tpu.memory_space<vmem>>) dst(%dma_wait3A_71 : memref<72x128xf32, #tpu.memory_space<vmem_shared>>)
      tpu.yield
    }) : () -> ()
    %barrier3A = arith.constant 0 : index
    tpu.barrier barrier_id(%barrier3A)
    %scan3A = arith.constant 0 : i32
    %scan3A_19 = arith.constant 0 : i32
    %scan3A_20 = arith.constant 125 : i32
    %scan3A_21 = arith.addi %scan3A_19, %scan3A_20 : i32
    %scan3A_22 = arith.constant 1 : i32
    scf.for %scan3A_57 = %scan3A_19 to %scan3A_21 step %scan3A_22  : i32 {
      "tpu.region"() ({
        %run_scoped3A = tpu.sem_alloc : memref<!tpu.dma_semaphore, #tpu.memory_space<semaphore_mem>>
        %dma_start3A = arith.constant 0 : i32
        %dma_start3A_58 = tpu.memref_slice %arg7[%scan3A_57, %dma_start3A] : memref<125x80xi32, #tpu.memory_space<vmem>> -> memref<1x80xi32, #tpu.memory_space<vmem>>
        %dma_start3A_59 = tpu.memref_squeeze %dma_start3A_58 : memref<1x80xi32, #tpu.memory_space<vmem>> -> memref<80xi32, #tpu.memory_space<vmem>>
        %dma_start3A_60 = arith.constant 0 : i32
        %dma_start3A_61 = arith.constant 0 : i32
        %dma_start3A_62 = tpu.memref_slice %arg6[%dma_start3A_60, %dma_start3A_61] : memref<10112x128xf32, #tpu.memory_space<vmem_shared>> -> memref<10112x128xf32, #tpu.memory_space<vmem_shared>>
        tpu.enqueue_indirect_dma source(%arg9 : memref<80x128xf32, #tpu.memory_space<vmem>>) target(%dma_start3A_62 : memref<10112x128xf32, #tpu.memory_space<vmem_shared>>) offsets(%dma_start3A_59 : memref<80xi32, #tpu.memory_space<vmem>>) semaphore(%run_scoped3A : memref<!tpu.dma_semaphore, #tpu.memory_space<semaphore_mem>>) {add = true}
        %dma_wait3A = arith.constant 0 : i32
        %dma_wait3A_63 = tpu.memref_slice %arg7[%scan3A_57, %dma_wait3A] : memref<125x80xi32, #tpu.memory_space<vmem>> -> memref<1x80xi32, #tpu.memory_space<vmem>>
        %dma_wait3A_64 = tpu.memref_squeeze %dma_wait3A_63 : memref<1x80xi32, #tpu.memory_space<vmem>> -> memref<80xi32, #tpu.memory_space<vmem>>
        %dma_wait3A_65 = arith.constant 0 : i32
        %dma_wait3A_66 = arith.constant 0 : i32
        %dma_wait3A_67 = tpu.memref_slice %arg6[%dma_wait3A_65, %dma_wait3A_66] : memref<10112x128xf32, #tpu.memory_space<vmem_shared>> -> memref<10112x128xf32, #tpu.memory_space<vmem_shared>>
        tpu.wait_indirect_dma semaphore(%run_scoped3A : memref<!tpu.dma_semaphore, #tpu.memory_space<semaphore_mem>>) src(%arg9 : memref<80x128xf32, #tpu.memory_space<vmem>>) dst(%dma_wait3A_67 : memref<10112x128xf32, #tpu.memory_space<vmem_shared>>)
        tpu.yield
      }) : () -> ()
    }
    %scan3A_23 = arith.constant 125 : i32
    %barrier3A_24 = arith.constant 0 : index
    tpu.barrier barrier_id(%barrier3A_24)
    %add3A_25 = arith.constant 0 : i32
    %add3A_26 = arith.addi %mul3A_2, %add3A_25 : i32
    "tpu.region"() ({
      %run_scoped3A = tpu.sem_alloc : memref<!tpu.dma_semaphore, #tpu.memory_space<semaphore_mem>>
      %dma_start3A = arith.constant 0 : i32
      %dma_start3A_57 = arith.constant 0 : i32
      %dma_start3A_58 = tpu.memref_slice %arg8[%dma_start3A, %dma_start3A_57] : memref<80x128xf32, #tpu.memory_space<vmem>> -> memref<80x128xf32, #tpu.memory_space<vmem>>
      %dma_start3A_59 = arith.constant 0 : i32
      %dma_start3A_60 = tpu.memref_slice %arg6[%add3A_26, %dma_start3A_59] : memref<10112x128xf32, #tpu.memory_space<vmem_shared>> -> memref<80x128xf32, #tpu.memory_space<vmem_shared>>
      %dma_start3A_61 = arith.constant 0 : i32
      %dma_start3A_62 = arith.constant 0 : i32
      %dma_start3A_63 = tpu.memref_slice %arg8[%dma_start3A_61, %dma_start3A_62] : memref<80x128xf32, #tpu.memory_space<vmem>> -> memref<80x128xf32, #tpu.memory_space<vmem>>
      %dma_start3A_64 = arith.constant 0 : i32
      %dma_start3A_65 = tpu.memref_slice %arg6[%add3A_26, %dma_start3A_64] : memref<10112x128xf32, #tpu.memory_space<vmem_shared>> -> memref<80x128xf32, #tpu.memory_space<vmem_shared>>
      tpu.enqueue_dma source(%dma_start3A_65 : memref<80x128xf32, #tpu.memory_space<vmem_shared>>) target(%dma_start3A_63 : memref<80x128xf32, #tpu.memory_space<vmem>>) target_semaphore(%run_scoped3A : memref<!tpu.dma_semaphore, #tpu.memory_space<semaphore_mem>>)
      %dma_wait3A = arith.constant 0 : i32
      %dma_wait3A_66 = arith.constant 0 : i32
      %dma_wait3A_67 = tpu.memref_slice %arg8[%dma_wait3A, %dma_wait3A_66] : memref<80x128xf32, #tpu.memory_space<vmem>> -> memref<80x128xf32, #tpu.memory_space<vmem>>
      %dma_wait3A_68 = arith.constant 0 : i32
      %dma_wait3A_69 = tpu.memref_slice %arg6[%add3A_26, %dma_wait3A_68] : memref<10112x128xf32, #tpu.memory_space<vmem_shared>> -> memref<80x128xf32, #tpu.memory_space<vmem_shared>>
      %dma_wait3A_70 = arith.constant 0 : i32
      %dma_wait3A_71 = arith.constant 0 : i32
      %dma_wait3A_72 = tpu.memref_slice %arg8[%dma_wait3A_70, %dma_wait3A_71] : memref<80x128xf32, #tpu.memory_space<vmem>> -> memref<80x128xf32, #tpu.memory_space<vmem>>
      %dma_wait3A_73 = arith.constant 0 : i32
      %dma_wait3A_74 = tpu.memref_slice %arg6[%add3A_26, %dma_wait3A_73] : memref<10112x128xf32, #tpu.memory_space<vmem_shared>> -> memref<80x128xf32, #tpu.memory_space<vmem_shared>>
      tpu.wait_dma2 semaphore(%run_scoped3A : memref<!tpu.dma_semaphore, #tpu.memory_space<semaphore_mem>>) src(%dma_wait3A_74 : memref<80x128xf32, #tpu.memory_space<vmem_shared>>) dst(%dma_wait3A_72 : memref<80x128xf32, #tpu.memory_space<vmem>>)
      tpu.yield
    }) : () -> ()
    %add3A_27 = arith.constant 0 : i32
    %add3A_28 = arith.addi %mul3A_2, %add3A_27 : i32
    "tpu.region"() ({
      %run_scoped3A = tpu.sem_alloc : memref<!tpu.dma_semaphore, #tpu.memory_space<semaphore_mem>>
      %dma_start3A = arith.constant 0 : i32
      %dma_start3A_57 = arith.constant 0 : i32
      %dma_start3A_58 = tpu.memref_slice %arg8[%dma_start3A, %dma_start3A_57] : memref<80x128xf32, #tpu.memory_space<vmem>> -> memref<80x128xf32, #tpu.memory_space<vmem>>
      %dma_start3A_59 = arith.constant 0 : i32
      %dma_start3A_60 = tpu.memref_slice %arg5[%arg0, %add3A_28, %dma_start3A_59] : memref<2x10112x128xf32, #tpu.memory_space<hbm>> -> memref<1x80x128xf32, #tpu.memory_space<hbm>>
      %dma_start3A_61 = tpu.memref_squeeze %dma_start3A_60 : memref<1x80x128xf32, #tpu.memory_space<hbm>> -> memref<80x128xf32, #tpu.memory_space<hbm>>
      %dma_start3A_62 = arith.constant 0 : i32
      %dma_start3A_63 = tpu.memref_slice %arg5[%arg0, %add3A_28, %dma_start3A_62] : memref<2x10112x128xf32, #tpu.memory_space<hbm>> -> memref<1x80x128xf32, #tpu.memory_space<hbm>>
      %dma_start3A_64 = tpu.memref_squeeze %dma_start3A_63 : memref<1x80x128xf32, #tpu.memory_space<hbm>> -> memref<80x128xf32, #tpu.memory_space<hbm>>
      %dma_start3A_65 = arith.constant 0 : i32
      %dma_start3A_66 = arith.constant 0 : i32
      %dma_start3A_67 = tpu.memref_slice %arg8[%dma_start3A_65, %dma_start3A_66] : memref<80x128xf32, #tpu.memory_space<vmem>> -> memref<80x128xf32, #tpu.memory_space<vmem>>
      tpu.enqueue_dma source(%dma_start3A_67 : memref<80x128xf32, #tpu.memory_space<vmem>>) target(%dma_start3A_64 : memref<80x128xf32, #tpu.memory_space<hbm>>) target_semaphore(%run_scoped3A : memref<!tpu.dma_semaphore, #tpu.memory_space<semaphore_mem>>)
      %dma_wait3A = arith.constant 0 : i32
      %dma_wait3A_68 = arith.constant 0 : i32
      %dma_wait3A_69 = tpu.memref_slice %arg8[%dma_wait3A, %dma_wait3A_68] : memref<80x128xf32, #tpu.memory_space<vmem>> -> memref<80x128xf32, #tpu.memory_space<vmem>>
      %dma_wait3A_70 = arith.constant 0 : i32
      %dma_wait3A_71 = tpu.memref_slice %arg5[%arg0, %add3A_28, %dma_wait3A_70] : memref<2x10112x128xf32, #tpu.memory_space<hbm>> -> memref<1x80x128xf32, #tpu.memory_space<hbm>>
      %dma_wait3A_72 = tpu.memref_squeeze %dma_wait3A_71 : memref<1x80x128xf32, #tpu.memory_space<hbm>> -> memref<80x128xf32, #tpu.memory_space<hbm>>
      %dma_wait3A_73 = arith.constant 0 : i32
      %dma_wait3A_74 = tpu.memref_slice %arg5[%arg0, %add3A_28, %dma_wait3A_73] : memref<2x10112x128xf32, #tpu.memory_space<hbm>> -> memref<1x80x128xf32, #tpu.memory_space<hbm>>
      %dma_wait3A_75 = tpu.memref_squeeze %dma_wait3A_74 : memref<1x80x128xf32, #tpu.memory_space<hbm>> -> memref<80x128xf32, #tpu.memory_space<hbm>>
      %dma_wait3A_76 = arith.constant 0 : i32
      %dma_wait3A_77 = arith.constant 0 : i32
      %dma_wait3A_78 = tpu.memref_slice %arg8[%dma_wait3A_76, %dma_wait3A_77] : memref<80x128xf32, #tpu.memory_space<vmem>> -> memref<80x128xf32, #tpu.memory_space<vmem>>
      tpu.wait_dma2 semaphore(%run_scoped3A : memref<!tpu.dma_semaphore, #tpu.memory_space<semaphore_mem>>) src(%dma_wait3A_78 : memref<80x128xf32, #tpu.memory_space<vmem>>) dst(%dma_wait3A_75 : memref<80x128xf32, #tpu.memory_space<hbm>>)
      tpu.yield
    }) : () -> ()
    %add3A_29 = arith.constant 80 : i32
    %add3A_30 = arith.addi %mul3A_2, %add3A_29 : i32
    "tpu.region"() ({
      %run_scoped3A = tpu.sem_alloc : memref<!tpu.dma_semaphore, #tpu.memory_space<semaphore_mem>>
      %dma_start3A = arith.constant 0 : i32
      %dma_start3A_57 = arith.constant 0 : i32
      %dma_start3A_58 = tpu.memref_slice %arg8[%dma_start3A, %dma_start3A_57] : memref<80x128xf32, #tpu.memory_space<vmem>> -> memref<80x128xf32, #tpu.memory_space<vmem>>
      %dma_start3A_59 = arith.constant 0 : i32
      %dma_start3A_60 = tpu.memref_slice %arg6[%add3A_30, %dma_start3A_59] : memref<10112x128xf32, #tpu.memory_space<vmem_shared>> -> memref<80x128xf32, #tpu.memory_space<vmem_shared>>
      %dma_start3A_61 = arith.constant 0 : i32
      %dma_start3A_62 = arith.constant 0 : i32
      %dma_start3A_63 = tpu.memref_slice %arg8[%dma_start3A_61, %dma_start3A_62] : memref<80x128xf32, #tpu.memory_space<vmem>> -> memref<80x128xf32, #tpu.memory_space<vmem>>
      %dma_start3A_64 = arith.constant 0 : i32
      %dma_start3A_65 = tpu.memref_slice %arg6[%add3A_30, %dma_start3A_64] : memref<10112x128xf32, #tpu.memory_space<vmem_shared>> -> memref<80x128xf32, #tpu.memory_space<vmem_shared>>
      tpu.enqueue_dma source(%dma_start3A_65 : memref<80x128xf32, #tpu.memory_space<vmem_shared>>) target(%dma_start3A_63 : memref<80x128xf32, #tpu.memory_space<vmem>>) target_semaphore(%run_scoped3A : memref<!tpu.dma_semaphore, #tpu.memory_space<semaphore_mem>>)
      %dma_wait3A = arith.constant 0 : i32
      %dma_wait3A_66 = arith.constant 0 : i32
      %dma_wait3A_67 = tpu.memref_slice %arg8[%dma_wait3A, %dma_wait3A_66] : memref<80x128xf32, #tpu.memory_space<vmem>> -> memref<80x128xf32, #tpu.memory_space<vmem>>
      %dma_wait3A_68 = arith.constant 0 : i32
      %dma_wait3A_69 = tpu.memref_slice %arg6[%add3A_30, %dma_wait3A_68] : memref<10112x128xf32, #tpu.memory_space<vmem_shared>> -> memref<80x128xf32, #tpu.memory_space<vmem_shared>>
      %dma_wait3A_70 = arith.constant 0 : i32
      %dma_wait3A_71 = arith.constant 0 : i32
      %dma_wait3A_72 = tpu.memref_slice %arg8[%dma_wait3A_70, %dma_wait3A_71] : memref<80x128xf32, #tpu.memory_space<vmem>> -> memref<80x128xf32, #tpu.memory_space<vmem>>
      %dma_wait3A_73 = arith.constant 0 : i32
      %dma_wait3A_74 = tpu.memref_slice %arg6[%add3A_30, %dma_wait3A_73] : memref<10112x128xf32, #tpu.memory_space<vmem_shared>> -> memref<80x128xf32, #tpu.memory_space<vmem_shared>>
      tpu.wait_dma2 semaphore(%run_scoped3A : memref<!tpu.dma_semaphore, #tpu.memory_space<semaphore_mem>>) src(%dma_wait3A_74 : memref<80x128xf32, #tpu.memory_space<vmem_shared>>) dst(%dma_wait3A_72 : memref<80x128xf32, #tpu.memory_space<vmem>>)
      tpu.yield
    }) : () -> ()
    %add3A_31 = arith.constant 80 : i32
    %add3A_32 = arith.addi %mul3A_2, %add3A_31 : i32
    "tpu.region"() ({
      %run_scoped3A = tpu.sem_alloc : memref<!tpu.dma_semaphore, #tpu.memory_space<semaphore_mem>>
      %dma_start3A = arith.constant 0 : i32
      %dma_start3A_57 = arith.constant 0 : i32
      %dma_start3A_58 = tpu.memref_slice %arg8[%dma_start3A, %dma_start3A_57] : memref<80x128xf32, #tpu.memory_space<vmem>> -> memref<80x128xf32, #tpu.memory_space<vmem>>
      %dma_start3A_59 = arith.constant 0 : i32
      %dma_start3A_60 = tpu.memref_slice %arg5[%arg0, %add3A_32, %dma_start3A_59] : memref<2x10112x128xf32, #tpu.memory_space<hbm>> -> memref<1x80x128xf32, #tpu.memory_space<hbm>>
      %dma_start3A_61 = tpu.memref_squeeze %dma_start3A_60 : memref<1x80x128xf32, #tpu.memory_space<hbm>> -> memref<80x128xf32, #tpu.memory_space<hbm>>
      %dma_start3A_62 = arith.constant 0 : i32
      %dma_start3A_63 = tpu.memref_slice %arg5[%arg0, %add3A_32, %dma_start3A_62] : memref<2x10112x128xf32, #tpu.memory_space<hbm>> -> memref<1x80x128xf32, #tpu.memory_space<hbm>>
      %dma_start3A_64 = tpu.memref_squeeze %dma_start3A_63 : memref<1x80x128xf32, #tpu.memory_space<hbm>> -> memref<80x128xf32, #tpu.memory_space<hbm>>
      %dma_start3A_65 = arith.constant 0 : i32
      %dma_start3A_66 = arith.constant 0 : i32
      %dma_start3A_67 = tpu.memref_slice %arg8[%dma_start3A_65, %dma_start3A_66] : memref<80x128xf32, #tpu.memory_space<vmem>> -> memref<80x128xf32, #tpu.memory_space<vmem>>
      tpu.enqueue_dma source(%dma_start3A_67 : memref<80x128xf32, #tpu.memory_space<vmem>>) target(%dma_start3A_64 : memref<80x128xf32, #tpu.memory_space<hbm>>) target_semaphore(%run_scoped3A : memref<!tpu.dma_semaphore, #tpu.memory_space<semaphore_mem>>)
      %dma_wait3A = arith.constant 0 : i32
      %dma_wait3A_68 = arith.constant 0 : i32
      %dma_wait3A_69 = tpu.memref_slice %arg8[%dma_wait3A, %dma_wait3A_68] : memref<80x128xf32, #tpu.memory_space<vmem>> -> memref<80x128xf32, #tpu.memory_space<vmem>>
      %dma_wait3A_70 = arith.constant 0 : i32
      %dma_wait3A_71 = tpu.memref_slice %arg5[%arg0, %add3A_32, %dma_wait3A_70] : memref<2x10112x128xf32, #tpu.memory_space<hbm>> -> memref<1x80x128xf32, #tpu.memory_space<hbm>>
      %dma_wait3A_72 = tpu.memref_squeeze %dma_wait3A_71 : memref<1x80x128xf32, #tpu.memory_space<hbm>> -> memref<80x128xf32, #tpu.memory_space<hbm>>
      %dma_wait3A_73 = arith.constant 0 : i32
      %dma_wait3A_74 = tpu.memref_slice %arg5[%arg0, %add3A_32, %dma_wait3A_73] : memref<2x10112x128xf32, #tpu.memory_space<hbm>> -> memref<1x80x128xf32, #tpu.memory_space<hbm>>
      %dma_wait3A_75 = tpu.memref_squeeze %dma_wait3A_74 : memref<1x80x128xf32, #tpu.memory_space<hbm>> -> memref<80x128xf32, #tpu.memory_space<hbm>>
      %dma_wait3A_76 = arith.constant 0 : i32
      %dma_wait3A_77 = arith.constant 0 : i32
      %dma_wait3A_78 = tpu.memref_slice %arg8[%dma_wait3A_76, %dma_wait3A_77] : memref<80x128xf32, #tpu.memory_space<vmem>> -> memref<80x128xf32, #tpu.memory_space<vmem>>
      tpu.wait_dma2 semaphore(%run_scoped3A : memref<!tpu.dma_semaphore, #tpu.memory_space<semaphore_mem>>) src(%dma_wait3A_78 : memref<80x128xf32, #tpu.memory_space<vmem>>) dst(%dma_wait3A_75 : memref<80x128xf32, #tpu.memory_space<hbm>>)
      tpu.yield
    }) : () -> ()
    %add3A_33 = arith.constant 160 : i32
    %add3A_34 = arith.addi %mul3A_2, %add3A_33 : i32
    "tpu.region"() ({
      %run_scoped3A = tpu.sem_alloc : memref<!tpu.dma_semaphore, #tpu.memory_space<semaphore_mem>>
      %dma_start3A = arith.constant 0 : i32
      %dma_start3A_57 = arith.constant 0 : i32
      %dma_start3A_58 = tpu.memref_slice %arg8[%dma_start3A, %dma_start3A_57] : memref<80x128xf32, #tpu.memory_space<vmem>> -> memref<80x128xf32, #tpu.memory_space<vmem>>
      %dma_start3A_59 = arith.constant 0 : i32
      %dma_start3A_60 = tpu.memref_slice %arg6[%add3A_34, %dma_start3A_59] : memref<10112x128xf32, #tpu.memory_space<vmem_shared>> -> memref<80x128xf32, #tpu.memory_space<vmem_shared>>
      %dma_start3A_61 = arith.constant 0 : i32
      %dma_start3A_62 = arith.constant 0 : i32
      %dma_start3A_63 = tpu.memref_slice %arg8[%dma_start3A_61, %dma_start3A_62] : memref<80x128xf32, #tpu.memory_space<vmem>> -> memref<80x128xf32, #tpu.memory_space<vmem>>
      %dma_start3A_64 = arith.constant 0 : i32
      %dma_start3A_65 = tpu.memref_slice %arg6[%add3A_34, %dma_start3A_64] : memref<10112x128xf32, #tpu.memory_space<vmem_shared>> -> memref<80x128xf32, #tpu.memory_space<vmem_shared>>
      tpu.enqueue_dma source(%dma_start3A_65 : memref<80x128xf32, #tpu.memory_space<vmem_shared>>) target(%dma_start3A_63 : memref<80x128xf32, #tpu.memory_space<vmem>>) target_semaphore(%run_scoped3A : memref<!tpu.dma_semaphore, #tpu.memory_space<semaphore_mem>>)
      %dma_wait3A = arith.constant 0 : i32
      %dma_wait3A_66 = arith.constant 0 : i32
      %dma_wait3A_67 = tpu.memref_slice %arg8[%dma_wait3A, %dma_wait3A_66] : memref<80x128xf32, #tpu.memory_space<vmem>> -> memref<80x128xf32, #tpu.memory_space<vmem>>
      %dma_wait3A_68 = arith.constant 0 : i32
      %dma_wait3A_69 = tpu.memref_slice %arg6[%add3A_34, %dma_wait3A_68] : memref<10112x128xf32, #tpu.memory_space<vmem_shared>> -> memref<80x128xf32, #tpu.memory_space<vmem_shared>>
      %dma_wait3A_70 = arith.constant 0 : i32
      %dma_wait3A_71 = arith.constant 0 : i32
      %dma_wait3A_72 = tpu.memref_slice %arg8[%dma_wait3A_70, %dma_wait3A_71] : memref<80x128xf32, #tpu.memory_space<vmem>> -> memref<80x128xf32, #tpu.memory_space<vmem>>
      %dma_wait3A_73 = arith.constant 0 : i32
      %dma_wait3A_74 = tpu.memref_slice %arg6[%add3A_34, %dma_wait3A_73] : memref<10112x128xf32, #tpu.memory_space<vmem_shared>> -> memref<80x128xf32, #tpu.memory_space<vmem_shared>>
      tpu.wait_dma2 semaphore(%run_scoped3A : memref<!tpu.dma_semaphore, #tpu.memory_space<semaphore_mem>>) src(%dma_wait3A_74 : memref<80x128xf32, #tpu.memory_space<vmem_shared>>) dst(%dma_wait3A_72 : memref<80x128xf32, #tpu.memory_space<vmem>>)
      tpu.yield
    }) : () -> ()
    %add3A_35 = arith.constant 160 : i32
    %add3A_36 = arith.addi %mul3A_2, %add3A_35 : i32
    "tpu.region"() ({
      %run_scoped3A = tpu.sem_alloc : memref<!tpu.dma_semaphore, #tpu.memory_space<semaphore_mem>>
      %dma_start3A = arith.constant 0 : i32
      %dma_start3A_57 = arith.constant 0 : i32
      %dma_start3A_58 = tpu.memref_slice %arg8[%dma_start3A, %dma_start3A_57] : memref<80x128xf32, #tpu.memory_space<vmem>> -> memref<80x128xf32, #tpu.memory_space<vmem>>
      %dma_start3A_59 = arith.constant 0 : i32
      %dma_start3A_60 = tpu.memref_slice %arg5[%arg0, %add3A_36, %dma_start3A_59] : memref<2x10112x128xf32, #tpu.memory_space<hbm>> -> memref<1x80x128xf32, #tpu.memory_space<hbm>>
      %dma_start3A_61 = tpu.memref_squeeze %dma_start3A_60 : memref<1x80x128xf32, #tpu.memory_space<hbm>> -> memref<80x128xf32, #tpu.memory_space<hbm>>
      %dma_start3A_62 = arith.constant 0 : i32
      %dma_start3A_63 = tpu.memref_slice %arg5[%arg0, %add3A_36, %dma_start3A_62] : memref<2x10112x128xf32, #tpu.memory_space<hbm>> -> memref<1x80x128xf32, #tpu.memory_space<hbm>>
      %dma_start3A_64 = tpu.memref_squeeze %dma_start3A_63 : memref<1x80x128xf32, #tpu.memory_space<hbm>> -> memref<80x128xf32, #tpu.memory_space<hbm>>
      %dma_start3A_65 = arith.constant 0 : i32
      %dma_start3A_66 = arith.constant 0 : i32
      %dma_start3A_67 = tpu.memref_slice %arg8[%dma_start3A_65, %dma_start3A_66] : memref<80x128xf32, #tpu.memory_space<vmem>> -> memref<80x128xf32, #tpu.memory_space<vmem>>
      tpu.enqueue_dma source(%dma_start3A_67 : memref<80x128xf32, #tpu.memory_space<vmem>>) target(%dma_start3A_64 : memref<80x128xf32, #tpu.memory_space<hbm>>) target_semaphore(%run_scoped3A : memref<!tpu.dma_semaphore, #tpu.memory_space<semaphore_mem>>)
      %dma_wait3A = arith.constant 0 : i32
      %dma_wait3A_68 = arith.constant 0 : i32
      %dma_wait3A_69 = tpu.memref_slice %arg8[%dma_wait3A, %dma_wait3A_68] : memref<80x128xf32, #tpu.memory_space<vmem>> -> memref<80x128xf32, #tpu.memory_space<vmem>>
      %dma_wait3A_70 = arith.constant 0 : i32
      %dma_wait3A_71 = tpu.memref_slice %arg5[%arg0, %add3A_36, %dma_wait3A_70] : memref<2x10112x128xf32, #tpu.memory_space<hbm>> -> memref<1x80x128xf32, #tpu.memory_space<hbm>>
      %dma_wait3A_72 = tpu.memref_squeeze %dma_wait3A_71 : memref<1x80x128xf32, #tpu.memory_space<hbm>> -> memref<80x128xf32, #tpu.memory_space<hbm>>
      %dma_wait3A_73 = arith.constant 0 : i32
      %dma_wait3A_74 = tpu.memref_slice %arg5[%arg0, %add3A_36, %dma_wait3A_73] : memref<2x10112x128xf32, #tpu.memory_space<hbm>> -> memref<1x80x128xf32, #tpu.memory_space<hbm>>
      %dma_wait3A_75 = tpu.memref_squeeze %dma_wait3A_74 : memref<1x80x128xf32, #tpu.memory_space<hbm>> -> memref<80x128xf32, #tpu.memory_space<hbm>>
      %dma_wait3A_76 = arith.constant 0 : i32
      %dma_wait3A_77 = arith.constant 0 : i32
      %dma_wait3A_78 = tpu.memref_slice %arg8[%dma_wait3A_76, %dma_wait3A_77] : memref<80x128xf32, #tpu.memory_space<vmem>> -> memref<80x128xf32, #tpu.memory_space<vmem>>
      tpu.wait_dma2 semaphore(%run_scoped3A : memref<!tpu.dma_semaphore, #tpu.memory_space<semaphore_mem>>) src(%dma_wait3A_78 : memref<80x128xf32, #tpu.memory_space<vmem>>) dst(%dma_wait3A_75 : memref<80x128xf32, #tpu.memory_space<hbm>>)
      tpu.yield
    }) : () -> ()
    %add3A_37 = arith.constant 240 : i32
    %add3A_38 = arith.addi %mul3A_2, %add3A_37 : i32
    "tpu.region"() ({
      %run_scoped3A = tpu.sem_alloc : memref<!tpu.dma_semaphore, #tpu.memory_space<semaphore_mem>>
      %dma_start3A = arith.constant 0 : i32
      %dma_start3A_57 = arith.constant 0 : i32
      %dma_start3A_58 = tpu.memref_slice %arg8[%dma_start3A, %dma_start3A_57] : memref<80x128xf32, #tpu.memory_space<vmem>> -> memref<80x128xf32, #tpu.memory_space<vmem>>
      %dma_start3A_59 = arith.constant 0 : i32
      %dma_start3A_60 = tpu.memref_slice %arg6[%add3A_38, %dma_start3A_59] : memref<10112x128xf32, #tpu.memory_space<vmem_shared>> -> memref<80x128xf32, #tpu.memory_space<vmem_shared>>
      %dma_start3A_61 = arith.constant 0 : i32
      %dma_start3A_62 = arith.constant 0 : i32
      %dma_start3A_63 = tpu.memref_slice %arg8[%dma_start3A_61, %dma_start3A_62] : memref<80x128xf32, #tpu.memory_space<vmem>> -> memref<80x128xf32, #tpu.memory_space<vmem>>
      %dma_start3A_64 = arith.constant 0 : i32
      %dma_start3A_65 = tpu.memref_slice %arg6[%add3A_38, %dma_start3A_64] : memref<10112x128xf32, #tpu.memory_space<vmem_shared>> -> memref<80x128xf32, #tpu.memory_space<vmem_shared>>
      tpu.enqueue_dma source(%dma_start3A_65 : memref<80x128xf32, #tpu.memory_space<vmem_shared>>) target(%dma_start3A_63 : memref<80x128xf32, #tpu.memory_space<vmem>>) target_semaphore(%run_scoped3A : memref<!tpu.dma_semaphore, #tpu.memory_space<semaphore_mem>>)
      %dma_wait3A = arith.constant 0 : i32
      %dma_wait3A_66 = arith.constant 0 : i32
      %dma_wait3A_67 = tpu.memref_slice %arg8[%dma_wait3A, %dma_wait3A_66] : memref<80x128xf32, #tpu.memory_space<vmem>> -> memref<80x128xf32, #tpu.memory_space<vmem>>
      %dma_wait3A_68 = arith.constant 0 : i32
      %dma_wait3A_69 = tpu.memref_slice %arg6[%add3A_38, %dma_wait3A_68] : memref<10112x128xf32, #tpu.memory_space<vmem_shared>> -> memref<80x128xf32, #tpu.memory_space<vmem_shared>>
      %dma_wait3A_70 = arith.constant 0 : i32
      %dma_wait3A_71 = arith.constant 0 : i32
      %dma_wait3A_72 = tpu.memref_slice %arg8[%dma_wait3A_70, %dma_wait3A_71] : memref<80x128xf32, #tpu.memory_space<vmem>> -> memref<80x128xf32, #tpu.memory_space<vmem>>
      %dma_wait3A_73 = arith.constant 0 : i32
      %dma_wait3A_74 = tpu.memref_slice %arg6[%add3A_38, %dma_wait3A_73] : memref<10112x128xf32, #tpu.memory_space<vmem_shared>> -> memref<80x128xf32, #tpu.memory_space<vmem_shared>>
      tpu.wait_dma2 semaphore(%run_scoped3A : memref<!tpu.dma_semaphore, #tpu.memory_space<semaphore_mem>>) src(%dma_wait3A_74 : memref<80x128xf32, #tpu.memory_space<vmem_shared>>) dst(%dma_wait3A_72 : memref<80x128xf32, #tpu.memory_space<vmem>>)
      tpu.yield
    }) : () -> ()
    %add3A_39 = arith.constant 240 : i32
    %add3A_40 = arith.addi %mul3A_2, %add3A_39 : i32
    "tpu.region"() ({
      %run_scoped3A = tpu.sem_alloc : memref<!tpu.dma_semaphore, #tpu.memory_space<semaphore_mem>>
      %dma_start3A = arith.constant 0 : i32
      %dma_start3A_57 = arith.constant 0 : i32
      %dma_start3A_58 = tpu.memref_slice %arg8[%dma_start3A, %dma_start3A_57] : memref<80x128xf32, #tpu.memory_space<vmem>> -> memref<80x128xf32, #tpu.memory_space<vmem>>
      %dma_start3A_59 = arith.constant 0 : i32
      %dma_start3A_60 = tpu.memref_slice %arg5[%arg0, %add3A_40, %dma_start3A_59] : memref<2x10112x128xf32, #tpu.memory_space<hbm>> -> memref<1x80x128xf32, #tpu.memory_space<hbm>>
      %dma_start3A_61 = tpu.memref_squeeze %dma_start3A_60 : memref<1x80x128xf32, #tpu.memory_space<hbm>> -> memref<80x128xf32, #tpu.memory_space<hbm>>
      %dma_start3A_62 = arith.constant 0 : i32
      %dma_start3A_63 = tpu.memref_slice %arg5[%arg0, %add3A_40, %dma_start3A_62] : memref<2x10112x128xf32, #tpu.memory_space<hbm>> -> memref<1x80x128xf32, #tpu.memory_space<hbm>>
      %dma_start3A_64 = tpu.memref_squeeze %dma_start3A_63 : memref<1x80x128xf32, #tpu.memory_space<hbm>> -> memref<80x128xf32, #tpu.memory_space<hbm>>
      %dma_start3A_65 = arith.constant 0 : i32
      %dma_start3A_66 = arith.constant 0 : i32
      %dma_start3A_67 = tpu.memref_slice %arg8[%dma_start3A_65, %dma_start3A_66] : memref<80x128xf32, #tpu.memory_space<vmem>> -> memref<80x128xf32, #tpu.memory_space<vmem>>
      tpu.enqueue_dma source(%dma_start3A_67 : memref<80x128xf32, #tpu.memory_space<vmem>>) target(%dma_start3A_64 : memref<80x128xf32, #tpu.memory_space<hbm>>) target_semaphore(%run_scoped3A : memref<!tpu.dma_semaphore, #tpu.memory_space<semaphore_mem>>)
      %dma_wait3A = arith.constant 0 : i32
      %dma_wait3A_68 = arith.constant 0 : i32
      %dma_wait3A_69 = tpu.memref_slice %arg8[%dma_wait3A, %dma_wait3A_68] : memref<80x128xf32, #tpu.memory_space<vmem>> -> memref<80x128xf32, #tpu.memory_space<vmem>>
      %dma_wait3A_70 = arith.constant 0 : i32
      %dma_wait3A_71 = tpu.memref_slice %arg5[%arg0, %add3A_40, %dma_wait3A_70] : memref<2x10112x128xf32, #tpu.memory_space<hbm>> -> memref<1x80x128xf32, #tpu.memory_space<hbm>>
      %dma_wait3A_72 = tpu.memref_squeeze %dma_wait3A_71 : memref<1x80x128xf32, #tpu.memory_space<hbm>> -> memref<80x128xf32, #tpu.memory_space<hbm>>
      %dma_wait3A_73 = arith.constant 0 : i32
      %dma_wait3A_74 = tpu.memref_slice %arg5[%arg0, %add3A_40, %dma_wait3A_73] : memref<2x10112x128xf32, #tpu.memory_space<hbm>> -> memref<1x80x128xf32, #tpu.memory_space<hbm>>
      %dma_wait3A_75 = tpu.memref_squeeze %dma_wait3A_74 : memref<1x80x128xf32, #tpu.memory_space<hbm>> -> memref<80x128xf32, #tpu.memory_space<hbm>>
      %dma_wait3A_76 = arith.constant 0 : i32
      %dma_wait3A_77 = arith.constant 0 : i32
      %dma_wait3A_78 = tpu.memref_slice %arg8[%dma_wait3A_76, %dma_wait3A_77] : memref<80x128xf32, #tpu.memory_space<vmem>> -> memref<80x128xf32, #tpu.memory_space<vmem>>
      tpu.wait_dma2 semaphore(%run_scoped3A : memref<!tpu.dma_semaphore, #tpu.memory_space<semaphore_mem>>) src(%dma_wait3A_78 : memref<80x128xf32, #tpu.memory_space<vmem>>) dst(%dma_wait3A_75 : memref<80x128xf32, #tpu.memory_space<hbm>>)
      tpu.yield
    }) : () -> ()
    %add3A_41 = arith.constant 320 : i32
    %add3A_42 = arith.addi %mul3A_2, %add3A_41 : i32
    "tpu.region"() ({
      %run_scoped3A = tpu.sem_alloc : memref<!tpu.dma_semaphore, #tpu.memory_space<semaphore_mem>>
      %dma_start3A = arith.constant 0 : i32
      %dma_start3A_57 = arith.constant 0 : i32
      %dma_start3A_58 = tpu.memref_slice %arg8[%dma_start3A, %dma_start3A_57] : memref<80x128xf32, #tpu.memory_space<vmem>> -> memref<80x128xf32, #tpu.memory_space<vmem>>
      %dma_start3A_59 = arith.constant 0 : i32
      %dma_start3A_60 = tpu.memref_slice %arg6[%add3A_42, %dma_start3A_59] : memref<10112x128xf32, #tpu.memory_space<vmem_shared>> -> memref<80x128xf32, #tpu.memory_space<vmem_shared>>
      %dma_start3A_61 = arith.constant 0 : i32
      %dma_start3A_62 = arith.constant 0 : i32
      %dma_start3A_63 = tpu.memref_slice %arg8[%dma_start3A_61, %dma_start3A_62] : memref<80x128xf32, #tpu.memory_space<vmem>> -> memref<80x128xf32, #tpu.memory_space<vmem>>
      %dma_start3A_64 = arith.constant 0 : i32
      %dma_start3A_65 = tpu.memref_slice %arg6[%add3A_42, %dma_start3A_64] : memref<10112x128xf32, #tpu.memory_space<vmem_shared>> -> memref<80x128xf32, #tpu.memory_space<vmem_shared>>
      tpu.enqueue_dma source(%dma_start3A_65 : memref<80x128xf32, #tpu.memory_space<vmem_shared>>) target(%dma_start3A_63 : memref<80x128xf32, #tpu.memory_space<vmem>>) target_semaphore(%run_scoped3A : memref<!tpu.dma_semaphore, #tpu.memory_space<semaphore_mem>>)
      %dma_wait3A = arith.constant 0 : i32
      %dma_wait3A_66 = arith.constant 0 : i32
      %dma_wait3A_67 = tpu.memref_slice %arg8[%dma_wait3A, %dma_wait3A_66] : memref<80x128xf32, #tpu.memory_space<vmem>> -> memref<80x128xf32, #tpu.memory_space<vmem>>
      %dma_wait3A_68 = arith.constant 0 : i32
      %dma_wait3A_69 = tpu.memref_slice %arg6[%add3A_42, %dma_wait3A_68] : memref<10112x128xf32, #tpu.memory_space<vmem_shared>> -> memref<80x128xf32, #tpu.memory_space<vmem_shared>>
      %dma_wait3A_70 = arith.constant 0 : i32
      %dma_wait3A_71 = arith.constant 0 : i32
      %dma_wait3A_72 = tpu.memref_slice %arg8[%dma_wait3A_70, %dma_wait3A_71] : memref<80x128xf32, #tpu.memory_space<vmem>> -> memref<80x128xf32, #tpu.memory_space<vmem>>
      %dma_wait3A_73 = arith.constant 0 : i32
      %dma_wait3A_74 = tpu.memref_slice %arg6[%add3A_42, %dma_wait3A_73] : memref<10112x128xf32, #tpu.memory_space<vmem_shared>> -> memref<80x128xf32, #tpu.memory_space<vmem_shared>>
      tpu.wait_dma2 semaphore(%run_scoped3A : memref<!tpu.dma_semaphore, #tpu.memory_space<semaphore_mem>>) src(%dma_wait3A_74 : memref<80x128xf32, #tpu.memory_space<vmem_shared>>) dst(%dma_wait3A_72 : memref<80x128xf32, #tpu.memory_space<vmem>>)
      tpu.yield
    }) : () -> ()
    %add3A_43 = arith.constant 320 : i32
    %add3A_44 = arith.addi %mul3A_2, %add3A_43 : i32
    "tpu.region"() ({
      %run_scoped3A = tpu.sem_alloc : memref<!tpu.dma_semaphore, #tpu.memory_space<semaphore_mem>>
      %dma_start3A = arith.constant 0 : i32
      %dma_start3A_57 = arith.constant 0 : i32
      %dma_start3A_58 = tpu.memref_slice %arg8[%dma_start3A, %dma_start3A_57] : memref<80x128xf32, #tpu.memory_space<vmem>> -> memref<80x128xf32, #tpu.memory_space<vmem>>
      %dma_start3A_59 = arith.constant 0 : i32
      %dma_start3A_60 = tpu.memref_slice %arg5[%arg0, %add3A_44, %dma_start3A_59] : memref<2x10112x128xf32, #tpu.memory_space<hbm>> -> memref<1x80x128xf32, #tpu.memory_space<hbm>>
      %dma_start3A_61 = tpu.memref_squeeze %dma_start3A_60 : memref<1x80x128xf32, #tpu.memory_space<hbm>> -> memref<80x128xf32, #tpu.memory_space<hbm>>
      %dma_start3A_62 = arith.constant 0 : i32
      %dma_start3A_63 = tpu.memref_slice %arg5[%arg0, %add3A_44, %dma_start3A_62] : memref<2x10112x128xf32, #tpu.memory_space<hbm>> -> memref<1x80x128xf32, #tpu.memory_space<hbm>>
      %dma_start3A_64 = tpu.memref_squeeze %dma_start3A_63 : memref<1x80x128xf32, #tpu.memory_space<hbm>> -> memref<80x128xf32, #tpu.memory_space<hbm>>
      %dma_start3A_65 = arith.constant 0 : i32
      %dma_start3A_66 = arith.constant 0 : i32
      %dma_start3A_67 = tpu.memref_slice %arg8[%dma_start3A_65, %dma_start3A_66] : memref<80x128xf32, #tpu.memory_space<vmem>> -> memref<80x128xf32, #tpu.memory_space<vmem>>
      tpu.enqueue_dma source(%dma_start3A_67 : memref<80x128xf32, #tpu.memory_space<vmem>>) target(%dma_start3A_64 : memref<80x128xf32, #tpu.memory_space<hbm>>) target_semaphore(%run_scoped3A : memref<!tpu.dma_semaphore, #tpu.memory_space<semaphore_mem>>)
      %dma_wait3A = arith.constant 0 : i32
      %dma_wait3A_68 = arith.constant 0 : i32
      %dma_wait3A_69 = tpu.memref_slice %arg8[%dma_wait3A, %dma_wait3A_68] : memref<80x128xf32, #tpu.memory_space<vmem>> -> memref<80x128xf32, #tpu.memory_space<vmem>>
      %dma_wait3A_70 = arith.constant 0 : i32
      %dma_wait3A_71 = tpu.memref_slice %arg5[%arg0, %add3A_44, %dma_wait3A_70] : memref<2x10112x128xf32, #tpu.memory_space<hbm>> -> memref<1x80x128xf32, #tpu.memory_space<hbm>>
      %dma_wait3A_72 = tpu.memref_squeeze %dma_wait3A_71 : memref<1x80x128xf32, #tpu.memory_space<hbm>> -> memref<80x128xf32, #tpu.memory_space<hbm>>
      %dma_wait3A_73 = arith.constant 0 : i32
      %dma_wait3A_74 = tpu.memref_slice %arg5[%arg0, %add3A_44, %dma_wait3A_73] : memref<2x10112x128xf32, #tpu.memory_space<hbm>> -> memref<1x80x128xf32, #tpu.memory_space<hbm>>
      %dma_wait3A_75 = tpu.memref_squeeze %dma_wait3A_74 : memref<1x80x128xf32, #tpu.memory_space<hbm>> -> memref<80x128xf32, #tpu.memory_space<hbm>>
      %dma_wait3A_76 = arith.constant 0 : i32
      %dma_wait3A_77 = arith.constant 0 : i32
      %dma_wait3A_78 = tpu.memref_slice %arg8[%dma_wait3A_76, %dma_wait3A_77] : memref<80x128xf32, #tpu.memory_space<vmem>> -> memref<80x128xf32, #tpu.memory_space<vmem>>
      tpu.wait_dma2 semaphore(%run_scoped3A : memref<!tpu.dma_semaphore, #tpu.memory_space<semaphore_mem>>) src(%dma_wait3A_78 : memref<80x128xf32, #tpu.memory_space<vmem>>) dst(%dma_wait3A_75 : memref<80x128xf32, #tpu.memory_space<hbm>>)
      tpu.yield
    }) : () -> ()
    %add3A_45 = arith.constant 400 : i32
    %add3A_46 = arith.addi %mul3A_2, %add3A_45 : i32
    "tpu.region"() ({
      %run_scoped3A = tpu.sem_alloc : memref<!tpu.dma_semaphore, #tpu.memory_space<semaphore_mem>>
      %dma_start3A = arith.constant 0 : i32
      %dma_start3A_57 = arith.constant 0 : i32
      %dma_start3A_58 = tpu.memref_slice %arg8[%dma_start3A, %dma_start3A_57] : memref<80x128xf32, #tpu.memory_space<vmem>> -> memref<80x128xf32, #tpu.memory_space<vmem>>
      %dma_start3A_59 = arith.constant 0 : i32
      %dma_start3A_60 = tpu.memref_slice %arg6[%add3A_46, %dma_start3A_59] : memref<10112x128xf32, #tpu.memory_space<vmem_shared>> -> memref<80x128xf32, #tpu.memory_space<vmem_shared>>
      %dma_start3A_61 = arith.constant 0 : i32
      %dma_start3A_62 = arith.constant 0 : i32
      %dma_start3A_63 = tpu.memref_slice %arg8[%dma_start3A_61, %dma_start3A_62] : memref<80x128xf32, #tpu.memory_space<vmem>> -> memref<80x128xf32, #tpu.memory_space<vmem>>
      %dma_start3A_64 = arith.constant 0 : i32
      %dma_start3A_65 = tpu.memref_slice %arg6[%add3A_46, %dma_start3A_64] : memref<10112x128xf32, #tpu.memory_space<vmem_shared>> -> memref<80x128xf32, #tpu.memory_space<vmem_shared>>
      tpu.enqueue_dma source(%dma_start3A_65 : memref<80x128xf32, #tpu.memory_space<vmem_shared>>) target(%dma_start3A_63 : memref<80x128xf32, #tpu.memory_space<vmem>>) target_semaphore(%run_scoped3A : memref<!tpu.dma_semaphore, #tpu.memory_space<semaphore_mem>>)
      %dma_wait3A = arith.constant 0 : i32
      %dma_wait3A_66 = arith.constant 0 : i32
      %dma_wait3A_67 = tpu.memref_slice %arg8[%dma_wait3A, %dma_wait3A_66] : memref<80x128xf32, #tpu.memory_space<vmem>> -> memref<80x128xf32, #tpu.memory_space<vmem>>
      %dma_wait3A_68 = arith.constant 0 : i32
      %dma_wait3A_69 = tpu.memref_slice %arg6[%add3A_46, %dma_wait3A_68] : memref<10112x128xf32, #tpu.memory_space<vmem_shared>> -> memref<80x128xf32, #tpu.memory_space<vmem_shared>>
      %dma_wait3A_70 = arith.constant 0 : i32
      %dma_wait3A_71 = arith.constant 0 : i32
      %dma_wait3A_72 = tpu.memref_slice %arg8[%dma_wait3A_70, %dma_wait3A_71] : memref<80x128xf32, #tpu.memory_space<vmem>> -> memref<80x128xf32, #tpu.memory_space<vmem>>
      %dma_wait3A_73 = arith.constant 0 : i32
      %dma_wait3A_74 = tpu.memref_slice %arg6[%add3A_46, %dma_wait3A_73] : memref<10112x128xf32, #tpu.memory_space<vmem_shared>> -> memref<80x128xf32, #tpu.memory_space<vmem_shared>>
      tpu.wait_dma2 semaphore(%run_scoped3A : memref<!tpu.dma_semaphore, #tpu.memory_space<semaphore_mem>>) src(%dma_wait3A_74 : memref<80x128xf32, #tpu.memory_space<vmem_shared>>) dst(%dma_wait3A_72 : memref<80x128xf32, #tpu.memory_space<vmem>>)
      tpu.yield
    }) : () -> ()
    %add3A_47 = arith.constant 400 : i32
    %add3A_48 = arith.addi %mul3A_2, %add3A_47 : i32
    "tpu.region"() ({
      %run_scoped3A = tpu.sem_alloc : memref<!tpu.dma_semaphore, #tpu.memory_space<semaphore_mem>>
      %dma_start3A = arith.constant 0 : i32
      %dma_start3A_57 = arith.constant 0 : i32
      %dma_start3A_58 = tpu.memref_slice %arg8[%dma_start3A, %dma_start3A_57] : memref<80x128xf32, #tpu.memory_space<vmem>> -> memref<80x128xf32, #tpu.memory_space<vmem>>
      %dma_start3A_59 = arith.constant 0 : i32
      %dma_start3A_60 = tpu.memref_slice %arg5[%arg0, %add3A_48, %dma_start3A_59] : memref<2x10112x128xf32, #tpu.memory_space<hbm>> -> memref<1x80x128xf32, #tpu.memory_space<hbm>>
      %dma_start3A_61 = tpu.memref_squeeze %dma_start3A_60 : memref<1x80x128xf32, #tpu.memory_space<hbm>> -> memref<80x128xf32, #tpu.memory_space<hbm>>
      %dma_start3A_62 = arith.constant 0 : i32
      %dma_start3A_63 = tpu.memref_slice %arg5[%arg0, %add3A_48, %dma_start3A_62] : memref<2x10112x128xf32, #tpu.memory_space<hbm>> -> memref<1x80x128xf32, #tpu.memory_space<hbm>>
      %dma_start3A_64 = tpu.memref_squeeze %dma_start3A_63 : memref<1x80x128xf32, #tpu.memory_space<hbm>> -> memref<80x128xf32, #tpu.memory_space<hbm>>
      %dma_start3A_65 = arith.constant 0 : i32
      %dma_start3A_66 = arith.constant 0 : i32
      %dma_start3A_67 = tpu.memref_slice %arg8[%dma_start3A_65, %dma_start3A_66] : memref<80x128xf32, #tpu.memory_space<vmem>> -> memref<80x128xf32, #tpu.memory_space<vmem>>
      tpu.enqueue_dma source(%dma_start3A_67 : memref<80x128xf32, #tpu.memory_space<vmem>>) target(%dma_start3A_64 : memref<80x128xf32, #tpu.memory_space<hbm>>) target_semaphore(%run_scoped3A : memref<!tpu.dma_semaphore, #tpu.memory_space<semaphore_mem>>)
      %dma_wait3A = arith.constant 0 : i32
      %dma_wait3A_68 = arith.constant 0 : i32
      %dma_wait3A_69 = tpu.memref_slice %arg8[%dma_wait3A, %dma_wait3A_68] : memref<80x128xf32, #tpu.memory_space<vmem>> -> memref<80x128xf32, #tpu.memory_space<vmem>>
      %dma_wait3A_70 = arith.constant 0 : i32
      %dma_wait3A_71 = tpu.memref_slice %arg5[%arg0, %add3A_48, %dma_wait3A_70] : memref<2x10112x128xf32, #tpu.memory_space<hbm>> -> memref<1x80x128xf32, #tpu.memory_space<hbm>>
      %dma_wait3A_72 = tpu.memref_squeeze %dma_wait3A_71 : memref<1x80x128xf32, #tpu.memory_space<hbm>> -> memref<80x128xf32, #tpu.memory_space<hbm>>
      %dma_wait3A_73 = arith.constant 0 : i32
      %dma_wait3A_74 = tpu.memref_slice %arg5[%arg0, %add3A_48, %dma_wait3A_73] : memref<2x10112x128xf32, #tpu.memory_space<hbm>> -> memref<1x80x128xf32, #tpu.memory_space<hbm>>
      %dma_wait3A_75 = tpu.memref_squeeze %dma_wait3A_74 : memref<1x80x128xf32, #tpu.memory_space<hbm>> -> memref<80x128xf32, #tpu.memory_space<hbm>>
      %dma_wait3A_76 = arith.constant 0 : i32
      %dma_wait3A_77 = arith.constant 0 : i32
      %dma_wait3A_78 = tpu.memref_slice %arg8[%dma_wait3A_76, %dma_wait3A_77] : memref<80x128xf32, #tpu.memory_space<vmem>> -> memref<80x128xf32, #tpu.memory_space<vmem>>
      tpu.wait_dma2 semaphore(%run_scoped3A : memref<!tpu.dma_semaphore, #tpu.memory_space<semaphore_mem>>) src(%dma_wait3A_78 : memref<80x128xf32, #tpu.memory_space<vmem>>) dst(%dma_wait3A_75 : memref<80x128xf32, #tpu.memory_space<hbm>>)
      tpu.yield
    }) : () -> ()
    %add3A_49 = arith.constant 480 : i32
    %add3A_50 = arith.addi %mul3A_2, %add3A_49 : i32
    "tpu.region"() ({
      %run_scoped3A = tpu.sem_alloc : memref<!tpu.dma_semaphore, #tpu.memory_space<semaphore_mem>>
      %dma_start3A = arith.constant 0 : i32
      %dma_start3A_57 = arith.constant 0 : i32
      %dma_start3A_58 = tpu.memref_slice %arg8[%dma_start3A, %dma_start3A_57] : memref<80x128xf32, #tpu.memory_space<vmem>> -> memref<80x128xf32, #tpu.memory_space<vmem>>
      %dma_start3A_59 = arith.constant 0 : i32
      %dma_start3A_60 = tpu.memref_slice %arg6[%add3A_50, %dma_start3A_59] : memref<10112x128xf32, #tpu.memory_space<vmem_shared>> -> memref<80x128xf32, #tpu.memory_space<vmem_shared>>
      %dma_start3A_61 = arith.constant 0 : i32
      %dma_start3A_62 = arith.constant 0 : i32
      %dma_start3A_63 = tpu.memref_slice %arg8[%dma_start3A_61, %dma_start3A_62] : memref<80x128xf32, #tpu.memory_space<vmem>> -> memref<80x128xf32, #tpu.memory_space<vmem>>
      %dma_start3A_64 = arith.constant 0 : i32
      %dma_start3A_65 = tpu.memref_slice %arg6[%add3A_50, %dma_start3A_64] : memref<10112x128xf32, #tpu.memory_space<vmem_shared>> -> memref<80x128xf32, #tpu.memory_space<vmem_shared>>
      tpu.enqueue_dma source(%dma_start3A_65 : memref<80x128xf32, #tpu.memory_space<vmem_shared>>) target(%dma_start3A_63 : memref<80x128xf32, #tpu.memory_space<vmem>>) target_semaphore(%run_scoped3A : memref<!tpu.dma_semaphore, #tpu.memory_space<semaphore_mem>>)
      %dma_wait3A = arith.constant 0 : i32
      %dma_wait3A_66 = arith.constant 0 : i32
      %dma_wait3A_67 = tpu.memref_slice %arg8[%dma_wait3A, %dma_wait3A_66] : memref<80x128xf32, #tpu.memory_space<vmem>> -> memref<80x128xf32, #tpu.memory_space<vmem>>
      %dma_wait3A_68 = arith.constant 0 : i32
      %dma_wait3A_69 = tpu.memref_slice %arg6[%add3A_50, %dma_wait3A_68] : memref<10112x128xf32, #tpu.memory_space<vmem_shared>> -> memref<80x128xf32, #tpu.memory_space<vmem_shared>>
      %dma_wait3A_70 = arith.constant 0 : i32
      %dma_wait3A_71 = arith.constant 0 : i32
      %dma_wait3A_72 = tpu.memref_slice %arg8[%dma_wait3A_70, %dma_wait3A_71] : memref<80x128xf32, #tpu.memory_space<vmem>> -> memref<80x128xf32, #tpu.memory_space<vmem>>
      %dma_wait3A_73 = arith.constant 0 : i32
      %dma_wait3A_74 = tpu.memref_slice %arg6[%add3A_50, %dma_wait3A_73] : memref<10112x128xf32, #tpu.memory_space<vmem_shared>> -> memref<80x128xf32, #tpu.memory_space<vmem_shared>>
      tpu.wait_dma2 semaphore(%run_scoped3A : memref<!tpu.dma_semaphore, #tpu.memory_space<semaphore_mem>>) src(%dma_wait3A_74 : memref<80x128xf32, #tpu.memory_space<vmem_shared>>) dst(%dma_wait3A_72 : memref<80x128xf32, #tpu.memory_space<vmem>>)
      tpu.yield
    }) : () -> ()
    %add3A_51 = arith.constant 480 : i32
    %add3A_52 = arith.addi %mul3A_2, %add3A_51 : i32
    "tpu.region"() ({
      %run_scoped3A = tpu.sem_alloc : memref<!tpu.dma_semaphore, #tpu.memory_space<semaphore_mem>>
      %dma_start3A = arith.constant 0 : i32
      %dma_start3A_57 = arith.constant 0 : i32
      %dma_start3A_58 = tpu.memref_slice %arg8[%dma_start3A, %dma_start3A_57] : memref<80x128xf32, #tpu.memory_space<vmem>> -> memref<80x128xf32, #tpu.memory_space<vmem>>
      %dma_start3A_59 = arith.constant 0 : i32
      %dma_start3A_60 = tpu.memref_slice %arg5[%arg0, %add3A_52, %dma_start3A_59] : memref<2x10112x128xf32, #tpu.memory_space<hbm>> -> memref<1x80x128xf32, #tpu.memory_space<hbm>>
      %dma_start3A_61 = tpu.memref_squeeze %dma_start3A_60 : memref<1x80x128xf32, #tpu.memory_space<hbm>> -> memref<80x128xf32, #tpu.memory_space<hbm>>
      %dma_start3A_62 = arith.constant 0 : i32
      %dma_start3A_63 = tpu.memref_slice %arg5[%arg0, %add3A_52, %dma_start3A_62] : memref<2x10112x128xf32, #tpu.memory_space<hbm>> -> memref<1x80x128xf32, #tpu.memory_space<hbm>>
      %dma_start3A_64 = tpu.memref_squeeze %dma_start3A_63 : memref<1x80x128xf32, #tpu.memory_space<hbm>> -> memref<80x128xf32, #tpu.memory_space<hbm>>
      %dma_start3A_65 = arith.constant 0 : i32
      %dma_start3A_66 = arith.constant 0 : i32
      %dma_start3A_67 = tpu.memref_slice %arg8[%dma_start3A_65, %dma_start3A_66] : memref<80x128xf32, #tpu.memory_space<vmem>> -> memref<80x128xf32, #tpu.memory_space<vmem>>
      tpu.enqueue_dma source(%dma_start3A_67 : memref<80x128xf32, #tpu.memory_space<vmem>>) target(%dma_start3A_64 : memref<80x128xf32, #tpu.memory_space<hbm>>) target_semaphore(%run_scoped3A : memref<!tpu.dma_semaphore, #tpu.memory_space<semaphore_mem>>)
      %dma_wait3A = arith.constant 0 : i32
      %dma_wait3A_68 = arith.constant 0 : i32
      %dma_wait3A_69 = tpu.memref_slice %arg8[%dma_wait3A, %dma_wait3A_68] : memref<80x128xf32, #tpu.memory_space<vmem>> -> memref<80x128xf32, #tpu.memory_space<vmem>>
      %dma_wait3A_70 = arith.constant 0 : i32
      %dma_wait3A_71 = tpu.memref_slice %arg5[%arg0, %add3A_52, %dma_wait3A_70] : memref<2x10112x128xf32, #tpu.memory_space<hbm>> -> memref<1x80x128xf32, #tpu.memory_space<hbm>>
      %dma_wait3A_72 = tpu.memref_squeeze %dma_wait3A_71 : memref<1x80x128xf32, #tpu.memory_space<hbm>> -> memref<80x128xf32, #tpu.memory_space<hbm>>
      %dma_wait3A_73 = arith.constant 0 : i32
      %dma_wait3A_74 = tpu.memref_slice %arg5[%arg0, %add3A_52, %dma_wait3A_73] : memref<2x10112x128xf32, #tpu.memory_space<hbm>> -> memref<1x80x128xf32, #tpu.memory_space<hbm>>
      %dma_wait3A_75 = tpu.memref_squeeze %dma_wait3A_74 : memref<1x80x128xf32, #tpu.memory_space<hbm>> -> memref<80x128xf32, #tpu.memory_space<hbm>>
      %dma_wait3A_76 = arith.constant 0 : i32
      %dma_wait3A_77 = arith.constant 0 : i32
      %dma_wait3A_78 = tpu.memref_slice %arg8[%dma_wait3A_76, %dma_wait3A_77] : memref<80x128xf32, #tpu.memory_space<vmem>> -> memref<80x128xf32, #tpu.memory_space<vmem>>
      tpu.wait_dma2 semaphore(%run_scoped3A : memref<!tpu.dma_semaphore, #tpu.memory_space<semaphore_mem>>) src(%dma_wait3A_78 : memref<80x128xf32, #tpu.memory_space<vmem>>) dst(%dma_wait3A_75 : memref<80x128xf32, #tpu.memory_space<hbm>>)
      tpu.yield
    }) : () -> ()
    %add3A_53 = arith.constant 560 : i32
    %add3A_54 = arith.addi %mul3A_2, %add3A_53 : i32
    "tpu.region"() ({
      %run_scoped3A = tpu.sem_alloc : memref<!tpu.dma_semaphore, #tpu.memory_space<semaphore_mem>>
      %dma_start3A = arith.constant 0 : i32
      %dma_start3A_57 = arith.constant 0 : i32
      %dma_start3A_58 = tpu.memref_slice %arg8[%dma_start3A, %dma_start3A_57] : memref<80x128xf32, #tpu.memory_space<vmem>> -> memref<72x128xf32, #tpu.memory_space<vmem>>
      %dma_start3A_59 = arith.constant 0 : i32
      %dma_start3A_60 = tpu.memref_slice %arg6[%add3A_54, %dma_start3A_59] : memref<10112x128xf32, #tpu.memory_space<vmem_shared>> -> memref<72x128xf32, #tpu.memory_space<vmem_shared>>
      %dma_start3A_61 = arith.constant 0 : i32
      %dma_start3A_62 = arith.constant 0 : i32
      %dma_start3A_63 = tpu.memref_slice %arg8[%dma_start3A_61, %dma_start3A_62] : memref<80x128xf32, #tpu.memory_space<vmem>> -> memref<72x128xf32, #tpu.memory_space<vmem>>
      %dma_start3A_64 = arith.constant 0 : i32
      %dma_start3A_65 = tpu.memref_slice %arg6[%add3A_54, %dma_start3A_64] : memref<10112x128xf32, #tpu.memory_space<vmem_shared>> -> memref<72x128xf32, #tpu.memory_space<vmem_shared>>
      tpu.enqueue_dma source(%dma_start3A_65 : memref<72x128xf32, #tpu.memory_space<vmem_shared>>) target(%dma_start3A_63 : memref<72x128xf32, #tpu.memory_space<vmem>>) target_semaphore(%run_scoped3A : memref<!tpu.dma_semaphore, #tpu.memory_space<semaphore_mem>>)
      %dma_wait3A = arith.constant 0 : i32
      %dma_wait3A_66 = arith.constant 0 : i32
      %dma_wait3A_67 = tpu.memref_slice %arg8[%dma_wait3A, %dma_wait3A_66] : memref<80x128xf32, #tpu.memory_space<vmem>> -> memref<72x128xf32, #tpu.memory_space<vmem>>
      %dma_wait3A_68 = arith.constant 0 : i32
      %dma_wait3A_69 = tpu.memref_slice %arg6[%add3A_54, %dma_wait3A_68] : memref<10112x128xf32, #tpu.memory_space<vmem_shared>> -> memref<72x128xf32, #tpu.memory_space<vmem_shared>>
      %dma_wait3A_70 = arith.constant 0 : i32
      %dma_wait3A_71 = arith.constant 0 : i32
      %dma_wait3A_72 = tpu.memref_slice %arg8[%dma_wait3A_70, %dma_wait3A_71] : memref<80x128xf32, #tpu.memory_space<vmem>> -> memref<72x128xf32, #tpu.memory_space<vmem>>
      %dma_wait3A_73 = arith.constant 0 : i32
      %dma_wait3A_74 = tpu.memref_slice %arg6[%add3A_54, %dma_wait3A_73] : memref<10112x128xf32, #tpu.memory_space<vmem_shared>> -> memref<72x128xf32, #tpu.memory_space<vmem_shared>>
      tpu.wait_dma2 semaphore(%run_scoped3A : memref<!tpu.dma_semaphore, #tpu.memory_space<semaphore_mem>>) src(%dma_wait3A_74 : memref<72x128xf32, #tpu.memory_space<vmem_shared>>) dst(%dma_wait3A_72 : memref<72x128xf32, #tpu.memory_space<vmem>>)
      tpu.yield
    }) : () -> ()
    %add3A_55 = arith.constant 560 : i32
    %add3A_56 = arith.addi %mul3A_2, %add3A_55 : i32
    "tpu.region"() ({
      %run_scoped3A = tpu.sem_alloc : memref<!tpu.dma_semaphore, #tpu.memory_space<semaphore_mem>>
      %dma_start3A = arith.constant 0 : i32
      %dma_start3A_57 = arith.constant 0 : i32
      %dma_start3A_58 = tpu.memref_slice %arg8[%dma_start3A, %dma_start3A_57] : memref<80x128xf32, #tpu.memory_space<vmem>> -> memref<72x128xf32, #tpu.memory_space<vmem>>
      %dma_start3A_59 = arith.constant 0 : i32
      %dma_start3A_60 = tpu.memref_slice %arg5[%arg0, %add3A_56, %dma_start3A_59] : memref<2x10112x128xf32, #tpu.memory_space<hbm>> -> memref<1x72x128xf32, #tpu.memory_space<hbm>>
      %dma_start3A_61 = tpu.memref_squeeze %dma_start3A_60 : memref<1x72x128xf32, #tpu.memory_space<hbm>> -> memref<72x128xf32, #tpu.memory_space<hbm>>
      %dma_start3A_62 = arith.constant 0 : i32
      %dma_start3A_63 = tpu.memref_slice %arg5[%arg0, %add3A_56, %dma_start3A_62] : memref<2x10112x128xf32, #tpu.memory_space<hbm>> -> memref<1x72x128xf32, #tpu.memory_space<hbm>>
      %dma_start3A_64 = tpu.memref_squeeze %dma_start3A_63 : memref<1x72x128xf32, #tpu.memory_space<hbm>> -> memref<72x128xf32, #tpu.memory_space<hbm>>
      %dma_start3A_65 = arith.constant 0 : i32
      %dma_start3A_66 = arith.constant 0 : i32
      %dma_start3A_67 = tpu.memref_slice %arg8[%dma_start3A_65, %dma_start3A_66] : memref<80x128xf32, #tpu.memory_space<vmem>> -> memref<72x128xf32, #tpu.memory_space<vmem>>
      tpu.enqueue_dma source(%dma_start3A_67 : memref<72x128xf32, #tpu.memory_space<vmem>>) target(%dma_start3A_64 : memref<72x128xf32, #tpu.memory_space<hbm>>) target_semaphore(%run_scoped3A : memref<!tpu.dma_semaphore, #tpu.memory_space<semaphore_mem>>)
      %dma_wait3A = arith.constant 0 : i32
      %dma_wait3A_68 = arith.constant 0 : i32
      %dma_wait3A_69 = tpu.memref_slice %arg8[%dma_wait3A, %dma_wait3A_68] : memref<80x128xf32, #tpu.memory_space<vmem>> -> memref<72x128xf32, #tpu.memory_space<vmem>>
      %dma_wait3A_70 = arith.constant 0 : i32
      %dma_wait3A_71 = tpu.memref_slice %arg5[%arg0, %add3A_56, %dma_wait3A_70] : memref<2x10112x128xf32, #tpu.memory_space<hbm>> -> memref<1x72x128xf32, #tpu.memory_space<hbm>>
      %dma_wait3A_72 = tpu.memref_squeeze %dma_wait3A_71 : memref<1x72x128xf32, #tpu.memory_space<hbm>> -> memref<72x128xf32, #tpu.memory_space<hbm>>
      %dma_wait3A_73 = arith.constant 0 : i32
      %dma_wait3A_74 = tpu.memref_slice %arg5[%arg0, %add3A_56, %dma_wait3A_73] : memref<2x10112x128xf32, #tpu.memory_space<hbm>> -> memref<1x72x128xf32, #tpu.memory_space<hbm>>
      %dma_wait3A_75 = tpu.memref_squeeze %dma_wait3A_74 : memref<1x72x128xf32, #tpu.memory_space<hbm>> -> memref<72x128xf32, #tpu.memory_space<hbm>>
      %dma_wait3A_76 = arith.constant 0 : i32
      %dma_wait3A_77 = arith.constant 0 : i32
      %dma_wait3A_78 = tpu.memref_slice %arg8[%dma_wait3A_76, %dma_wait3A_77] : memref<80x128xf32, #tpu.memory_space<vmem>> -> memref<72x128xf32, #tpu.memory_space<vmem>>
      tpu.wait_dma2 semaphore(%run_scoped3A : memref<!tpu.dma_semaphore, #tpu.memory_space<semaphore_mem>>) src(%dma_wait3A_78 : memref<72x128xf32, #tpu.memory_space<vmem>>) dst(%dma_wait3A_75 : memref<72x128xf32, #tpu.memory_space<hbm>>)
      tpu.yield
    }) : () -> ()
    return
  }
}

#map = affine_map<(d0, d1) -> (0, 0)>
#map1 = affine_map<(d0, d1) -> (0, 0, 0)>
module attributes {stable_mosaic.version = 14 : i64} {
  func.func @_agg_body(%arg0: i32, %arg1: i32, %arg2: memref<10000x128xf32, #tpu.memory_space<hbm>>, %arg3: memref<32x125x80xi32, #tpu.memory_space<hbm>>, %arg4: memref<32x125x80xi32, #tpu.memory_space<hbm>>, %arg5: memref<80x128xf32, #tpu.memory_space<hbm>>, %arg6: memref<2x10112x128xf32, #tpu.memory_space<hbm>>, %arg7: memref<10112x128xf32, #tpu.memory_space<vmem_shared>>, %arg8: memref<64x80xi32, #tpu.memory_space<vmem>>, %arg9: memref<64x80xi32, #tpu.memory_space<vmem>>, %arg10: memref<80x128xf32, #tpu.memory_space<vmem>>, %arg11: memref<80x128xf32, #tpu.memory_space<vmem>>, %arg12: memref<80x128xf32, #tpu.memory_space<vmem>>, %arg13: memref<!tpu.dma_semaphore, #tpu.memory_space<semaphore_mem>>, %arg14: memref<!tpu.dma_semaphore, #tpu.memory_space<semaphore_mem>>, %arg15: memref<!tpu.dma_semaphore, #tpu.memory_space<semaphore_mem>>) attributes {dimension_semantics = [#tpu.dimension_semantics<core_parallel>, #tpu.dimension_semantics<subcore_parallel>], iteration_bounds = array<i64: 2, 16>, scalar_prefetch = 0 : i64, scratch_operands = 9 : i64, tpu.core_type = #tpu.core_type<sc_vector_subcore>, window_params = [{transform_indices = #map}, {transform_indices = #map1}, {transform_indices = #map1}, {transform_indices = #map}, {transform_indices = #map1}]} {
    %mul3A = arith.constant 16 : i32
    %mul3A_0 = arith.muli %arg0, %mul3A : i32
    %add3A = arith.addi %mul3A_0, %arg1 : i32
    %mul3A_1 = arith.constant 632 : i32
    %mul3A_2 = arith.muli %arg1, %mul3A_1 : i32
    "tpu.region"() ({
      %run_scoped3A_180 = tpu.sem_alloc : memref<!tpu.dma_semaphore, #tpu.memory_space<semaphore_mem>>
      tpu.enqueue_dma source(%arg5 : memref<80x128xf32, #tpu.memory_space<hbm>>) target(%arg10 : memref<80x128xf32, #tpu.memory_space<vmem>>) target_semaphore(%run_scoped3A_180 : memref<!tpu.dma_semaphore, #tpu.memory_space<semaphore_mem>>)
      tpu.wait_dma2 semaphore(%run_scoped3A_180 : memref<!tpu.dma_semaphore, #tpu.memory_space<semaphore_mem>>) src(%arg5 : memref<80x128xf32, #tpu.memory_space<hbm>>) dst(%arg10 : memref<80x128xf32, #tpu.memory_space<vmem>>)
      tpu.yield
    }) : () -> ()
    %add3A_3 = arith.constant 0 : i32
    %add3A_4 = arith.addi %mul3A_2, %add3A_3 : i32
    "tpu.region"() ({
      %run_scoped3A_180 = tpu.sem_alloc : memref<!tpu.dma_semaphore, #tpu.memory_space<semaphore_mem>>
      %dma_start3A_181 = arith.constant 0 : i32
      %dma_start3A_182 = arith.constant 0 : i32
      %dma_start3A_183 = tpu.memref_slice %arg10[%dma_start3A_181, %dma_start3A_182] : memref<80x128xf32, #tpu.memory_space<vmem>> -> memref<80x128xf32, #tpu.memory_space<vmem>>
      %dma_start3A_184 = arith.constant 0 : i32
      %dma_start3A_185 = tpu.memref_slice %arg7[%add3A_4, %dma_start3A_184] : memref<10112x128xf32, #tpu.memory_space<vmem_shared>> -> memref<80x128xf32, #tpu.memory_space<vmem_shared>>
      %dma_start3A_186 = arith.constant 0 : i32
      %dma_start3A_187 = tpu.memref_slice %arg7[%add3A_4, %dma_start3A_186] : memref<10112x128xf32, #tpu.memory_space<vmem_shared>> -> memref<80x128xf32, #tpu.memory_space<vmem_shared>>
      %dma_start3A_188 = arith.constant 0 : i32
      %dma_start3A_189 = arith.constant 0 : i32
      %dma_start3A_190 = tpu.memref_slice %arg10[%dma_start3A_188, %dma_start3A_189] : memref<80x128xf32, #tpu.memory_space<vmem>> -> memref<80x128xf32, #tpu.memory_space<vmem>>
      tpu.enqueue_dma source(%dma_start3A_190 : memref<80x128xf32, #tpu.memory_space<vmem>>) target(%dma_start3A_187 : memref<80x128xf32, #tpu.memory_space<vmem_shared>>) target_semaphore(%run_scoped3A_180 : memref<!tpu.dma_semaphore, #tpu.memory_space<semaphore_mem>>)
      %dma_wait3A_191 = arith.constant 0 : i32
      %dma_wait3A_192 = arith.constant 0 : i32
      %dma_wait3A_193 = tpu.memref_slice %arg10[%dma_wait3A_191, %dma_wait3A_192] : memref<80x128xf32, #tpu.memory_space<vmem>> -> memref<80x128xf32, #tpu.memory_space<vmem>>
      %dma_wait3A_194 = arith.constant 0 : i32
      %dma_wait3A_195 = tpu.memref_slice %arg7[%add3A_4, %dma_wait3A_194] : memref<10112x128xf32, #tpu.memory_space<vmem_shared>> -> memref<80x128xf32, #tpu.memory_space<vmem_shared>>
      %dma_wait3A_196 = arith.constant 0 : i32
      %dma_wait3A_197 = tpu.memref_slice %arg7[%add3A_4, %dma_wait3A_196] : memref<10112x128xf32, #tpu.memory_space<vmem_shared>> -> memref<80x128xf32, #tpu.memory_space<vmem_shared>>
      %dma_wait3A_198 = arith.constant 0 : i32
      %dma_wait3A_199 = arith.constant 0 : i32
      %dma_wait3A_200 = tpu.memref_slice %arg10[%dma_wait3A_198, %dma_wait3A_199] : memref<80x128xf32, #tpu.memory_space<vmem>> -> memref<80x128xf32, #tpu.memory_space<vmem>>
      tpu.wait_dma2 semaphore(%run_scoped3A_180 : memref<!tpu.dma_semaphore, #tpu.memory_space<semaphore_mem>>) src(%dma_wait3A_200 : memref<80x128xf32, #tpu.memory_space<vmem>>) dst(%dma_wait3A_197 : memref<80x128xf32, #tpu.memory_space<vmem_shared>>)
      tpu.yield
    }) : () -> ()
    %add3A_5 = arith.constant 80 : i32
    %add3A_6 = arith.addi %mul3A_2, %add3A_5 : i32
    "tpu.region"() ({
      %run_scoped3A_180 = tpu.sem_alloc : memref<!tpu.dma_semaphore, #tpu.memory_space<semaphore_mem>>
      %dma_start3A_181 = arith.constant 0 : i32
      %dma_start3A_182 = arith.constant 0 : i32
      %dma_start3A_183 = tpu.memref_slice %arg10[%dma_start3A_181, %dma_start3A_182] : memref<80x128xf32, #tpu.memory_space<vmem>> -> memref<80x128xf32, #tpu.memory_space<vmem>>
      %dma_start3A_184 = arith.constant 0 : i32
      %dma_start3A_185 = tpu.memref_slice %arg7[%add3A_6, %dma_start3A_184] : memref<10112x128xf32, #tpu.memory_space<vmem_shared>> -> memref<80x128xf32, #tpu.memory_space<vmem_shared>>
      %dma_start3A_186 = arith.constant 0 : i32
      %dma_start3A_187 = tpu.memref_slice %arg7[%add3A_6, %dma_start3A_186] : memref<10112x128xf32, #tpu.memory_space<vmem_shared>> -> memref<80x128xf32, #tpu.memory_space<vmem_shared>>
      %dma_start3A_188 = arith.constant 0 : i32
      %dma_start3A_189 = arith.constant 0 : i32
      %dma_start3A_190 = tpu.memref_slice %arg10[%dma_start3A_188, %dma_start3A_189] : memref<80x128xf32, #tpu.memory_space<vmem>> -> memref<80x128xf32, #tpu.memory_space<vmem>>
      tpu.enqueue_dma source(%dma_start3A_190 : memref<80x128xf32, #tpu.memory_space<vmem>>) target(%dma_start3A_187 : memref<80x128xf32, #tpu.memory_space<vmem_shared>>) target_semaphore(%run_scoped3A_180 : memref<!tpu.dma_semaphore, #tpu.memory_space<semaphore_mem>>)
      %dma_wait3A_191 = arith.constant 0 : i32
      %dma_wait3A_192 = arith.constant 0 : i32
      %dma_wait3A_193 = tpu.memref_slice %arg10[%dma_wait3A_191, %dma_wait3A_192] : memref<80x128xf32, #tpu.memory_space<vmem>> -> memref<80x128xf32, #tpu.memory_space<vmem>>
      %dma_wait3A_194 = arith.constant 0 : i32
      %dma_wait3A_195 = tpu.memref_slice %arg7[%add3A_6, %dma_wait3A_194] : memref<10112x128xf32, #tpu.memory_space<vmem_shared>> -> memref<80x128xf32, #tpu.memory_space<vmem_shared>>
      %dma_wait3A_196 = arith.constant 0 : i32
      %dma_wait3A_197 = tpu.memref_slice %arg7[%add3A_6, %dma_wait3A_196] : memref<10112x128xf32, #tpu.memory_space<vmem_shared>> -> memref<80x128xf32, #tpu.memory_space<vmem_shared>>
      %dma_wait3A_198 = arith.constant 0 : i32
      %dma_wait3A_199 = arith.constant 0 : i32
      %dma_wait3A_200 = tpu.memref_slice %arg10[%dma_wait3A_198, %dma_wait3A_199] : memref<80x128xf32, #tpu.memory_space<vmem>> -> memref<80x128xf32, #tpu.memory_space<vmem>>
      tpu.wait_dma2 semaphore(%run_scoped3A_180 : memref<!tpu.dma_semaphore, #tpu.memory_space<semaphore_mem>>) src(%dma_wait3A_200 : memref<80x128xf32, #tpu.memory_space<vmem>>) dst(%dma_wait3A_197 : memref<80x128xf32, #tpu.memory_space<vmem_shared>>)
      tpu.yield
    }) : () -> ()
    %add3A_7 = arith.constant 160 : i32
    %add3A_8 = arith.addi %mul3A_2, %add3A_7 : i32
    "tpu.region"() ({
      %run_scoped3A_180 = tpu.sem_alloc : memref<!tpu.dma_semaphore, #tpu.memory_space<semaphore_mem>>
      %dma_start3A_181 = arith.constant 0 : i32
      %dma_start3A_182 = arith.constant 0 : i32
      %dma_start3A_183 = tpu.memref_slice %arg10[%dma_start3A_181, %dma_start3A_182] : memref<80x128xf32, #tpu.memory_space<vmem>> -> memref<80x128xf32, #tpu.memory_space<vmem>>
      %dma_start3A_184 = arith.constant 0 : i32
      %dma_start3A_185 = tpu.memref_slice %arg7[%add3A_8, %dma_start3A_184] : memref<10112x128xf32, #tpu.memory_space<vmem_shared>> -> memref<80x128xf32, #tpu.memory_space<vmem_shared>>
      %dma_start3A_186 = arith.constant 0 : i32
      %dma_start3A_187 = tpu.memref_slice %arg7[%add3A_8, %dma_start3A_186] : memref<10112x128xf32, #tpu.memory_space<vmem_shared>> -> memref<80x128xf32, #tpu.memory_space<vmem_shared>>
      %dma_start3A_188 = arith.constant 0 : i32
      %dma_start3A_189 = arith.constant 0 : i32
      %dma_start3A_190 = tpu.memref_slice %arg10[%dma_start3A_188, %dma_start3A_189] : memref<80x128xf32, #tpu.memory_space<vmem>> -> memref<80x128xf32, #tpu.memory_space<vmem>>
      tpu.enqueue_dma source(%dma_start3A_190 : memref<80x128xf32, #tpu.memory_space<vmem>>) target(%dma_start3A_187 : memref<80x128xf32, #tpu.memory_space<vmem_shared>>) target_semaphore(%run_scoped3A_180 : memref<!tpu.dma_semaphore, #tpu.memory_space<semaphore_mem>>)
      %dma_wait3A_191 = arith.constant 0 : i32
      %dma_wait3A_192 = arith.constant 0 : i32
      %dma_wait3A_193 = tpu.memref_slice %arg10[%dma_wait3A_191, %dma_wait3A_192] : memref<80x128xf32, #tpu.memory_space<vmem>> -> memref<80x128xf32, #tpu.memory_space<vmem>>
      %dma_wait3A_194 = arith.constant 0 : i32
      %dma_wait3A_195 = tpu.memref_slice %arg7[%add3A_8, %dma_wait3A_194] : memref<10112x128xf32, #tpu.memory_space<vmem_shared>> -> memref<80x128xf32, #tpu.memory_space<vmem_shared>>
      %dma_wait3A_196 = arith.constant 0 : i32
      %dma_wait3A_197 = tpu.memref_slice %arg7[%add3A_8, %dma_wait3A_196] : memref<10112x128xf32, #tpu.memory_space<vmem_shared>> -> memref<80x128xf32, #tpu.memory_space<vmem_shared>>
      %dma_wait3A_198 = arith.constant 0 : i32
      %dma_wait3A_199 = arith.constant 0 : i32
      %dma_wait3A_200 = tpu.memref_slice %arg10[%dma_wait3A_198, %dma_wait3A_199] : memref<80x128xf32, #tpu.memory_space<vmem>> -> memref<80x128xf32, #tpu.memory_space<vmem>>
      tpu.wait_dma2 semaphore(%run_scoped3A_180 : memref<!tpu.dma_semaphore, #tpu.memory_space<semaphore_mem>>) src(%dma_wait3A_200 : memref<80x128xf32, #tpu.memory_space<vmem>>) dst(%dma_wait3A_197 : memref<80x128xf32, #tpu.memory_space<vmem_shared>>)
      tpu.yield
    }) : () -> ()
    %add3A_9 = arith.constant 240 : i32
    %add3A_10 = arith.addi %mul3A_2, %add3A_9 : i32
    "tpu.region"() ({
      %run_scoped3A_180 = tpu.sem_alloc : memref<!tpu.dma_semaphore, #tpu.memory_space<semaphore_mem>>
      %dma_start3A_181 = arith.constant 0 : i32
      %dma_start3A_182 = arith.constant 0 : i32
      %dma_start3A_183 = tpu.memref_slice %arg10[%dma_start3A_181, %dma_start3A_182] : memref<80x128xf32, #tpu.memory_space<vmem>> -> memref<80x128xf32, #tpu.memory_space<vmem>>
      %dma_start3A_184 = arith.constant 0 : i32
      %dma_start3A_185 = tpu.memref_slice %arg7[%add3A_10, %dma_start3A_184] : memref<10112x128xf32, #tpu.memory_space<vmem_shared>> -> memref<80x128xf32, #tpu.memory_space<vmem_shared>>
      %dma_start3A_186 = arith.constant 0 : i32
      %dma_start3A_187 = tpu.memref_slice %arg7[%add3A_10, %dma_start3A_186] : memref<10112x128xf32, #tpu.memory_space<vmem_shared>> -> memref<80x128xf32, #tpu.memory_space<vmem_shared>>
      %dma_start3A_188 = arith.constant 0 : i32
      %dma_start3A_189 = arith.constant 0 : i32
      %dma_start3A_190 = tpu.memref_slice %arg10[%dma_start3A_188, %dma_start3A_189] : memref<80x128xf32, #tpu.memory_space<vmem>> -> memref<80x128xf32, #tpu.memory_space<vmem>>
      tpu.enqueue_dma source(%dma_start3A_190 : memref<80x128xf32, #tpu.memory_space<vmem>>) target(%dma_start3A_187 : memref<80x128xf32, #tpu.memory_space<vmem_shared>>) target_semaphore(%run_scoped3A_180 : memref<!tpu.dma_semaphore, #tpu.memory_space<semaphore_mem>>)
      %dma_wait3A_191 = arith.constant 0 : i32
      %dma_wait3A_192 = arith.constant 0 : i32
      %dma_wait3A_193 = tpu.memref_slice %arg10[%dma_wait3A_191, %dma_wait3A_192] : memref<80x128xf32, #tpu.memory_space<vmem>> -> memref<80x128xf32, #tpu.memory_space<vmem>>
      %dma_wait3A_194 = arith.constant 0 : i32
      %dma_wait3A_195 = tpu.memref_slice %arg7[%add3A_10, %dma_wait3A_194] : memref<10112x128xf32, #tpu.memory_space<vmem_shared>> -> memref<80x128xf32, #tpu.memory_space<vmem_shared>>
      %dma_wait3A_196 = arith.constant 0 : i32
      %dma_wait3A_197 = tpu.memref_slice %arg7[%add3A_10, %dma_wait3A_196] : memref<10112x128xf32, #tpu.memory_space<vmem_shared>> -> memref<80x128xf32, #tpu.memory_space<vmem_shared>>
      %dma_wait3A_198 = arith.constant 0 : i32
      %dma_wait3A_199 = arith.constant 0 : i32
      %dma_wait3A_200 = tpu.memref_slice %arg10[%dma_wait3A_198, %dma_wait3A_199] : memref<80x128xf32, #tpu.memory_space<vmem>> -> memref<80x128xf32, #tpu.memory_space<vmem>>
      tpu.wait_dma2 semaphore(%run_scoped3A_180 : memref<!tpu.dma_semaphore, #tpu.memory_space<semaphore_mem>>) src(%dma_wait3A_200 : memref<80x128xf32, #tpu.memory_space<vmem>>) dst(%dma_wait3A_197 : memref<80x128xf32, #tpu.memory_space<vmem_shared>>)
      tpu.yield
    }) : () -> ()
    %add3A_11 = arith.constant 320 : i32
    %add3A_12 = arith.addi %mul3A_2, %add3A_11 : i32
    "tpu.region"() ({
      %run_scoped3A_180 = tpu.sem_alloc : memref<!tpu.dma_semaphore, #tpu.memory_space<semaphore_mem>>
      %dma_start3A_181 = arith.constant 0 : i32
      %dma_start3A_182 = arith.constant 0 : i32
      %dma_start3A_183 = tpu.memref_slice %arg10[%dma_start3A_181, %dma_start3A_182] : memref<80x128xf32, #tpu.memory_space<vmem>> -> memref<80x128xf32, #tpu.memory_space<vmem>>
      %dma_start3A_184 = arith.constant 0 : i32
      %dma_start3A_185 = tpu.memref_slice %arg7[%add3A_12, %dma_start3A_184] : memref<10112x128xf32, #tpu.memory_space<vmem_shared>> -> memref<80x128xf32, #tpu.memory_space<vmem_shared>>
      %dma_start3A_186 = arith.constant 0 : i32
      %dma_start3A_187 = tpu.memref_slice %arg7[%add3A_12, %dma_start3A_186] : memref<10112x128xf32, #tpu.memory_space<vmem_shared>> -> memref<80x128xf32, #tpu.memory_space<vmem_shared>>
      %dma_start3A_188 = arith.constant 0 : i32
      %dma_start3A_189 = arith.constant 0 : i32
      %dma_start3A_190 = tpu.memref_slice %arg10[%dma_start3A_188, %dma_start3A_189] : memref<80x128xf32, #tpu.memory_space<vmem>> -> memref<80x128xf32, #tpu.memory_space<vmem>>
      tpu.enqueue_dma source(%dma_start3A_190 : memref<80x128xf32, #tpu.memory_space<vmem>>) target(%dma_start3A_187 : memref<80x128xf32, #tpu.memory_space<vmem_shared>>) target_semaphore(%run_scoped3A_180 : memref<!tpu.dma_semaphore, #tpu.memory_space<semaphore_mem>>)
      %dma_wait3A_191 = arith.constant 0 : i32
      %dma_wait3A_192 = arith.constant 0 : i32
      %dma_wait3A_193 = tpu.memref_slice %arg10[%dma_wait3A_191, %dma_wait3A_192] : memref<80x128xf32, #tpu.memory_space<vmem>> -> memref<80x128xf32, #tpu.memory_space<vmem>>
      %dma_wait3A_194 = arith.constant 0 : i32
      %dma_wait3A_195 = tpu.memref_slice %arg7[%add3A_12, %dma_wait3A_194] : memref<10112x128xf32, #tpu.memory_space<vmem_shared>> -> memref<80x128xf32, #tpu.memory_space<vmem_shared>>
      %dma_wait3A_196 = arith.constant 0 : i32
      %dma_wait3A_197 = tpu.memref_slice %arg7[%add3A_12, %dma_wait3A_196] : memref<10112x128xf32, #tpu.memory_space<vmem_shared>> -> memref<80x128xf32, #tpu.memory_space<vmem_shared>>
      %dma_wait3A_198 = arith.constant 0 : i32
      %dma_wait3A_199 = arith.constant 0 : i32
      %dma_wait3A_200 = tpu.memref_slice %arg10[%dma_wait3A_198, %dma_wait3A_199] : memref<80x128xf32, #tpu.memory_space<vmem>> -> memref<80x128xf32, #tpu.memory_space<vmem>>
      tpu.wait_dma2 semaphore(%run_scoped3A_180 : memref<!tpu.dma_semaphore, #tpu.memory_space<semaphore_mem>>) src(%dma_wait3A_200 : memref<80x128xf32, #tpu.memory_space<vmem>>) dst(%dma_wait3A_197 : memref<80x128xf32, #tpu.memory_space<vmem_shared>>)
      tpu.yield
    }) : () -> ()
    %add3A_13 = arith.constant 400 : i32
    %add3A_14 = arith.addi %mul3A_2, %add3A_13 : i32
    "tpu.region"() ({
      %run_scoped3A_180 = tpu.sem_alloc : memref<!tpu.dma_semaphore, #tpu.memory_space<semaphore_mem>>
      %dma_start3A_181 = arith.constant 0 : i32
      %dma_start3A_182 = arith.constant 0 : i32
      %dma_start3A_183 = tpu.memref_slice %arg10[%dma_start3A_181, %dma_start3A_182] : memref<80x128xf32, #tpu.memory_space<vmem>> -> memref<80x128xf32, #tpu.memory_space<vmem>>
      %dma_start3A_184 = arith.constant 0 : i32
      %dma_start3A_185 = tpu.memref_slice %arg7[%add3A_14, %dma_start3A_184] : memref<10112x128xf32, #tpu.memory_space<vmem_shared>> -> memref<80x128xf32, #tpu.memory_space<vmem_shared>>
      %dma_start3A_186 = arith.constant 0 : i32
      %dma_start3A_187 = tpu.memref_slice %arg7[%add3A_14, %dma_start3A_186] : memref<10112x128xf32, #tpu.memory_space<vmem_shared>> -> memref<80x128xf32, #tpu.memory_space<vmem_shared>>
      %dma_start3A_188 = arith.constant 0 : i32
      %dma_start3A_189 = arith.constant 0 : i32
      %dma_start3A_190 = tpu.memref_slice %arg10[%dma_start3A_188, %dma_start3A_189] : memref<80x128xf32, #tpu.memory_space<vmem>> -> memref<80x128xf32, #tpu.memory_space<vmem>>
      tpu.enqueue_dma source(%dma_start3A_190 : memref<80x128xf32, #tpu.memory_space<vmem>>) target(%dma_start3A_187 : memref<80x128xf32, #tpu.memory_space<vmem_shared>>) target_semaphore(%run_scoped3A_180 : memref<!tpu.dma_semaphore, #tpu.memory_space<semaphore_mem>>)
      %dma_wait3A_191 = arith.constant 0 : i32
      %dma_wait3A_192 = arith.constant 0 : i32
      %dma_wait3A_193 = tpu.memref_slice %arg10[%dma_wait3A_191, %dma_wait3A_192] : memref<80x128xf32, #tpu.memory_space<vmem>> -> memref<80x128xf32, #tpu.memory_space<vmem>>
      %dma_wait3A_194 = arith.constant 0 : i32
      %dma_wait3A_195 = tpu.memref_slice %arg7[%add3A_14, %dma_wait3A_194] : memref<10112x128xf32, #tpu.memory_space<vmem_shared>> -> memref<80x128xf32, #tpu.memory_space<vmem_shared>>
      %dma_wait3A_196 = arith.constant 0 : i32
      %dma_wait3A_197 = tpu.memref_slice %arg7[%add3A_14, %dma_wait3A_196] : memref<10112x128xf32, #tpu.memory_space<vmem_shared>> -> memref<80x128xf32, #tpu.memory_space<vmem_shared>>
      %dma_wait3A_198 = arith.constant 0 : i32
      %dma_wait3A_199 = arith.constant 0 : i32
      %dma_wait3A_200 = tpu.memref_slice %arg10[%dma_wait3A_198, %dma_wait3A_199] : memref<80x128xf32, #tpu.memory_space<vmem>> -> memref<80x128xf32, #tpu.memory_space<vmem>>
      tpu.wait_dma2 semaphore(%run_scoped3A_180 : memref<!tpu.dma_semaphore, #tpu.memory_space<semaphore_mem>>) src(%dma_wait3A_200 : memref<80x128xf32, #tpu.memory_space<vmem>>) dst(%dma_wait3A_197 : memref<80x128xf32, #tpu.memory_space<vmem_shared>>)
      tpu.yield
    }) : () -> ()
    %add3A_15 = arith.constant 480 : i32
    %add3A_16 = arith.addi %mul3A_2, %add3A_15 : i32
    "tpu.region"() ({
      %run_scoped3A_180 = tpu.sem_alloc : memref<!tpu.dma_semaphore, #tpu.memory_space<semaphore_mem>>
      %dma_start3A_181 = arith.constant 0 : i32
      %dma_start3A_182 = arith.constant 0 : i32
      %dma_start3A_183 = tpu.memref_slice %arg10[%dma_start3A_181, %dma_start3A_182] : memref<80x128xf32, #tpu.memory_space<vmem>> -> memref<80x128xf32, #tpu.memory_space<vmem>>
      %dma_start3A_184 = arith.constant 0 : i32
      %dma_start3A_185 = tpu.memref_slice %arg7[%add3A_16, %dma_start3A_184] : memref<10112x128xf32, #tpu.memory_space<vmem_shared>> -> memref<80x128xf32, #tpu.memory_space<vmem_shared>>
      %dma_start3A_186 = arith.constant 0 : i32
      %dma_start3A_187 = tpu.memref_slice %arg7[%add3A_16, %dma_start3A_186] : memref<10112x128xf32, #tpu.memory_space<vmem_shared>> -> memref<80x128xf32, #tpu.memory_space<vmem_shared>>
      %dma_start3A_188 = arith.constant 0 : i32
      %dma_start3A_189 = arith.constant 0 : i32
      %dma_start3A_190 = tpu.memref_slice %arg10[%dma_start3A_188, %dma_start3A_189] : memref<80x128xf32, #tpu.memory_space<vmem>> -> memref<80x128xf32, #tpu.memory_space<vmem>>
      tpu.enqueue_dma source(%dma_start3A_190 : memref<80x128xf32, #tpu.memory_space<vmem>>) target(%dma_start3A_187 : memref<80x128xf32, #tpu.memory_space<vmem_shared>>) target_semaphore(%run_scoped3A_180 : memref<!tpu.dma_semaphore, #tpu.memory_space<semaphore_mem>>)
      %dma_wait3A_191 = arith.constant 0 : i32
      %dma_wait3A_192 = arith.constant 0 : i32
      %dma_wait3A_193 = tpu.memref_slice %arg10[%dma_wait3A_191, %dma_wait3A_192] : memref<80x128xf32, #tpu.memory_space<vmem>> -> memref<80x128xf32, #tpu.memory_space<vmem>>
      %dma_wait3A_194 = arith.constant 0 : i32
      %dma_wait3A_195 = tpu.memref_slice %arg7[%add3A_16, %dma_wait3A_194] : memref<10112x128xf32, #tpu.memory_space<vmem_shared>> -> memref<80x128xf32, #tpu.memory_space<vmem_shared>>
      %dma_wait3A_196 = arith.constant 0 : i32
      %dma_wait3A_197 = tpu.memref_slice %arg7[%add3A_16, %dma_wait3A_196] : memref<10112x128xf32, #tpu.memory_space<vmem_shared>> -> memref<80x128xf32, #tpu.memory_space<vmem_shared>>
      %dma_wait3A_198 = arith.constant 0 : i32
      %dma_wait3A_199 = arith.constant 0 : i32
      %dma_wait3A_200 = tpu.memref_slice %arg10[%dma_wait3A_198, %dma_wait3A_199] : memref<80x128xf32, #tpu.memory_space<vmem>> -> memref<80x128xf32, #tpu.memory_space<vmem>>
      tpu.wait_dma2 semaphore(%run_scoped3A_180 : memref<!tpu.dma_semaphore, #tpu.memory_space<semaphore_mem>>) src(%dma_wait3A_200 : memref<80x128xf32, #tpu.memory_space<vmem>>) dst(%dma_wait3A_197 : memref<80x128xf32, #tpu.memory_space<vmem_shared>>)
      tpu.yield
    }) : () -> ()
    %add3A_17 = arith.constant 560 : i32
    %add3A_18 = arith.addi %mul3A_2, %add3A_17 : i32
    "tpu.region"() ({
      %run_scoped3A_180 = tpu.sem_alloc : memref<!tpu.dma_semaphore, #tpu.memory_space<semaphore_mem>>
      %dma_start3A_181 = arith.constant 0 : i32
      %dma_start3A_182 = arith.constant 0 : i32
      %dma_start3A_183 = tpu.memref_slice %arg10[%dma_start3A_181, %dma_start3A_182] : memref<80x128xf32, #tpu.memory_space<vmem>> -> memref<72x128xf32, #tpu.memory_space<vmem>>
      %dma_start3A_184 = arith.constant 0 : i32
      %dma_start3A_185 = tpu.memref_slice %arg7[%add3A_18, %dma_start3A_184] : memref<10112x128xf32, #tpu.memory_space<vmem_shared>> -> memref<72x128xf32, #tpu.memory_space<vmem_shared>>
      %dma_start3A_186 = arith.constant 0 : i32
      %dma_start3A_187 = tpu.memref_slice %arg7[%add3A_18, %dma_start3A_186] : memref<10112x128xf32, #tpu.memory_space<vmem_shared>> -> memref<72x128xf32, #tpu.memory_space<vmem_shared>>
      %dma_start3A_188 = arith.constant 0 : i32
      %dma_start3A_189 = arith.constant 0 : i32
      %dma_start3A_190 = tpu.memref_slice %arg10[%dma_start3A_188, %dma_start3A_189] : memref<80x128xf32, #tpu.memory_space<vmem>> -> memref<72x128xf32, #tpu.memory_space<vmem>>
      tpu.enqueue_dma source(%dma_start3A_190 : memref<72x128xf32, #tpu.memory_space<vmem>>) target(%dma_start3A_187 : memref<72x128xf32, #tpu.memory_space<vmem_shared>>) target_semaphore(%run_scoped3A_180 : memref<!tpu.dma_semaphore, #tpu.memory_space<semaphore_mem>>)
      %dma_wait3A_191 = arith.constant 0 : i32
      %dma_wait3A_192 = arith.constant 0 : i32
      %dma_wait3A_193 = tpu.memref_slice %arg10[%dma_wait3A_191, %dma_wait3A_192] : memref<80x128xf32, #tpu.memory_space<vmem>> -> memref<72x128xf32, #tpu.memory_space<vmem>>
      %dma_wait3A_194 = arith.constant 0 : i32
      %dma_wait3A_195 = tpu.memref_slice %arg7[%add3A_18, %dma_wait3A_194] : memref<10112x128xf32, #tpu.memory_space<vmem_shared>> -> memref<72x128xf32, #tpu.memory_space<vmem_shared>>
      %dma_wait3A_196 = arith.constant 0 : i32
      %dma_wait3A_197 = tpu.memref_slice %arg7[%add3A_18, %dma_wait3A_196] : memref<10112x128xf32, #tpu.memory_space<vmem_shared>> -> memref<72x128xf32, #tpu.memory_space<vmem_shared>>
      %dma_wait3A_198 = arith.constant 0 : i32
      %dma_wait3A_199 = arith.constant 0 : i32
      %dma_wait3A_200 = tpu.memref_slice %arg10[%dma_wait3A_198, %dma_wait3A_199] : memref<80x128xf32, #tpu.memory_space<vmem>> -> memref<72x128xf32, #tpu.memory_space<vmem>>
      tpu.wait_dma2 semaphore(%run_scoped3A_180 : memref<!tpu.dma_semaphore, #tpu.memory_space<semaphore_mem>>) src(%dma_wait3A_200 : memref<72x128xf32, #tpu.memory_space<vmem>>) dst(%dma_wait3A_197 : memref<72x128xf32, #tpu.memory_space<vmem_shared>>)
      tpu.yield
    }) : () -> ()
    %barrier3A = arith.constant 0 : index
    tpu.barrier barrier_id(%barrier3A)
    "tpu.region"() ({
      %run_scoped3A_180 = tpu.sem_alloc : memref<!tpu.dma_semaphore, #tpu.memory_space<semaphore_mem>>
      %dma_start3A_181 = arith.constant 0 : i32
      %dma_start3A_182 = arith.constant 0 : i32
      %dma_start3A_183 = tpu.memref_slice %arg8[%dma_start3A_181, %dma_start3A_182] : memref<64x80xi32, #tpu.memory_space<vmem>> -> memref<64x80xi32, #tpu.memory_space<vmem>>
      %dma_start3A_184 = arith.constant 0 : i32
      %dma_start3A_185 = arith.constant 0 : i32
      %dma_start3A_186 = tpu.memref_slice %arg3[%add3A, %dma_start3A_184, %dma_start3A_185] : memref<32x125x80xi32, #tpu.memory_space<hbm>> -> memref<1x64x80xi32, #tpu.memory_space<hbm>>
      %dma_start3A_187 = tpu.memref_squeeze %dma_start3A_186 : memref<1x64x80xi32, #tpu.memory_space<hbm>> -> memref<64x80xi32, #tpu.memory_space<hbm>>
      %dma_start3A_188 = arith.constant 0 : i32
      %dma_start3A_189 = arith.constant 0 : i32
      %dma_start3A_190 = tpu.memref_slice %arg8[%dma_start3A_188, %dma_start3A_189] : memref<64x80xi32, #tpu.memory_space<vmem>> -> memref<64x80xi32, #tpu.memory_space<vmem>>
      %dma_start3A_191 = arith.constant 0 : i32
      %dma_start3A_192 = arith.constant 0 : i32
      %dma_start3A_193 = tpu.memref_slice %arg3[%add3A, %dma_start3A_191, %dma_start3A_192] : memref<32x125x80xi32, #tpu.memory_space<hbm>> -> memref<1x64x80xi32, #tpu.memory_space<hbm>>
      %dma_start3A_194 = tpu.memref_squeeze %dma_start3A_193 : memref<1x64x80xi32, #tpu.memory_space<hbm>> -> memref<64x80xi32, #tpu.memory_space<hbm>>
      tpu.enqueue_dma source(%dma_start3A_194 : memref<64x80xi32, #tpu.memory_space<hbm>>) target(%dma_start3A_190 : memref<64x80xi32, #tpu.memory_space<vmem>>) target_semaphore(%run_scoped3A_180 : memref<!tpu.dma_semaphore, #tpu.memory_space<semaphore_mem>>)
      %dma_wait3A_195 = arith.constant 0 : i32
      %dma_wait3A_196 = arith.constant 0 : i32
      %dma_wait3A_197 = tpu.memref_slice %arg8[%dma_wait3A_195, %dma_wait3A_196] : memref<64x80xi32, #tpu.memory_space<vmem>> -> memref<64x80xi32, #tpu.memory_space<vmem>>
      %dma_wait3A_198 = arith.constant 0 : i32
      %dma_wait3A_199 = arith.constant 0 : i32
      %dma_wait3A_200 = tpu.memref_slice %arg3[%add3A, %dma_wait3A_198, %dma_wait3A_199] : memref<32x125x80xi32, #tpu.memory_space<hbm>> -> memref<1x64x80xi32, #tpu.memory_space<hbm>>
      %dma_wait3A_201 = tpu.memref_squeeze %dma_wait3A_200 : memref<1x64x80xi32, #tpu.memory_space<hbm>> -> memref<64x80xi32, #tpu.memory_space<hbm>>
      %dma_wait3A_202 = arith.constant 0 : i32
      %dma_wait3A_203 = arith.constant 0 : i32
      %dma_wait3A_204 = tpu.memref_slice %arg8[%dma_wait3A_202, %dma_wait3A_203] : memref<64x80xi32, #tpu.memory_space<vmem>> -> memref<64x80xi32, #tpu.memory_space<vmem>>
      %dma_wait3A_205 = arith.constant 0 : i32
      %dma_wait3A_206 = arith.constant 0 : i32
      %dma_wait3A_207 = tpu.memref_slice %arg3[%add3A, %dma_wait3A_205, %dma_wait3A_206] : memref<32x125x80xi32, #tpu.memory_space<hbm>> -> memref<1x64x80xi32, #tpu.memory_space<hbm>>
      %dma_wait3A_208 = tpu.memref_squeeze %dma_wait3A_207 : memref<1x64x80xi32, #tpu.memory_space<hbm>> -> memref<64x80xi32, #tpu.memory_space<hbm>>
      tpu.wait_dma2 semaphore(%run_scoped3A_180 : memref<!tpu.dma_semaphore, #tpu.memory_space<semaphore_mem>>) src(%dma_wait3A_208 : memref<64x80xi32, #tpu.memory_space<hbm>>) dst(%dma_wait3A_204 : memref<64x80xi32, #tpu.memory_space<vmem>>)
      tpu.yield
    }) : () -> ()
    "tpu.region"() ({
      %run_scoped3A_180 = tpu.sem_alloc : memref<!tpu.dma_semaphore, #tpu.memory_space<semaphore_mem>>
      %dma_start3A_181 = arith.constant 0 : i32
      %dma_start3A_182 = arith.constant 0 : i32
      %dma_start3A_183 = tpu.memref_slice %arg9[%dma_start3A_181, %dma_start3A_182] : memref<64x80xi32, #tpu.memory_space<vmem>> -> memref<64x80xi32, #tpu.memory_space<vmem>>
      %dma_start3A_184 = arith.constant 0 : i32
      %dma_start3A_185 = arith.constant 0 : i32
      %dma_start3A_186 = tpu.memref_slice %arg4[%add3A, %dma_start3A_184, %dma_start3A_185] : memref<32x125x80xi32, #tpu.memory_space<hbm>> -> memref<1x64x80xi32, #tpu.memory_space<hbm>>
      %dma_start3A_187 = tpu.memref_squeeze %dma_start3A_186 : memref<1x64x80xi32, #tpu.memory_space<hbm>> -> memref<64x80xi32, #tpu.memory_space<hbm>>
      %dma_start3A_188 = arith.constant 0 : i32
      %dma_start3A_189 = arith.constant 0 : i32
      %dma_start3A_190 = tpu.memref_slice %arg9[%dma_start3A_188, %dma_start3A_189] : memref<64x80xi32, #tpu.memory_space<vmem>> -> memref<64x80xi32, #tpu.memory_space<vmem>>
      %dma_start3A_191 = arith.constant 0 : i32
      %dma_start3A_192 = arith.constant 0 : i32
      %dma_start3A_193 = tpu.memref_slice %arg4[%add3A, %dma_start3A_191, %dma_start3A_192] : memref<32x125x80xi32, #tpu.memory_space<hbm>> -> memref<1x64x80xi32, #tpu.memory_space<hbm>>
      %dma_start3A_194 = tpu.memref_squeeze %dma_start3A_193 : memref<1x64x80xi32, #tpu.memory_space<hbm>> -> memref<64x80xi32, #tpu.memory_space<hbm>>
      tpu.enqueue_dma source(%dma_start3A_194 : memref<64x80xi32, #tpu.memory_space<hbm>>) target(%dma_start3A_190 : memref<64x80xi32, #tpu.memory_space<vmem>>) target_semaphore(%run_scoped3A_180 : memref<!tpu.dma_semaphore, #tpu.memory_space<semaphore_mem>>)
      %dma_wait3A_195 = arith.constant 0 : i32
      %dma_wait3A_196 = arith.constant 0 : i32
      %dma_wait3A_197 = tpu.memref_slice %arg9[%dma_wait3A_195, %dma_wait3A_196] : memref<64x80xi32, #tpu.memory_space<vmem>> -> memref<64x80xi32, #tpu.memory_space<vmem>>
      %dma_wait3A_198 = arith.constant 0 : i32
      %dma_wait3A_199 = arith.constant 0 : i32
      %dma_wait3A_200 = tpu.memref_slice %arg4[%add3A, %dma_wait3A_198, %dma_wait3A_199] : memref<32x125x80xi32, #tpu.memory_space<hbm>> -> memref<1x64x80xi32, #tpu.memory_space<hbm>>
      %dma_wait3A_201 = tpu.memref_squeeze %dma_wait3A_200 : memref<1x64x80xi32, #tpu.memory_space<hbm>> -> memref<64x80xi32, #tpu.memory_space<hbm>>
      %dma_wait3A_202 = arith.constant 0 : i32
      %dma_wait3A_203 = arith.constant 0 : i32
      %dma_wait3A_204 = tpu.memref_slice %arg9[%dma_wait3A_202, %dma_wait3A_203] : memref<64x80xi32, #tpu.memory_space<vmem>> -> memref<64x80xi32, #tpu.memory_space<vmem>>
      %dma_wait3A_205 = arith.constant 0 : i32
      %dma_wait3A_206 = arith.constant 0 : i32
      %dma_wait3A_207 = tpu.memref_slice %arg4[%add3A, %dma_wait3A_205, %dma_wait3A_206] : memref<32x125x80xi32, #tpu.memory_space<hbm>> -> memref<1x64x80xi32, #tpu.memory_space<hbm>>
      %dma_wait3A_208 = tpu.memref_squeeze %dma_wait3A_207 : memref<1x64x80xi32, #tpu.memory_space<hbm>> -> memref<64x80xi32, #tpu.memory_space<hbm>>
      tpu.wait_dma2 semaphore(%run_scoped3A_180 : memref<!tpu.dma_semaphore, #tpu.memory_space<semaphore_mem>>) src(%dma_wait3A_208 : memref<64x80xi32, #tpu.memory_space<hbm>>) dst(%dma_wait3A_204 : memref<64x80xi32, #tpu.memory_space<vmem>>)
      tpu.yield
    }) : () -> ()
    %dma_start3A = arith.constant 0 : i32
    %dma_start3A_19 = arith.constant 0 : i32
    %dma_start3A_20 = tpu.memref_slice %arg8[%dma_start3A, %dma_start3A_19] : memref<64x80xi32, #tpu.memory_space<vmem>> -> memref<1x80xi32, #tpu.memory_space<vmem>>
    %dma_start3A_21 = tpu.memref_squeeze %dma_start3A_20 : memref<1x80xi32, #tpu.memory_space<vmem>> -> memref<80xi32, #tpu.memory_space<vmem>>
    %dma_start3A_22 = arith.constant 0 : i32
    %dma_start3A_23 = arith.constant 0 : i32
    %dma_start3A_24 = tpu.memref_slice %arg2[%dma_start3A_22, %dma_start3A_23] : memref<10000x128xf32, #tpu.memory_space<hbm>> -> memref<10000x128xf32, #tpu.memory_space<hbm>>
    tpu.enqueue_indirect_dma source(%dma_start3A_24 : memref<10000x128xf32, #tpu.memory_space<hbm>>) target(%arg10 : memref<80x128xf32, #tpu.memory_space<vmem>>) offsets(%dma_start3A_21 : memref<80xi32, #tpu.memory_space<vmem>>) semaphore(%arg13 : memref<!tpu.dma_semaphore, #tpu.memory_space<semaphore_mem>>)
    %dma_start3A_25 = arith.constant 1 : i32
    %dma_start3A_26 = arith.constant 0 : i32
    %dma_start3A_27 = tpu.memref_slice %arg8[%dma_start3A_25, %dma_start3A_26] : memref<64x80xi32, #tpu.memory_space<vmem>> -> memref<1x80xi32, #tpu.memory_space<vmem>>
    %dma_start3A_28 = tpu.memref_squeeze %dma_start3A_27 : memref<1x80xi32, #tpu.memory_space<vmem>> -> memref<80xi32, #tpu.memory_space<vmem>>
    %dma_start3A_29 = arith.constant 0 : i32
    %dma_start3A_30 = arith.constant 0 : i32
    %dma_start3A_31 = tpu.memref_slice %arg2[%dma_start3A_29, %dma_start3A_30] : memref<10000x128xf32, #tpu.memory_space<hbm>> -> memref<10000x128xf32, #tpu.memory_space<hbm>>
    tpu.enqueue_indirect_dma source(%dma_start3A_31 : memref<10000x128xf32, #tpu.memory_space<hbm>>) target(%arg11 : memref<80x128xf32, #tpu.memory_space<vmem>>) offsets(%dma_start3A_28 : memref<80xi32, #tpu.memory_space<vmem>>) semaphore(%arg14 : memref<!tpu.dma_semaphore, #tpu.memory_space<semaphore_mem>>)
    %scan3A = arith.constant 0 : i32
    %scan3A_32 = arith.constant 0 : i32
    %scan3A_33 = arith.constant 20 : i32
    %scan3A_34 = arith.addi %scan3A_32, %scan3A_33 : i32
    %scan3A_35 = arith.constant 1 : i32
    scf.for %scan3A_180 = %scan3A_32 to %scan3A_34 step %scan3A_35  : i32 {
      %mul3A_181 = arith.constant 3 : i32
      %mul3A_182 = arith.muli %mul3A_181, %scan3A_180 : i32
      %add3A_183 = arith.constant 0 : i32
      %add3A_184 = arith.addi %mul3A_182, %add3A_183 : i32
      %dma_wait3A_185 = arith.constant 0 : i32
      %dma_wait3A_186 = tpu.memref_slice %arg8[%add3A_184, %dma_wait3A_185] : memref<64x80xi32, #tpu.memory_space<vmem>> -> memref<1x80xi32, #tpu.memory_space<vmem>>
      %dma_wait3A_187 = tpu.memref_squeeze %dma_wait3A_186 : memref<1x80xi32, #tpu.memory_space<vmem>> -> memref<80xi32, #tpu.memory_space<vmem>>
      %dma_wait3A_188 = arith.constant 0 : i32
      %dma_wait3A_189 = arith.constant 0 : i32
      %dma_wait3A_190 = tpu.memref_slice %arg2[%dma_wait3A_188, %dma_wait3A_189] : memref<10000x128xf32, #tpu.memory_space<hbm>> -> memref<10000x128xf32, #tpu.memory_space<hbm>>
      tpu.wait_indirect_dma semaphore(%arg13 : memref<!tpu.dma_semaphore, #tpu.memory_space<semaphore_mem>>) src(%dma_wait3A_190 : memref<10000x128xf32, #tpu.memory_space<hbm>>) dst(%arg10 : memref<80x128xf32, #tpu.memory_space<vmem>>)
      %add3A_191 = arith.constant 0 : i32
      %add3A_192 = arith.addi %mul3A_182, %add3A_191 : i32
      %add3A_193 = arith.constant 2 : i32
      %add3A_194 = arith.addi %add3A_192, %add3A_193 : i32
      %dma_start3A_195 = arith.constant 0 : i32
      %dma_start3A_196 = tpu.memref_slice %arg8[%add3A_194, %dma_start3A_195] : memref<64x80xi32, #tpu.memory_space<vmem>> -> memref<1x80xi32, #tpu.memory_space<vmem>>
      %dma_start3A_197 = tpu.memref_squeeze %dma_start3A_196 : memref<1x80xi32, #tpu.memory_space<vmem>> -> memref<80xi32, #tpu.memory_space<vmem>>
      %dma_start3A_198 = arith.constant 0 : i32
      %dma_start3A_199 = arith.constant 0 : i32
      %dma_start3A_200 = tpu.memref_slice %arg2[%dma_start3A_198, %dma_start3A_199] : memref<10000x128xf32, #tpu.memory_space<hbm>> -> memref<10000x128xf32, #tpu.memory_space<hbm>>
      tpu.enqueue_indirect_dma source(%dma_start3A_200 : memref<10000x128xf32, #tpu.memory_space<hbm>>) target(%arg12 : memref<80x128xf32, #tpu.memory_space<vmem>>) offsets(%dma_start3A_197 : memref<80xi32, #tpu.memory_space<vmem>>) semaphore(%arg15 : memref<!tpu.dma_semaphore, #tpu.memory_space<semaphore_mem>>)
      %add3A_201 = arith.constant 0 : i32
      %add3A_202 = arith.addi %mul3A_182, %add3A_201 : i32
      "tpu.region"() ({
        %run_scoped3A_243 = tpu.sem_alloc : memref<!tpu.dma_semaphore, #tpu.memory_space<semaphore_mem>>
        %dma_start3A_244 = arith.constant 0 : i32
        %dma_start3A_245 = tpu.memref_slice %arg9[%add3A_202, %dma_start3A_244] : memref<64x80xi32, #tpu.memory_space<vmem>> -> memref<1x80xi32, #tpu.memory_space<vmem>>
        %dma_start3A_246 = tpu.memref_squeeze %dma_start3A_245 : memref<1x80xi32, #tpu.memory_space<vmem>> -> memref<80xi32, #tpu.memory_space<vmem>>
        %dma_start3A_247 = arith.constant 0 : i32
        %dma_start3A_248 = arith.constant 0 : i32
        %dma_start3A_249 = tpu.memref_slice %arg7[%dma_start3A_247, %dma_start3A_248] : memref<10112x128xf32, #tpu.memory_space<vmem_shared>> -> memref<10112x128xf32, #tpu.memory_space<vmem_shared>>
        tpu.enqueue_indirect_dma source(%arg10 : memref<80x128xf32, #tpu.memory_space<vmem>>) target(%dma_start3A_249 : memref<10112x128xf32, #tpu.memory_space<vmem_shared>>) offsets(%dma_start3A_246 : memref<80xi32, #tpu.memory_space<vmem>>) semaphore(%run_scoped3A_243 : memref<!tpu.dma_semaphore, #tpu.memory_space<semaphore_mem>>) {add = true}
        %dma_wait3A_250 = arith.constant 0 : i32
        %dma_wait3A_251 = tpu.memref_slice %arg9[%add3A_202, %dma_wait3A_250] : memref<64x80xi32, #tpu.memory_space<vmem>> -> memref<1x80xi32, #tpu.memory_space<vmem>>
        %dma_wait3A_252 = tpu.memref_squeeze %dma_wait3A_251 : memref<1x80xi32, #tpu.memory_space<vmem>> -> memref<80xi32, #tpu.memory_space<vmem>>
        %dma_wait3A_253 = arith.constant 0 : i32
        %dma_wait3A_254 = arith.constant 0 : i32
        %dma_wait3A_255 = tpu.memref_slice %arg7[%dma_wait3A_253, %dma_wait3A_254] : memref<10112x128xf32, #tpu.memory_space<vmem_shared>> -> memref<10112x128xf32, #tpu.memory_space<vmem_shared>>
        tpu.wait_indirect_dma semaphore(%run_scoped3A_243 : memref<!tpu.dma_semaphore, #tpu.memory_space<semaphore_mem>>) src(%arg10 : memref<80x128xf32, #tpu.memory_space<vmem>>) dst(%dma_wait3A_255 : memref<10112x128xf32, #tpu.memory_space<vmem_shared>>)
        tpu.yield
      }) : () -> ()
      %add3A_203 = arith.constant 1 : i32
      %add3A_204 = arith.addi %mul3A_182, %add3A_203 : i32
      %dma_wait3A_205 = arith.constant 0 : i32
      %dma_wait3A_206 = tpu.memref_slice %arg8[%add3A_204, %dma_wait3A_205] : memref<64x80xi32, #tpu.memory_space<vmem>> -> memref<1x80xi32, #tpu.memory_space<vmem>>
      %dma_wait3A_207 = tpu.memref_squeeze %dma_wait3A_206 : memref<1x80xi32, #tpu.memory_space<vmem>> -> memref<80xi32, #tpu.memory_space<vmem>>
      %dma_wait3A_208 = arith.constant 0 : i32
      %dma_wait3A_209 = arith.constant 0 : i32
      %dma_wait3A_210 = tpu.memref_slice %arg2[%dma_wait3A_208, %dma_wait3A_209] : memref<10000x128xf32, #tpu.memory_space<hbm>> -> memref<10000x128xf32, #tpu.memory_space<hbm>>
      tpu.wait_indirect_dma semaphore(%arg14 : memref<!tpu.dma_semaphore, #tpu.memory_space<semaphore_mem>>) src(%dma_wait3A_210 : memref<10000x128xf32, #tpu.memory_space<hbm>>) dst(%arg11 : memref<80x128xf32, #tpu.memory_space<vmem>>)
      %add3A_211 = arith.constant 1 : i32
      %add3A_212 = arith.addi %mul3A_182, %add3A_211 : i32
      %add3A_213 = arith.constant 2 : i32
      %add3A_214 = arith.addi %add3A_212, %add3A_213 : i32
      %dma_start3A_215 = arith.constant 0 : i32
      %dma_start3A_216 = tpu.memref_slice %arg8[%add3A_214, %dma_start3A_215] : memref<64x80xi32, #tpu.memory_space<vmem>> -> memref<1x80xi32, #tpu.memory_space<vmem>>
      %dma_start3A_217 = tpu.memref_squeeze %dma_start3A_216 : memref<1x80xi32, #tpu.memory_space<vmem>> -> memref<80xi32, #tpu.memory_space<vmem>>
      %dma_start3A_218 = arith.constant 0 : i32
      %dma_start3A_219 = arith.constant 0 : i32
      %dma_start3A_220 = tpu.memref_slice %arg2[%dma_start3A_218, %dma_start3A_219] : memref<10000x128xf32, #tpu.memory_space<hbm>> -> memref<10000x128xf32, #tpu.memory_space<hbm>>
      tpu.enqueue_indirect_dma source(%dma_start3A_220 : memref<10000x128xf32, #tpu.memory_space<hbm>>) target(%arg10 : memref<80x128xf32, #tpu.memory_space<vmem>>) offsets(%dma_start3A_217 : memref<80xi32, #tpu.memory_space<vmem>>) semaphore(%arg13 : memref<!tpu.dma_semaphore, #tpu.memory_space<semaphore_mem>>)
      %add3A_221 = arith.constant 1 : i32
      %add3A_222 = arith.addi %mul3A_182, %add3A_221 : i32
      "tpu.region"() ({
        %run_scoped3A_243 = tpu.sem_alloc : memref<!tpu.dma_semaphore, #tpu.memory_space<semaphore_mem>>
        %dma_start3A_244 = arith.constant 0 : i32
        %dma_start3A_245 = tpu.memref_slice %arg9[%add3A_222, %dma_start3A_244] : memref<64x80xi32, #tpu.memory_space<vmem>> -> memref<1x80xi32, #tpu.memory_space<vmem>>
        %dma_start3A_246 = tpu.memref_squeeze %dma_start3A_245 : memref<1x80xi32, #tpu.memory_space<vmem>> -> memref<80xi32, #tpu.memory_space<vmem>>
        %dma_start3A_247 = arith.constant 0 : i32
        %dma_start3A_248 = arith.constant 0 : i32
        %dma_start3A_249 = tpu.memref_slice %arg7[%dma_start3A_247, %dma_start3A_248] : memref<10112x128xf32, #tpu.memory_space<vmem_shared>> -> memref<10112x128xf32, #tpu.memory_space<vmem_shared>>
        tpu.enqueue_indirect_dma source(%arg11 : memref<80x128xf32, #tpu.memory_space<vmem>>) target(%dma_start3A_249 : memref<10112x128xf32, #tpu.memory_space<vmem_shared>>) offsets(%dma_start3A_246 : memref<80xi32, #tpu.memory_space<vmem>>) semaphore(%run_scoped3A_243 : memref<!tpu.dma_semaphore, #tpu.memory_space<semaphore_mem>>) {add = true}
        %dma_wait3A_250 = arith.constant 0 : i32
        %dma_wait3A_251 = tpu.memref_slice %arg9[%add3A_222, %dma_wait3A_250] : memref<64x80xi32, #tpu.memory_space<vmem>> -> memref<1x80xi32, #tpu.memory_space<vmem>>
        %dma_wait3A_252 = tpu.memref_squeeze %dma_wait3A_251 : memref<1x80xi32, #tpu.memory_space<vmem>> -> memref<80xi32, #tpu.memory_space<vmem>>
        %dma_wait3A_253 = arith.constant 0 : i32
        %dma_wait3A_254 = arith.constant 0 : i32
        %dma_wait3A_255 = tpu.memref_slice %arg7[%dma_wait3A_253, %dma_wait3A_254] : memref<10112x128xf32, #tpu.memory_space<vmem_shared>> -> memref<10112x128xf32, #tpu.memory_space<vmem_shared>>
        tpu.wait_indirect_dma semaphore(%run_scoped3A_243 : memref<!tpu.dma_semaphore, #tpu.memory_space<semaphore_mem>>) src(%arg11 : memref<80x128xf32, #tpu.memory_space<vmem>>) dst(%dma_wait3A_255 : memref<10112x128xf32, #tpu.memory_space<vmem_shared>>)
        tpu.yield
      }) : () -> ()
      %add3A_223 = arith.constant 2 : i32
      %add3A_224 = arith.addi %mul3A_182, %add3A_223 : i32
      %dma_wait3A_225 = arith.constant 0 : i32
      %dma_wait3A_226 = tpu.memref_slice %arg8[%add3A_224, %dma_wait3A_225] : memref<64x80xi32, #tpu.memory_space<vmem>> -> memref<1x80xi32, #tpu.memory_space<vmem>>
      %dma_wait3A_227 = tpu.memref_squeeze %dma_wait3A_226 : memref<1x80xi32, #tpu.memory_space<vmem>> -> memref<80xi32, #tpu.memory_space<vmem>>
      %dma_wait3A_228 = arith.constant 0 : i32
      %dma_wait3A_229 = arith.constant 0 : i32
      %dma_wait3A_230 = tpu.memref_slice %arg2[%dma_wait3A_228, %dma_wait3A_229] : memref<10000x128xf32, #tpu.memory_space<hbm>> -> memref<10000x128xf32, #tpu.memory_space<hbm>>
      tpu.wait_indirect_dma semaphore(%arg15 : memref<!tpu.dma_semaphore, #tpu.memory_space<semaphore_mem>>) src(%dma_wait3A_230 : memref<10000x128xf32, #tpu.memory_space<hbm>>) dst(%arg12 : memref<80x128xf32, #tpu.memory_space<vmem>>)
      %add3A_231 = arith.constant 2 : i32
      %add3A_232 = arith.addi %mul3A_182, %add3A_231 : i32
      %add3A_233 = arith.constant 2 : i32
      %add3A_234 = arith.addi %add3A_232, %add3A_233 : i32
      %dma_start3A_235 = arith.constant 0 : i32
      %dma_start3A_236 = tpu.memref_slice %arg8[%add3A_234, %dma_start3A_235] : memref<64x80xi32, #tpu.memory_space<vmem>> -> memref<1x80xi32, #tpu.memory_space<vmem>>
      %dma_start3A_237 = tpu.memref_squeeze %dma_start3A_236 : memref<1x80xi32, #tpu.memory_space<vmem>> -> memref<80xi32, #tpu.memory_space<vmem>>
      %dma_start3A_238 = arith.constant 0 : i32
      %dma_start3A_239 = arith.constant 0 : i32
      %dma_start3A_240 = tpu.memref_slice %arg2[%dma_start3A_238, %dma_start3A_239] : memref<10000x128xf32, #tpu.memory_space<hbm>> -> memref<10000x128xf32, #tpu.memory_space<hbm>>
      tpu.enqueue_indirect_dma source(%dma_start3A_240 : memref<10000x128xf32, #tpu.memory_space<hbm>>) target(%arg11 : memref<80x128xf32, #tpu.memory_space<vmem>>) offsets(%dma_start3A_237 : memref<80xi32, #tpu.memory_space<vmem>>) semaphore(%arg14 : memref<!tpu.dma_semaphore, #tpu.memory_space<semaphore_mem>>)
      %add3A_241 = arith.constant 2 : i32
      %add3A_242 = arith.addi %mul3A_182, %add3A_241 : i32
      "tpu.region"() ({
        %run_scoped3A_243 = tpu.sem_alloc : memref<!tpu.dma_semaphore, #tpu.memory_space<semaphore_mem>>
        %dma_start3A_244 = arith.constant 0 : i32
        %dma_start3A_245 = tpu.memref_slice %arg9[%add3A_242, %dma_start3A_244] : memref<64x80xi32, #tpu.memory_space<vmem>> -> memref<1x80xi32, #tpu.memory_space<vmem>>
        %dma_start3A_246 = tpu.memref_squeeze %dma_start3A_245 : memref<1x80xi32, #tpu.memory_space<vmem>> -> memref<80xi32, #tpu.memory_space<vmem>>
        %dma_start3A_247 = arith.constant 0 : i32
        %dma_start3A_248 = arith.constant 0 : i32
        %dma_start3A_249 = tpu.memref_slice %arg7[%dma_start3A_247, %dma_start3A_248] : memref<10112x128xf32, #tpu.memory_space<vmem_shared>> -> memref<10112x128xf32, #tpu.memory_space<vmem_shared>>
        tpu.enqueue_indirect_dma source(%arg12 : memref<80x128xf32, #tpu.memory_space<vmem>>) target(%dma_start3A_249 : memref<10112x128xf32, #tpu.memory_space<vmem_shared>>) offsets(%dma_start3A_246 : memref<80xi32, #tpu.memory_space<vmem>>) semaphore(%run_scoped3A_243 : memref<!tpu.dma_semaphore, #tpu.memory_space<semaphore_mem>>) {add = true}
        %dma_wait3A_250 = arith.constant 0 : i32
        %dma_wait3A_251 = tpu.memref_slice %arg9[%add3A_242, %dma_wait3A_250] : memref<64x80xi32, #tpu.memory_space<vmem>> -> memref<1x80xi32, #tpu.memory_space<vmem>>
        %dma_wait3A_252 = tpu.memref_squeeze %dma_wait3A_251 : memref<1x80xi32, #tpu.memory_space<vmem>> -> memref<80xi32, #tpu.memory_space<vmem>>
        %dma_wait3A_253 = arith.constant 0 : i32
        %dma_wait3A_254 = arith.constant 0 : i32
        %dma_wait3A_255 = tpu.memref_slice %arg7[%dma_wait3A_253, %dma_wait3A_254] : memref<10112x128xf32, #tpu.memory_space<vmem_shared>> -> memref<10112x128xf32, #tpu.memory_space<vmem_shared>>
        tpu.wait_indirect_dma semaphore(%run_scoped3A_243 : memref<!tpu.dma_semaphore, #tpu.memory_space<semaphore_mem>>) src(%arg12 : memref<80x128xf32, #tpu.memory_space<vmem>>) dst(%dma_wait3A_255 : memref<10112x128xf32, #tpu.memory_space<vmem_shared>>)
        tpu.yield
      }) : () -> ()
    }
    %scan3A_36 = arith.constant 20 : i32
    %dma_wait3A = arith.constant 60 : i32
    %dma_wait3A_37 = arith.constant 0 : i32
    %dma_wait3A_38 = tpu.memref_slice %arg8[%dma_wait3A, %dma_wait3A_37] : memref<64x80xi32, #tpu.memory_space<vmem>> -> memref<1x80xi32, #tpu.memory_space<vmem>>
    %dma_wait3A_39 = tpu.memref_squeeze %dma_wait3A_38 : memref<1x80xi32, #tpu.memory_space<vmem>> -> memref<80xi32, #tpu.memory_space<vmem>>
    %dma_wait3A_40 = arith.constant 0 : i32
    %dma_wait3A_41 = arith.constant 0 : i32
    %dma_wait3A_42 = tpu.memref_slice %arg2[%dma_wait3A_40, %dma_wait3A_41] : memref<10000x128xf32, #tpu.memory_space<hbm>> -> memref<10000x128xf32, #tpu.memory_space<hbm>>
    tpu.wait_indirect_dma semaphore(%arg13 : memref<!tpu.dma_semaphore, #tpu.memory_space<semaphore_mem>>) src(%dma_wait3A_42 : memref<10000x128xf32, #tpu.memory_space<hbm>>) dst(%arg10 : memref<80x128xf32, #tpu.memory_space<vmem>>)
    %run_scoped3A = arith.constant 60 : i32
    "tpu.region"() ({
      %run_scoped3A_180 = tpu.sem_alloc : memref<!tpu.dma_semaphore, #tpu.memory_space<semaphore_mem>>
      %dma_start3A_181 = arith.constant 0 : i32
      %dma_start3A_182 = tpu.memref_slice %arg9[%run_scoped3A, %dma_start3A_181] : memref<64x80xi32, #tpu.memory_space<vmem>> -> memref<1x80xi32, #tpu.memory_space<vmem>>
      %dma_start3A_183 = tpu.memref_squeeze %dma_start3A_182 : memref<1x80xi32, #tpu.memory_space<vmem>> -> memref<80xi32, #tpu.memory_space<vmem>>
      %dma_start3A_184 = arith.constant 0 : i32
      %dma_start3A_185 = arith.constant 0 : i32
      %dma_start3A_186 = tpu.memref_slice %arg7[%dma_start3A_184, %dma_start3A_185] : memref<10112x128xf32, #tpu.memory_space<vmem_shared>> -> memref<10112x128xf32, #tpu.memory_space<vmem_shared>>
      tpu.enqueue_indirect_dma source(%arg10 : memref<80x128xf32, #tpu.memory_space<vmem>>) target(%dma_start3A_186 : memref<10112x128xf32, #tpu.memory_space<vmem_shared>>) offsets(%dma_start3A_183 : memref<80xi32, #tpu.memory_space<vmem>>) semaphore(%run_scoped3A_180 : memref<!tpu.dma_semaphore, #tpu.memory_space<semaphore_mem>>) {add = true}
      %dma_wait3A_187 = arith.constant 0 : i32
      %dma_wait3A_188 = tpu.memref_slice %arg9[%run_scoped3A, %dma_wait3A_187] : memref<64x80xi32, #tpu.memory_space<vmem>> -> memref<1x80xi32, #tpu.memory_space<vmem>>
      %dma_wait3A_189 = tpu.memref_squeeze %dma_wait3A_188 : memref<1x80xi32, #tpu.memory_space<vmem>> -> memref<80xi32, #tpu.memory_space<vmem>>
      %dma_wait3A_190 = arith.constant 0 : i32
      %dma_wait3A_191 = arith.constant 0 : i32
      %dma_wait3A_192 = tpu.memref_slice %arg7[%dma_wait3A_190, %dma_wait3A_191] : memref<10112x128xf32, #tpu.memory_space<vmem_shared>> -> memref<10112x128xf32, #tpu.memory_space<vmem_shared>>
      tpu.wait_indirect_dma semaphore(%run_scoped3A_180 : memref<!tpu.dma_semaphore, #tpu.memory_space<semaphore_mem>>) src(%arg10 : memref<80x128xf32, #tpu.memory_space<vmem>>) dst(%dma_wait3A_192 : memref<10112x128xf32, #tpu.memory_space<vmem_shared>>)
      tpu.yield
    }) : () -> ()
    %dma_wait3A_43 = arith.constant 61 : i32
    %dma_wait3A_44 = arith.constant 0 : i32
    %dma_wait3A_45 = tpu.memref_slice %arg8[%dma_wait3A_43, %dma_wait3A_44] : memref<64x80xi32, #tpu.memory_space<vmem>> -> memref<1x80xi32, #tpu.memory_space<vmem>>
    %dma_wait3A_46 = tpu.memref_squeeze %dma_wait3A_45 : memref<1x80xi32, #tpu.memory_space<vmem>> -> memref<80xi32, #tpu.memory_space<vmem>>
    %dma_wait3A_47 = arith.constant 0 : i32
    %dma_wait3A_48 = arith.constant 0 : i32
    %dma_wait3A_49 = tpu.memref_slice %arg2[%dma_wait3A_47, %dma_wait3A_48] : memref<10000x128xf32, #tpu.memory_space<hbm>> -> memref<10000x128xf32, #tpu.memory_space<hbm>>
    tpu.wait_indirect_dma semaphore(%arg14 : memref<!tpu.dma_semaphore, #tpu.memory_space<semaphore_mem>>) src(%dma_wait3A_49 : memref<10000x128xf32, #tpu.memory_space<hbm>>) dst(%arg11 : memref<80x128xf32, #tpu.memory_space<vmem>>)
    %run_scoped3A_50 = arith.constant 61 : i32
    "tpu.region"() ({
      %run_scoped3A_180 = tpu.sem_alloc : memref<!tpu.dma_semaphore, #tpu.memory_space<semaphore_mem>>
      %dma_start3A_181 = arith.constant 0 : i32
      %dma_start3A_182 = tpu.memref_slice %arg9[%run_scoped3A_50, %dma_start3A_181] : memref<64x80xi32, #tpu.memory_space<vmem>> -> memref<1x80xi32, #tpu.memory_space<vmem>>
      %dma_start3A_183 = tpu.memref_squeeze %dma_start3A_182 : memref<1x80xi32, #tpu.memory_space<vmem>> -> memref<80xi32, #tpu.memory_space<vmem>>
      %dma_start3A_184 = arith.constant 0 : i32
      %dma_start3A_185 = arith.constant 0 : i32
      %dma_start3A_186 = tpu.memref_slice %arg7[%dma_start3A_184, %dma_start3A_185] : memref<10112x128xf32, #tpu.memory_space<vmem_shared>> -> memref<10112x128xf32, #tpu.memory_space<vmem_shared>>
      tpu.enqueue_indirect_dma source(%arg11 : memref<80x128xf32, #tpu.memory_space<vmem>>) target(%dma_start3A_186 : memref<10112x128xf32, #tpu.memory_space<vmem_shared>>) offsets(%dma_start3A_183 : memref<80xi32, #tpu.memory_space<vmem>>) semaphore(%run_scoped3A_180 : memref<!tpu.dma_semaphore, #tpu.memory_space<semaphore_mem>>) {add = true}
      %dma_wait3A_187 = arith.constant 0 : i32
      %dma_wait3A_188 = tpu.memref_slice %arg9[%run_scoped3A_50, %dma_wait3A_187] : memref<64x80xi32, #tpu.memory_space<vmem>> -> memref<1x80xi32, #tpu.memory_space<vmem>>
      %dma_wait3A_189 = tpu.memref_squeeze %dma_wait3A_188 : memref<1x80xi32, #tpu.memory_space<vmem>> -> memref<80xi32, #tpu.memory_space<vmem>>
      %dma_wait3A_190 = arith.constant 0 : i32
      %dma_wait3A_191 = arith.constant 0 : i32
      %dma_wait3A_192 = tpu.memref_slice %arg7[%dma_wait3A_190, %dma_wait3A_191] : memref<10112x128xf32, #tpu.memory_space<vmem_shared>> -> memref<10112x128xf32, #tpu.memory_space<vmem_shared>>
      tpu.wait_indirect_dma semaphore(%run_scoped3A_180 : memref<!tpu.dma_semaphore, #tpu.memory_space<semaphore_mem>>) src(%arg11 : memref<80x128xf32, #tpu.memory_space<vmem>>) dst(%dma_wait3A_192 : memref<10112x128xf32, #tpu.memory_space<vmem_shared>>)
      tpu.yield
    }) : () -> ()
    %dma_start3A_51 = arith.constant 62 : i32
    %dma_start3A_52 = arith.constant 0 : i32
    %dma_start3A_53 = tpu.memref_slice %arg8[%dma_start3A_51, %dma_start3A_52] : memref<64x80xi32, #tpu.memory_space<vmem>> -> memref<1x80xi32, #tpu.memory_space<vmem>>
    %dma_start3A_54 = tpu.memref_squeeze %dma_start3A_53 : memref<1x80xi32, #tpu.memory_space<vmem>> -> memref<80xi32, #tpu.memory_space<vmem>>
    %dma_start3A_55 = arith.constant 0 : i32
    %dma_start3A_56 = arith.constant 0 : i32
    %dma_start3A_57 = tpu.memref_slice %arg2[%dma_start3A_55, %dma_start3A_56] : memref<10000x128xf32, #tpu.memory_space<hbm>> -> memref<10000x128xf32, #tpu.memory_space<hbm>>
    tpu.enqueue_indirect_dma source(%dma_start3A_57 : memref<10000x128xf32, #tpu.memory_space<hbm>>) target(%arg12 : memref<80x128xf32, #tpu.memory_space<vmem>>) offsets(%dma_start3A_54 : memref<80xi32, #tpu.memory_space<vmem>>) semaphore(%arg15 : memref<!tpu.dma_semaphore, #tpu.memory_space<semaphore_mem>>)
    %dma_wait3A_58 = arith.constant 62 : i32
    %dma_wait3A_59 = arith.constant 0 : i32
    %dma_wait3A_60 = tpu.memref_slice %arg8[%dma_wait3A_58, %dma_wait3A_59] : memref<64x80xi32, #tpu.memory_space<vmem>> -> memref<1x80xi32, #tpu.memory_space<vmem>>
    %dma_wait3A_61 = tpu.memref_squeeze %dma_wait3A_60 : memref<1x80xi32, #tpu.memory_space<vmem>> -> memref<80xi32, #tpu.memory_space<vmem>>
    %dma_wait3A_62 = arith.constant 0 : i32
    %dma_wait3A_63 = arith.constant 0 : i32
    %dma_wait3A_64 = tpu.memref_slice %arg2[%dma_wait3A_62, %dma_wait3A_63] : memref<10000x128xf32, #tpu.memory_space<hbm>> -> memref<10000x128xf32, #tpu.memory_space<hbm>>
    tpu.wait_indirect_dma semaphore(%arg15 : memref<!tpu.dma_semaphore, #tpu.memory_space<semaphore_mem>>) src(%dma_wait3A_64 : memref<10000x128xf32, #tpu.memory_space<hbm>>) dst(%arg12 : memref<80x128xf32, #tpu.memory_space<vmem>>)
    %run_scoped3A_65 = arith.constant 62 : i32
    "tpu.region"() ({
      %run_scoped3A_180 = tpu.sem_alloc : memref<!tpu.dma_semaphore, #tpu.memory_space<semaphore_mem>>
      %dma_start3A_181 = arith.constant 0 : i32
      %dma_start3A_182 = tpu.memref_slice %arg9[%run_scoped3A_65, %dma_start3A_181] : memref<64x80xi32, #tpu.memory_space<vmem>> -> memref<1x80xi32, #tpu.memory_space<vmem>>
      %dma_start3A_183 = tpu.memref_squeeze %dma_start3A_182 : memref<1x80xi32, #tpu.memory_space<vmem>> -> memref<80xi32, #tpu.memory_space<vmem>>
      %dma_start3A_184 = arith.constant 0 : i32
      %dma_start3A_185 = arith.constant 0 : i32
      %dma_start3A_186 = tpu.memref_slice %arg7[%dma_start3A_184, %dma_start3A_185] : memref<10112x128xf32, #tpu.memory_space<vmem_shared>> -> memref<10112x128xf32, #tpu.memory_space<vmem_shared>>
      tpu.enqueue_indirect_dma source(%arg12 : memref<80x128xf32, #tpu.memory_space<vmem>>) target(%dma_start3A_186 : memref<10112x128xf32, #tpu.memory_space<vmem_shared>>) offsets(%dma_start3A_183 : memref<80xi32, #tpu.memory_space<vmem>>) semaphore(%run_scoped3A_180 : memref<!tpu.dma_semaphore, #tpu.memory_space<semaphore_mem>>) {add = true}
      %dma_wait3A_187 = arith.constant 0 : i32
      %dma_wait3A_188 = tpu.memref_slice %arg9[%run_scoped3A_65, %dma_wait3A_187] : memref<64x80xi32, #tpu.memory_space<vmem>> -> memref<1x80xi32, #tpu.memory_space<vmem>>
      %dma_wait3A_189 = tpu.memref_squeeze %dma_wait3A_188 : memref<1x80xi32, #tpu.memory_space<vmem>> -> memref<80xi32, #tpu.memory_space<vmem>>
      %dma_wait3A_190 = arith.constant 0 : i32
      %dma_wait3A_191 = arith.constant 0 : i32
      %dma_wait3A_192 = tpu.memref_slice %arg7[%dma_wait3A_190, %dma_wait3A_191] : memref<10112x128xf32, #tpu.memory_space<vmem_shared>> -> memref<10112x128xf32, #tpu.memory_space<vmem_shared>>
      tpu.wait_indirect_dma semaphore(%run_scoped3A_180 : memref<!tpu.dma_semaphore, #tpu.memory_space<semaphore_mem>>) src(%arg12 : memref<80x128xf32, #tpu.memory_space<vmem>>) dst(%dma_wait3A_192 : memref<10112x128xf32, #tpu.memory_space<vmem_shared>>)
      tpu.yield
    }) : () -> ()
    %dma_start3A_66 = arith.constant 63 : i32
    %dma_start3A_67 = arith.constant 0 : i32
    %dma_start3A_68 = tpu.memref_slice %arg8[%dma_start3A_66, %dma_start3A_67] : memref<64x80xi32, #tpu.memory_space<vmem>> -> memref<1x80xi32, #tpu.memory_space<vmem>>
    %dma_start3A_69 = tpu.memref_squeeze %dma_start3A_68 : memref<1x80xi32, #tpu.memory_space<vmem>> -> memref<80xi32, #tpu.memory_space<vmem>>
    %dma_start3A_70 = arith.constant 0 : i32
    %dma_start3A_71 = arith.constant 0 : i32
    %dma_start3A_72 = tpu.memref_slice %arg2[%dma_start3A_70, %dma_start3A_71] : memref<10000x128xf32, #tpu.memory_space<hbm>> -> memref<10000x128xf32, #tpu.memory_space<hbm>>
    tpu.enqueue_indirect_dma source(%dma_start3A_72 : memref<10000x128xf32, #tpu.memory_space<hbm>>) target(%arg10 : memref<80x128xf32, #tpu.memory_space<vmem>>) offsets(%dma_start3A_69 : memref<80xi32, #tpu.memory_space<vmem>>) semaphore(%arg13 : memref<!tpu.dma_semaphore, #tpu.memory_space<semaphore_mem>>)
    %dma_wait3A_73 = arith.constant 63 : i32
    %dma_wait3A_74 = arith.constant 0 : i32
    %dma_wait3A_75 = tpu.memref_slice %arg8[%dma_wait3A_73, %dma_wait3A_74] : memref<64x80xi32, #tpu.memory_space<vmem>> -> memref<1x80xi32, #tpu.memory_space<vmem>>
    %dma_wait3A_76 = tpu.memref_squeeze %dma_wait3A_75 : memref<1x80xi32, #tpu.memory_space<vmem>> -> memref<80xi32, #tpu.memory_space<vmem>>
    %dma_wait3A_77 = arith.constant 0 : i32
    %dma_wait3A_78 = arith.constant 0 : i32
    %dma_wait3A_79 = tpu.memref_slice %arg2[%dma_wait3A_77, %dma_wait3A_78] : memref<10000x128xf32, #tpu.memory_space<hbm>> -> memref<10000x128xf32, #tpu.memory_space<hbm>>
    tpu.wait_indirect_dma semaphore(%arg13 : memref<!tpu.dma_semaphore, #tpu.memory_space<semaphore_mem>>) src(%dma_wait3A_79 : memref<10000x128xf32, #tpu.memory_space<hbm>>) dst(%arg10 : memref<80x128xf32, #tpu.memory_space<vmem>>)
    %run_scoped3A_80 = arith.constant 63 : i32
    "tpu.region"() ({
      %run_scoped3A_180 = tpu.sem_alloc : memref<!tpu.dma_semaphore, #tpu.memory_space<semaphore_mem>>
      %dma_start3A_181 = arith.constant 0 : i32
      %dma_start3A_182 = tpu.memref_slice %arg9[%run_scoped3A_80, %dma_start3A_181] : memref<64x80xi32, #tpu.memory_space<vmem>> -> memref<1x80xi32, #tpu.memory_space<vmem>>
      %dma_start3A_183 = tpu.memref_squeeze %dma_start3A_182 : memref<1x80xi32, #tpu.memory_space<vmem>> -> memref<80xi32, #tpu.memory_space<vmem>>
      %dma_start3A_184 = arith.constant 0 : i32
      %dma_start3A_185 = arith.constant 0 : i32
      %dma_start3A_186 = tpu.memref_slice %arg7[%dma_start3A_184, %dma_start3A_185] : memref<10112x128xf32, #tpu.memory_space<vmem_shared>> -> memref<10112x128xf32, #tpu.memory_space<vmem_shared>>
      tpu.enqueue_indirect_dma source(%arg10 : memref<80x128xf32, #tpu.memory_space<vmem>>) target(%dma_start3A_186 : memref<10112x128xf32, #tpu.memory_space<vmem_shared>>) offsets(%dma_start3A_183 : memref<80xi32, #tpu.memory_space<vmem>>) semaphore(%run_scoped3A_180 : memref<!tpu.dma_semaphore, #tpu.memory_space<semaphore_mem>>) {add = true}
      %dma_wait3A_187 = arith.constant 0 : i32
      %dma_wait3A_188 = tpu.memref_slice %arg9[%run_scoped3A_80, %dma_wait3A_187] : memref<64x80xi32, #tpu.memory_space<vmem>> -> memref<1x80xi32, #tpu.memory_space<vmem>>
      %dma_wait3A_189 = tpu.memref_squeeze %dma_wait3A_188 : memref<1x80xi32, #tpu.memory_space<vmem>> -> memref<80xi32, #tpu.memory_space<vmem>>
      %dma_wait3A_190 = arith.constant 0 : i32
      %dma_wait3A_191 = arith.constant 0 : i32
      %dma_wait3A_192 = tpu.memref_slice %arg7[%dma_wait3A_190, %dma_wait3A_191] : memref<10112x128xf32, #tpu.memory_space<vmem_shared>> -> memref<10112x128xf32, #tpu.memory_space<vmem_shared>>
      tpu.wait_indirect_dma semaphore(%run_scoped3A_180 : memref<!tpu.dma_semaphore, #tpu.memory_space<semaphore_mem>>) src(%arg10 : memref<80x128xf32, #tpu.memory_space<vmem>>) dst(%dma_wait3A_192 : memref<10112x128xf32, #tpu.memory_space<vmem_shared>>)
      tpu.yield
    }) : () -> ()
    "tpu.region"() ({
      %run_scoped3A_180 = tpu.sem_alloc : memref<!tpu.dma_semaphore, #tpu.memory_space<semaphore_mem>>
      %dma_start3A_181 = arith.constant 0 : i32
      %dma_start3A_182 = arith.constant 0 : i32
      %dma_start3A_183 = tpu.memref_slice %arg8[%dma_start3A_181, %dma_start3A_182] : memref<64x80xi32, #tpu.memory_space<vmem>> -> memref<61x80xi32, #tpu.memory_space<vmem>>
      %dma_start3A_184 = arith.constant 64 : i32
      %dma_start3A_185 = arith.constant 0 : i32
      %dma_start3A_186 = tpu.memref_slice %arg3[%add3A, %dma_start3A_184, %dma_start3A_185] : memref<32x125x80xi32, #tpu.memory_space<hbm>> -> memref<1x61x80xi32, #tpu.memory_space<hbm>>
      %dma_start3A_187 = tpu.memref_squeeze %dma_start3A_186 : memref<1x61x80xi32, #tpu.memory_space<hbm>> -> memref<61x80xi32, #tpu.memory_space<hbm>>
      %dma_start3A_188 = arith.constant 0 : i32
      %dma_start3A_189 = arith.constant 0 : i32
      %dma_start3A_190 = tpu.memref_slice %arg8[%dma_start3A_188, %dma_start3A_189] : memref<64x80xi32, #tpu.memory_space<vmem>> -> memref<61x80xi32, #tpu.memory_space<vmem>>
      %dma_start3A_191 = arith.constant 64 : i32
      %dma_start3A_192 = arith.constant 0 : i32
      %dma_start3A_193 = tpu.memref_slice %arg3[%add3A, %dma_start3A_191, %dma_start3A_192] : memref<32x125x80xi32, #tpu.memory_space<hbm>> -> memref<1x61x80xi32, #tpu.memory_space<hbm>>
      %dma_start3A_194 = tpu.memref_squeeze %dma_start3A_193 : memref<1x61x80xi32, #tpu.memory_space<hbm>> -> memref<61x80xi32, #tpu.memory_space<hbm>>
      tpu.enqueue_dma source(%dma_start3A_194 : memref<61x80xi32, #tpu.memory_space<hbm>>) target(%dma_start3A_190 : memref<61x80xi32, #tpu.memory_space<vmem>>) target_semaphore(%run_scoped3A_180 : memref<!tpu.dma_semaphore, #tpu.memory_space<semaphore_mem>>)
      %dma_wait3A_195 = arith.constant 0 : i32
      %dma_wait3A_196 = arith.constant 0 : i32
      %dma_wait3A_197 = tpu.memref_slice %arg8[%dma_wait3A_195, %dma_wait3A_196] : memref<64x80xi32, #tpu.memory_space<vmem>> -> memref<61x80xi32, #tpu.memory_space<vmem>>
      %dma_wait3A_198 = arith.constant 64 : i32
      %dma_wait3A_199 = arith.constant 0 : i32
      %dma_wait3A_200 = tpu.memref_slice %arg3[%add3A, %dma_wait3A_198, %dma_wait3A_199] : memref<32x125x80xi32, #tpu.memory_space<hbm>> -> memref<1x61x80xi32, #tpu.memory_space<hbm>>
      %dma_wait3A_201 = tpu.memref_squeeze %dma_wait3A_200 : memref<1x61x80xi32, #tpu.memory_space<hbm>> -> memref<61x80xi32, #tpu.memory_space<hbm>>
      %dma_wait3A_202 = arith.constant 0 : i32
      %dma_wait3A_203 = arith.constant 0 : i32
      %dma_wait3A_204 = tpu.memref_slice %arg8[%dma_wait3A_202, %dma_wait3A_203] : memref<64x80xi32, #tpu.memory_space<vmem>> -> memref<61x80xi32, #tpu.memory_space<vmem>>
      %dma_wait3A_205 = arith.constant 64 : i32
      %dma_wait3A_206 = arith.constant 0 : i32
      %dma_wait3A_207 = tpu.memref_slice %arg3[%add3A, %dma_wait3A_205, %dma_wait3A_206] : memref<32x125x80xi32, #tpu.memory_space<hbm>> -> memref<1x61x80xi32, #tpu.memory_space<hbm>>
      %dma_wait3A_208 = tpu.memref_squeeze %dma_wait3A_207 : memref<1x61x80xi32, #tpu.memory_space<hbm>> -> memref<61x80xi32, #tpu.memory_space<hbm>>
      tpu.wait_dma2 semaphore(%run_scoped3A_180 : memref<!tpu.dma_semaphore, #tpu.memory_space<semaphore_mem>>) src(%dma_wait3A_208 : memref<61x80xi32, #tpu.memory_space<hbm>>) dst(%dma_wait3A_204 : memref<61x80xi32, #tpu.memory_space<vmem>>)
      tpu.yield
    }) : () -> ()
    "tpu.region"() ({
      %run_scoped3A_180 = tpu.sem_alloc : memref<!tpu.dma_semaphore, #tpu.memory_space<semaphore_mem>>
      %dma_start3A_181 = arith.constant 0 : i32
      %dma_start3A_182 = arith.constant 0 : i32
      %dma_start3A_183 = tpu.memref_slice %arg9[%dma_start3A_181, %dma_start3A_182] : memref<64x80xi32, #tpu.memory_space<vmem>> -> memref<61x80xi32, #tpu.memory_space<vmem>>
      %dma_start3A_184 = arith.constant 64 : i32
      %dma_start3A_185 = arith.constant 0 : i32
      %dma_start3A_186 = tpu.memref_slice %arg4[%add3A, %dma_start3A_184, %dma_start3A_185] : memref<32x125x80xi32, #tpu.memory_space<hbm>> -> memref<1x61x80xi32, #tpu.memory_space<hbm>>
      %dma_start3A_187 = tpu.memref_squeeze %dma_start3A_186 : memref<1x61x80xi32, #tpu.memory_space<hbm>> -> memref<61x80xi32, #tpu.memory_space<hbm>>
      %dma_start3A_188 = arith.constant 0 : i32
      %dma_start3A_189 = arith.constant 0 : i32
      %dma_start3A_190 = tpu.memref_slice %arg9[%dma_start3A_188, %dma_start3A_189] : memref<64x80xi32, #tpu.memory_space<vmem>> -> memref<61x80xi32, #tpu.memory_space<vmem>>
      %dma_start3A_191 = arith.constant 64 : i32
      %dma_start3A_192 = arith.constant 0 : i32
      %dma_start3A_193 = tpu.memref_slice %arg4[%add3A, %dma_start3A_191, %dma_start3A_192] : memref<32x125x80xi32, #tpu.memory_space<hbm>> -> memref<1x61x80xi32, #tpu.memory_space<hbm>>
      %dma_start3A_194 = tpu.memref_squeeze %dma_start3A_193 : memref<1x61x80xi32, #tpu.memory_space<hbm>> -> memref<61x80xi32, #tpu.memory_space<hbm>>
      tpu.enqueue_dma source(%dma_start3A_194 : memref<61x80xi32, #tpu.memory_space<hbm>>) target(%dma_start3A_190 : memref<61x80xi32, #tpu.memory_space<vmem>>) target_semaphore(%run_scoped3A_180 : memref<!tpu.dma_semaphore, #tpu.memory_space<semaphore_mem>>)
      %dma_wait3A_195 = arith.constant 0 : i32
      %dma_wait3A_196 = arith.constant 0 : i32
      %dma_wait3A_197 = tpu.memref_slice %arg9[%dma_wait3A_195, %dma_wait3A_196] : memref<64x80xi32, #tpu.memory_space<vmem>> -> memref<61x80xi32, #tpu.memory_space<vmem>>
      %dma_wait3A_198 = arith.constant 64 : i32
      %dma_wait3A_199 = arith.constant 0 : i32
      %dma_wait3A_200 = tpu.memref_slice %arg4[%add3A, %dma_wait3A_198, %dma_wait3A_199] : memref<32x125x80xi32, #tpu.memory_space<hbm>> -> memref<1x61x80xi32, #tpu.memory_space<hbm>>
      %dma_wait3A_201 = tpu.memref_squeeze %dma_wait3A_200 : memref<1x61x80xi32, #tpu.memory_space<hbm>> -> memref<61x80xi32, #tpu.memory_space<hbm>>
      %dma_wait3A_202 = arith.constant 0 : i32
      %dma_wait3A_203 = arith.constant 0 : i32
      %dma_wait3A_204 = tpu.memref_slice %arg9[%dma_wait3A_202, %dma_wait3A_203] : memref<64x80xi32, #tpu.memory_space<vmem>> -> memref<61x80xi32, #tpu.memory_space<vmem>>
      %dma_wait3A_205 = arith.constant 64 : i32
      %dma_wait3A_206 = arith.constant 0 : i32
      %dma_wait3A_207 = tpu.memref_slice %arg4[%add3A, %dma_wait3A_205, %dma_wait3A_206] : memref<32x125x80xi32, #tpu.memory_space<hbm>> -> memref<1x61x80xi32, #tpu.memory_space<hbm>>
      %dma_wait3A_208 = tpu.memref_squeeze %dma_wait3A_207 : memref<1x61x80xi32, #tpu.memory_space<hbm>> -> memref<61x80xi32, #tpu.memory_space<hbm>>
      tpu.wait_dma2 semaphore(%run_scoped3A_180 : memref<!tpu.dma_semaphore, #tpu.memory_space<semaphore_mem>>) src(%dma_wait3A_208 : memref<61x80xi32, #tpu.memory_space<hbm>>) dst(%dma_wait3A_204 : memref<61x80xi32, #tpu.memory_space<vmem>>)
      tpu.yield
    }) : () -> ()
    %dma_start3A_81 = arith.constant 0 : i32
    %dma_start3A_82 = arith.constant 0 : i32
    %dma_start3A_83 = tpu.memref_slice %arg8[%dma_start3A_81, %dma_start3A_82] : memref<64x80xi32, #tpu.memory_space<vmem>> -> memref<1x80xi32, #tpu.memory_space<vmem>>
    %dma_start3A_84 = tpu.memref_squeeze %dma_start3A_83 : memref<1x80xi32, #tpu.memory_space<vmem>> -> memref<80xi32, #tpu.memory_space<vmem>>
    %dma_start3A_85 = arith.constant 0 : i32
    %dma_start3A_86 = arith.constant 0 : i32
    %dma_start3A_87 = tpu.memref_slice %arg2[%dma_start3A_85, %dma_start3A_86] : memref<10000x128xf32, #tpu.memory_space<hbm>> -> memref<10000x128xf32, #tpu.memory_space<hbm>>
    tpu.enqueue_indirect_dma source(%dma_start3A_87 : memref<10000x128xf32, #tpu.memory_space<hbm>>) target(%arg10 : memref<80x128xf32, #tpu.memory_space<vmem>>) offsets(%dma_start3A_84 : memref<80xi32, #tpu.memory_space<vmem>>) semaphore(%arg13 : memref<!tpu.dma_semaphore, #tpu.memory_space<semaphore_mem>>)
    %dma_start3A_88 = arith.constant 1 : i32
    %dma_start3A_89 = arith.constant 0 : i32
    %dma_start3A_90 = tpu.memref_slice %arg8[%dma_start3A_88, %dma_start3A_89] : memref<64x80xi32, #tpu.memory_space<vmem>> -> memref<1x80xi32, #tpu.memory_space<vmem>>
    %dma_start3A_91 = tpu.memref_squeeze %dma_start3A_90 : memref<1x80xi32, #tpu.memory_space<vmem>> -> memref<80xi32, #tpu.memory_space<vmem>>
    %dma_start3A_92 = arith.constant 0 : i32
    %dma_start3A_93 = arith.constant 0 : i32
    %dma_start3A_94 = tpu.memref_slice %arg2[%dma_start3A_92, %dma_start3A_93] : memref<10000x128xf32, #tpu.memory_space<hbm>> -> memref<10000x128xf32, #tpu.memory_space<hbm>>
    tpu.enqueue_indirect_dma source(%dma_start3A_94 : memref<10000x128xf32, #tpu.memory_space<hbm>>) target(%arg11 : memref<80x128xf32, #tpu.memory_space<vmem>>) offsets(%dma_start3A_91 : memref<80xi32, #tpu.memory_space<vmem>>) semaphore(%arg14 : memref<!tpu.dma_semaphore, #tpu.memory_space<semaphore_mem>>)
    %scan3A_95 = arith.constant 0 : i32
    %scan3A_96 = arith.constant 0 : i32
    %scan3A_97 = arith.constant 19 : i32
    %scan3A_98 = arith.addi %scan3A_96, %scan3A_97 : i32
    %scan3A_99 = arith.constant 1 : i32
    scf.for %scan3A_180 = %scan3A_96 to %scan3A_98 step %scan3A_99  : i32 {
      %mul3A_181 = arith.constant 3 : i32
      %mul3A_182 = arith.muli %mul3A_181, %scan3A_180 : i32
      %add3A_183 = arith.constant 0 : i32
      %add3A_184 = arith.addi %mul3A_182, %add3A_183 : i32
      %dma_wait3A_185 = arith.constant 0 : i32
      %dma_wait3A_186 = tpu.memref_slice %arg8[%add3A_184, %dma_wait3A_185] : memref<64x80xi32, #tpu.memory_space<vmem>> -> memref<1x80xi32, #tpu.memory_space<vmem>>
      %dma_wait3A_187 = tpu.memref_squeeze %dma_wait3A_186 : memref<1x80xi32, #tpu.memory_space<vmem>> -> memref<80xi32, #tpu.memory_space<vmem>>
      %dma_wait3A_188 = arith.constant 0 : i32
      %dma_wait3A_189 = arith.constant 0 : i32
      %dma_wait3A_190 = tpu.memref_slice %arg2[%dma_wait3A_188, %dma_wait3A_189] : memref<10000x128xf32, #tpu.memory_space<hbm>> -> memref<10000x128xf32, #tpu.memory_space<hbm>>
      tpu.wait_indirect_dma semaphore(%arg13 : memref<!tpu.dma_semaphore, #tpu.memory_space<semaphore_mem>>) src(%dma_wait3A_190 : memref<10000x128xf32, #tpu.memory_space<hbm>>) dst(%arg10 : memref<80x128xf32, #tpu.memory_space<vmem>>)
      %add3A_191 = arith.constant 0 : i32
      %add3A_192 = arith.addi %mul3A_182, %add3A_191 : i32
      %add3A_193 = arith.constant 2 : i32
      %add3A_194 = arith.addi %add3A_192, %add3A_193 : i32
      %dma_start3A_195 = arith.constant 0 : i32
      %dma_start3A_196 = tpu.memref_slice %arg8[%add3A_194, %dma_start3A_195] : memref<64x80xi32, #tpu.memory_space<vmem>> -> memref<1x80xi32, #tpu.memory_space<vmem>>
      %dma_start3A_197 = tpu.memref_squeeze %dma_start3A_196 : memref<1x80xi32, #tpu.memory_space<vmem>> -> memref<80xi32, #tpu.memory_space<vmem>>
      %dma_start3A_198 = arith.constant 0 : i32
      %dma_start3A_199 = arith.constant 0 : i32
      %dma_start3A_200 = tpu.memref_slice %arg2[%dma_start3A_198, %dma_start3A_199] : memref<10000x128xf32, #tpu.memory_space<hbm>> -> memref<10000x128xf32, #tpu.memory_space<hbm>>
      tpu.enqueue_indirect_dma source(%dma_start3A_200 : memref<10000x128xf32, #tpu.memory_space<hbm>>) target(%arg12 : memref<80x128xf32, #tpu.memory_space<vmem>>) offsets(%dma_start3A_197 : memref<80xi32, #tpu.memory_space<vmem>>) semaphore(%arg15 : memref<!tpu.dma_semaphore, #tpu.memory_space<semaphore_mem>>)
      %add3A_201 = arith.constant 0 : i32
      %add3A_202 = arith.addi %mul3A_182, %add3A_201 : i32
      "tpu.region"() ({
        %run_scoped3A_243 = tpu.sem_alloc : memref<!tpu.dma_semaphore, #tpu.memory_space<semaphore_mem>>
        %dma_start3A_244 = arith.constant 0 : i32
        %dma_start3A_245 = tpu.memref_slice %arg9[%add3A_202, %dma_start3A_244] : memref<64x80xi32, #tpu.memory_space<vmem>> -> memref<1x80xi32, #tpu.memory_space<vmem>>
        %dma_start3A_246 = tpu.memref_squeeze %dma_start3A_245 : memref<1x80xi32, #tpu.memory_space<vmem>> -> memref<80xi32, #tpu.memory_space<vmem>>
        %dma_start3A_247 = arith.constant 0 : i32
        %dma_start3A_248 = arith.constant 0 : i32
        %dma_start3A_249 = tpu.memref_slice %arg7[%dma_start3A_247, %dma_start3A_248] : memref<10112x128xf32, #tpu.memory_space<vmem_shared>> -> memref<10112x128xf32, #tpu.memory_space<vmem_shared>>
        tpu.enqueue_indirect_dma source(%arg10 : memref<80x128xf32, #tpu.memory_space<vmem>>) target(%dma_start3A_249 : memref<10112x128xf32, #tpu.memory_space<vmem_shared>>) offsets(%dma_start3A_246 : memref<80xi32, #tpu.memory_space<vmem>>) semaphore(%run_scoped3A_243 : memref<!tpu.dma_semaphore, #tpu.memory_space<semaphore_mem>>) {add = true}
        %dma_wait3A_250 = arith.constant 0 : i32
        %dma_wait3A_251 = tpu.memref_slice %arg9[%add3A_202, %dma_wait3A_250] : memref<64x80xi32, #tpu.memory_space<vmem>> -> memref<1x80xi32, #tpu.memory_space<vmem>>
        %dma_wait3A_252 = tpu.memref_squeeze %dma_wait3A_251 : memref<1x80xi32, #tpu.memory_space<vmem>> -> memref<80xi32, #tpu.memory_space<vmem>>
        %dma_wait3A_253 = arith.constant 0 : i32
        %dma_wait3A_254 = arith.constant 0 : i32
        %dma_wait3A_255 = tpu.memref_slice %arg7[%dma_wait3A_253, %dma_wait3A_254] : memref<10112x128xf32, #tpu.memory_space<vmem_shared>> -> memref<10112x128xf32, #tpu.memory_space<vmem_shared>>
        tpu.wait_indirect_dma semaphore(%run_scoped3A_243 : memref<!tpu.dma_semaphore, #tpu.memory_space<semaphore_mem>>) src(%arg10 : memref<80x128xf32, #tpu.memory_space<vmem>>) dst(%dma_wait3A_255 : memref<10112x128xf32, #tpu.memory_space<vmem_shared>>)
        tpu.yield
      }) : () -> ()
      %add3A_203 = arith.constant 1 : i32
      %add3A_204 = arith.addi %mul3A_182, %add3A_203 : i32
      %dma_wait3A_205 = arith.constant 0 : i32
      %dma_wait3A_206 = tpu.memref_slice %arg8[%add3A_204, %dma_wait3A_205] : memref<64x80xi32, #tpu.memory_space<vmem>> -> memref<1x80xi32, #tpu.memory_space<vmem>>
      %dma_wait3A_207 = tpu.memref_squeeze %dma_wait3A_206 : memref<1x80xi32, #tpu.memory_space<vmem>> -> memref<80xi32, #tpu.memory_space<vmem>>
      %dma_wait3A_208 = arith.constant 0 : i32
      %dma_wait3A_209 = arith.constant 0 : i32
      %dma_wait3A_210 = tpu.memref_slice %arg2[%dma_wait3A_208, %dma_wait3A_209] : memref<10000x128xf32, #tpu.memory_space<hbm>> -> memref<10000x128xf32, #tpu.memory_space<hbm>>
      tpu.wait_indirect_dma semaphore(%arg14 : memref<!tpu.dma_semaphore, #tpu.memory_space<semaphore_mem>>) src(%dma_wait3A_210 : memref<10000x128xf32, #tpu.memory_space<hbm>>) dst(%arg11 : memref<80x128xf32, #tpu.memory_space<vmem>>)
      %add3A_211 = arith.constant 1 : i32
      %add3A_212 = arith.addi %mul3A_182, %add3A_211 : i32
      %add3A_213 = arith.constant 2 : i32
      %add3A_214 = arith.addi %add3A_212, %add3A_213 : i32
      %dma_start3A_215 = arith.constant 0 : i32
      %dma_start3A_216 = tpu.memref_slice %arg8[%add3A_214, %dma_start3A_215] : memref<64x80xi32, #tpu.memory_space<vmem>> -> memref<1x80xi32, #tpu.memory_space<vmem>>
      %dma_start3A_217 = tpu.memref_squeeze %dma_start3A_216 : memref<1x80xi32, #tpu.memory_space<vmem>> -> memref<80xi32, #tpu.memory_space<vmem>>
      %dma_start3A_218 = arith.constant 0 : i32
      %dma_start3A_219 = arith.constant 0 : i32
      %dma_start3A_220 = tpu.memref_slice %arg2[%dma_start3A_218, %dma_start3A_219] : memref<10000x128xf32, #tpu.memory_space<hbm>> -> memref<10000x128xf32, #tpu.memory_space<hbm>>
      tpu.enqueue_indirect_dma source(%dma_start3A_220 : memref<10000x128xf32, #tpu.memory_space<hbm>>) target(%arg10 : memref<80x128xf32, #tpu.memory_space<vmem>>) offsets(%dma_start3A_217 : memref<80xi32, #tpu.memory_space<vmem>>) semaphore(%arg13 : memref<!tpu.dma_semaphore, #tpu.memory_space<semaphore_mem>>)
      %add3A_221 = arith.constant 1 : i32
      %add3A_222 = arith.addi %mul3A_182, %add3A_221 : i32
      "tpu.region"() ({
        %run_scoped3A_243 = tpu.sem_alloc : memref<!tpu.dma_semaphore, #tpu.memory_space<semaphore_mem>>
        %dma_start3A_244 = arith.constant 0 : i32
        %dma_start3A_245 = tpu.memref_slice %arg9[%add3A_222, %dma_start3A_244] : memref<64x80xi32, #tpu.memory_space<vmem>> -> memref<1x80xi32, #tpu.memory_space<vmem>>
        %dma_start3A_246 = tpu.memref_squeeze %dma_start3A_245 : memref<1x80xi32, #tpu.memory_space<vmem>> -> memref<80xi32, #tpu.memory_space<vmem>>
        %dma_start3A_247 = arith.constant 0 : i32
        %dma_start3A_248 = arith.constant 0 : i32
        %dma_start3A_249 = tpu.memref_slice %arg7[%dma_start3A_247, %dma_start3A_248] : memref<10112x128xf32, #tpu.memory_space<vmem_shared>> -> memref<10112x128xf32, #tpu.memory_space<vmem_shared>>
        tpu.enqueue_indirect_dma source(%arg11 : memref<80x128xf32, #tpu.memory_space<vmem>>) target(%dma_start3A_249 : memref<10112x128xf32, #tpu.memory_space<vmem_shared>>) offsets(%dma_start3A_246 : memref<80xi32, #tpu.memory_space<vmem>>) semaphore(%run_scoped3A_243 : memref<!tpu.dma_semaphore, #tpu.memory_space<semaphore_mem>>) {add = true}
        %dma_wait3A_250 = arith.constant 0 : i32
        %dma_wait3A_251 = tpu.memref_slice %arg9[%add3A_222, %dma_wait3A_250] : memref<64x80xi32, #tpu.memory_space<vmem>> -> memref<1x80xi32, #tpu.memory_space<vmem>>
        %dma_wait3A_252 = tpu.memref_squeeze %dma_wait3A_251 : memref<1x80xi32, #tpu.memory_space<vmem>> -> memref<80xi32, #tpu.memory_space<vmem>>
        %dma_wait3A_253 = arith.constant 0 : i32
        %dma_wait3A_254 = arith.constant 0 : i32
        %dma_wait3A_255 = tpu.memref_slice %arg7[%dma_wait3A_253, %dma_wait3A_254] : memref<10112x128xf32, #tpu.memory_space<vmem_shared>> -> memref<10112x128xf32, #tpu.memory_space<vmem_shared>>
        tpu.wait_indirect_dma semaphore(%run_scoped3A_243 : memref<!tpu.dma_semaphore, #tpu.memory_space<semaphore_mem>>) src(%arg11 : memref<80x128xf32, #tpu.memory_space<vmem>>) dst(%dma_wait3A_255 : memref<10112x128xf32, #tpu.memory_space<vmem_shared>>)
        tpu.yield
      }) : () -> ()
      %add3A_223 = arith.constant 2 : i32
      %add3A_224 = arith.addi %mul3A_182, %add3A_223 : i32
      %dma_wait3A_225 = arith.constant 0 : i32
      %dma_wait3A_226 = tpu.memref_slice %arg8[%add3A_224, %dma_wait3A_225] : memref<64x80xi32, #tpu.memory_space<vmem>> -> memref<1x80xi32, #tpu.memory_space<vmem>>
      %dma_wait3A_227 = tpu.memref_squeeze %dma_wait3A_226 : memref<1x80xi32, #tpu.memory_space<vmem>> -> memref<80xi32, #tpu.memory_space<vmem>>
      %dma_wait3A_228 = arith.constant 0 : i32
      %dma_wait3A_229 = arith.constant 0 : i32
      %dma_wait3A_230 = tpu.memref_slice %arg2[%dma_wait3A_228, %dma_wait3A_229] : memref<10000x128xf32, #tpu.memory_space<hbm>> -> memref<10000x128xf32, #tpu.memory_space<hbm>>
      tpu.wait_indirect_dma semaphore(%arg15 : memref<!tpu.dma_semaphore, #tpu.memory_space<semaphore_mem>>) src(%dma_wait3A_230 : memref<10000x128xf32, #tpu.memory_space<hbm>>) dst(%arg12 : memref<80x128xf32, #tpu.memory_space<vmem>>)
      %add3A_231 = arith.constant 2 : i32
      %add3A_232 = arith.addi %mul3A_182, %add3A_231 : i32
      %add3A_233 = arith.constant 2 : i32
      %add3A_234 = arith.addi %add3A_232, %add3A_233 : i32
      %dma_start3A_235 = arith.constant 0 : i32
      %dma_start3A_236 = tpu.memref_slice %arg8[%add3A_234, %dma_start3A_235] : memref<64x80xi32, #tpu.memory_space<vmem>> -> memref<1x80xi32, #tpu.memory_space<vmem>>
      %dma_start3A_237 = tpu.memref_squeeze %dma_start3A_236 : memref<1x80xi32, #tpu.memory_space<vmem>> -> memref<80xi32, #tpu.memory_space<vmem>>
      %dma_start3A_238 = arith.constant 0 : i32
      %dma_start3A_239 = arith.constant 0 : i32
      %dma_start3A_240 = tpu.memref_slice %arg2[%dma_start3A_238, %dma_start3A_239] : memref<10000x128xf32, #tpu.memory_space<hbm>> -> memref<10000x128xf32, #tpu.memory_space<hbm>>
      tpu.enqueue_indirect_dma source(%dma_start3A_240 : memref<10000x128xf32, #tpu.memory_space<hbm>>) target(%arg11 : memref<80x128xf32, #tpu.memory_space<vmem>>) offsets(%dma_start3A_237 : memref<80xi32, #tpu.memory_space<vmem>>) semaphore(%arg14 : memref<!tpu.dma_semaphore, #tpu.memory_space<semaphore_mem>>)
      %add3A_241 = arith.constant 2 : i32
      %add3A_242 = arith.addi %mul3A_182, %add3A_241 : i32
      "tpu.region"() ({
        %run_scoped3A_243 = tpu.sem_alloc : memref<!tpu.dma_semaphore, #tpu.memory_space<semaphore_mem>>
        %dma_start3A_244 = arith.constant 0 : i32
        %dma_start3A_245 = tpu.memref_slice %arg9[%add3A_242, %dma_start3A_244] : memref<64x80xi32, #tpu.memory_space<vmem>> -> memref<1x80xi32, #tpu.memory_space<vmem>>
        %dma_start3A_246 = tpu.memref_squeeze %dma_start3A_245 : memref<1x80xi32, #tpu.memory_space<vmem>> -> memref<80xi32, #tpu.memory_space<vmem>>
        %dma_start3A_247 = arith.constant 0 : i32
        %dma_start3A_248 = arith.constant 0 : i32
        %dma_start3A_249 = tpu.memref_slice %arg7[%dma_start3A_247, %dma_start3A_248] : memref<10112x128xf32, #tpu.memory_space<vmem_shared>> -> memref<10112x128xf32, #tpu.memory_space<vmem_shared>>
        tpu.enqueue_indirect_dma source(%arg12 : memref<80x128xf32, #tpu.memory_space<vmem>>) target(%dma_start3A_249 : memref<10112x128xf32, #tpu.memory_space<vmem_shared>>) offsets(%dma_start3A_246 : memref<80xi32, #tpu.memory_space<vmem>>) semaphore(%run_scoped3A_243 : memref<!tpu.dma_semaphore, #tpu.memory_space<semaphore_mem>>) {add = true}
        %dma_wait3A_250 = arith.constant 0 : i32
        %dma_wait3A_251 = tpu.memref_slice %arg9[%add3A_242, %dma_wait3A_250] : memref<64x80xi32, #tpu.memory_space<vmem>> -> memref<1x80xi32, #tpu.memory_space<vmem>>
        %dma_wait3A_252 = tpu.memref_squeeze %dma_wait3A_251 : memref<1x80xi32, #tpu.memory_space<vmem>> -> memref<80xi32, #tpu.memory_space<vmem>>
        %dma_wait3A_253 = arith.constant 0 : i32
        %dma_wait3A_254 = arith.constant 0 : i32
        %dma_wait3A_255 = tpu.memref_slice %arg7[%dma_wait3A_253, %dma_wait3A_254] : memref<10112x128xf32, #tpu.memory_space<vmem_shared>> -> memref<10112x128xf32, #tpu.memory_space<vmem_shared>>
        tpu.wait_indirect_dma semaphore(%run_scoped3A_243 : memref<!tpu.dma_semaphore, #tpu.memory_space<semaphore_mem>>) src(%arg12 : memref<80x128xf32, #tpu.memory_space<vmem>>) dst(%dma_wait3A_255 : memref<10112x128xf32, #tpu.memory_space<vmem_shared>>)
        tpu.yield
      }) : () -> ()
    }
    %scan3A_100 = arith.constant 19 : i32
    %dma_wait3A_101 = arith.constant 57 : i32
    %dma_wait3A_102 = arith.constant 0 : i32
    %dma_wait3A_103 = tpu.memref_slice %arg8[%dma_wait3A_101, %dma_wait3A_102] : memref<64x80xi32, #tpu.memory_space<vmem>> -> memref<1x80xi32, #tpu.memory_space<vmem>>
    %dma_wait3A_104 = tpu.memref_squeeze %dma_wait3A_103 : memref<1x80xi32, #tpu.memory_space<vmem>> -> memref<80xi32, #tpu.memory_space<vmem>>
    %dma_wait3A_105 = arith.constant 0 : i32
    %dma_wait3A_106 = arith.constant 0 : i32
    %dma_wait3A_107 = tpu.memref_slice %arg2[%dma_wait3A_105, %dma_wait3A_106] : memref<10000x128xf32, #tpu.memory_space<hbm>> -> memref<10000x128xf32, #tpu.memory_space<hbm>>
    tpu.wait_indirect_dma semaphore(%arg13 : memref<!tpu.dma_semaphore, #tpu.memory_space<semaphore_mem>>) src(%dma_wait3A_107 : memref<10000x128xf32, #tpu.memory_space<hbm>>) dst(%arg10 : memref<80x128xf32, #tpu.memory_space<vmem>>)
    %run_scoped3A_108 = arith.constant 57 : i32
    "tpu.region"() ({
      %run_scoped3A_180 = tpu.sem_alloc : memref<!tpu.dma_semaphore, #tpu.memory_space<semaphore_mem>>
      %dma_start3A_181 = arith.constant 0 : i32
      %dma_start3A_182 = tpu.memref_slice %arg9[%run_scoped3A_108, %dma_start3A_181] : memref<64x80xi32, #tpu.memory_space<vmem>> -> memref<1x80xi32, #tpu.memory_space<vmem>>
      %dma_start3A_183 = tpu.memref_squeeze %dma_start3A_182 : memref<1x80xi32, #tpu.memory_space<vmem>> -> memref<80xi32, #tpu.memory_space<vmem>>
      %dma_start3A_184 = arith.constant 0 : i32
      %dma_start3A_185 = arith.constant 0 : i32
      %dma_start3A_186 = tpu.memref_slice %arg7[%dma_start3A_184, %dma_start3A_185] : memref<10112x128xf32, #tpu.memory_space<vmem_shared>> -> memref<10112x128xf32, #tpu.memory_space<vmem_shared>>
      tpu.enqueue_indirect_dma source(%arg10 : memref<80x128xf32, #tpu.memory_space<vmem>>) target(%dma_start3A_186 : memref<10112x128xf32, #tpu.memory_space<vmem_shared>>) offsets(%dma_start3A_183 : memref<80xi32, #tpu.memory_space<vmem>>) semaphore(%run_scoped3A_180 : memref<!tpu.dma_semaphore, #tpu.memory_space<semaphore_mem>>) {add = true}
      %dma_wait3A_187 = arith.constant 0 : i32
      %dma_wait3A_188 = tpu.memref_slice %arg9[%run_scoped3A_108, %dma_wait3A_187] : memref<64x80xi32, #tpu.memory_space<vmem>> -> memref<1x80xi32, #tpu.memory_space<vmem>>
      %dma_wait3A_189 = tpu.memref_squeeze %dma_wait3A_188 : memref<1x80xi32, #tpu.memory_space<vmem>> -> memref<80xi32, #tpu.memory_space<vmem>>
      %dma_wait3A_190 = arith.constant 0 : i32
      %dma_wait3A_191 = arith.constant 0 : i32
      %dma_wait3A_192 = tpu.memref_slice %arg7[%dma_wait3A_190, %dma_wait3A_191] : memref<10112x128xf32, #tpu.memory_space<vmem_shared>> -> memref<10112x128xf32, #tpu.memory_space<vmem_shared>>
      tpu.wait_indirect_dma semaphore(%run_scoped3A_180 : memref<!tpu.dma_semaphore, #tpu.memory_space<semaphore_mem>>) src(%arg10 : memref<80x128xf32, #tpu.memory_space<vmem>>) dst(%dma_wait3A_192 : memref<10112x128xf32, #tpu.memory_space<vmem_shared>>)
      tpu.yield
    }) : () -> ()
    %dma_wait3A_109 = arith.constant 58 : i32
    %dma_wait3A_110 = arith.constant 0 : i32
    %dma_wait3A_111 = tpu.memref_slice %arg8[%dma_wait3A_109, %dma_wait3A_110] : memref<64x80xi32, #tpu.memory_space<vmem>> -> memref<1x80xi32, #tpu.memory_space<vmem>>
    %dma_wait3A_112 = tpu.memref_squeeze %dma_wait3A_111 : memref<1x80xi32, #tpu.memory_space<vmem>> -> memref<80xi32, #tpu.memory_space<vmem>>
    %dma_wait3A_113 = arith.constant 0 : i32
    %dma_wait3A_114 = arith.constant 0 : i32
    %dma_wait3A_115 = tpu.memref_slice %arg2[%dma_wait3A_113, %dma_wait3A_114] : memref<10000x128xf32, #tpu.memory_space<hbm>> -> memref<10000x128xf32, #tpu.memory_space<hbm>>
    tpu.wait_indirect_dma semaphore(%arg14 : memref<!tpu.dma_semaphore, #tpu.memory_space<semaphore_mem>>) src(%dma_wait3A_115 : memref<10000x128xf32, #tpu.memory_space<hbm>>) dst(%arg11 : memref<80x128xf32, #tpu.memory_space<vmem>>)
    %run_scoped3A_116 = arith.constant 58 : i32
    "tpu.region"() ({
      %run_scoped3A_180 = tpu.sem_alloc : memref<!tpu.dma_semaphore, #tpu.memory_space<semaphore_mem>>
      %dma_start3A_181 = arith.constant 0 : i32
      %dma_start3A_182 = tpu.memref_slice %arg9[%run_scoped3A_116, %dma_start3A_181] : memref<64x80xi32, #tpu.memory_space<vmem>> -> memref<1x80xi32, #tpu.memory_space<vmem>>
      %dma_start3A_183 = tpu.memref_squeeze %dma_start3A_182 : memref<1x80xi32, #tpu.memory_space<vmem>> -> memref<80xi32, #tpu.memory_space<vmem>>
      %dma_start3A_184 = arith.constant 0 : i32
      %dma_start3A_185 = arith.constant 0 : i32
      %dma_start3A_186 = tpu.memref_slice %arg7[%dma_start3A_184, %dma_start3A_185] : memref<10112x128xf32, #tpu.memory_space<vmem_shared>> -> memref<10112x128xf32, #tpu.memory_space<vmem_shared>>
      tpu.enqueue_indirect_dma source(%arg11 : memref<80x128xf32, #tpu.memory_space<vmem>>) target(%dma_start3A_186 : memref<10112x128xf32, #tpu.memory_space<vmem_shared>>) offsets(%dma_start3A_183 : memref<80xi32, #tpu.memory_space<vmem>>) semaphore(%run_scoped3A_180 : memref<!tpu.dma_semaphore, #tpu.memory_space<semaphore_mem>>) {add = true}
      %dma_wait3A_187 = arith.constant 0 : i32
      %dma_wait3A_188 = tpu.memref_slice %arg9[%run_scoped3A_116, %dma_wait3A_187] : memref<64x80xi32, #tpu.memory_space<vmem>> -> memref<1x80xi32, #tpu.memory_space<vmem>>
      %dma_wait3A_189 = tpu.memref_squeeze %dma_wait3A_188 : memref<1x80xi32, #tpu.memory_space<vmem>> -> memref<80xi32, #tpu.memory_space<vmem>>
      %dma_wait3A_190 = arith.constant 0 : i32
      %dma_wait3A_191 = arith.constant 0 : i32
      %dma_wait3A_192 = tpu.memref_slice %arg7[%dma_wait3A_190, %dma_wait3A_191] : memref<10112x128xf32, #tpu.memory_space<vmem_shared>> -> memref<10112x128xf32, #tpu.memory_space<vmem_shared>>
      tpu.wait_indirect_dma semaphore(%run_scoped3A_180 : memref<!tpu.dma_semaphore, #tpu.memory_space<semaphore_mem>>) src(%arg11 : memref<80x128xf32, #tpu.memory_space<vmem>>) dst(%dma_wait3A_192 : memref<10112x128xf32, #tpu.memory_space<vmem_shared>>)
      tpu.yield
    }) : () -> ()
    %dma_start3A_117 = arith.constant 59 : i32
    %dma_start3A_118 = arith.constant 0 : i32
    %dma_start3A_119 = tpu.memref_slice %arg8[%dma_start3A_117, %dma_start3A_118] : memref<64x80xi32, #tpu.memory_space<vmem>> -> memref<1x80xi32, #tpu.memory_space<vmem>>
    %dma_start3A_120 = tpu.memref_squeeze %dma_start3A_119 : memref<1x80xi32, #tpu.memory_space<vmem>> -> memref<80xi32, #tpu.memory_space<vmem>>
    %dma_start3A_121 = arith.constant 0 : i32
    %dma_start3A_122 = arith.constant 0 : i32
    %dma_start3A_123 = tpu.memref_slice %arg2[%dma_start3A_121, %dma_start3A_122] : memref<10000x128xf32, #tpu.memory_space<hbm>> -> memref<10000x128xf32, #tpu.memory_space<hbm>>
    tpu.enqueue_indirect_dma source(%dma_start3A_123 : memref<10000x128xf32, #tpu.memory_space<hbm>>) target(%arg12 : memref<80x128xf32, #tpu.memory_space<vmem>>) offsets(%dma_start3A_120 : memref<80xi32, #tpu.memory_space<vmem>>) semaphore(%arg15 : memref<!tpu.dma_semaphore, #tpu.memory_space<semaphore_mem>>)
    %dma_wait3A_124 = arith.constant 59 : i32
    %dma_wait3A_125 = arith.constant 0 : i32
    %dma_wait3A_126 = tpu.memref_slice %arg8[%dma_wait3A_124, %dma_wait3A_125] : memref<64x80xi32, #tpu.memory_space<vmem>> -> memref<1x80xi32, #tpu.memory_space<vmem>>
    %dma_wait3A_127 = tpu.memref_squeeze %dma_wait3A_126 : memref<1x80xi32, #tpu.memory_space<vmem>> -> memref<80xi32, #tpu.memory_space<vmem>>
    %dma_wait3A_128 = arith.constant 0 : i32
    %dma_wait3A_129 = arith.constant 0 : i32
    %dma_wait3A_130 = tpu.memref_slice %arg2[%dma_wait3A_128, %dma_wait3A_129] : memref<10000x128xf32, #tpu.memory_space<hbm>> -> memref<10000x128xf32, #tpu.memory_space<hbm>>
    tpu.wait_indirect_dma semaphore(%arg15 : memref<!tpu.dma_semaphore, #tpu.memory_space<semaphore_mem>>) src(%dma_wait3A_130 : memref<10000x128xf32, #tpu.memory_space<hbm>>) dst(%arg12 : memref<80x128xf32, #tpu.memory_space<vmem>>)
    %run_scoped3A_131 = arith.constant 59 : i32
    "tpu.region"() ({
      %run_scoped3A_180 = tpu.sem_alloc : memref<!tpu.dma_semaphore, #tpu.memory_space<semaphore_mem>>
      %dma_start3A_181 = arith.constant 0 : i32
      %dma_start3A_182 = tpu.memref_slice %arg9[%run_scoped3A_131, %dma_start3A_181] : memref<64x80xi32, #tpu.memory_space<vmem>> -> memref<1x80xi32, #tpu.memory_space<vmem>>
      %dma_start3A_183 = tpu.memref_squeeze %dma_start3A_182 : memref<1x80xi32, #tpu.memory_space<vmem>> -> memref<80xi32, #tpu.memory_space<vmem>>
      %dma_start3A_184 = arith.constant 0 : i32
      %dma_start3A_185 = arith.constant 0 : i32
      %dma_start3A_186 = tpu.memref_slice %arg7[%dma_start3A_184, %dma_start3A_185] : memref<10112x128xf32, #tpu.memory_space<vmem_shared>> -> memref<10112x128xf32, #tpu.memory_space<vmem_shared>>
      tpu.enqueue_indirect_dma source(%arg12 : memref<80x128xf32, #tpu.memory_space<vmem>>) target(%dma_start3A_186 : memref<10112x128xf32, #tpu.memory_space<vmem_shared>>) offsets(%dma_start3A_183 : memref<80xi32, #tpu.memory_space<vmem>>) semaphore(%run_scoped3A_180 : memref<!tpu.dma_semaphore, #tpu.memory_space<semaphore_mem>>) {add = true}
      %dma_wait3A_187 = arith.constant 0 : i32
      %dma_wait3A_188 = tpu.memref_slice %arg9[%run_scoped3A_131, %dma_wait3A_187] : memref<64x80xi32, #tpu.memory_space<vmem>> -> memref<1x80xi32, #tpu.memory_space<vmem>>
      %dma_wait3A_189 = tpu.memref_squeeze %dma_wait3A_188 : memref<1x80xi32, #tpu.memory_space<vmem>> -> memref<80xi32, #tpu.memory_space<vmem>>
      %dma_wait3A_190 = arith.constant 0 : i32
      %dma_wait3A_191 = arith.constant 0 : i32
      %dma_wait3A_192 = tpu.memref_slice %arg7[%dma_wait3A_190, %dma_wait3A_191] : memref<10112x128xf32, #tpu.memory_space<vmem_shared>> -> memref<10112x128xf32, #tpu.memory_space<vmem_shared>>
      tpu.wait_indirect_dma semaphore(%run_scoped3A_180 : memref<!tpu.dma_semaphore, #tpu.memory_space<semaphore_mem>>) src(%arg12 : memref<80x128xf32, #tpu.memory_space<vmem>>) dst(%dma_wait3A_192 : memref<10112x128xf32, #tpu.memory_space<vmem_shared>>)
      tpu.yield
    }) : () -> ()
    %dma_start3A_132 = arith.constant 60 : i32
    %dma_start3A_133 = arith.constant 0 : i32
    %dma_start3A_134 = tpu.memref_slice %arg8[%dma_start3A_132, %dma_start3A_133] : memref<64x80xi32, #tpu.memory_space<vmem>> -> memref<1x80xi32, #tpu.memory_space<vmem>>
    %dma_start3A_135 = tpu.memref_squeeze %dma_start3A_134 : memref<1x80xi32, #tpu.memory_space<vmem>> -> memref<80xi32, #tpu.memory_space<vmem>>
    %dma_start3A_136 = arith.constant 0 : i32
    %dma_start3A_137 = arith.constant 0 : i32
    %dma_start3A_138 = tpu.memref_slice %arg2[%dma_start3A_136, %dma_start3A_137] : memref<10000x128xf32, #tpu.memory_space<hbm>> -> memref<10000x128xf32, #tpu.memory_space<hbm>>
    tpu.enqueue_indirect_dma source(%dma_start3A_138 : memref<10000x128xf32, #tpu.memory_space<hbm>>) target(%arg10 : memref<80x128xf32, #tpu.memory_space<vmem>>) offsets(%dma_start3A_135 : memref<80xi32, #tpu.memory_space<vmem>>) semaphore(%arg13 : memref<!tpu.dma_semaphore, #tpu.memory_space<semaphore_mem>>)
    %dma_wait3A_139 = arith.constant 60 : i32
    %dma_wait3A_140 = arith.constant 0 : i32
    %dma_wait3A_141 = tpu.memref_slice %arg8[%dma_wait3A_139, %dma_wait3A_140] : memref<64x80xi32, #tpu.memory_space<vmem>> -> memref<1x80xi32, #tpu.memory_space<vmem>>
    %dma_wait3A_142 = tpu.memref_squeeze %dma_wait3A_141 : memref<1x80xi32, #tpu.memory_space<vmem>> -> memref<80xi32, #tpu.memory_space<vmem>>
    %dma_wait3A_143 = arith.constant 0 : i32
    %dma_wait3A_144 = arith.constant 0 : i32
    %dma_wait3A_145 = tpu.memref_slice %arg2[%dma_wait3A_143, %dma_wait3A_144] : memref<10000x128xf32, #tpu.memory_space<hbm>> -> memref<10000x128xf32, #tpu.memory_space<hbm>>
    tpu.wait_indirect_dma semaphore(%arg13 : memref<!tpu.dma_semaphore, #tpu.memory_space<semaphore_mem>>) src(%dma_wait3A_145 : memref<10000x128xf32, #tpu.memory_space<hbm>>) dst(%arg10 : memref<80x128xf32, #tpu.memory_space<vmem>>)
    %run_scoped3A_146 = arith.constant 60 : i32
    "tpu.region"() ({
      %run_scoped3A_180 = tpu.sem_alloc : memref<!tpu.dma_semaphore, #tpu.memory_space<semaphore_mem>>
      %dma_start3A_181 = arith.constant 0 : i32
      %dma_start3A_182 = tpu.memref_slice %arg9[%run_scoped3A_146, %dma_start3A_181] : memref<64x80xi32, #tpu.memory_space<vmem>> -> memref<1x80xi32, #tpu.memory_space<vmem>>
      %dma_start3A_183 = tpu.memref_squeeze %dma_start3A_182 : memref<1x80xi32, #tpu.memory_space<vmem>> -> memref<80xi32, #tpu.memory_space<vmem>>
      %dma_start3A_184 = arith.constant 0 : i32
      %dma_start3A_185 = arith.constant 0 : i32
      %dma_start3A_186 = tpu.memref_slice %arg7[%dma_start3A_184, %dma_start3A_185] : memref<10112x128xf32, #tpu.memory_space<vmem_shared>> -> memref<10112x128xf32, #tpu.memory_space<vmem_shared>>
      tpu.enqueue_indirect_dma source(%arg10 : memref<80x128xf32, #tpu.memory_space<vmem>>) target(%dma_start3A_186 : memref<10112x128xf32, #tpu.memory_space<vmem_shared>>) offsets(%dma_start3A_183 : memref<80xi32, #tpu.memory_space<vmem>>) semaphore(%run_scoped3A_180 : memref<!tpu.dma_semaphore, #tpu.memory_space<semaphore_mem>>) {add = true}
      %dma_wait3A_187 = arith.constant 0 : i32
      %dma_wait3A_188 = tpu.memref_slice %arg9[%run_scoped3A_146, %dma_wait3A_187] : memref<64x80xi32, #tpu.memory_space<vmem>> -> memref<1x80xi32, #tpu.memory_space<vmem>>
      %dma_wait3A_189 = tpu.memref_squeeze %dma_wait3A_188 : memref<1x80xi32, #tpu.memory_space<vmem>> -> memref<80xi32, #tpu.memory_space<vmem>>
      %dma_wait3A_190 = arith.constant 0 : i32
      %dma_wait3A_191 = arith.constant 0 : i32
      %dma_wait3A_192 = tpu.memref_slice %arg7[%dma_wait3A_190, %dma_wait3A_191] : memref<10112x128xf32, #tpu.memory_space<vmem_shared>> -> memref<10112x128xf32, #tpu.memory_space<vmem_shared>>
      tpu.wait_indirect_dma semaphore(%run_scoped3A_180 : memref<!tpu.dma_semaphore, #tpu.memory_space<semaphore_mem>>) src(%arg10 : memref<80x128xf32, #tpu.memory_space<vmem>>) dst(%dma_wait3A_192 : memref<10112x128xf32, #tpu.memory_space<vmem_shared>>)
      tpu.yield
    }) : () -> ()
    %barrier3A_147 = arith.constant 0 : index
    tpu.barrier barrier_id(%barrier3A_147)
    %add3A_148 = arith.constant 0 : i32
    %add3A_149 = arith.addi %mul3A_2, %add3A_148 : i32
    "tpu.region"() ({
      %run_scoped3A_180 = tpu.sem_alloc : memref<!tpu.dma_semaphore, #tpu.memory_space<semaphore_mem>>
      %dma_start3A_181 = arith.constant 0 : i32
      %dma_start3A_182 = arith.constant 0 : i32
      %dma_start3A_183 = tpu.memref_slice %arg10[%dma_start3A_181, %dma_start3A_182] : memref<80x128xf32, #tpu.memory_space<vmem>> -> memref<80x128xf32, #tpu.memory_space<vmem>>
      %dma_start3A_184 = arith.constant 0 : i32
      %dma_start3A_185 = tpu.memref_slice %arg7[%add3A_149, %dma_start3A_184] : memref<10112x128xf32, #tpu.memory_space<vmem_shared>> -> memref<80x128xf32, #tpu.memory_space<vmem_shared>>
      %dma_start3A_186 = arith.constant 0 : i32
      %dma_start3A_187 = arith.constant 0 : i32
      %dma_start3A_188 = tpu.memref_slice %arg10[%dma_start3A_186, %dma_start3A_187] : memref<80x128xf32, #tpu.memory_space<vmem>> -> memref<80x128xf32, #tpu.memory_space<vmem>>
      %dma_start3A_189 = arith.constant 0 : i32
      %dma_start3A_190 = tpu.memref_slice %arg7[%add3A_149, %dma_start3A_189] : memref<10112x128xf32, #tpu.memory_space<vmem_shared>> -> memref<80x128xf32, #tpu.memory_space<vmem_shared>>
      tpu.enqueue_dma source(%dma_start3A_190 : memref<80x128xf32, #tpu.memory_space<vmem_shared>>) target(%dma_start3A_188 : memref<80x128xf32, #tpu.memory_space<vmem>>) target_semaphore(%run_scoped3A_180 : memref<!tpu.dma_semaphore, #tpu.memory_space<semaphore_mem>>)
      %dma_wait3A_191 = arith.constant 0 : i32
      %dma_wait3A_192 = arith.constant 0 : i32
      %dma_wait3A_193 = tpu.memref_slice %arg10[%dma_wait3A_191, %dma_wait3A_192] : memref<80x128xf32, #tpu.memory_space<vmem>> -> memref<80x128xf32, #tpu.memory_space<vmem>>
      %dma_wait3A_194 = arith.constant 0 : i32
      %dma_wait3A_195 = tpu.memref_slice %arg7[%add3A_149, %dma_wait3A_194] : memref<10112x128xf32, #tpu.memory_space<vmem_shared>> -> memref<80x128xf32, #tpu.memory_space<vmem_shared>>
      %dma_wait3A_196 = arith.constant 0 : i32
      %dma_wait3A_197 = arith.constant 0 : i32
      %dma_wait3A_198 = tpu.memref_slice %arg10[%dma_wait3A_196, %dma_wait3A_197] : memref<80x128xf32, #tpu.memory_space<vmem>> -> memref<80x128xf32, #tpu.memory_space<vmem>>
      %dma_wait3A_199 = arith.constant 0 : i32
      %dma_wait3A_200 = tpu.memref_slice %arg7[%add3A_149, %dma_wait3A_199] : memref<10112x128xf32, #tpu.memory_space<vmem_shared>> -> memref<80x128xf32, #tpu.memory_space<vmem_shared>>
      tpu.wait_dma2 semaphore(%run_scoped3A_180 : memref<!tpu.dma_semaphore, #tpu.memory_space<semaphore_mem>>) src(%dma_wait3A_200 : memref<80x128xf32, #tpu.memory_space<vmem_shared>>) dst(%dma_wait3A_198 : memref<80x128xf32, #tpu.memory_space<vmem>>)
      tpu.yield
    }) : () -> ()
    %add3A_150 = arith.constant 0 : i32
    %add3A_151 = arith.addi %mul3A_2, %add3A_150 : i32
    "tpu.region"() ({
      %run_scoped3A_180 = tpu.sem_alloc : memref<!tpu.dma_semaphore, #tpu.memory_space<semaphore_mem>>
      %dma_start3A_181 = arith.constant 0 : i32
      %dma_start3A_182 = arith.constant 0 : i32
      %dma_start3A_183 = tpu.memref_slice %arg10[%dma_start3A_181, %dma_start3A_182] : memref<80x128xf32, #tpu.memory_space<vmem>> -> memref<80x128xf32, #tpu.memory_space<vmem>>
      %dma_start3A_184 = arith.constant 0 : i32
      %dma_start3A_185 = tpu.memref_slice %arg6[%arg0, %add3A_151, %dma_start3A_184] : memref<2x10112x128xf32, #tpu.memory_space<hbm>> -> memref<1x80x128xf32, #tpu.memory_space<hbm>>
      %dma_start3A_186 = tpu.memref_squeeze %dma_start3A_185 : memref<1x80x128xf32, #tpu.memory_space<hbm>> -> memref<80x128xf32, #tpu.memory_space<hbm>>
      %dma_start3A_187 = arith.constant 0 : i32
      %dma_start3A_188 = tpu.memref_slice %arg6[%arg0, %add3A_151, %dma_start3A_187] : memref<2x10112x128xf32, #tpu.memory_space<hbm>> -> memref<1x80x128xf32, #tpu.memory_space<hbm>>
      %dma_start3A_189 = tpu.memref_squeeze %dma_start3A_188 : memref<1x80x128xf32, #tpu.memory_space<hbm>> -> memref<80x128xf32, #tpu.memory_space<hbm>>
      %dma_start3A_190 = arith.constant 0 : i32
      %dma_start3A_191 = arith.constant 0 : i32
      %dma_start3A_192 = tpu.memref_slice %arg10[%dma_start3A_190, %dma_start3A_191] : memref<80x128xf32, #tpu.memory_space<vmem>> -> memref<80x128xf32, #tpu.memory_space<vmem>>
      tpu.enqueue_dma source(%dma_start3A_192 : memref<80x128xf32, #tpu.memory_space<vmem>>) target(%dma_start3A_189 : memref<80x128xf32, #tpu.memory_space<hbm>>) target_semaphore(%run_scoped3A_180 : memref<!tpu.dma_semaphore, #tpu.memory_space<semaphore_mem>>)
      %dma_wait3A_193 = arith.constant 0 : i32
      %dma_wait3A_194 = arith.constant 0 : i32
      %dma_wait3A_195 = tpu.memref_slice %arg10[%dma_wait3A_193, %dma_wait3A_194] : memref<80x128xf32, #tpu.memory_space<vmem>> -> memref<80x128xf32, #tpu.memory_space<vmem>>
      %dma_wait3A_196 = arith.constant 0 : i32
      %dma_wait3A_197 = tpu.memref_slice %arg6[%arg0, %add3A_151, %dma_wait3A_196] : memref<2x10112x128xf32, #tpu.memory_space<hbm>> -> memref<1x80x128xf32, #tpu.memory_space<hbm>>
      %dma_wait3A_198 = tpu.memref_squeeze %dma_wait3A_197 : memref<1x80x128xf32, #tpu.memory_space<hbm>> -> memref<80x128xf32, #tpu.memory_space<hbm>>
      %dma_wait3A_199 = arith.constant 0 : i32
      %dma_wait3A_200 = tpu.memref_slice %arg6[%arg0, %add3A_151, %dma_wait3A_199] : memref<2x10112x128xf32, #tpu.memory_space<hbm>> -> memref<1x80x128xf32, #tpu.memory_space<hbm>>
      %dma_wait3A_201 = tpu.memref_squeeze %dma_wait3A_200 : memref<1x80x128xf32, #tpu.memory_space<hbm>> -> memref<80x128xf32, #tpu.memory_space<hbm>>
      %dma_wait3A_202 = arith.constant 0 : i32
      %dma_wait3A_203 = arith.constant 0 : i32
      %dma_wait3A_204 = tpu.memref_slice %arg10[%dma_wait3A_202, %dma_wait3A_203] : memref<80x128xf32, #tpu.memory_space<vmem>> -> memref<80x128xf32, #tpu.memory_space<vmem>>
      tpu.wait_dma2 semaphore(%run_scoped3A_180 : memref<!tpu.dma_semaphore, #tpu.memory_space<semaphore_mem>>) src(%dma_wait3A_204 : memref<80x128xf32, #tpu.memory_space<vmem>>) dst(%dma_wait3A_201 : memref<80x128xf32, #tpu.memory_space<hbm>>)
      tpu.yield
    }) : () -> ()
    %add3A_152 = arith.constant 80 : i32
    %add3A_153 = arith.addi %mul3A_2, %add3A_152 : i32
    "tpu.region"() ({
      %run_scoped3A_180 = tpu.sem_alloc : memref<!tpu.dma_semaphore, #tpu.memory_space<semaphore_mem>>
      %dma_start3A_181 = arith.constant 0 : i32
      %dma_start3A_182 = arith.constant 0 : i32
      %dma_start3A_183 = tpu.memref_slice %arg10[%dma_start3A_181, %dma_start3A_182] : memref<80x128xf32, #tpu.memory_space<vmem>> -> memref<80x128xf32, #tpu.memory_space<vmem>>
      %dma_start3A_184 = arith.constant 0 : i32
      %dma_start3A_185 = tpu.memref_slice %arg7[%add3A_153, %dma_start3A_184] : memref<10112x128xf32, #tpu.memory_space<vmem_shared>> -> memref<80x128xf32, #tpu.memory_space<vmem_shared>>
      %dma_start3A_186 = arith.constant 0 : i32
      %dma_start3A_187 = arith.constant 0 : i32
      %dma_start3A_188 = tpu.memref_slice %arg10[%dma_start3A_186, %dma_start3A_187] : memref<80x128xf32, #tpu.memory_space<vmem>> -> memref<80x128xf32, #tpu.memory_space<vmem>>
      %dma_start3A_189 = arith.constant 0 : i32
      %dma_start3A_190 = tpu.memref_slice %arg7[%add3A_153, %dma_start3A_189] : memref<10112x128xf32, #tpu.memory_space<vmem_shared>> -> memref<80x128xf32, #tpu.memory_space<vmem_shared>>
      tpu.enqueue_dma source(%dma_start3A_190 : memref<80x128xf32, #tpu.memory_space<vmem_shared>>) target(%dma_start3A_188 : memref<80x128xf32, #tpu.memory_space<vmem>>) target_semaphore(%run_scoped3A_180 : memref<!tpu.dma_semaphore, #tpu.memory_space<semaphore_mem>>)
      %dma_wait3A_191 = arith.constant 0 : i32
      %dma_wait3A_192 = arith.constant 0 : i32
      %dma_wait3A_193 = tpu.memref_slice %arg10[%dma_wait3A_191, %dma_wait3A_192] : memref<80x128xf32, #tpu.memory_space<vmem>> -> memref<80x128xf32, #tpu.memory_space<vmem>>
      %dma_wait3A_194 = arith.constant 0 : i32
      %dma_wait3A_195 = tpu.memref_slice %arg7[%add3A_153, %dma_wait3A_194] : memref<10112x128xf32, #tpu.memory_space<vmem_shared>> -> memref<80x128xf32, #tpu.memory_space<vmem_shared>>
      %dma_wait3A_196 = arith.constant 0 : i32
      %dma_wait3A_197 = arith.constant 0 : i32
      %dma_wait3A_198 = tpu.memref_slice %arg10[%dma_wait3A_196, %dma_wait3A_197] : memref<80x128xf32, #tpu.memory_space<vmem>> -> memref<80x128xf32, #tpu.memory_space<vmem>>
      %dma_wait3A_199 = arith.constant 0 : i32
      %dma_wait3A_200 = tpu.memref_slice %arg7[%add3A_153, %dma_wait3A_199] : memref<10112x128xf32, #tpu.memory_space<vmem_shared>> -> memref<80x128xf32, #tpu.memory_space<vmem_shared>>
      tpu.wait_dma2 semaphore(%run_scoped3A_180 : memref<!tpu.dma_semaphore, #tpu.memory_space<semaphore_mem>>) src(%dma_wait3A_200 : memref<80x128xf32, #tpu.memory_space<vmem_shared>>) dst(%dma_wait3A_198 : memref<80x128xf32, #tpu.memory_space<vmem>>)
      tpu.yield
    }) : () -> ()
    %add3A_154 = arith.constant 80 : i32
    %add3A_155 = arith.addi %mul3A_2, %add3A_154 : i32
    "tpu.region"() ({
      %run_scoped3A_180 = tpu.sem_alloc : memref<!tpu.dma_semaphore, #tpu.memory_space<semaphore_mem>>
      %dma_start3A_181 = arith.constant 0 : i32
      %dma_start3A_182 = arith.constant 0 : i32
      %dma_start3A_183 = tpu.memref_slice %arg10[%dma_start3A_181, %dma_start3A_182] : memref<80x128xf32, #tpu.memory_space<vmem>> -> memref<80x128xf32, #tpu.memory_space<vmem>>
      %dma_start3A_184 = arith.constant 0 : i32
      %dma_start3A_185 = tpu.memref_slice %arg6[%arg0, %add3A_155, %dma_start3A_184] : memref<2x10112x128xf32, #tpu.memory_space<hbm>> -> memref<1x80x128xf32, #tpu.memory_space<hbm>>
      %dma_start3A_186 = tpu.memref_squeeze %dma_start3A_185 : memref<1x80x128xf32, #tpu.memory_space<hbm>> -> memref<80x128xf32, #tpu.memory_space<hbm>>
      %dma_start3A_187 = arith.constant 0 : i32
      %dma_start3A_188 = tpu.memref_slice %arg6[%arg0, %add3A_155, %dma_start3A_187] : memref<2x10112x128xf32, #tpu.memory_space<hbm>> -> memref<1x80x128xf32, #tpu.memory_space<hbm>>
      %dma_start3A_189 = tpu.memref_squeeze %dma_start3A_188 : memref<1x80x128xf32, #tpu.memory_space<hbm>> -> memref<80x128xf32, #tpu.memory_space<hbm>>
      %dma_start3A_190 = arith.constant 0 : i32
      %dma_start3A_191 = arith.constant 0 : i32
      %dma_start3A_192 = tpu.memref_slice %arg10[%dma_start3A_190, %dma_start3A_191] : memref<80x128xf32, #tpu.memory_space<vmem>> -> memref<80x128xf32, #tpu.memory_space<vmem>>
      tpu.enqueue_dma source(%dma_start3A_192 : memref<80x128xf32, #tpu.memory_space<vmem>>) target(%dma_start3A_189 : memref<80x128xf32, #tpu.memory_space<hbm>>) target_semaphore(%run_scoped3A_180 : memref<!tpu.dma_semaphore, #tpu.memory_space<semaphore_mem>>)
      %dma_wait3A_193 = arith.constant 0 : i32
      %dma_wait3A_194 = arith.constant 0 : i32
      %dma_wait3A_195 = tpu.memref_slice %arg10[%dma_wait3A_193, %dma_wait3A_194] : memref<80x128xf32, #tpu.memory_space<vmem>> -> memref<80x128xf32, #tpu.memory_space<vmem>>
      %dma_wait3A_196 = arith.constant 0 : i32
      %dma_wait3A_197 = tpu.memref_slice %arg6[%arg0, %add3A_155, %dma_wait3A_196] : memref<2x10112x128xf32, #tpu.memory_space<hbm>> -> memref<1x80x128xf32, #tpu.memory_space<hbm>>
      %dma_wait3A_198 = tpu.memref_squeeze %dma_wait3A_197 : memref<1x80x128xf32, #tpu.memory_space<hbm>> -> memref<80x128xf32, #tpu.memory_space<hbm>>
      %dma_wait3A_199 = arith.constant 0 : i32
      %dma_wait3A_200 = tpu.memref_slice %arg6[%arg0, %add3A_155, %dma_wait3A_199] : memref<2x10112x128xf32, #tpu.memory_space<hbm>> -> memref<1x80x128xf32, #tpu.memory_space<hbm>>
      %dma_wait3A_201 = tpu.memref_squeeze %dma_wait3A_200 : memref<1x80x128xf32, #tpu.memory_space<hbm>> -> memref<80x128xf32, #tpu.memory_space<hbm>>
      %dma_wait3A_202 = arith.constant 0 : i32
      %dma_wait3A_203 = arith.constant 0 : i32
      %dma_wait3A_204 = tpu.memref_slice %arg10[%dma_wait3A_202, %dma_wait3A_203] : memref<80x128xf32, #tpu.memory_space<vmem>> -> memref<80x128xf32, #tpu.memory_space<vmem>>
      tpu.wait_dma2 semaphore(%run_scoped3A_180 : memref<!tpu.dma_semaphore, #tpu.memory_space<semaphore_mem>>) src(%dma_wait3A_204 : memref<80x128xf32, #tpu.memory_space<vmem>>) dst(%dma_wait3A_201 : memref<80x128xf32, #tpu.memory_space<hbm>>)
      tpu.yield
    }) : () -> ()
    %add3A_156 = arith.constant 160 : i32
    %add3A_157 = arith.addi %mul3A_2, %add3A_156 : i32
    "tpu.region"() ({
      %run_scoped3A_180 = tpu.sem_alloc : memref<!tpu.dma_semaphore, #tpu.memory_space<semaphore_mem>>
      %dma_start3A_181 = arith.constant 0 : i32
      %dma_start3A_182 = arith.constant 0 : i32
      %dma_start3A_183 = tpu.memref_slice %arg10[%dma_start3A_181, %dma_start3A_182] : memref<80x128xf32, #tpu.memory_space<vmem>> -> memref<80x128xf32, #tpu.memory_space<vmem>>
      %dma_start3A_184 = arith.constant 0 : i32
      %dma_start3A_185 = tpu.memref_slice %arg7[%add3A_157, %dma_start3A_184] : memref<10112x128xf32, #tpu.memory_space<vmem_shared>> -> memref<80x128xf32, #tpu.memory_space<vmem_shared>>
      %dma_start3A_186 = arith.constant 0 : i32
      %dma_start3A_187 = arith.constant 0 : i32
      %dma_start3A_188 = tpu.memref_slice %arg10[%dma_start3A_186, %dma_start3A_187] : memref<80x128xf32, #tpu.memory_space<vmem>> -> memref<80x128xf32, #tpu.memory_space<vmem>>
      %dma_start3A_189 = arith.constant 0 : i32
      %dma_start3A_190 = tpu.memref_slice %arg7[%add3A_157, %dma_start3A_189] : memref<10112x128xf32, #tpu.memory_space<vmem_shared>> -> memref<80x128xf32, #tpu.memory_space<vmem_shared>>
      tpu.enqueue_dma source(%dma_start3A_190 : memref<80x128xf32, #tpu.memory_space<vmem_shared>>) target(%dma_start3A_188 : memref<80x128xf32, #tpu.memory_space<vmem>>) target_semaphore(%run_scoped3A_180 : memref<!tpu.dma_semaphore, #tpu.memory_space<semaphore_mem>>)
      %dma_wait3A_191 = arith.constant 0 : i32
      %dma_wait3A_192 = arith.constant 0 : i32
      %dma_wait3A_193 = tpu.memref_slice %arg10[%dma_wait3A_191, %dma_wait3A_192] : memref<80x128xf32, #tpu.memory_space<vmem>> -> memref<80x128xf32, #tpu.memory_space<vmem>>
      %dma_wait3A_194 = arith.constant 0 : i32
      %dma_wait3A_195 = tpu.memref_slice %arg7[%add3A_157, %dma_wait3A_194] : memref<10112x128xf32, #tpu.memory_space<vmem_shared>> -> memref<80x128xf32, #tpu.memory_space<vmem_shared>>
      %dma_wait3A_196 = arith.constant 0 : i32
      %dma_wait3A_197 = arith.constant 0 : i32
      %dma_wait3A_198 = tpu.memref_slice %arg10[%dma_wait3A_196, %dma_wait3A_197] : memref<80x128xf32, #tpu.memory_space<vmem>> -> memref<80x128xf32, #tpu.memory_space<vmem>>
      %dma_wait3A_199 = arith.constant 0 : i32
      %dma_wait3A_200 = tpu.memref_slice %arg7[%add3A_157, %dma_wait3A_199] : memref<10112x128xf32, #tpu.memory_space<vmem_shared>> -> memref<80x128xf32, #tpu.memory_space<vmem_shared>>
      tpu.wait_dma2 semaphore(%run_scoped3A_180 : memref<!tpu.dma_semaphore, #tpu.memory_space<semaphore_mem>>) src(%dma_wait3A_200 : memref<80x128xf32, #tpu.memory_space<vmem_shared>>) dst(%dma_wait3A_198 : memref<80x128xf32, #tpu.memory_space<vmem>>)
      tpu.yield
    }) : () -> ()
    %add3A_158 = arith.constant 160 : i32
    %add3A_159 = arith.addi %mul3A_2, %add3A_158 : i32
    "tpu.region"() ({
      %run_scoped3A_180 = tpu.sem_alloc : memref<!tpu.dma_semaphore, #tpu.memory_space<semaphore_mem>>
      %dma_start3A_181 = arith.constant 0 : i32
      %dma_start3A_182 = arith.constant 0 : i32
      %dma_start3A_183 = tpu.memref_slice %arg10[%dma_start3A_181, %dma_start3A_182] : memref<80x128xf32, #tpu.memory_space<vmem>> -> memref<80x128xf32, #tpu.memory_space<vmem>>
      %dma_start3A_184 = arith.constant 0 : i32
      %dma_start3A_185 = tpu.memref_slice %arg6[%arg0, %add3A_159, %dma_start3A_184] : memref<2x10112x128xf32, #tpu.memory_space<hbm>> -> memref<1x80x128xf32, #tpu.memory_space<hbm>>
      %dma_start3A_186 = tpu.memref_squeeze %dma_start3A_185 : memref<1x80x128xf32, #tpu.memory_space<hbm>> -> memref<80x128xf32, #tpu.memory_space<hbm>>
      %dma_start3A_187 = arith.constant 0 : i32
      %dma_start3A_188 = tpu.memref_slice %arg6[%arg0, %add3A_159, %dma_start3A_187] : memref<2x10112x128xf32, #tpu.memory_space<hbm>> -> memref<1x80x128xf32, #tpu.memory_space<hbm>>
      %dma_start3A_189 = tpu.memref_squeeze %dma_start3A_188 : memref<1x80x128xf32, #tpu.memory_space<hbm>> -> memref<80x128xf32, #tpu.memory_space<hbm>>
      %dma_start3A_190 = arith.constant 0 : i32
      %dma_start3A_191 = arith.constant 0 : i32
      %dma_start3A_192 = tpu.memref_slice %arg10[%dma_start3A_190, %dma_start3A_191] : memref<80x128xf32, #tpu.memory_space<vmem>> -> memref<80x128xf32, #tpu.memory_space<vmem>>
      tpu.enqueue_dma source(%dma_start3A_192 : memref<80x128xf32, #tpu.memory_space<vmem>>) target(%dma_start3A_189 : memref<80x128xf32, #tpu.memory_space<hbm>>) target_semaphore(%run_scoped3A_180 : memref<!tpu.dma_semaphore, #tpu.memory_space<semaphore_mem>>)
      %dma_wait3A_193 = arith.constant 0 : i32
      %dma_wait3A_194 = arith.constant 0 : i32
      %dma_wait3A_195 = tpu.memref_slice %arg10[%dma_wait3A_193, %dma_wait3A_194] : memref<80x128xf32, #tpu.memory_space<vmem>> -> memref<80x128xf32, #tpu.memory_space<vmem>>
      %dma_wait3A_196 = arith.constant 0 : i32
      %dma_wait3A_197 = tpu.memref_slice %arg6[%arg0, %add3A_159, %dma_wait3A_196] : memref<2x10112x128xf32, #tpu.memory_space<hbm>> -> memref<1x80x128xf32, #tpu.memory_space<hbm>>
      %dma_wait3A_198 = tpu.memref_squeeze %dma_wait3A_197 : memref<1x80x128xf32, #tpu.memory_space<hbm>> -> memref<80x128xf32, #tpu.memory_space<hbm>>
      %dma_wait3A_199 = arith.constant 0 : i32
      %dma_wait3A_200 = tpu.memref_slice %arg6[%arg0, %add3A_159, %dma_wait3A_199] : memref<2x10112x128xf32, #tpu.memory_space<hbm>> -> memref<1x80x128xf32, #tpu.memory_space<hbm>>
      %dma_wait3A_201 = tpu.memref_squeeze %dma_wait3A_200 : memref<1x80x128xf32, #tpu.memory_space<hbm>> -> memref<80x128xf32, #tpu.memory_space<hbm>>
      %dma_wait3A_202 = arith.constant 0 : i32
      %dma_wait3A_203 = arith.constant 0 : i32
      %dma_wait3A_204 = tpu.memref_slice %arg10[%dma_wait3A_202, %dma_wait3A_203] : memref<80x128xf32, #tpu.memory_space<vmem>> -> memref<80x128xf32, #tpu.memory_space<vmem>>
      tpu.wait_dma2 semaphore(%run_scoped3A_180 : memref<!tpu.dma_semaphore, #tpu.memory_space<semaphore_mem>>) src(%dma_wait3A_204 : memref<80x128xf32, #tpu.memory_space<vmem>>) dst(%dma_wait3A_201 : memref<80x128xf32, #tpu.memory_space<hbm>>)
      tpu.yield
    }) : () -> ()
    %add3A_160 = arith.constant 240 : i32
    %add3A_161 = arith.addi %mul3A_2, %add3A_160 : i32
    "tpu.region"() ({
      %run_scoped3A_180 = tpu.sem_alloc : memref<!tpu.dma_semaphore, #tpu.memory_space<semaphore_mem>>
      %dma_start3A_181 = arith.constant 0 : i32
      %dma_start3A_182 = arith.constant 0 : i32
      %dma_start3A_183 = tpu.memref_slice %arg10[%dma_start3A_181, %dma_start3A_182] : memref<80x128xf32, #tpu.memory_space<vmem>> -> memref<80x128xf32, #tpu.memory_space<vmem>>
      %dma_start3A_184 = arith.constant 0 : i32
      %dma_start3A_185 = tpu.memref_slice %arg7[%add3A_161, %dma_start3A_184] : memref<10112x128xf32, #tpu.memory_space<vmem_shared>> -> memref<80x128xf32, #tpu.memory_space<vmem_shared>>
      %dma_start3A_186 = arith.constant 0 : i32
      %dma_start3A_187 = arith.constant 0 : i32
      %dma_start3A_188 = tpu.memref_slice %arg10[%dma_start3A_186, %dma_start3A_187] : memref<80x128xf32, #tpu.memory_space<vmem>> -> memref<80x128xf32, #tpu.memory_space<vmem>>
      %dma_start3A_189 = arith.constant 0 : i32
      %dma_start3A_190 = tpu.memref_slice %arg7[%add3A_161, %dma_start3A_189] : memref<10112x128xf32, #tpu.memory_space<vmem_shared>> -> memref<80x128xf32, #tpu.memory_space<vmem_shared>>
      tpu.enqueue_dma source(%dma_start3A_190 : memref<80x128xf32, #tpu.memory_space<vmem_shared>>) target(%dma_start3A_188 : memref<80x128xf32, #tpu.memory_space<vmem>>) target_semaphore(%run_scoped3A_180 : memref<!tpu.dma_semaphore, #tpu.memory_space<semaphore_mem>>)
      %dma_wait3A_191 = arith.constant 0 : i32
      %dma_wait3A_192 = arith.constant 0 : i32
      %dma_wait3A_193 = tpu.memref_slice %arg10[%dma_wait3A_191, %dma_wait3A_192] : memref<80x128xf32, #tpu.memory_space<vmem>> -> memref<80x128xf32, #tpu.memory_space<vmem>>
      %dma_wait3A_194 = arith.constant 0 : i32
      %dma_wait3A_195 = tpu.memref_slice %arg7[%add3A_161, %dma_wait3A_194] : memref<10112x128xf32, #tpu.memory_space<vmem_shared>> -> memref<80x128xf32, #tpu.memory_space<vmem_shared>>
      %dma_wait3A_196 = arith.constant 0 : i32
      %dma_wait3A_197 = arith.constant 0 : i32
      %dma_wait3A_198 = tpu.memref_slice %arg10[%dma_wait3A_196, %dma_wait3A_197] : memref<80x128xf32, #tpu.memory_space<vmem>> -> memref<80x128xf32, #tpu.memory_space<vmem>>
      %dma_wait3A_199 = arith.constant 0 : i32
      %dma_wait3A_200 = tpu.memref_slice %arg7[%add3A_161, %dma_wait3A_199] : memref<10112x128xf32, #tpu.memory_space<vmem_shared>> -> memref<80x128xf32, #tpu.memory_space<vmem_shared>>
      tpu.wait_dma2 semaphore(%run_scoped3A_180 : memref<!tpu.dma_semaphore, #tpu.memory_space<semaphore_mem>>) src(%dma_wait3A_200 : memref<80x128xf32, #tpu.memory_space<vmem_shared>>) dst(%dma_wait3A_198 : memref<80x128xf32, #tpu.memory_space<vmem>>)
      tpu.yield
    }) : () -> ()
    %add3A_162 = arith.constant 240 : i32
    %add3A_163 = arith.addi %mul3A_2, %add3A_162 : i32
    "tpu.region"() ({
      %run_scoped3A_180 = tpu.sem_alloc : memref<!tpu.dma_semaphore, #tpu.memory_space<semaphore_mem>>
      %dma_start3A_181 = arith.constant 0 : i32
      %dma_start3A_182 = arith.constant 0 : i32
      %dma_start3A_183 = tpu.memref_slice %arg10[%dma_start3A_181, %dma_start3A_182] : memref<80x128xf32, #tpu.memory_space<vmem>> -> memref<80x128xf32, #tpu.memory_space<vmem>>
      %dma_start3A_184 = arith.constant 0 : i32
      %dma_start3A_185 = tpu.memref_slice %arg6[%arg0, %add3A_163, %dma_start3A_184] : memref<2x10112x128xf32, #tpu.memory_space<hbm>> -> memref<1x80x128xf32, #tpu.memory_space<hbm>>
      %dma_start3A_186 = tpu.memref_squeeze %dma_start3A_185 : memref<1x80x128xf32, #tpu.memory_space<hbm>> -> memref<80x128xf32, #tpu.memory_space<hbm>>
      %dma_start3A_187 = arith.constant 0 : i32
      %dma_start3A_188 = tpu.memref_slice %arg6[%arg0, %add3A_163, %dma_start3A_187] : memref<2x10112x128xf32, #tpu.memory_space<hbm>> -> memref<1x80x128xf32, #tpu.memory_space<hbm>>
      %dma_start3A_189 = tpu.memref_squeeze %dma_start3A_188 : memref<1x80x128xf32, #tpu.memory_space<hbm>> -> memref<80x128xf32, #tpu.memory_space<hbm>>
      %dma_start3A_190 = arith.constant 0 : i32
      %dma_start3A_191 = arith.constant 0 : i32
      %dma_start3A_192 = tpu.memref_slice %arg10[%dma_start3A_190, %dma_start3A_191] : memref<80x128xf32, #tpu.memory_space<vmem>> -> memref<80x128xf32, #tpu.memory_space<vmem>>
      tpu.enqueue_dma source(%dma_start3A_192 : memref<80x128xf32, #tpu.memory_space<vmem>>) target(%dma_start3A_189 : memref<80x128xf32, #tpu.memory_space<hbm>>) target_semaphore(%run_scoped3A_180 : memref<!tpu.dma_semaphore, #tpu.memory_space<semaphore_mem>>)
      %dma_wait3A_193 = arith.constant 0 : i32
      %dma_wait3A_194 = arith.constant 0 : i32
      %dma_wait3A_195 = tpu.memref_slice %arg10[%dma_wait3A_193, %dma_wait3A_194] : memref<80x128xf32, #tpu.memory_space<vmem>> -> memref<80x128xf32, #tpu.memory_space<vmem>>
      %dma_wait3A_196 = arith.constant 0 : i32
      %dma_wait3A_197 = tpu.memref_slice %arg6[%arg0, %add3A_163, %dma_wait3A_196] : memref<2x10112x128xf32, #tpu.memory_space<hbm>> -> memref<1x80x128xf32, #tpu.memory_space<hbm>>
      %dma_wait3A_198 = tpu.memref_squeeze %dma_wait3A_197 : memref<1x80x128xf32, #tpu.memory_space<hbm>> -> memref<80x128xf32, #tpu.memory_space<hbm>>
      %dma_wait3A_199 = arith.constant 0 : i32
      %dma_wait3A_200 = tpu.memref_slice %arg6[%arg0, %add3A_163, %dma_wait3A_199] : memref<2x10112x128xf32, #tpu.memory_space<hbm>> -> memref<1x80x128xf32, #tpu.memory_space<hbm>>
      %dma_wait3A_201 = tpu.memref_squeeze %dma_wait3A_200 : memref<1x80x128xf32, #tpu.memory_space<hbm>> -> memref<80x128xf32, #tpu.memory_space<hbm>>
      %dma_wait3A_202 = arith.constant 0 : i32
      %dma_wait3A_203 = arith.constant 0 : i32
      %dma_wait3A_204 = tpu.memref_slice %arg10[%dma_wait3A_202, %dma_wait3A_203] : memref<80x128xf32, #tpu.memory_space<vmem>> -> memref<80x128xf32, #tpu.memory_space<vmem>>
      tpu.wait_dma2 semaphore(%run_scoped3A_180 : memref<!tpu.dma_semaphore, #tpu.memory_space<semaphore_mem>>) src(%dma_wait3A_204 : memref<80x128xf32, #tpu.memory_space<vmem>>) dst(%dma_wait3A_201 : memref<80x128xf32, #tpu.memory_space<hbm>>)
      tpu.yield
    }) : () -> ()
    %add3A_164 = arith.constant 320 : i32
    %add3A_165 = arith.addi %mul3A_2, %add3A_164 : i32
    "tpu.region"() ({
      %run_scoped3A_180 = tpu.sem_alloc : memref<!tpu.dma_semaphore, #tpu.memory_space<semaphore_mem>>
      %dma_start3A_181 = arith.constant 0 : i32
      %dma_start3A_182 = arith.constant 0 : i32
      %dma_start3A_183 = tpu.memref_slice %arg10[%dma_start3A_181, %dma_start3A_182] : memref<80x128xf32, #tpu.memory_space<vmem>> -> memref<80x128xf32, #tpu.memory_space<vmem>>
      %dma_start3A_184 = arith.constant 0 : i32
      %dma_start3A_185 = tpu.memref_slice %arg7[%add3A_165, %dma_start3A_184] : memref<10112x128xf32, #tpu.memory_space<vmem_shared>> -> memref<80x128xf32, #tpu.memory_space<vmem_shared>>
      %dma_start3A_186 = arith.constant 0 : i32
      %dma_start3A_187 = arith.constant 0 : i32
      %dma_start3A_188 = tpu.memref_slice %arg10[%dma_start3A_186, %dma_start3A_187] : memref<80x128xf32, #tpu.memory_space<vmem>> -> memref<80x128xf32, #tpu.memory_space<vmem>>
      %dma_start3A_189 = arith.constant 0 : i32
      %dma_start3A_190 = tpu.memref_slice %arg7[%add3A_165, %dma_start3A_189] : memref<10112x128xf32, #tpu.memory_space<vmem_shared>> -> memref<80x128xf32, #tpu.memory_space<vmem_shared>>
      tpu.enqueue_dma source(%dma_start3A_190 : memref<80x128xf32, #tpu.memory_space<vmem_shared>>) target(%dma_start3A_188 : memref<80x128xf32, #tpu.memory_space<vmem>>) target_semaphore(%run_scoped3A_180 : memref<!tpu.dma_semaphore, #tpu.memory_space<semaphore_mem>>)
      %dma_wait3A_191 = arith.constant 0 : i32
      %dma_wait3A_192 = arith.constant 0 : i32
      %dma_wait3A_193 = tpu.memref_slice %arg10[%dma_wait3A_191, %dma_wait3A_192] : memref<80x128xf32, #tpu.memory_space<vmem>> -> memref<80x128xf32, #tpu.memory_space<vmem>>
      %dma_wait3A_194 = arith.constant 0 : i32
      %dma_wait3A_195 = tpu.memref_slice %arg7[%add3A_165, %dma_wait3A_194] : memref<10112x128xf32, #tpu.memory_space<vmem_shared>> -> memref<80x128xf32, #tpu.memory_space<vmem_shared>>
      %dma_wait3A_196 = arith.constant 0 : i32
      %dma_wait3A_197 = arith.constant 0 : i32
      %dma_wait3A_198 = tpu.memref_slice %arg10[%dma_wait3A_196, %dma_wait3A_197] : memref<80x128xf32, #tpu.memory_space<vmem>> -> memref<80x128xf32, #tpu.memory_space<vmem>>
      %dma_wait3A_199 = arith.constant 0 : i32
      %dma_wait3A_200 = tpu.memref_slice %arg7[%add3A_165, %dma_wait3A_199] : memref<10112x128xf32, #tpu.memory_space<vmem_shared>> -> memref<80x128xf32, #tpu.memory_space<vmem_shared>>
      tpu.wait_dma2 semaphore(%run_scoped3A_180 : memref<!tpu.dma_semaphore, #tpu.memory_space<semaphore_mem>>) src(%dma_wait3A_200 : memref<80x128xf32, #tpu.memory_space<vmem_shared>>) dst(%dma_wait3A_198 : memref<80x128xf32, #tpu.memory_space<vmem>>)
      tpu.yield
    }) : () -> ()
    %add3A_166 = arith.constant 320 : i32
    %add3A_167 = arith.addi %mul3A_2, %add3A_166 : i32
    "tpu.region"() ({
      %run_scoped3A_180 = tpu.sem_alloc : memref<!tpu.dma_semaphore, #tpu.memory_space<semaphore_mem>>
      %dma_start3A_181 = arith.constant 0 : i32
      %dma_start3A_182 = arith.constant 0 : i32
      %dma_start3A_183 = tpu.memref_slice %arg10[%dma_start3A_181, %dma_start3A_182] : memref<80x128xf32, #tpu.memory_space<vmem>> -> memref<80x128xf32, #tpu.memory_space<vmem>>
      %dma_start3A_184 = arith.constant 0 : i32
      %dma_start3A_185 = tpu.memref_slice %arg6[%arg0, %add3A_167, %dma_start3A_184] : memref<2x10112x128xf32, #tpu.memory_space<hbm>> -> memref<1x80x128xf32, #tpu.memory_space<hbm>>
      %dma_start3A_186 = tpu.memref_squeeze %dma_start3A_185 : memref<1x80x128xf32, #tpu.memory_space<hbm>> -> memref<80x128xf32, #tpu.memory_space<hbm>>
      %dma_start3A_187 = arith.constant 0 : i32
      %dma_start3A_188 = tpu.memref_slice %arg6[%arg0, %add3A_167, %dma_start3A_187] : memref<2x10112x128xf32, #tpu.memory_space<hbm>> -> memref<1x80x128xf32, #tpu.memory_space<hbm>>
      %dma_start3A_189 = tpu.memref_squeeze %dma_start3A_188 : memref<1x80x128xf32, #tpu.memory_space<hbm>> -> memref<80x128xf32, #tpu.memory_space<hbm>>
      %dma_start3A_190 = arith.constant 0 : i32
      %dma_start3A_191 = arith.constant 0 : i32
      %dma_start3A_192 = tpu.memref_slice %arg10[%dma_start3A_190, %dma_start3A_191] : memref<80x128xf32, #tpu.memory_space<vmem>> -> memref<80x128xf32, #tpu.memory_space<vmem>>
      tpu.enqueue_dma source(%dma_start3A_192 : memref<80x128xf32, #tpu.memory_space<vmem>>) target(%dma_start3A_189 : memref<80x128xf32, #tpu.memory_space<hbm>>) target_semaphore(%run_scoped3A_180 : memref<!tpu.dma_semaphore, #tpu.memory_space<semaphore_mem>>)
      %dma_wait3A_193 = arith.constant 0 : i32
      %dma_wait3A_194 = arith.constant 0 : i32
      %dma_wait3A_195 = tpu.memref_slice %arg10[%dma_wait3A_193, %dma_wait3A_194] : memref<80x128xf32, #tpu.memory_space<vmem>> -> memref<80x128xf32, #tpu.memory_space<vmem>>
      %dma_wait3A_196 = arith.constant 0 : i32
      %dma_wait3A_197 = tpu.memref_slice %arg6[%arg0, %add3A_167, %dma_wait3A_196] : memref<2x10112x128xf32, #tpu.memory_space<hbm>> -> memref<1x80x128xf32, #tpu.memory_space<hbm>>
      %dma_wait3A_198 = tpu.memref_squeeze %dma_wait3A_197 : memref<1x80x128xf32, #tpu.memory_space<hbm>> -> memref<80x128xf32, #tpu.memory_space<hbm>>
      %dma_wait3A_199 = arith.constant 0 : i32
      %dma_wait3A_200 = tpu.memref_slice %arg6[%arg0, %add3A_167, %dma_wait3A_199] : memref<2x10112x128xf32, #tpu.memory_space<hbm>> -> memref<1x80x128xf32, #tpu.memory_space<hbm>>
      %dma_wait3A_201 = tpu.memref_squeeze %dma_wait3A_200 : memref<1x80x128xf32, #tpu.memory_space<hbm>> -> memref<80x128xf32, #tpu.memory_space<hbm>>
      %dma_wait3A_202 = arith.constant 0 : i32
      %dma_wait3A_203 = arith.constant 0 : i32
      %dma_wait3A_204 = tpu.memref_slice %arg10[%dma_wait3A_202, %dma_wait3A_203] : memref<80x128xf32, #tpu.memory_space<vmem>> -> memref<80x128xf32, #tpu.memory_space<vmem>>
      tpu.wait_dma2 semaphore(%run_scoped3A_180 : memref<!tpu.dma_semaphore, #tpu.memory_space<semaphore_mem>>) src(%dma_wait3A_204 : memref<80x128xf32, #tpu.memory_space<vmem>>) dst(%dma_wait3A_201 : memref<80x128xf32, #tpu.memory_space<hbm>>)
      tpu.yield
    }) : () -> ()
    %add3A_168 = arith.constant 400 : i32
    %add3A_169 = arith.addi %mul3A_2, %add3A_168 : i32
    "tpu.region"() ({
      %run_scoped3A_180 = tpu.sem_alloc : memref<!tpu.dma_semaphore, #tpu.memory_space<semaphore_mem>>
      %dma_start3A_181 = arith.constant 0 : i32
      %dma_start3A_182 = arith.constant 0 : i32
      %dma_start3A_183 = tpu.memref_slice %arg10[%dma_start3A_181, %dma_start3A_182] : memref<80x128xf32, #tpu.memory_space<vmem>> -> memref<80x128xf32, #tpu.memory_space<vmem>>
      %dma_start3A_184 = arith.constant 0 : i32
      %dma_start3A_185 = tpu.memref_slice %arg7[%add3A_169, %dma_start3A_184] : memref<10112x128xf32, #tpu.memory_space<vmem_shared>> -> memref<80x128xf32, #tpu.memory_space<vmem_shared>>
      %dma_start3A_186 = arith.constant 0 : i32
      %dma_start3A_187 = arith.constant 0 : i32
      %dma_start3A_188 = tpu.memref_slice %arg10[%dma_start3A_186, %dma_start3A_187] : memref<80x128xf32, #tpu.memory_space<vmem>> -> memref<80x128xf32, #tpu.memory_space<vmem>>
      %dma_start3A_189 = arith.constant 0 : i32
      %dma_start3A_190 = tpu.memref_slice %arg7[%add3A_169, %dma_start3A_189] : memref<10112x128xf32, #tpu.memory_space<vmem_shared>> -> memref<80x128xf32, #tpu.memory_space<vmem_shared>>
      tpu.enqueue_dma source(%dma_start3A_190 : memref<80x128xf32, #tpu.memory_space<vmem_shared>>) target(%dma_start3A_188 : memref<80x128xf32, #tpu.memory_space<vmem>>) target_semaphore(%run_scoped3A_180 : memref<!tpu.dma_semaphore, #tpu.memory_space<semaphore_mem>>)
      %dma_wait3A_191 = arith.constant 0 : i32
      %dma_wait3A_192 = arith.constant 0 : i32
      %dma_wait3A_193 = tpu.memref_slice %arg10[%dma_wait3A_191, %dma_wait3A_192] : memref<80x128xf32, #tpu.memory_space<vmem>> -> memref<80x128xf32, #tpu.memory_space<vmem>>
      %dma_wait3A_194 = arith.constant 0 : i32
      %dma_wait3A_195 = tpu.memref_slice %arg7[%add3A_169, %dma_wait3A_194] : memref<10112x128xf32, #tpu.memory_space<vmem_shared>> -> memref<80x128xf32, #tpu.memory_space<vmem_shared>>
      %dma_wait3A_196 = arith.constant 0 : i32
      %dma_wait3A_197 = arith.constant 0 : i32
      %dma_wait3A_198 = tpu.memref_slice %arg10[%dma_wait3A_196, %dma_wait3A_197] : memref<80x128xf32, #tpu.memory_space<vmem>> -> memref<80x128xf32, #tpu.memory_space<vmem>>
      %dma_wait3A_199 = arith.constant 0 : i32
      %dma_wait3A_200 = tpu.memref_slice %arg7[%add3A_169, %dma_wait3A_199] : memref<10112x128xf32, #tpu.memory_space<vmem_shared>> -> memref<80x128xf32, #tpu.memory_space<vmem_shared>>
      tpu.wait_dma2 semaphore(%run_scoped3A_180 : memref<!tpu.dma_semaphore, #tpu.memory_space<semaphore_mem>>) src(%dma_wait3A_200 : memref<80x128xf32, #tpu.memory_space<vmem_shared>>) dst(%dma_wait3A_198 : memref<80x128xf32, #tpu.memory_space<vmem>>)
      tpu.yield
    }) : () -> ()
    %add3A_170 = arith.constant 400 : i32
    %add3A_171 = arith.addi %mul3A_2, %add3A_170 : i32
    "tpu.region"() ({
      %run_scoped3A_180 = tpu.sem_alloc : memref<!tpu.dma_semaphore, #tpu.memory_space<semaphore_mem>>
      %dma_start3A_181 = arith.constant 0 : i32
      %dma_start3A_182 = arith.constant 0 : i32
      %dma_start3A_183 = tpu.memref_slice %arg10[%dma_start3A_181, %dma_start3A_182] : memref<80x128xf32, #tpu.memory_space<vmem>> -> memref<80x128xf32, #tpu.memory_space<vmem>>
      %dma_start3A_184 = arith.constant 0 : i32
      %dma_start3A_185 = tpu.memref_slice %arg6[%arg0, %add3A_171, %dma_start3A_184] : memref<2x10112x128xf32, #tpu.memory_space<hbm>> -> memref<1x80x128xf32, #tpu.memory_space<hbm>>
      %dma_start3A_186 = tpu.memref_squeeze %dma_start3A_185 : memref<1x80x128xf32, #tpu.memory_space<hbm>> -> memref<80x128xf32, #tpu.memory_space<hbm>>
      %dma_start3A_187 = arith.constant 0 : i32
      %dma_start3A_188 = tpu.memref_slice %arg6[%arg0, %add3A_171, %dma_start3A_187] : memref<2x10112x128xf32, #tpu.memory_space<hbm>> -> memref<1x80x128xf32, #tpu.memory_space<hbm>>
      %dma_start3A_189 = tpu.memref_squeeze %dma_start3A_188 : memref<1x80x128xf32, #tpu.memory_space<hbm>> -> memref<80x128xf32, #tpu.memory_space<hbm>>
      %dma_start3A_190 = arith.constant 0 : i32
      %dma_start3A_191 = arith.constant 0 : i32
      %dma_start3A_192 = tpu.memref_slice %arg10[%dma_start3A_190, %dma_start3A_191] : memref<80x128xf32, #tpu.memory_space<vmem>> -> memref<80x128xf32, #tpu.memory_space<vmem>>
      tpu.enqueue_dma source(%dma_start3A_192 : memref<80x128xf32, #tpu.memory_space<vmem>>) target(%dma_start3A_189 : memref<80x128xf32, #tpu.memory_space<hbm>>) target_semaphore(%run_scoped3A_180 : memref<!tpu.dma_semaphore, #tpu.memory_space<semaphore_mem>>)
      %dma_wait3A_193 = arith.constant 0 : i32
      %dma_wait3A_194 = arith.constant 0 : i32
      %dma_wait3A_195 = tpu.memref_slice %arg10[%dma_wait3A_193, %dma_wait3A_194] : memref<80x128xf32, #tpu.memory_space<vmem>> -> memref<80x128xf32, #tpu.memory_space<vmem>>
      %dma_wait3A_196 = arith.constant 0 : i32
      %dma_wait3A_197 = tpu.memref_slice %arg6[%arg0, %add3A_171, %dma_wait3A_196] : memref<2x10112x128xf32, #tpu.memory_space<hbm>> -> memref<1x80x128xf32, #tpu.memory_space<hbm>>
      %dma_wait3A_198 = tpu.memref_squeeze %dma_wait3A_197 : memref<1x80x128xf32, #tpu.memory_space<hbm>> -> memref<80x128xf32, #tpu.memory_space<hbm>>
      %dma_wait3A_199 = arith.constant 0 : i32
      %dma_wait3A_200 = tpu.memref_slice %arg6[%arg0, %add3A_171, %dma_wait3A_199] : memref<2x10112x128xf32, #tpu.memory_space<hbm>> -> memref<1x80x128xf32, #tpu.memory_space<hbm>>
      %dma_wait3A_201 = tpu.memref_squeeze %dma_wait3A_200 : memref<1x80x128xf32, #tpu.memory_space<hbm>> -> memref<80x128xf32, #tpu.memory_space<hbm>>
      %dma_wait3A_202 = arith.constant 0 : i32
      %dma_wait3A_203 = arith.constant 0 : i32
      %dma_wait3A_204 = tpu.memref_slice %arg10[%dma_wait3A_202, %dma_wait3A_203] : memref<80x128xf32, #tpu.memory_space<vmem>> -> memref<80x128xf32, #tpu.memory_space<vmem>>
      tpu.wait_dma2 semaphore(%run_scoped3A_180 : memref<!tpu.dma_semaphore, #tpu.memory_space<semaphore_mem>>) src(%dma_wait3A_204 : memref<80x128xf32, #tpu.memory_space<vmem>>) dst(%dma_wait3A_201 : memref<80x128xf32, #tpu.memory_space<hbm>>)
      tpu.yield
    }) : () -> ()
    %add3A_172 = arith.constant 480 : i32
    %add3A_173 = arith.addi %mul3A_2, %add3A_172 : i32
    "tpu.region"() ({
      %run_scoped3A_180 = tpu.sem_alloc : memref<!tpu.dma_semaphore, #tpu.memory_space<semaphore_mem>>
      %dma_start3A_181 = arith.constant 0 : i32
      %dma_start3A_182 = arith.constant 0 : i32
      %dma_start3A_183 = tpu.memref_slice %arg10[%dma_start3A_181, %dma_start3A_182] : memref<80x128xf32, #tpu.memory_space<vmem>> -> memref<80x128xf32, #tpu.memory_space<vmem>>
      %dma_start3A_184 = arith.constant 0 : i32
      %dma_start3A_185 = tpu.memref_slice %arg7[%add3A_173, %dma_start3A_184] : memref<10112x128xf32, #tpu.memory_space<vmem_shared>> -> memref<80x128xf32, #tpu.memory_space<vmem_shared>>
      %dma_start3A_186 = arith.constant 0 : i32
      %dma_start3A_187 = arith.constant 0 : i32
      %dma_start3A_188 = tpu.memref_slice %arg10[%dma_start3A_186, %dma_start3A_187] : memref<80x128xf32, #tpu.memory_space<vmem>> -> memref<80x128xf32, #tpu.memory_space<vmem>>
      %dma_start3A_189 = arith.constant 0 : i32
      %dma_start3A_190 = tpu.memref_slice %arg7[%add3A_173, %dma_start3A_189] : memref<10112x128xf32, #tpu.memory_space<vmem_shared>> -> memref<80x128xf32, #tpu.memory_space<vmem_shared>>
      tpu.enqueue_dma source(%dma_start3A_190 : memref<80x128xf32, #tpu.memory_space<vmem_shared>>) target(%dma_start3A_188 : memref<80x128xf32, #tpu.memory_space<vmem>>) target_semaphore(%run_scoped3A_180 : memref<!tpu.dma_semaphore, #tpu.memory_space<semaphore_mem>>)
      %dma_wait3A_191 = arith.constant 0 : i32
      %dma_wait3A_192 = arith.constant 0 : i32
      %dma_wait3A_193 = tpu.memref_slice %arg10[%dma_wait3A_191, %dma_wait3A_192] : memref<80x128xf32, #tpu.memory_space<vmem>> -> memref<80x128xf32, #tpu.memory_space<vmem>>
      %dma_wait3A_194 = arith.constant 0 : i32
      %dma_wait3A_195 = tpu.memref_slice %arg7[%add3A_173, %dma_wait3A_194] : memref<10112x128xf32, #tpu.memory_space<vmem_shared>> -> memref<80x128xf32, #tpu.memory_space<vmem_shared>>
      %dma_wait3A_196 = arith.constant 0 : i32
      %dma_wait3A_197 = arith.constant 0 : i32
      %dma_wait3A_198 = tpu.memref_slice %arg10[%dma_wait3A_196, %dma_wait3A_197] : memref<80x128xf32, #tpu.memory_space<vmem>> -> memref<80x128xf32, #tpu.memory_space<vmem>>
      %dma_wait3A_199 = arith.constant 0 : i32
      %dma_wait3A_200 = tpu.memref_slice %arg7[%add3A_173, %dma_wait3A_199] : memref<10112x128xf32, #tpu.memory_space<vmem_shared>> -> memref<80x128xf32, #tpu.memory_space<vmem_shared>>
      tpu.wait_dma2 semaphore(%run_scoped3A_180 : memref<!tpu.dma_semaphore, #tpu.memory_space<semaphore_mem>>) src(%dma_wait3A_200 : memref<80x128xf32, #tpu.memory_space<vmem_shared>>) dst(%dma_wait3A_198 : memref<80x128xf32, #tpu.memory_space<vmem>>)
      tpu.yield
    }) : () -> ()
    %add3A_174 = arith.constant 480 : i32
    %add3A_175 = arith.addi %mul3A_2, %add3A_174 : i32
    "tpu.region"() ({
      %run_scoped3A_180 = tpu.sem_alloc : memref<!tpu.dma_semaphore, #tpu.memory_space<semaphore_mem>>
      %dma_start3A_181 = arith.constant 0 : i32
      %dma_start3A_182 = arith.constant 0 : i32
      %dma_start3A_183 = tpu.memref_slice %arg10[%dma_start3A_181, %dma_start3A_182] : memref<80x128xf32, #tpu.memory_space<vmem>> -> memref<80x128xf32, #tpu.memory_space<vmem>>
      %dma_start3A_184 = arith.constant 0 : i32
      %dma_start3A_185 = tpu.memref_slice %arg6[%arg0, %add3A_175, %dma_start3A_184] : memref<2x10112x128xf32, #tpu.memory_space<hbm>> -> memref<1x80x128xf32, #tpu.memory_space<hbm>>
      %dma_start3A_186 = tpu.memref_squeeze %dma_start3A_185 : memref<1x80x128xf32, #tpu.memory_space<hbm>> -> memref<80x128xf32, #tpu.memory_space<hbm>>
      %dma_start3A_187 = arith.constant 0 : i32
      %dma_start3A_188 = tpu.memref_slice %arg6[%arg0, %add3A_175, %dma_start3A_187] : memref<2x10112x128xf32, #tpu.memory_space<hbm>> -> memref<1x80x128xf32, #tpu.memory_space<hbm>>
      %dma_start3A_189 = tpu.memref_squeeze %dma_start3A_188 : memref<1x80x128xf32, #tpu.memory_space<hbm>> -> memref<80x128xf32, #tpu.memory_space<hbm>>
      %dma_start3A_190 = arith.constant 0 : i32
      %dma_start3A_191 = arith.constant 0 : i32
      %dma_start3A_192 = tpu.memref_slice %arg10[%dma_start3A_190, %dma_start3A_191] : memref<80x128xf32, #tpu.memory_space<vmem>> -> memref<80x128xf32, #tpu.memory_space<vmem>>
      tpu.enqueue_dma source(%dma_start3A_192 : memref<80x128xf32, #tpu.memory_space<vmem>>) target(%dma_start3A_189 : memref<80x128xf32, #tpu.memory_space<hbm>>) target_semaphore(%run_scoped3A_180 : memref<!tpu.dma_semaphore, #tpu.memory_space<semaphore_mem>>)
      %dma_wait3A_193 = arith.constant 0 : i32
      %dma_wait3A_194 = arith.constant 0 : i32
      %dma_wait3A_195 = tpu.memref_slice %arg10[%dma_wait3A_193, %dma_wait3A_194] : memref<80x128xf32, #tpu.memory_space<vmem>> -> memref<80x128xf32, #tpu.memory_space<vmem>>
      %dma_wait3A_196 = arith.constant 0 : i32
      %dma_wait3A_197 = tpu.memref_slice %arg6[%arg0, %add3A_175, %dma_wait3A_196] : memref<2x10112x128xf32, #tpu.memory_space<hbm>> -> memref<1x80x128xf32, #tpu.memory_space<hbm>>
      %dma_wait3A_198 = tpu.memref_squeeze %dma_wait3A_197 : memref<1x80x128xf32, #tpu.memory_space<hbm>> -> memref<80x128xf32, #tpu.memory_space<hbm>>
      %dma_wait3A_199 = arith.constant 0 : i32
      %dma_wait3A_200 = tpu.memref_slice %arg6[%arg0, %add3A_175, %dma_wait3A_199] : memref<2x10112x128xf32, #tpu.memory_space<hbm>> -> memref<1x80x128xf32, #tpu.memory_space<hbm>>
      %dma_wait3A_201 = tpu.memref_squeeze %dma_wait3A_200 : memref<1x80x128xf32, #tpu.memory_space<hbm>> -> memref<80x128xf32, #tpu.memory_space<hbm>>
      %dma_wait3A_202 = arith.constant 0 : i32
      %dma_wait3A_203 = arith.constant 0 : i32
      %dma_wait3A_204 = tpu.memref_slice %arg10[%dma_wait3A_202, %dma_wait3A_203] : memref<80x128xf32, #tpu.memory_space<vmem>> -> memref<80x128xf32, #tpu.memory_space<vmem>>
      tpu.wait_dma2 semaphore(%run_scoped3A_180 : memref<!tpu.dma_semaphore, #tpu.memory_space<semaphore_mem>>) src(%dma_wait3A_204 : memref<80x128xf32, #tpu.memory_space<vmem>>) dst(%dma_wait3A_201 : memref<80x128xf32, #tpu.memory_space<hbm>>)
      tpu.yield
    }) : () -> ()
    %add3A_176 = arith.constant 560 : i32
    %add3A_177 = arith.addi %mul3A_2, %add3A_176 : i32
    "tpu.region"() ({
      %run_scoped3A_180 = tpu.sem_alloc : memref<!tpu.dma_semaphore, #tpu.memory_space<semaphore_mem>>
      %dma_start3A_181 = arith.constant 0 : i32
      %dma_start3A_182 = arith.constant 0 : i32
      %dma_start3A_183 = tpu.memref_slice %arg10[%dma_start3A_181, %dma_start3A_182] : memref<80x128xf32, #tpu.memory_space<vmem>> -> memref<72x128xf32, #tpu.memory_space<vmem>>
      %dma_start3A_184 = arith.constant 0 : i32
      %dma_start3A_185 = tpu.memref_slice %arg7[%add3A_177, %dma_start3A_184] : memref<10112x128xf32, #tpu.memory_space<vmem_shared>> -> memref<72x128xf32, #tpu.memory_space<vmem_shared>>
      %dma_start3A_186 = arith.constant 0 : i32
      %dma_start3A_187 = arith.constant 0 : i32
      %dma_start3A_188 = tpu.memref_slice %arg10[%dma_start3A_186, %dma_start3A_187] : memref<80x128xf32, #tpu.memory_space<vmem>> -> memref<72x128xf32, #tpu.memory_space<vmem>>
      %dma_start3A_189 = arith.constant 0 : i32
      %dma_start3A_190 = tpu.memref_slice %arg7[%add3A_177, %dma_start3A_189] : memref<10112x128xf32, #tpu.memory_space<vmem_shared>> -> memref<72x128xf32, #tpu.memory_space<vmem_shared>>
      tpu.enqueue_dma source(%dma_start3A_190 : memref<72x128xf32, #tpu.memory_space<vmem_shared>>) target(%dma_start3A_188 : memref<72x128xf32, #tpu.memory_space<vmem>>) target_semaphore(%run_scoped3A_180 : memref<!tpu.dma_semaphore, #tpu.memory_space<semaphore_mem>>)
      %dma_wait3A_191 = arith.constant 0 : i32
      %dma_wait3A_192 = arith.constant 0 : i32
      %dma_wait3A_193 = tpu.memref_slice %arg10[%dma_wait3A_191, %dma_wait3A_192] : memref<80x128xf32, #tpu.memory_space<vmem>> -> memref<72x128xf32, #tpu.memory_space<vmem>>
      %dma_wait3A_194 = arith.constant 0 : i32
      %dma_wait3A_195 = tpu.memref_slice %arg7[%add3A_177, %dma_wait3A_194] : memref<10112x128xf32, #tpu.memory_space<vmem_shared>> -> memref<72x128xf32, #tpu.memory_space<vmem_shared>>
      %dma_wait3A_196 = arith.constant 0 : i32
      %dma_wait3A_197 = arith.constant 0 : i32
      %dma_wait3A_198 = tpu.memref_slice %arg10[%dma_wait3A_196, %dma_wait3A_197] : memref<80x128xf32, #tpu.memory_space<vmem>> -> memref<72x128xf32, #tpu.memory_space<vmem>>
      %dma_wait3A_199 = arith.constant 0 : i32
      %dma_wait3A_200 = tpu.memref_slice %arg7[%add3A_177, %dma_wait3A_199] : memref<10112x128xf32, #tpu.memory_space<vmem_shared>> -> memref<72x128xf32, #tpu.memory_space<vmem_shared>>
      tpu.wait_dma2 semaphore(%run_scoped3A_180 : memref<!tpu.dma_semaphore, #tpu.memory_space<semaphore_mem>>) src(%dma_wait3A_200 : memref<72x128xf32, #tpu.memory_space<vmem_shared>>) dst(%dma_wait3A_198 : memref<72x128xf32, #tpu.memory_space<vmem>>)
      tpu.yield
    }) : () -> ()
    %add3A_178 = arith.constant 560 : i32
    %add3A_179 = arith.addi %mul3A_2, %add3A_178 : i32
    "tpu.region"() ({
      %run_scoped3A_180 = tpu.sem_alloc : memref<!tpu.dma_semaphore, #tpu.memory_space<semaphore_mem>>
      %dma_start3A_181 = arith.constant 0 : i32
      %dma_start3A_182 = arith.constant 0 : i32
      %dma_start3A_183 = tpu.memref_slice %arg10[%dma_start3A_181, %dma_start3A_182] : memref<80x128xf32, #tpu.memory_space<vmem>> -> memref<72x128xf32, #tpu.memory_space<vmem>>
      %dma_start3A_184 = arith.constant 0 : i32
      %dma_start3A_185 = tpu.memref_slice %arg6[%arg0, %add3A_179, %dma_start3A_184] : memref<2x10112x128xf32, #tpu.memory_space<hbm>> -> memref<1x72x128xf32, #tpu.memory_space<hbm>>
      %dma_start3A_186 = tpu.memref_squeeze %dma_start3A_185 : memref<1x72x128xf32, #tpu.memory_space<hbm>> -> memref<72x128xf32, #tpu.memory_space<hbm>>
      %dma_start3A_187 = arith.constant 0 : i32
      %dma_start3A_188 = tpu.memref_slice %arg6[%arg0, %add3A_179, %dma_start3A_187] : memref<2x10112x128xf32, #tpu.memory_space<hbm>> -> memref<1x72x128xf32, #tpu.memory_space<hbm>>
      %dma_start3A_189 = tpu.memref_squeeze %dma_start3A_188 : memref<1x72x128xf32, #tpu.memory_space<hbm>> -> memref<72x128xf32, #tpu.memory_space<hbm>>
      %dma_start3A_190 = arith.constant 0 : i32
      %dma_start3A_191 = arith.constant 0 : i32
      %dma_start3A_192 = tpu.memref_slice %arg10[%dma_start3A_190, %dma_start3A_191] : memref<80x128xf32, #tpu.memory_space<vmem>> -> memref<72x128xf32, #tpu.memory_space<vmem>>
      tpu.enqueue_dma source(%dma_start3A_192 : memref<72x128xf32, #tpu.memory_space<vmem>>) target(%dma_start3A_189 : memref<72x128xf32, #tpu.memory_space<hbm>>) target_semaphore(%run_scoped3A_180 : memref<!tpu.dma_semaphore, #tpu.memory_space<semaphore_mem>>)
      %dma_wait3A_193 = arith.constant 0 : i32
      %dma_wait3A_194 = arith.constant 0 : i32
      %dma_wait3A_195 = tpu.memref_slice %arg10[%dma_wait3A_193, %dma_wait3A_194] : memref<80x128xf32, #tpu.memory_space<vmem>> -> memref<72x128xf32, #tpu.memory_space<vmem>>
      %dma_wait3A_196 = arith.constant 0 : i32
      %dma_wait3A_197 = tpu.memref_slice %arg6[%arg0, %add3A_179, %dma_wait3A_196] : memref<2x10112x128xf32, #tpu.memory_space<hbm>> -> memref<1x72x128xf32, #tpu.memory_space<hbm>>
      %dma_wait3A_198 = tpu.memref_squeeze %dma_wait3A_197 : memref<1x72x128xf32, #tpu.memory_space<hbm>> -> memref<72x128xf32, #tpu.memory_space<hbm>>
      %dma_wait3A_199 = arith.constant 0 : i32
      %dma_wait3A_200 = tpu.memref_slice %arg6[%arg0, %add3A_179, %dma_wait3A_199] : memref<2x10112x128xf32, #tpu.memory_space<hbm>> -> memref<1x72x128xf32, #tpu.memory_space<hbm>>
      %dma_wait3A_201 = tpu.memref_squeeze %dma_wait3A_200 : memref<1x72x128xf32, #tpu.memory_space<hbm>> -> memref<72x128xf32, #tpu.memory_space<hbm>>
      %dma_wait3A_202 = arith.constant 0 : i32
      %dma_wait3A_203 = arith.constant 0 : i32
      %dma_wait3A_204 = tpu.memref_slice %arg10[%dma_wait3A_202, %dma_wait3A_203] : memref<80x128xf32, #tpu.memory_space<vmem>> -> memref<72x128xf32, #tpu.memory_space<vmem>>
      tpu.wait_dma2 semaphore(%run_scoped3A_180 : memref<!tpu.dma_semaphore, #tpu.memory_space<semaphore_mem>>) src(%dma_wait3A_204 : memref<72x128xf32, #tpu.memory_space<vmem>>) dst(%dma_wait3A_201 : memref<72x128xf32, #tpu.memory_space<hbm>>)
      tpu.yield
    }) : () -> ()
    return
  }
}

#map = affine_map<(d0, d1) -> (0, 0)>
#map1 = affine_map<(d0, d1) -> (0, 0, 0)>
module attributes {stable_mosaic.version = 14 : i64} {
  func.func @_agg_body(%arg0: i32, %arg1: i32, %arg2: memref<10112x128xf32, #tpu.memory_space<hbm>>, %arg3: memref<32x125x80xi32, #tpu.memory_space<hbm>>, %arg4: memref<32x125x80xi32, #tpu.memory_space<hbm>>, %arg5: memref<80x128xf32, #tpu.memory_space<hbm>>, %arg6: memref<2x10112x128xf32, #tpu.memory_space<hbm>>, %arg7: memref<10112x128xf32, #tpu.memory_space<vmem_shared>>, %arg8: memref<64x80xi32, #tpu.memory_space<vmem>>, %arg9: memref<64x80xi32, #tpu.memory_space<vmem>>, %arg10: memref<80x128xf32, #tpu.memory_space<vmem>>, %arg11: memref<80x128xf32, #tpu.memory_space<vmem>>, %arg12: memref<80x128xf32, #tpu.memory_space<vmem>>, %arg13: memref<!tpu.dma_semaphore, #tpu.memory_space<semaphore_mem>>, %arg14: memref<!tpu.dma_semaphore, #tpu.memory_space<semaphore_mem>>, %arg15: memref<!tpu.dma_semaphore, #tpu.memory_space<semaphore_mem>>) attributes {dimension_semantics = [#tpu.dimension_semantics<core_parallel>, #tpu.dimension_semantics<subcore_parallel>], iteration_bounds = array<i64: 2, 16>, scalar_prefetch = 0 : i64, scratch_operands = 9 : i64, tpu.core_type = #tpu.core_type<sc_vector_subcore>, window_params = [{transform_indices = #map}, {transform_indices = #map1}, {transform_indices = #map1}, {transform_indices = #map}, {transform_indices = #map1}]} {
    %mul3A = arith.constant 16 : i32
    %mul3A_0 = arith.muli %arg0, %mul3A : i32
    %add3A = arith.addi %mul3A_0, %arg1 : i32
    %mul3A_1 = arith.constant 632 : i32
    %mul3A_2 = arith.muli %arg1, %mul3A_1 : i32
    "tpu.region"() ({
      %run_scoped3A_180 = tpu.sem_alloc : memref<!tpu.dma_semaphore, #tpu.memory_space<semaphore_mem>>
      tpu.enqueue_dma source(%arg5 : memref<80x128xf32, #tpu.memory_space<hbm>>) target(%arg10 : memref<80x128xf32, #tpu.memory_space<vmem>>) target_semaphore(%run_scoped3A_180 : memref<!tpu.dma_semaphore, #tpu.memory_space<semaphore_mem>>)
      tpu.wait_dma2 semaphore(%run_scoped3A_180 : memref<!tpu.dma_semaphore, #tpu.memory_space<semaphore_mem>>) src(%arg5 : memref<80x128xf32, #tpu.memory_space<hbm>>) dst(%arg10 : memref<80x128xf32, #tpu.memory_space<vmem>>)
      tpu.yield
    }) : () -> ()
    %add3A_3 = arith.constant 0 : i32
    %add3A_4 = arith.addi %mul3A_2, %add3A_3 : i32
    "tpu.region"() ({
      %run_scoped3A_180 = tpu.sem_alloc : memref<!tpu.dma_semaphore, #tpu.memory_space<semaphore_mem>>
      %dma_start3A_181 = arith.constant 0 : i32
      %dma_start3A_182 = arith.constant 0 : i32
      %dma_start3A_183 = tpu.memref_slice %arg10[%dma_start3A_181, %dma_start3A_182] : memref<80x128xf32, #tpu.memory_space<vmem>> -> memref<80x128xf32, #tpu.memory_space<vmem>>
      %dma_start3A_184 = arith.constant 0 : i32
      %dma_start3A_185 = tpu.memref_slice %arg7[%add3A_4, %dma_start3A_184] : memref<10112x128xf32, #tpu.memory_space<vmem_shared>> -> memref<80x128xf32, #tpu.memory_space<vmem_shared>>
      %dma_start3A_186 = arith.constant 0 : i32
      %dma_start3A_187 = tpu.memref_slice %arg7[%add3A_4, %dma_start3A_186] : memref<10112x128xf32, #tpu.memory_space<vmem_shared>> -> memref<80x128xf32, #tpu.memory_space<vmem_shared>>
      %dma_start3A_188 = arith.constant 0 : i32
      %dma_start3A_189 = arith.constant 0 : i32
      %dma_start3A_190 = tpu.memref_slice %arg10[%dma_start3A_188, %dma_start3A_189] : memref<80x128xf32, #tpu.memory_space<vmem>> -> memref<80x128xf32, #tpu.memory_space<vmem>>
      tpu.enqueue_dma source(%dma_start3A_190 : memref<80x128xf32, #tpu.memory_space<vmem>>) target(%dma_start3A_187 : memref<80x128xf32, #tpu.memory_space<vmem_shared>>) target_semaphore(%run_scoped3A_180 : memref<!tpu.dma_semaphore, #tpu.memory_space<semaphore_mem>>)
      %dma_wait3A_191 = arith.constant 0 : i32
      %dma_wait3A_192 = arith.constant 0 : i32
      %dma_wait3A_193 = tpu.memref_slice %arg10[%dma_wait3A_191, %dma_wait3A_192] : memref<80x128xf32, #tpu.memory_space<vmem>> -> memref<80x128xf32, #tpu.memory_space<vmem>>
      %dma_wait3A_194 = arith.constant 0 : i32
      %dma_wait3A_195 = tpu.memref_slice %arg7[%add3A_4, %dma_wait3A_194] : memref<10112x128xf32, #tpu.memory_space<vmem_shared>> -> memref<80x128xf32, #tpu.memory_space<vmem_shared>>
      %dma_wait3A_196 = arith.constant 0 : i32
      %dma_wait3A_197 = tpu.memref_slice %arg7[%add3A_4, %dma_wait3A_196] : memref<10112x128xf32, #tpu.memory_space<vmem_shared>> -> memref<80x128xf32, #tpu.memory_space<vmem_shared>>
      %dma_wait3A_198 = arith.constant 0 : i32
      %dma_wait3A_199 = arith.constant 0 : i32
      %dma_wait3A_200 = tpu.memref_slice %arg10[%dma_wait3A_198, %dma_wait3A_199] : memref<80x128xf32, #tpu.memory_space<vmem>> -> memref<80x128xf32, #tpu.memory_space<vmem>>
      tpu.wait_dma2 semaphore(%run_scoped3A_180 : memref<!tpu.dma_semaphore, #tpu.memory_space<semaphore_mem>>) src(%dma_wait3A_200 : memref<80x128xf32, #tpu.memory_space<vmem>>) dst(%dma_wait3A_197 : memref<80x128xf32, #tpu.memory_space<vmem_shared>>)
      tpu.yield
    }) : () -> ()
    %add3A_5 = arith.constant 80 : i32
    %add3A_6 = arith.addi %mul3A_2, %add3A_5 : i32
    "tpu.region"() ({
      %run_scoped3A_180 = tpu.sem_alloc : memref<!tpu.dma_semaphore, #tpu.memory_space<semaphore_mem>>
      %dma_start3A_181 = arith.constant 0 : i32
      %dma_start3A_182 = arith.constant 0 : i32
      %dma_start3A_183 = tpu.memref_slice %arg10[%dma_start3A_181, %dma_start3A_182] : memref<80x128xf32, #tpu.memory_space<vmem>> -> memref<80x128xf32, #tpu.memory_space<vmem>>
      %dma_start3A_184 = arith.constant 0 : i32
      %dma_start3A_185 = tpu.memref_slice %arg7[%add3A_6, %dma_start3A_184] : memref<10112x128xf32, #tpu.memory_space<vmem_shared>> -> memref<80x128xf32, #tpu.memory_space<vmem_shared>>
      %dma_start3A_186 = arith.constant 0 : i32
      %dma_start3A_187 = tpu.memref_slice %arg7[%add3A_6, %dma_start3A_186] : memref<10112x128xf32, #tpu.memory_space<vmem_shared>> -> memref<80x128xf32, #tpu.memory_space<vmem_shared>>
      %dma_start3A_188 = arith.constant 0 : i32
      %dma_start3A_189 = arith.constant 0 : i32
      %dma_start3A_190 = tpu.memref_slice %arg10[%dma_start3A_188, %dma_start3A_189] : memref<80x128xf32, #tpu.memory_space<vmem>> -> memref<80x128xf32, #tpu.memory_space<vmem>>
      tpu.enqueue_dma source(%dma_start3A_190 : memref<80x128xf32, #tpu.memory_space<vmem>>) target(%dma_start3A_187 : memref<80x128xf32, #tpu.memory_space<vmem_shared>>) target_semaphore(%run_scoped3A_180 : memref<!tpu.dma_semaphore, #tpu.memory_space<semaphore_mem>>)
      %dma_wait3A_191 = arith.constant 0 : i32
      %dma_wait3A_192 = arith.constant 0 : i32
      %dma_wait3A_193 = tpu.memref_slice %arg10[%dma_wait3A_191, %dma_wait3A_192] : memref<80x128xf32, #tpu.memory_space<vmem>> -> memref<80x128xf32, #tpu.memory_space<vmem>>
      %dma_wait3A_194 = arith.constant 0 : i32
      %dma_wait3A_195 = tpu.memref_slice %arg7[%add3A_6, %dma_wait3A_194] : memref<10112x128xf32, #tpu.memory_space<vmem_shared>> -> memref<80x128xf32, #tpu.memory_space<vmem_shared>>
      %dma_wait3A_196 = arith.constant 0 : i32
      %dma_wait3A_197 = tpu.memref_slice %arg7[%add3A_6, %dma_wait3A_196] : memref<10112x128xf32, #tpu.memory_space<vmem_shared>> -> memref<80x128xf32, #tpu.memory_space<vmem_shared>>
      %dma_wait3A_198 = arith.constant 0 : i32
      %dma_wait3A_199 = arith.constant 0 : i32
      %dma_wait3A_200 = tpu.memref_slice %arg10[%dma_wait3A_198, %dma_wait3A_199] : memref<80x128xf32, #tpu.memory_space<vmem>> -> memref<80x128xf32, #tpu.memory_space<vmem>>
      tpu.wait_dma2 semaphore(%run_scoped3A_180 : memref<!tpu.dma_semaphore, #tpu.memory_space<semaphore_mem>>) src(%dma_wait3A_200 : memref<80x128xf32, #tpu.memory_space<vmem>>) dst(%dma_wait3A_197 : memref<80x128xf32, #tpu.memory_space<vmem_shared>>)
      tpu.yield
    }) : () -> ()
    %add3A_7 = arith.constant 160 : i32
    %add3A_8 = arith.addi %mul3A_2, %add3A_7 : i32
    "tpu.region"() ({
      %run_scoped3A_180 = tpu.sem_alloc : memref<!tpu.dma_semaphore, #tpu.memory_space<semaphore_mem>>
      %dma_start3A_181 = arith.constant 0 : i32
      %dma_start3A_182 = arith.constant 0 : i32
      %dma_start3A_183 = tpu.memref_slice %arg10[%dma_start3A_181, %dma_start3A_182] : memref<80x128xf32, #tpu.memory_space<vmem>> -> memref<80x128xf32, #tpu.memory_space<vmem>>
      %dma_start3A_184 = arith.constant 0 : i32
      %dma_start3A_185 = tpu.memref_slice %arg7[%add3A_8, %dma_start3A_184] : memref<10112x128xf32, #tpu.memory_space<vmem_shared>> -> memref<80x128xf32, #tpu.memory_space<vmem_shared>>
      %dma_start3A_186 = arith.constant 0 : i32
      %dma_start3A_187 = tpu.memref_slice %arg7[%add3A_8, %dma_start3A_186] : memref<10112x128xf32, #tpu.memory_space<vmem_shared>> -> memref<80x128xf32, #tpu.memory_space<vmem_shared>>
      %dma_start3A_188 = arith.constant 0 : i32
      %dma_start3A_189 = arith.constant 0 : i32
      %dma_start3A_190 = tpu.memref_slice %arg10[%dma_start3A_188, %dma_start3A_189] : memref<80x128xf32, #tpu.memory_space<vmem>> -> memref<80x128xf32, #tpu.memory_space<vmem>>
      tpu.enqueue_dma source(%dma_start3A_190 : memref<80x128xf32, #tpu.memory_space<vmem>>) target(%dma_start3A_187 : memref<80x128xf32, #tpu.memory_space<vmem_shared>>) target_semaphore(%run_scoped3A_180 : memref<!tpu.dma_semaphore, #tpu.memory_space<semaphore_mem>>)
      %dma_wait3A_191 = arith.constant 0 : i32
      %dma_wait3A_192 = arith.constant 0 : i32
      %dma_wait3A_193 = tpu.memref_slice %arg10[%dma_wait3A_191, %dma_wait3A_192] : memref<80x128xf32, #tpu.memory_space<vmem>> -> memref<80x128xf32, #tpu.memory_space<vmem>>
      %dma_wait3A_194 = arith.constant 0 : i32
      %dma_wait3A_195 = tpu.memref_slice %arg7[%add3A_8, %dma_wait3A_194] : memref<10112x128xf32, #tpu.memory_space<vmem_shared>> -> memref<80x128xf32, #tpu.memory_space<vmem_shared>>
      %dma_wait3A_196 = arith.constant 0 : i32
      %dma_wait3A_197 = tpu.memref_slice %arg7[%add3A_8, %dma_wait3A_196] : memref<10112x128xf32, #tpu.memory_space<vmem_shared>> -> memref<80x128xf32, #tpu.memory_space<vmem_shared>>
      %dma_wait3A_198 = arith.constant 0 : i32
      %dma_wait3A_199 = arith.constant 0 : i32
      %dma_wait3A_200 = tpu.memref_slice %arg10[%dma_wait3A_198, %dma_wait3A_199] : memref<80x128xf32, #tpu.memory_space<vmem>> -> memref<80x128xf32, #tpu.memory_space<vmem>>
      tpu.wait_dma2 semaphore(%run_scoped3A_180 : memref<!tpu.dma_semaphore, #tpu.memory_space<semaphore_mem>>) src(%dma_wait3A_200 : memref<80x128xf32, #tpu.memory_space<vmem>>) dst(%dma_wait3A_197 : memref<80x128xf32, #tpu.memory_space<vmem_shared>>)
      tpu.yield
    }) : () -> ()
    %add3A_9 = arith.constant 240 : i32
    %add3A_10 = arith.addi %mul3A_2, %add3A_9 : i32
    "tpu.region"() ({
      %run_scoped3A_180 = tpu.sem_alloc : memref<!tpu.dma_semaphore, #tpu.memory_space<semaphore_mem>>
      %dma_start3A_181 = arith.constant 0 : i32
      %dma_start3A_182 = arith.constant 0 : i32
      %dma_start3A_183 = tpu.memref_slice %arg10[%dma_start3A_181, %dma_start3A_182] : memref<80x128xf32, #tpu.memory_space<vmem>> -> memref<80x128xf32, #tpu.memory_space<vmem>>
      %dma_start3A_184 = arith.constant 0 : i32
      %dma_start3A_185 = tpu.memref_slice %arg7[%add3A_10, %dma_start3A_184] : memref<10112x128xf32, #tpu.memory_space<vmem_shared>> -> memref<80x128xf32, #tpu.memory_space<vmem_shared>>
      %dma_start3A_186 = arith.constant 0 : i32
      %dma_start3A_187 = tpu.memref_slice %arg7[%add3A_10, %dma_start3A_186] : memref<10112x128xf32, #tpu.memory_space<vmem_shared>> -> memref<80x128xf32, #tpu.memory_space<vmem_shared>>
      %dma_start3A_188 = arith.constant 0 : i32
      %dma_start3A_189 = arith.constant 0 : i32
      %dma_start3A_190 = tpu.memref_slice %arg10[%dma_start3A_188, %dma_start3A_189] : memref<80x128xf32, #tpu.memory_space<vmem>> -> memref<80x128xf32, #tpu.memory_space<vmem>>
      tpu.enqueue_dma source(%dma_start3A_190 : memref<80x128xf32, #tpu.memory_space<vmem>>) target(%dma_start3A_187 : memref<80x128xf32, #tpu.memory_space<vmem_shared>>) target_semaphore(%run_scoped3A_180 : memref<!tpu.dma_semaphore, #tpu.memory_space<semaphore_mem>>)
      %dma_wait3A_191 = arith.constant 0 : i32
      %dma_wait3A_192 = arith.constant 0 : i32
      %dma_wait3A_193 = tpu.memref_slice %arg10[%dma_wait3A_191, %dma_wait3A_192] : memref<80x128xf32, #tpu.memory_space<vmem>> -> memref<80x128xf32, #tpu.memory_space<vmem>>
      %dma_wait3A_194 = arith.constant 0 : i32
      %dma_wait3A_195 = tpu.memref_slice %arg7[%add3A_10, %dma_wait3A_194] : memref<10112x128xf32, #tpu.memory_space<vmem_shared>> -> memref<80x128xf32, #tpu.memory_space<vmem_shared>>
      %dma_wait3A_196 = arith.constant 0 : i32
      %dma_wait3A_197 = tpu.memref_slice %arg7[%add3A_10, %dma_wait3A_196] : memref<10112x128xf32, #tpu.memory_space<vmem_shared>> -> memref<80x128xf32, #tpu.memory_space<vmem_shared>>
      %dma_wait3A_198 = arith.constant 0 : i32
      %dma_wait3A_199 = arith.constant 0 : i32
      %dma_wait3A_200 = tpu.memref_slice %arg10[%dma_wait3A_198, %dma_wait3A_199] : memref<80x128xf32, #tpu.memory_space<vmem>> -> memref<80x128xf32, #tpu.memory_space<vmem>>
      tpu.wait_dma2 semaphore(%run_scoped3A_180 : memref<!tpu.dma_semaphore, #tpu.memory_space<semaphore_mem>>) src(%dma_wait3A_200 : memref<80x128xf32, #tpu.memory_space<vmem>>) dst(%dma_wait3A_197 : memref<80x128xf32, #tpu.memory_space<vmem_shared>>)
      tpu.yield
    }) : () -> ()
    %add3A_11 = arith.constant 320 : i32
    %add3A_12 = arith.addi %mul3A_2, %add3A_11 : i32
    "tpu.region"() ({
      %run_scoped3A_180 = tpu.sem_alloc : memref<!tpu.dma_semaphore, #tpu.memory_space<semaphore_mem>>
      %dma_start3A_181 = arith.constant 0 : i32
      %dma_start3A_182 = arith.constant 0 : i32
      %dma_start3A_183 = tpu.memref_slice %arg10[%dma_start3A_181, %dma_start3A_182] : memref<80x128xf32, #tpu.memory_space<vmem>> -> memref<80x128xf32, #tpu.memory_space<vmem>>
      %dma_start3A_184 = arith.constant 0 : i32
      %dma_start3A_185 = tpu.memref_slice %arg7[%add3A_12, %dma_start3A_184] : memref<10112x128xf32, #tpu.memory_space<vmem_shared>> -> memref<80x128xf32, #tpu.memory_space<vmem_shared>>
      %dma_start3A_186 = arith.constant 0 : i32
      %dma_start3A_187 = tpu.memref_slice %arg7[%add3A_12, %dma_start3A_186] : memref<10112x128xf32, #tpu.memory_space<vmem_shared>> -> memref<80x128xf32, #tpu.memory_space<vmem_shared>>
      %dma_start3A_188 = arith.constant 0 : i32
      %dma_start3A_189 = arith.constant 0 : i32
      %dma_start3A_190 = tpu.memref_slice %arg10[%dma_start3A_188, %dma_start3A_189] : memref<80x128xf32, #tpu.memory_space<vmem>> -> memref<80x128xf32, #tpu.memory_space<vmem>>
      tpu.enqueue_dma source(%dma_start3A_190 : memref<80x128xf32, #tpu.memory_space<vmem>>) target(%dma_start3A_187 : memref<80x128xf32, #tpu.memory_space<vmem_shared>>) target_semaphore(%run_scoped3A_180 : memref<!tpu.dma_semaphore, #tpu.memory_space<semaphore_mem>>)
      %dma_wait3A_191 = arith.constant 0 : i32
      %dma_wait3A_192 = arith.constant 0 : i32
      %dma_wait3A_193 = tpu.memref_slice %arg10[%dma_wait3A_191, %dma_wait3A_192] : memref<80x128xf32, #tpu.memory_space<vmem>> -> memref<80x128xf32, #tpu.memory_space<vmem>>
      %dma_wait3A_194 = arith.constant 0 : i32
      %dma_wait3A_195 = tpu.memref_slice %arg7[%add3A_12, %dma_wait3A_194] : memref<10112x128xf32, #tpu.memory_space<vmem_shared>> -> memref<80x128xf32, #tpu.memory_space<vmem_shared>>
      %dma_wait3A_196 = arith.constant 0 : i32
      %dma_wait3A_197 = tpu.memref_slice %arg7[%add3A_12, %dma_wait3A_196] : memref<10112x128xf32, #tpu.memory_space<vmem_shared>> -> memref<80x128xf32, #tpu.memory_space<vmem_shared>>
      %dma_wait3A_198 = arith.constant 0 : i32
      %dma_wait3A_199 = arith.constant 0 : i32
      %dma_wait3A_200 = tpu.memref_slice %arg10[%dma_wait3A_198, %dma_wait3A_199] : memref<80x128xf32, #tpu.memory_space<vmem>> -> memref<80x128xf32, #tpu.memory_space<vmem>>
      tpu.wait_dma2 semaphore(%run_scoped3A_180 : memref<!tpu.dma_semaphore, #tpu.memory_space<semaphore_mem>>) src(%dma_wait3A_200 : memref<80x128xf32, #tpu.memory_space<vmem>>) dst(%dma_wait3A_197 : memref<80x128xf32, #tpu.memory_space<vmem_shared>>)
      tpu.yield
    }) : () -> ()
    %add3A_13 = arith.constant 400 : i32
    %add3A_14 = arith.addi %mul3A_2, %add3A_13 : i32
    "tpu.region"() ({
      %run_scoped3A_180 = tpu.sem_alloc : memref<!tpu.dma_semaphore, #tpu.memory_space<semaphore_mem>>
      %dma_start3A_181 = arith.constant 0 : i32
      %dma_start3A_182 = arith.constant 0 : i32
      %dma_start3A_183 = tpu.memref_slice %arg10[%dma_start3A_181, %dma_start3A_182] : memref<80x128xf32, #tpu.memory_space<vmem>> -> memref<80x128xf32, #tpu.memory_space<vmem>>
      %dma_start3A_184 = arith.constant 0 : i32
      %dma_start3A_185 = tpu.memref_slice %arg7[%add3A_14, %dma_start3A_184] : memref<10112x128xf32, #tpu.memory_space<vmem_shared>> -> memref<80x128xf32, #tpu.memory_space<vmem_shared>>
      %dma_start3A_186 = arith.constant 0 : i32
      %dma_start3A_187 = tpu.memref_slice %arg7[%add3A_14, %dma_start3A_186] : memref<10112x128xf32, #tpu.memory_space<vmem_shared>> -> memref<80x128xf32, #tpu.memory_space<vmem_shared>>
      %dma_start3A_188 = arith.constant 0 : i32
      %dma_start3A_189 = arith.constant 0 : i32
      %dma_start3A_190 = tpu.memref_slice %arg10[%dma_start3A_188, %dma_start3A_189] : memref<80x128xf32, #tpu.memory_space<vmem>> -> memref<80x128xf32, #tpu.memory_space<vmem>>
      tpu.enqueue_dma source(%dma_start3A_190 : memref<80x128xf32, #tpu.memory_space<vmem>>) target(%dma_start3A_187 : memref<80x128xf32, #tpu.memory_space<vmem_shared>>) target_semaphore(%run_scoped3A_180 : memref<!tpu.dma_semaphore, #tpu.memory_space<semaphore_mem>>)
      %dma_wait3A_191 = arith.constant 0 : i32
      %dma_wait3A_192 = arith.constant 0 : i32
      %dma_wait3A_193 = tpu.memref_slice %arg10[%dma_wait3A_191, %dma_wait3A_192] : memref<80x128xf32, #tpu.memory_space<vmem>> -> memref<80x128xf32, #tpu.memory_space<vmem>>
      %dma_wait3A_194 = arith.constant 0 : i32
      %dma_wait3A_195 = tpu.memref_slice %arg7[%add3A_14, %dma_wait3A_194] : memref<10112x128xf32, #tpu.memory_space<vmem_shared>> -> memref<80x128xf32, #tpu.memory_space<vmem_shared>>
      %dma_wait3A_196 = arith.constant 0 : i32
      %dma_wait3A_197 = tpu.memref_slice %arg7[%add3A_14, %dma_wait3A_196] : memref<10112x128xf32, #tpu.memory_space<vmem_shared>> -> memref<80x128xf32, #tpu.memory_space<vmem_shared>>
      %dma_wait3A_198 = arith.constant 0 : i32
      %dma_wait3A_199 = arith.constant 0 : i32
      %dma_wait3A_200 = tpu.memref_slice %arg10[%dma_wait3A_198, %dma_wait3A_199] : memref<80x128xf32, #tpu.memory_space<vmem>> -> memref<80x128xf32, #tpu.memory_space<vmem>>
      tpu.wait_dma2 semaphore(%run_scoped3A_180 : memref<!tpu.dma_semaphore, #tpu.memory_space<semaphore_mem>>) src(%dma_wait3A_200 : memref<80x128xf32, #tpu.memory_space<vmem>>) dst(%dma_wait3A_197 : memref<80x128xf32, #tpu.memory_space<vmem_shared>>)
      tpu.yield
    }) : () -> ()
    %add3A_15 = arith.constant 480 : i32
    %add3A_16 = arith.addi %mul3A_2, %add3A_15 : i32
    "tpu.region"() ({
      %run_scoped3A_180 = tpu.sem_alloc : memref<!tpu.dma_semaphore, #tpu.memory_space<semaphore_mem>>
      %dma_start3A_181 = arith.constant 0 : i32
      %dma_start3A_182 = arith.constant 0 : i32
      %dma_start3A_183 = tpu.memref_slice %arg10[%dma_start3A_181, %dma_start3A_182] : memref<80x128xf32, #tpu.memory_space<vmem>> -> memref<80x128xf32, #tpu.memory_space<vmem>>
      %dma_start3A_184 = arith.constant 0 : i32
      %dma_start3A_185 = tpu.memref_slice %arg7[%add3A_16, %dma_start3A_184] : memref<10112x128xf32, #tpu.memory_space<vmem_shared>> -> memref<80x128xf32, #tpu.memory_space<vmem_shared>>
      %dma_start3A_186 = arith.constant 0 : i32
      %dma_start3A_187 = tpu.memref_slice %arg7[%add3A_16, %dma_start3A_186] : memref<10112x128xf32, #tpu.memory_space<vmem_shared>> -> memref<80x128xf32, #tpu.memory_space<vmem_shared>>
      %dma_start3A_188 = arith.constant 0 : i32
      %dma_start3A_189 = arith.constant 0 : i32
      %dma_start3A_190 = tpu.memref_slice %arg10[%dma_start3A_188, %dma_start3A_189] : memref<80x128xf32, #tpu.memory_space<vmem>> -> memref<80x128xf32, #tpu.memory_space<vmem>>
      tpu.enqueue_dma source(%dma_start3A_190 : memref<80x128xf32, #tpu.memory_space<vmem>>) target(%dma_start3A_187 : memref<80x128xf32, #tpu.memory_space<vmem_shared>>) target_semaphore(%run_scoped3A_180 : memref<!tpu.dma_semaphore, #tpu.memory_space<semaphore_mem>>)
      %dma_wait3A_191 = arith.constant 0 : i32
      %dma_wait3A_192 = arith.constant 0 : i32
      %dma_wait3A_193 = tpu.memref_slice %arg10[%dma_wait3A_191, %dma_wait3A_192] : memref<80x128xf32, #tpu.memory_space<vmem>> -> memref<80x128xf32, #tpu.memory_space<vmem>>
      %dma_wait3A_194 = arith.constant 0 : i32
      %dma_wait3A_195 = tpu.memref_slice %arg7[%add3A_16, %dma_wait3A_194] : memref<10112x128xf32, #tpu.memory_space<vmem_shared>> -> memref<80x128xf32, #tpu.memory_space<vmem_shared>>
      %dma_wait3A_196 = arith.constant 0 : i32
      %dma_wait3A_197 = tpu.memref_slice %arg7[%add3A_16, %dma_wait3A_196] : memref<10112x128xf32, #tpu.memory_space<vmem_shared>> -> memref<80x128xf32, #tpu.memory_space<vmem_shared>>
      %dma_wait3A_198 = arith.constant 0 : i32
      %dma_wait3A_199 = arith.constant 0 : i32
      %dma_wait3A_200 = tpu.memref_slice %arg10[%dma_wait3A_198, %dma_wait3A_199] : memref<80x128xf32, #tpu.memory_space<vmem>> -> memref<80x128xf32, #tpu.memory_space<vmem>>
      tpu.wait_dma2 semaphore(%run_scoped3A_180 : memref<!tpu.dma_semaphore, #tpu.memory_space<semaphore_mem>>) src(%dma_wait3A_200 : memref<80x128xf32, #tpu.memory_space<vmem>>) dst(%dma_wait3A_197 : memref<80x128xf32, #tpu.memory_space<vmem_shared>>)
      tpu.yield
    }) : () -> ()
    %add3A_17 = arith.constant 560 : i32
    %add3A_18 = arith.addi %mul3A_2, %add3A_17 : i32
    "tpu.region"() ({
      %run_scoped3A_180 = tpu.sem_alloc : memref<!tpu.dma_semaphore, #tpu.memory_space<semaphore_mem>>
      %dma_start3A_181 = arith.constant 0 : i32
      %dma_start3A_182 = arith.constant 0 : i32
      %dma_start3A_183 = tpu.memref_slice %arg10[%dma_start3A_181, %dma_start3A_182] : memref<80x128xf32, #tpu.memory_space<vmem>> -> memref<72x128xf32, #tpu.memory_space<vmem>>
      %dma_start3A_184 = arith.constant 0 : i32
      %dma_start3A_185 = tpu.memref_slice %arg7[%add3A_18, %dma_start3A_184] : memref<10112x128xf32, #tpu.memory_space<vmem_shared>> -> memref<72x128xf32, #tpu.memory_space<vmem_shared>>
      %dma_start3A_186 = arith.constant 0 : i32
      %dma_start3A_187 = tpu.memref_slice %arg7[%add3A_18, %dma_start3A_186] : memref<10112x128xf32, #tpu.memory_space<vmem_shared>> -> memref<72x128xf32, #tpu.memory_space<vmem_shared>>
      %dma_start3A_188 = arith.constant 0 : i32
      %dma_start3A_189 = arith.constant 0 : i32
      %dma_start3A_190 = tpu.memref_slice %arg10[%dma_start3A_188, %dma_start3A_189] : memref<80x128xf32, #tpu.memory_space<vmem>> -> memref<72x128xf32, #tpu.memory_space<vmem>>
      tpu.enqueue_dma source(%dma_start3A_190 : memref<72x128xf32, #tpu.memory_space<vmem>>) target(%dma_start3A_187 : memref<72x128xf32, #tpu.memory_space<vmem_shared>>) target_semaphore(%run_scoped3A_180 : memref<!tpu.dma_semaphore, #tpu.memory_space<semaphore_mem>>)
      %dma_wait3A_191 = arith.constant 0 : i32
      %dma_wait3A_192 = arith.constant 0 : i32
      %dma_wait3A_193 = tpu.memref_slice %arg10[%dma_wait3A_191, %dma_wait3A_192] : memref<80x128xf32, #tpu.memory_space<vmem>> -> memref<72x128xf32, #tpu.memory_space<vmem>>
      %dma_wait3A_194 = arith.constant 0 : i32
      %dma_wait3A_195 = tpu.memref_slice %arg7[%add3A_18, %dma_wait3A_194] : memref<10112x128xf32, #tpu.memory_space<vmem_shared>> -> memref<72x128xf32, #tpu.memory_space<vmem_shared>>
      %dma_wait3A_196 = arith.constant 0 : i32
      %dma_wait3A_197 = tpu.memref_slice %arg7[%add3A_18, %dma_wait3A_196] : memref<10112x128xf32, #tpu.memory_space<vmem_shared>> -> memref<72x128xf32, #tpu.memory_space<vmem_shared>>
      %dma_wait3A_198 = arith.constant 0 : i32
      %dma_wait3A_199 = arith.constant 0 : i32
      %dma_wait3A_200 = tpu.memref_slice %arg10[%dma_wait3A_198, %dma_wait3A_199] : memref<80x128xf32, #tpu.memory_space<vmem>> -> memref<72x128xf32, #tpu.memory_space<vmem>>
      tpu.wait_dma2 semaphore(%run_scoped3A_180 : memref<!tpu.dma_semaphore, #tpu.memory_space<semaphore_mem>>) src(%dma_wait3A_200 : memref<72x128xf32, #tpu.memory_space<vmem>>) dst(%dma_wait3A_197 : memref<72x128xf32, #tpu.memory_space<vmem_shared>>)
      tpu.yield
    }) : () -> ()
    %barrier3A = arith.constant 0 : index
    tpu.barrier barrier_id(%barrier3A)
    "tpu.region"() ({
      %run_scoped3A_180 = tpu.sem_alloc : memref<!tpu.dma_semaphore, #tpu.memory_space<semaphore_mem>>
      %dma_start3A_181 = arith.constant 0 : i32
      %dma_start3A_182 = arith.constant 0 : i32
      %dma_start3A_183 = tpu.memref_slice %arg8[%dma_start3A_181, %dma_start3A_182] : memref<64x80xi32, #tpu.memory_space<vmem>> -> memref<64x80xi32, #tpu.memory_space<vmem>>
      %dma_start3A_184 = arith.constant 0 : i32
      %dma_start3A_185 = arith.constant 0 : i32
      %dma_start3A_186 = tpu.memref_slice %arg3[%add3A, %dma_start3A_184, %dma_start3A_185] : memref<32x125x80xi32, #tpu.memory_space<hbm>> -> memref<1x64x80xi32, #tpu.memory_space<hbm>>
      %dma_start3A_187 = tpu.memref_squeeze %dma_start3A_186 : memref<1x64x80xi32, #tpu.memory_space<hbm>> -> memref<64x80xi32, #tpu.memory_space<hbm>>
      %dma_start3A_188 = arith.constant 0 : i32
      %dma_start3A_189 = arith.constant 0 : i32
      %dma_start3A_190 = tpu.memref_slice %arg8[%dma_start3A_188, %dma_start3A_189] : memref<64x80xi32, #tpu.memory_space<vmem>> -> memref<64x80xi32, #tpu.memory_space<vmem>>
      %dma_start3A_191 = arith.constant 0 : i32
      %dma_start3A_192 = arith.constant 0 : i32
      %dma_start3A_193 = tpu.memref_slice %arg3[%add3A, %dma_start3A_191, %dma_start3A_192] : memref<32x125x80xi32, #tpu.memory_space<hbm>> -> memref<1x64x80xi32, #tpu.memory_space<hbm>>
      %dma_start3A_194 = tpu.memref_squeeze %dma_start3A_193 : memref<1x64x80xi32, #tpu.memory_space<hbm>> -> memref<64x80xi32, #tpu.memory_space<hbm>>
      tpu.enqueue_dma source(%dma_start3A_194 : memref<64x80xi32, #tpu.memory_space<hbm>>) target(%dma_start3A_190 : memref<64x80xi32, #tpu.memory_space<vmem>>) target_semaphore(%run_scoped3A_180 : memref<!tpu.dma_semaphore, #tpu.memory_space<semaphore_mem>>)
      %dma_wait3A_195 = arith.constant 0 : i32
      %dma_wait3A_196 = arith.constant 0 : i32
      %dma_wait3A_197 = tpu.memref_slice %arg8[%dma_wait3A_195, %dma_wait3A_196] : memref<64x80xi32, #tpu.memory_space<vmem>> -> memref<64x80xi32, #tpu.memory_space<vmem>>
      %dma_wait3A_198 = arith.constant 0 : i32
      %dma_wait3A_199 = arith.constant 0 : i32
      %dma_wait3A_200 = tpu.memref_slice %arg3[%add3A, %dma_wait3A_198, %dma_wait3A_199] : memref<32x125x80xi32, #tpu.memory_space<hbm>> -> memref<1x64x80xi32, #tpu.memory_space<hbm>>
      %dma_wait3A_201 = tpu.memref_squeeze %dma_wait3A_200 : memref<1x64x80xi32, #tpu.memory_space<hbm>> -> memref<64x80xi32, #tpu.memory_space<hbm>>
      %dma_wait3A_202 = arith.constant 0 : i32
      %dma_wait3A_203 = arith.constant 0 : i32
      %dma_wait3A_204 = tpu.memref_slice %arg8[%dma_wait3A_202, %dma_wait3A_203] : memref<64x80xi32, #tpu.memory_space<vmem>> -> memref<64x80xi32, #tpu.memory_space<vmem>>
      %dma_wait3A_205 = arith.constant 0 : i32
      %dma_wait3A_206 = arith.constant 0 : i32
      %dma_wait3A_207 = tpu.memref_slice %arg3[%add3A, %dma_wait3A_205, %dma_wait3A_206] : memref<32x125x80xi32, #tpu.memory_space<hbm>> -> memref<1x64x80xi32, #tpu.memory_space<hbm>>
      %dma_wait3A_208 = tpu.memref_squeeze %dma_wait3A_207 : memref<1x64x80xi32, #tpu.memory_space<hbm>> -> memref<64x80xi32, #tpu.memory_space<hbm>>
      tpu.wait_dma2 semaphore(%run_scoped3A_180 : memref<!tpu.dma_semaphore, #tpu.memory_space<semaphore_mem>>) src(%dma_wait3A_208 : memref<64x80xi32, #tpu.memory_space<hbm>>) dst(%dma_wait3A_204 : memref<64x80xi32, #tpu.memory_space<vmem>>)
      tpu.yield
    }) : () -> ()
    "tpu.region"() ({
      %run_scoped3A_180 = tpu.sem_alloc : memref<!tpu.dma_semaphore, #tpu.memory_space<semaphore_mem>>
      %dma_start3A_181 = arith.constant 0 : i32
      %dma_start3A_182 = arith.constant 0 : i32
      %dma_start3A_183 = tpu.memref_slice %arg9[%dma_start3A_181, %dma_start3A_182] : memref<64x80xi32, #tpu.memory_space<vmem>> -> memref<64x80xi32, #tpu.memory_space<vmem>>
      %dma_start3A_184 = arith.constant 0 : i32
      %dma_start3A_185 = arith.constant 0 : i32
      %dma_start3A_186 = tpu.memref_slice %arg4[%add3A, %dma_start3A_184, %dma_start3A_185] : memref<32x125x80xi32, #tpu.memory_space<hbm>> -> memref<1x64x80xi32, #tpu.memory_space<hbm>>
      %dma_start3A_187 = tpu.memref_squeeze %dma_start3A_186 : memref<1x64x80xi32, #tpu.memory_space<hbm>> -> memref<64x80xi32, #tpu.memory_space<hbm>>
      %dma_start3A_188 = arith.constant 0 : i32
      %dma_start3A_189 = arith.constant 0 : i32
      %dma_start3A_190 = tpu.memref_slice %arg9[%dma_start3A_188, %dma_start3A_189] : memref<64x80xi32, #tpu.memory_space<vmem>> -> memref<64x80xi32, #tpu.memory_space<vmem>>
      %dma_start3A_191 = arith.constant 0 : i32
      %dma_start3A_192 = arith.constant 0 : i32
      %dma_start3A_193 = tpu.memref_slice %arg4[%add3A, %dma_start3A_191, %dma_start3A_192] : memref<32x125x80xi32, #tpu.memory_space<hbm>> -> memref<1x64x80xi32, #tpu.memory_space<hbm>>
      %dma_start3A_194 = tpu.memref_squeeze %dma_start3A_193 : memref<1x64x80xi32, #tpu.memory_space<hbm>> -> memref<64x80xi32, #tpu.memory_space<hbm>>
      tpu.enqueue_dma source(%dma_start3A_194 : memref<64x80xi32, #tpu.memory_space<hbm>>) target(%dma_start3A_190 : memref<64x80xi32, #tpu.memory_space<vmem>>) target_semaphore(%run_scoped3A_180 : memref<!tpu.dma_semaphore, #tpu.memory_space<semaphore_mem>>)
      %dma_wait3A_195 = arith.constant 0 : i32
      %dma_wait3A_196 = arith.constant 0 : i32
      %dma_wait3A_197 = tpu.memref_slice %arg9[%dma_wait3A_195, %dma_wait3A_196] : memref<64x80xi32, #tpu.memory_space<vmem>> -> memref<64x80xi32, #tpu.memory_space<vmem>>
      %dma_wait3A_198 = arith.constant 0 : i32
      %dma_wait3A_199 = arith.constant 0 : i32
      %dma_wait3A_200 = tpu.memref_slice %arg4[%add3A, %dma_wait3A_198, %dma_wait3A_199] : memref<32x125x80xi32, #tpu.memory_space<hbm>> -> memref<1x64x80xi32, #tpu.memory_space<hbm>>
      %dma_wait3A_201 = tpu.memref_squeeze %dma_wait3A_200 : memref<1x64x80xi32, #tpu.memory_space<hbm>> -> memref<64x80xi32, #tpu.memory_space<hbm>>
      %dma_wait3A_202 = arith.constant 0 : i32
      %dma_wait3A_203 = arith.constant 0 : i32
      %dma_wait3A_204 = tpu.memref_slice %arg9[%dma_wait3A_202, %dma_wait3A_203] : memref<64x80xi32, #tpu.memory_space<vmem>> -> memref<64x80xi32, #tpu.memory_space<vmem>>
      %dma_wait3A_205 = arith.constant 0 : i32
      %dma_wait3A_206 = arith.constant 0 : i32
      %dma_wait3A_207 = tpu.memref_slice %arg4[%add3A, %dma_wait3A_205, %dma_wait3A_206] : memref<32x125x80xi32, #tpu.memory_space<hbm>> -> memref<1x64x80xi32, #tpu.memory_space<hbm>>
      %dma_wait3A_208 = tpu.memref_squeeze %dma_wait3A_207 : memref<1x64x80xi32, #tpu.memory_space<hbm>> -> memref<64x80xi32, #tpu.memory_space<hbm>>
      tpu.wait_dma2 semaphore(%run_scoped3A_180 : memref<!tpu.dma_semaphore, #tpu.memory_space<semaphore_mem>>) src(%dma_wait3A_208 : memref<64x80xi32, #tpu.memory_space<hbm>>) dst(%dma_wait3A_204 : memref<64x80xi32, #tpu.memory_space<vmem>>)
      tpu.yield
    }) : () -> ()
    %dma_start3A = arith.constant 0 : i32
    %dma_start3A_19 = arith.constant 0 : i32
    %dma_start3A_20 = tpu.memref_slice %arg8[%dma_start3A, %dma_start3A_19] : memref<64x80xi32, #tpu.memory_space<vmem>> -> memref<1x80xi32, #tpu.memory_space<vmem>>
    %dma_start3A_21 = tpu.memref_squeeze %dma_start3A_20 : memref<1x80xi32, #tpu.memory_space<vmem>> -> memref<80xi32, #tpu.memory_space<vmem>>
    %dma_start3A_22 = arith.constant 0 : i32
    %dma_start3A_23 = arith.constant 0 : i32
    %dma_start3A_24 = tpu.memref_slice %arg2[%dma_start3A_22, %dma_start3A_23] : memref<10112x128xf32, #tpu.memory_space<hbm>> -> memref<10112x128xf32, #tpu.memory_space<hbm>>
    tpu.enqueue_indirect_dma source(%dma_start3A_24 : memref<10112x128xf32, #tpu.memory_space<hbm>>) target(%arg10 : memref<80x128xf32, #tpu.memory_space<vmem>>) offsets(%dma_start3A_21 : memref<80xi32, #tpu.memory_space<vmem>>) semaphore(%arg13 : memref<!tpu.dma_semaphore, #tpu.memory_space<semaphore_mem>>)
    %dma_start3A_25 = arith.constant 1 : i32
    %dma_start3A_26 = arith.constant 0 : i32
    %dma_start3A_27 = tpu.memref_slice %arg8[%dma_start3A_25, %dma_start3A_26] : memref<64x80xi32, #tpu.memory_space<vmem>> -> memref<1x80xi32, #tpu.memory_space<vmem>>
    %dma_start3A_28 = tpu.memref_squeeze %dma_start3A_27 : memref<1x80xi32, #tpu.memory_space<vmem>> -> memref<80xi32, #tpu.memory_space<vmem>>
    %dma_start3A_29 = arith.constant 0 : i32
    %dma_start3A_30 = arith.constant 0 : i32
    %dma_start3A_31 = tpu.memref_slice %arg2[%dma_start3A_29, %dma_start3A_30] : memref<10112x128xf32, #tpu.memory_space<hbm>> -> memref<10112x128xf32, #tpu.memory_space<hbm>>
    tpu.enqueue_indirect_dma source(%dma_start3A_31 : memref<10112x128xf32, #tpu.memory_space<hbm>>) target(%arg11 : memref<80x128xf32, #tpu.memory_space<vmem>>) offsets(%dma_start3A_28 : memref<80xi32, #tpu.memory_space<vmem>>) semaphore(%arg14 : memref<!tpu.dma_semaphore, #tpu.memory_space<semaphore_mem>>)
    %scan3A = arith.constant 0 : i32
    %scan3A_32 = arith.constant 0 : i32
    %scan3A_33 = arith.constant 20 : i32
    %scan3A_34 = arith.addi %scan3A_32, %scan3A_33 : i32
    %scan3A_35 = arith.constant 1 : i32
    scf.for %scan3A_180 = %scan3A_32 to %scan3A_34 step %scan3A_35  : i32 {
      %mul3A_181 = arith.constant 3 : i32
      %mul3A_182 = arith.muli %mul3A_181, %scan3A_180 : i32
      %add3A_183 = arith.constant 0 : i32
      %add3A_184 = arith.addi %mul3A_182, %add3A_183 : i32
      %dma_wait3A_185 = arith.constant 0 : i32
      %dma_wait3A_186 = tpu.memref_slice %arg8[%add3A_184, %dma_wait3A_185] : memref<64x80xi32, #tpu.memory_space<vmem>> -> memref<1x80xi32, #tpu.memory_space<vmem>>
      %dma_wait3A_187 = tpu.memref_squeeze %dma_wait3A_186 : memref<1x80xi32, #tpu.memory_space<vmem>> -> memref<80xi32, #tpu.memory_space<vmem>>
      %dma_wait3A_188 = arith.constant 0 : i32
      %dma_wait3A_189 = arith.constant 0 : i32
      %dma_wait3A_190 = tpu.memref_slice %arg2[%dma_wait3A_188, %dma_wait3A_189] : memref<10112x128xf32, #tpu.memory_space<hbm>> -> memref<10112x128xf32, #tpu.memory_space<hbm>>
      tpu.wait_indirect_dma semaphore(%arg13 : memref<!tpu.dma_semaphore, #tpu.memory_space<semaphore_mem>>) src(%dma_wait3A_190 : memref<10112x128xf32, #tpu.memory_space<hbm>>) dst(%arg10 : memref<80x128xf32, #tpu.memory_space<vmem>>)
      %add3A_191 = arith.constant 0 : i32
      %add3A_192 = arith.addi %mul3A_182, %add3A_191 : i32
      %add3A_193 = arith.constant 2 : i32
      %add3A_194 = arith.addi %add3A_192, %add3A_193 : i32
      %dma_start3A_195 = arith.constant 0 : i32
      %dma_start3A_196 = tpu.memref_slice %arg8[%add3A_194, %dma_start3A_195] : memref<64x80xi32, #tpu.memory_space<vmem>> -> memref<1x80xi32, #tpu.memory_space<vmem>>
      %dma_start3A_197 = tpu.memref_squeeze %dma_start3A_196 : memref<1x80xi32, #tpu.memory_space<vmem>> -> memref<80xi32, #tpu.memory_space<vmem>>
      %dma_start3A_198 = arith.constant 0 : i32
      %dma_start3A_199 = arith.constant 0 : i32
      %dma_start3A_200 = tpu.memref_slice %arg2[%dma_start3A_198, %dma_start3A_199] : memref<10112x128xf32, #tpu.memory_space<hbm>> -> memref<10112x128xf32, #tpu.memory_space<hbm>>
      tpu.enqueue_indirect_dma source(%dma_start3A_200 : memref<10112x128xf32, #tpu.memory_space<hbm>>) target(%arg12 : memref<80x128xf32, #tpu.memory_space<vmem>>) offsets(%dma_start3A_197 : memref<80xi32, #tpu.memory_space<vmem>>) semaphore(%arg15 : memref<!tpu.dma_semaphore, #tpu.memory_space<semaphore_mem>>)
      %add3A_201 = arith.constant 0 : i32
      %add3A_202 = arith.addi %mul3A_182, %add3A_201 : i32
      "tpu.region"() ({
        %run_scoped3A_243 = tpu.sem_alloc : memref<!tpu.dma_semaphore, #tpu.memory_space<semaphore_mem>>
        %dma_start3A_244 = arith.constant 0 : i32
        %dma_start3A_245 = tpu.memref_slice %arg9[%add3A_202, %dma_start3A_244] : memref<64x80xi32, #tpu.memory_space<vmem>> -> memref<1x80xi32, #tpu.memory_space<vmem>>
        %dma_start3A_246 = tpu.memref_squeeze %dma_start3A_245 : memref<1x80xi32, #tpu.memory_space<vmem>> -> memref<80xi32, #tpu.memory_space<vmem>>
        %dma_start3A_247 = arith.constant 0 : i32
        %dma_start3A_248 = arith.constant 0 : i32
        %dma_start3A_249 = tpu.memref_slice %arg7[%dma_start3A_247, %dma_start3A_248] : memref<10112x128xf32, #tpu.memory_space<vmem_shared>> -> memref<10112x128xf32, #tpu.memory_space<vmem_shared>>
        tpu.enqueue_indirect_dma source(%arg10 : memref<80x128xf32, #tpu.memory_space<vmem>>) target(%dma_start3A_249 : memref<10112x128xf32, #tpu.memory_space<vmem_shared>>) offsets(%dma_start3A_246 : memref<80xi32, #tpu.memory_space<vmem>>) semaphore(%run_scoped3A_243 : memref<!tpu.dma_semaphore, #tpu.memory_space<semaphore_mem>>) {add = true}
        %dma_wait3A_250 = arith.constant 0 : i32
        %dma_wait3A_251 = tpu.memref_slice %arg9[%add3A_202, %dma_wait3A_250] : memref<64x80xi32, #tpu.memory_space<vmem>> -> memref<1x80xi32, #tpu.memory_space<vmem>>
        %dma_wait3A_252 = tpu.memref_squeeze %dma_wait3A_251 : memref<1x80xi32, #tpu.memory_space<vmem>> -> memref<80xi32, #tpu.memory_space<vmem>>
        %dma_wait3A_253 = arith.constant 0 : i32
        %dma_wait3A_254 = arith.constant 0 : i32
        %dma_wait3A_255 = tpu.memref_slice %arg7[%dma_wait3A_253, %dma_wait3A_254] : memref<10112x128xf32, #tpu.memory_space<vmem_shared>> -> memref<10112x128xf32, #tpu.memory_space<vmem_shared>>
        tpu.wait_indirect_dma semaphore(%run_scoped3A_243 : memref<!tpu.dma_semaphore, #tpu.memory_space<semaphore_mem>>) src(%arg10 : memref<80x128xf32, #tpu.memory_space<vmem>>) dst(%dma_wait3A_255 : memref<10112x128xf32, #tpu.memory_space<vmem_shared>>)
        tpu.yield
      }) : () -> ()
      %add3A_203 = arith.constant 1 : i32
      %add3A_204 = arith.addi %mul3A_182, %add3A_203 : i32
      %dma_wait3A_205 = arith.constant 0 : i32
      %dma_wait3A_206 = tpu.memref_slice %arg8[%add3A_204, %dma_wait3A_205] : memref<64x80xi32, #tpu.memory_space<vmem>> -> memref<1x80xi32, #tpu.memory_space<vmem>>
      %dma_wait3A_207 = tpu.memref_squeeze %dma_wait3A_206 : memref<1x80xi32, #tpu.memory_space<vmem>> -> memref<80xi32, #tpu.memory_space<vmem>>
      %dma_wait3A_208 = arith.constant 0 : i32
      %dma_wait3A_209 = arith.constant 0 : i32
      %dma_wait3A_210 = tpu.memref_slice %arg2[%dma_wait3A_208, %dma_wait3A_209] : memref<10112x128xf32, #tpu.memory_space<hbm>> -> memref<10112x128xf32, #tpu.memory_space<hbm>>
      tpu.wait_indirect_dma semaphore(%arg14 : memref<!tpu.dma_semaphore, #tpu.memory_space<semaphore_mem>>) src(%dma_wait3A_210 : memref<10112x128xf32, #tpu.memory_space<hbm>>) dst(%arg11 : memref<80x128xf32, #tpu.memory_space<vmem>>)
      %add3A_211 = arith.constant 1 : i32
      %add3A_212 = arith.addi %mul3A_182, %add3A_211 : i32
      %add3A_213 = arith.constant 2 : i32
      %add3A_214 = arith.addi %add3A_212, %add3A_213 : i32
      %dma_start3A_215 = arith.constant 0 : i32
      %dma_start3A_216 = tpu.memref_slice %arg8[%add3A_214, %dma_start3A_215] : memref<64x80xi32, #tpu.memory_space<vmem>> -> memref<1x80xi32, #tpu.memory_space<vmem>>
      %dma_start3A_217 = tpu.memref_squeeze %dma_start3A_216 : memref<1x80xi32, #tpu.memory_space<vmem>> -> memref<80xi32, #tpu.memory_space<vmem>>
      %dma_start3A_218 = arith.constant 0 : i32
      %dma_start3A_219 = arith.constant 0 : i32
      %dma_start3A_220 = tpu.memref_slice %arg2[%dma_start3A_218, %dma_start3A_219] : memref<10112x128xf32, #tpu.memory_space<hbm>> -> memref<10112x128xf32, #tpu.memory_space<hbm>>
      tpu.enqueue_indirect_dma source(%dma_start3A_220 : memref<10112x128xf32, #tpu.memory_space<hbm>>) target(%arg10 : memref<80x128xf32, #tpu.memory_space<vmem>>) offsets(%dma_start3A_217 : memref<80xi32, #tpu.memory_space<vmem>>) semaphore(%arg13 : memref<!tpu.dma_semaphore, #tpu.memory_space<semaphore_mem>>)
      %add3A_221 = arith.constant 1 : i32
      %add3A_222 = arith.addi %mul3A_182, %add3A_221 : i32
      "tpu.region"() ({
        %run_scoped3A_243 = tpu.sem_alloc : memref<!tpu.dma_semaphore, #tpu.memory_space<semaphore_mem>>
        %dma_start3A_244 = arith.constant 0 : i32
        %dma_start3A_245 = tpu.memref_slice %arg9[%add3A_222, %dma_start3A_244] : memref<64x80xi32, #tpu.memory_space<vmem>> -> memref<1x80xi32, #tpu.memory_space<vmem>>
        %dma_start3A_246 = tpu.memref_squeeze %dma_start3A_245 : memref<1x80xi32, #tpu.memory_space<vmem>> -> memref<80xi32, #tpu.memory_space<vmem>>
        %dma_start3A_247 = arith.constant 0 : i32
        %dma_start3A_248 = arith.constant 0 : i32
        %dma_start3A_249 = tpu.memref_slice %arg7[%dma_start3A_247, %dma_start3A_248] : memref<10112x128xf32, #tpu.memory_space<vmem_shared>> -> memref<10112x128xf32, #tpu.memory_space<vmem_shared>>
        tpu.enqueue_indirect_dma source(%arg11 : memref<80x128xf32, #tpu.memory_space<vmem>>) target(%dma_start3A_249 : memref<10112x128xf32, #tpu.memory_space<vmem_shared>>) offsets(%dma_start3A_246 : memref<80xi32, #tpu.memory_space<vmem>>) semaphore(%run_scoped3A_243 : memref<!tpu.dma_semaphore, #tpu.memory_space<semaphore_mem>>) {add = true}
        %dma_wait3A_250 = arith.constant 0 : i32
        %dma_wait3A_251 = tpu.memref_slice %arg9[%add3A_222, %dma_wait3A_250] : memref<64x80xi32, #tpu.memory_space<vmem>> -> memref<1x80xi32, #tpu.memory_space<vmem>>
        %dma_wait3A_252 = tpu.memref_squeeze %dma_wait3A_251 : memref<1x80xi32, #tpu.memory_space<vmem>> -> memref<80xi32, #tpu.memory_space<vmem>>
        %dma_wait3A_253 = arith.constant 0 : i32
        %dma_wait3A_254 = arith.constant 0 : i32
        %dma_wait3A_255 = tpu.memref_slice %arg7[%dma_wait3A_253, %dma_wait3A_254] : memref<10112x128xf32, #tpu.memory_space<vmem_shared>> -> memref<10112x128xf32, #tpu.memory_space<vmem_shared>>
        tpu.wait_indirect_dma semaphore(%run_scoped3A_243 : memref<!tpu.dma_semaphore, #tpu.memory_space<semaphore_mem>>) src(%arg11 : memref<80x128xf32, #tpu.memory_space<vmem>>) dst(%dma_wait3A_255 : memref<10112x128xf32, #tpu.memory_space<vmem_shared>>)
        tpu.yield
      }) : () -> ()
      %add3A_223 = arith.constant 2 : i32
      %add3A_224 = arith.addi %mul3A_182, %add3A_223 : i32
      %dma_wait3A_225 = arith.constant 0 : i32
      %dma_wait3A_226 = tpu.memref_slice %arg8[%add3A_224, %dma_wait3A_225] : memref<64x80xi32, #tpu.memory_space<vmem>> -> memref<1x80xi32, #tpu.memory_space<vmem>>
      %dma_wait3A_227 = tpu.memref_squeeze %dma_wait3A_226 : memref<1x80xi32, #tpu.memory_space<vmem>> -> memref<80xi32, #tpu.memory_space<vmem>>
      %dma_wait3A_228 = arith.constant 0 : i32
      %dma_wait3A_229 = arith.constant 0 : i32
      %dma_wait3A_230 = tpu.memref_slice %arg2[%dma_wait3A_228, %dma_wait3A_229] : memref<10112x128xf32, #tpu.memory_space<hbm>> -> memref<10112x128xf32, #tpu.memory_space<hbm>>
      tpu.wait_indirect_dma semaphore(%arg15 : memref<!tpu.dma_semaphore, #tpu.memory_space<semaphore_mem>>) src(%dma_wait3A_230 : memref<10112x128xf32, #tpu.memory_space<hbm>>) dst(%arg12 : memref<80x128xf32, #tpu.memory_space<vmem>>)
      %add3A_231 = arith.constant 2 : i32
      %add3A_232 = arith.addi %mul3A_182, %add3A_231 : i32
      %add3A_233 = arith.constant 2 : i32
      %add3A_234 = arith.addi %add3A_232, %add3A_233 : i32
      %dma_start3A_235 = arith.constant 0 : i32
      %dma_start3A_236 = tpu.memref_slice %arg8[%add3A_234, %dma_start3A_235] : memref<64x80xi32, #tpu.memory_space<vmem>> -> memref<1x80xi32, #tpu.memory_space<vmem>>
      %dma_start3A_237 = tpu.memref_squeeze %dma_start3A_236 : memref<1x80xi32, #tpu.memory_space<vmem>> -> memref<80xi32, #tpu.memory_space<vmem>>
      %dma_start3A_238 = arith.constant 0 : i32
      %dma_start3A_239 = arith.constant 0 : i32
      %dma_start3A_240 = tpu.memref_slice %arg2[%dma_start3A_238, %dma_start3A_239] : memref<10112x128xf32, #tpu.memory_space<hbm>> -> memref<10112x128xf32, #tpu.memory_space<hbm>>
      tpu.enqueue_indirect_dma source(%dma_start3A_240 : memref<10112x128xf32, #tpu.memory_space<hbm>>) target(%arg11 : memref<80x128xf32, #tpu.memory_space<vmem>>) offsets(%dma_start3A_237 : memref<80xi32, #tpu.memory_space<vmem>>) semaphore(%arg14 : memref<!tpu.dma_semaphore, #tpu.memory_space<semaphore_mem>>)
      %add3A_241 = arith.constant 2 : i32
      %add3A_242 = arith.addi %mul3A_182, %add3A_241 : i32
      "tpu.region"() ({
        %run_scoped3A_243 = tpu.sem_alloc : memref<!tpu.dma_semaphore, #tpu.memory_space<semaphore_mem>>
        %dma_start3A_244 = arith.constant 0 : i32
        %dma_start3A_245 = tpu.memref_slice %arg9[%add3A_242, %dma_start3A_244] : memref<64x80xi32, #tpu.memory_space<vmem>> -> memref<1x80xi32, #tpu.memory_space<vmem>>
        %dma_start3A_246 = tpu.memref_squeeze %dma_start3A_245 : memref<1x80xi32, #tpu.memory_space<vmem>> -> memref<80xi32, #tpu.memory_space<vmem>>
        %dma_start3A_247 = arith.constant 0 : i32
        %dma_start3A_248 = arith.constant 0 : i32
        %dma_start3A_249 = tpu.memref_slice %arg7[%dma_start3A_247, %dma_start3A_248] : memref<10112x128xf32, #tpu.memory_space<vmem_shared>> -> memref<10112x128xf32, #tpu.memory_space<vmem_shared>>
        tpu.enqueue_indirect_dma source(%arg12 : memref<80x128xf32, #tpu.memory_space<vmem>>) target(%dma_start3A_249 : memref<10112x128xf32, #tpu.memory_space<vmem_shared>>) offsets(%dma_start3A_246 : memref<80xi32, #tpu.memory_space<vmem>>) semaphore(%run_scoped3A_243 : memref<!tpu.dma_semaphore, #tpu.memory_space<semaphore_mem>>) {add = true}
        %dma_wait3A_250 = arith.constant 0 : i32
        %dma_wait3A_251 = tpu.memref_slice %arg9[%add3A_242, %dma_wait3A_250] : memref<64x80xi32, #tpu.memory_space<vmem>> -> memref<1x80xi32, #tpu.memory_space<vmem>>
        %dma_wait3A_252 = tpu.memref_squeeze %dma_wait3A_251 : memref<1x80xi32, #tpu.memory_space<vmem>> -> memref<80xi32, #tpu.memory_space<vmem>>
        %dma_wait3A_253 = arith.constant 0 : i32
        %dma_wait3A_254 = arith.constant 0 : i32
        %dma_wait3A_255 = tpu.memref_slice %arg7[%dma_wait3A_253, %dma_wait3A_254] : memref<10112x128xf32, #tpu.memory_space<vmem_shared>> -> memref<10112x128xf32, #tpu.memory_space<vmem_shared>>
        tpu.wait_indirect_dma semaphore(%run_scoped3A_243 : memref<!tpu.dma_semaphore, #tpu.memory_space<semaphore_mem>>) src(%arg12 : memref<80x128xf32, #tpu.memory_space<vmem>>) dst(%dma_wait3A_255 : memref<10112x128xf32, #tpu.memory_space<vmem_shared>>)
        tpu.yield
      }) : () -> ()
    }
    %scan3A_36 = arith.constant 20 : i32
    %dma_wait3A = arith.constant 60 : i32
    %dma_wait3A_37 = arith.constant 0 : i32
    %dma_wait3A_38 = tpu.memref_slice %arg8[%dma_wait3A, %dma_wait3A_37] : memref<64x80xi32, #tpu.memory_space<vmem>> -> memref<1x80xi32, #tpu.memory_space<vmem>>
    %dma_wait3A_39 = tpu.memref_squeeze %dma_wait3A_38 : memref<1x80xi32, #tpu.memory_space<vmem>> -> memref<80xi32, #tpu.memory_space<vmem>>
    %dma_wait3A_40 = arith.constant 0 : i32
    %dma_wait3A_41 = arith.constant 0 : i32
    %dma_wait3A_42 = tpu.memref_slice %arg2[%dma_wait3A_40, %dma_wait3A_41] : memref<10112x128xf32, #tpu.memory_space<hbm>> -> memref<10112x128xf32, #tpu.memory_space<hbm>>
    tpu.wait_indirect_dma semaphore(%arg13 : memref<!tpu.dma_semaphore, #tpu.memory_space<semaphore_mem>>) src(%dma_wait3A_42 : memref<10112x128xf32, #tpu.memory_space<hbm>>) dst(%arg10 : memref<80x128xf32, #tpu.memory_space<vmem>>)
    %run_scoped3A = arith.constant 60 : i32
    "tpu.region"() ({
      %run_scoped3A_180 = tpu.sem_alloc : memref<!tpu.dma_semaphore, #tpu.memory_space<semaphore_mem>>
      %dma_start3A_181 = arith.constant 0 : i32
      %dma_start3A_182 = tpu.memref_slice %arg9[%run_scoped3A, %dma_start3A_181] : memref<64x80xi32, #tpu.memory_space<vmem>> -> memref<1x80xi32, #tpu.memory_space<vmem>>
      %dma_start3A_183 = tpu.memref_squeeze %dma_start3A_182 : memref<1x80xi32, #tpu.memory_space<vmem>> -> memref<80xi32, #tpu.memory_space<vmem>>
      %dma_start3A_184 = arith.constant 0 : i32
      %dma_start3A_185 = arith.constant 0 : i32
      %dma_start3A_186 = tpu.memref_slice %arg7[%dma_start3A_184, %dma_start3A_185] : memref<10112x128xf32, #tpu.memory_space<vmem_shared>> -> memref<10112x128xf32, #tpu.memory_space<vmem_shared>>
      tpu.enqueue_indirect_dma source(%arg10 : memref<80x128xf32, #tpu.memory_space<vmem>>) target(%dma_start3A_186 : memref<10112x128xf32, #tpu.memory_space<vmem_shared>>) offsets(%dma_start3A_183 : memref<80xi32, #tpu.memory_space<vmem>>) semaphore(%run_scoped3A_180 : memref<!tpu.dma_semaphore, #tpu.memory_space<semaphore_mem>>) {add = true}
      %dma_wait3A_187 = arith.constant 0 : i32
      %dma_wait3A_188 = tpu.memref_slice %arg9[%run_scoped3A, %dma_wait3A_187] : memref<64x80xi32, #tpu.memory_space<vmem>> -> memref<1x80xi32, #tpu.memory_space<vmem>>
      %dma_wait3A_189 = tpu.memref_squeeze %dma_wait3A_188 : memref<1x80xi32, #tpu.memory_space<vmem>> -> memref<80xi32, #tpu.memory_space<vmem>>
      %dma_wait3A_190 = arith.constant 0 : i32
      %dma_wait3A_191 = arith.constant 0 : i32
      %dma_wait3A_192 = tpu.memref_slice %arg7[%dma_wait3A_190, %dma_wait3A_191] : memref<10112x128xf32, #tpu.memory_space<vmem_shared>> -> memref<10112x128xf32, #tpu.memory_space<vmem_shared>>
      tpu.wait_indirect_dma semaphore(%run_scoped3A_180 : memref<!tpu.dma_semaphore, #tpu.memory_space<semaphore_mem>>) src(%arg10 : memref<80x128xf32, #tpu.memory_space<vmem>>) dst(%dma_wait3A_192 : memref<10112x128xf32, #tpu.memory_space<vmem_shared>>)
      tpu.yield
    }) : () -> ()
    %dma_wait3A_43 = arith.constant 61 : i32
    %dma_wait3A_44 = arith.constant 0 : i32
    %dma_wait3A_45 = tpu.memref_slice %arg8[%dma_wait3A_43, %dma_wait3A_44] : memref<64x80xi32, #tpu.memory_space<vmem>> -> memref<1x80xi32, #tpu.memory_space<vmem>>
    %dma_wait3A_46 = tpu.memref_squeeze %dma_wait3A_45 : memref<1x80xi32, #tpu.memory_space<vmem>> -> memref<80xi32, #tpu.memory_space<vmem>>
    %dma_wait3A_47 = arith.constant 0 : i32
    %dma_wait3A_48 = arith.constant 0 : i32
    %dma_wait3A_49 = tpu.memref_slice %arg2[%dma_wait3A_47, %dma_wait3A_48] : memref<10112x128xf32, #tpu.memory_space<hbm>> -> memref<10112x128xf32, #tpu.memory_space<hbm>>
    tpu.wait_indirect_dma semaphore(%arg14 : memref<!tpu.dma_semaphore, #tpu.memory_space<semaphore_mem>>) src(%dma_wait3A_49 : memref<10112x128xf32, #tpu.memory_space<hbm>>) dst(%arg11 : memref<80x128xf32, #tpu.memory_space<vmem>>)
    %run_scoped3A_50 = arith.constant 61 : i32
    "tpu.region"() ({
      %run_scoped3A_180 = tpu.sem_alloc : memref<!tpu.dma_semaphore, #tpu.memory_space<semaphore_mem>>
      %dma_start3A_181 = arith.constant 0 : i32
      %dma_start3A_182 = tpu.memref_slice %arg9[%run_scoped3A_50, %dma_start3A_181] : memref<64x80xi32, #tpu.memory_space<vmem>> -> memref<1x80xi32, #tpu.memory_space<vmem>>
      %dma_start3A_183 = tpu.memref_squeeze %dma_start3A_182 : memref<1x80xi32, #tpu.memory_space<vmem>> -> memref<80xi32, #tpu.memory_space<vmem>>
      %dma_start3A_184 = arith.constant 0 : i32
      %dma_start3A_185 = arith.constant 0 : i32
      %dma_start3A_186 = tpu.memref_slice %arg7[%dma_start3A_184, %dma_start3A_185] : memref<10112x128xf32, #tpu.memory_space<vmem_shared>> -> memref<10112x128xf32, #tpu.memory_space<vmem_shared>>
      tpu.enqueue_indirect_dma source(%arg11 : memref<80x128xf32, #tpu.memory_space<vmem>>) target(%dma_start3A_186 : memref<10112x128xf32, #tpu.memory_space<vmem_shared>>) offsets(%dma_start3A_183 : memref<80xi32, #tpu.memory_space<vmem>>) semaphore(%run_scoped3A_180 : memref<!tpu.dma_semaphore, #tpu.memory_space<semaphore_mem>>) {add = true}
      %dma_wait3A_187 = arith.constant 0 : i32
      %dma_wait3A_188 = tpu.memref_slice %arg9[%run_scoped3A_50, %dma_wait3A_187] : memref<64x80xi32, #tpu.memory_space<vmem>> -> memref<1x80xi32, #tpu.memory_space<vmem>>
      %dma_wait3A_189 = tpu.memref_squeeze %dma_wait3A_188 : memref<1x80xi32, #tpu.memory_space<vmem>> -> memref<80xi32, #tpu.memory_space<vmem>>
      %dma_wait3A_190 = arith.constant 0 : i32
      %dma_wait3A_191 = arith.constant 0 : i32
      %dma_wait3A_192 = tpu.memref_slice %arg7[%dma_wait3A_190, %dma_wait3A_191] : memref<10112x128xf32, #tpu.memory_space<vmem_shared>> -> memref<10112x128xf32, #tpu.memory_space<vmem_shared>>
      tpu.wait_indirect_dma semaphore(%run_scoped3A_180 : memref<!tpu.dma_semaphore, #tpu.memory_space<semaphore_mem>>) src(%arg11 : memref<80x128xf32, #tpu.memory_space<vmem>>) dst(%dma_wait3A_192 : memref<10112x128xf32, #tpu.memory_space<vmem_shared>>)
      tpu.yield
    }) : () -> ()
    %dma_start3A_51 = arith.constant 62 : i32
    %dma_start3A_52 = arith.constant 0 : i32
    %dma_start3A_53 = tpu.memref_slice %arg8[%dma_start3A_51, %dma_start3A_52] : memref<64x80xi32, #tpu.memory_space<vmem>> -> memref<1x80xi32, #tpu.memory_space<vmem>>
    %dma_start3A_54 = tpu.memref_squeeze %dma_start3A_53 : memref<1x80xi32, #tpu.memory_space<vmem>> -> memref<80xi32, #tpu.memory_space<vmem>>
    %dma_start3A_55 = arith.constant 0 : i32
    %dma_start3A_56 = arith.constant 0 : i32
    %dma_start3A_57 = tpu.memref_slice %arg2[%dma_start3A_55, %dma_start3A_56] : memref<10112x128xf32, #tpu.memory_space<hbm>> -> memref<10112x128xf32, #tpu.memory_space<hbm>>
    tpu.enqueue_indirect_dma source(%dma_start3A_57 : memref<10112x128xf32, #tpu.memory_space<hbm>>) target(%arg12 : memref<80x128xf32, #tpu.memory_space<vmem>>) offsets(%dma_start3A_54 : memref<80xi32, #tpu.memory_space<vmem>>) semaphore(%arg15 : memref<!tpu.dma_semaphore, #tpu.memory_space<semaphore_mem>>)
    %dma_wait3A_58 = arith.constant 62 : i32
    %dma_wait3A_59 = arith.constant 0 : i32
    %dma_wait3A_60 = tpu.memref_slice %arg8[%dma_wait3A_58, %dma_wait3A_59] : memref<64x80xi32, #tpu.memory_space<vmem>> -> memref<1x80xi32, #tpu.memory_space<vmem>>
    %dma_wait3A_61 = tpu.memref_squeeze %dma_wait3A_60 : memref<1x80xi32, #tpu.memory_space<vmem>> -> memref<80xi32, #tpu.memory_space<vmem>>
    %dma_wait3A_62 = arith.constant 0 : i32
    %dma_wait3A_63 = arith.constant 0 : i32
    %dma_wait3A_64 = tpu.memref_slice %arg2[%dma_wait3A_62, %dma_wait3A_63] : memref<10112x128xf32, #tpu.memory_space<hbm>> -> memref<10112x128xf32, #tpu.memory_space<hbm>>
    tpu.wait_indirect_dma semaphore(%arg15 : memref<!tpu.dma_semaphore, #tpu.memory_space<semaphore_mem>>) src(%dma_wait3A_64 : memref<10112x128xf32, #tpu.memory_space<hbm>>) dst(%arg12 : memref<80x128xf32, #tpu.memory_space<vmem>>)
    %run_scoped3A_65 = arith.constant 62 : i32
    "tpu.region"() ({
      %run_scoped3A_180 = tpu.sem_alloc : memref<!tpu.dma_semaphore, #tpu.memory_space<semaphore_mem>>
      %dma_start3A_181 = arith.constant 0 : i32
      %dma_start3A_182 = tpu.memref_slice %arg9[%run_scoped3A_65, %dma_start3A_181] : memref<64x80xi32, #tpu.memory_space<vmem>> -> memref<1x80xi32, #tpu.memory_space<vmem>>
      %dma_start3A_183 = tpu.memref_squeeze %dma_start3A_182 : memref<1x80xi32, #tpu.memory_space<vmem>> -> memref<80xi32, #tpu.memory_space<vmem>>
      %dma_start3A_184 = arith.constant 0 : i32
      %dma_start3A_185 = arith.constant 0 : i32
      %dma_start3A_186 = tpu.memref_slice %arg7[%dma_start3A_184, %dma_start3A_185] : memref<10112x128xf32, #tpu.memory_space<vmem_shared>> -> memref<10112x128xf32, #tpu.memory_space<vmem_shared>>
      tpu.enqueue_indirect_dma source(%arg12 : memref<80x128xf32, #tpu.memory_space<vmem>>) target(%dma_start3A_186 : memref<10112x128xf32, #tpu.memory_space<vmem_shared>>) offsets(%dma_start3A_183 : memref<80xi32, #tpu.memory_space<vmem>>) semaphore(%run_scoped3A_180 : memref<!tpu.dma_semaphore, #tpu.memory_space<semaphore_mem>>) {add = true}
      %dma_wait3A_187 = arith.constant 0 : i32
      %dma_wait3A_188 = tpu.memref_slice %arg9[%run_scoped3A_65, %dma_wait3A_187] : memref<64x80xi32, #tpu.memory_space<vmem>> -> memref<1x80xi32, #tpu.memory_space<vmem>>
      %dma_wait3A_189 = tpu.memref_squeeze %dma_wait3A_188 : memref<1x80xi32, #tpu.memory_space<vmem>> -> memref<80xi32, #tpu.memory_space<vmem>>
      %dma_wait3A_190 = arith.constant 0 : i32
      %dma_wait3A_191 = arith.constant 0 : i32
      %dma_wait3A_192 = tpu.memref_slice %arg7[%dma_wait3A_190, %dma_wait3A_191] : memref<10112x128xf32, #tpu.memory_space<vmem_shared>> -> memref<10112x128xf32, #tpu.memory_space<vmem_shared>>
      tpu.wait_indirect_dma semaphore(%run_scoped3A_180 : memref<!tpu.dma_semaphore, #tpu.memory_space<semaphore_mem>>) src(%arg12 : memref<80x128xf32, #tpu.memory_space<vmem>>) dst(%dma_wait3A_192 : memref<10112x128xf32, #tpu.memory_space<vmem_shared>>)
      tpu.yield
    }) : () -> ()
    %dma_start3A_66 = arith.constant 63 : i32
    %dma_start3A_67 = arith.constant 0 : i32
    %dma_start3A_68 = tpu.memref_slice %arg8[%dma_start3A_66, %dma_start3A_67] : memref<64x80xi32, #tpu.memory_space<vmem>> -> memref<1x80xi32, #tpu.memory_space<vmem>>
    %dma_start3A_69 = tpu.memref_squeeze %dma_start3A_68 : memref<1x80xi32, #tpu.memory_space<vmem>> -> memref<80xi32, #tpu.memory_space<vmem>>
    %dma_start3A_70 = arith.constant 0 : i32
    %dma_start3A_71 = arith.constant 0 : i32
    %dma_start3A_72 = tpu.memref_slice %arg2[%dma_start3A_70, %dma_start3A_71] : memref<10112x128xf32, #tpu.memory_space<hbm>> -> memref<10112x128xf32, #tpu.memory_space<hbm>>
    tpu.enqueue_indirect_dma source(%dma_start3A_72 : memref<10112x128xf32, #tpu.memory_space<hbm>>) target(%arg10 : memref<80x128xf32, #tpu.memory_space<vmem>>) offsets(%dma_start3A_69 : memref<80xi32, #tpu.memory_space<vmem>>) semaphore(%arg13 : memref<!tpu.dma_semaphore, #tpu.memory_space<semaphore_mem>>)
    %dma_wait3A_73 = arith.constant 63 : i32
    %dma_wait3A_74 = arith.constant 0 : i32
    %dma_wait3A_75 = tpu.memref_slice %arg8[%dma_wait3A_73, %dma_wait3A_74] : memref<64x80xi32, #tpu.memory_space<vmem>> -> memref<1x80xi32, #tpu.memory_space<vmem>>
    %dma_wait3A_76 = tpu.memref_squeeze %dma_wait3A_75 : memref<1x80xi32, #tpu.memory_space<vmem>> -> memref<80xi32, #tpu.memory_space<vmem>>
    %dma_wait3A_77 = arith.constant 0 : i32
    %dma_wait3A_78 = arith.constant 0 : i32
    %dma_wait3A_79 = tpu.memref_slice %arg2[%dma_wait3A_77, %dma_wait3A_78] : memref<10112x128xf32, #tpu.memory_space<hbm>> -> memref<10112x128xf32, #tpu.memory_space<hbm>>
    tpu.wait_indirect_dma semaphore(%arg13 : memref<!tpu.dma_semaphore, #tpu.memory_space<semaphore_mem>>) src(%dma_wait3A_79 : memref<10112x128xf32, #tpu.memory_space<hbm>>) dst(%arg10 : memref<80x128xf32, #tpu.memory_space<vmem>>)
    %run_scoped3A_80 = arith.constant 63 : i32
    "tpu.region"() ({
      %run_scoped3A_180 = tpu.sem_alloc : memref<!tpu.dma_semaphore, #tpu.memory_space<semaphore_mem>>
      %dma_start3A_181 = arith.constant 0 : i32
      %dma_start3A_182 = tpu.memref_slice %arg9[%run_scoped3A_80, %dma_start3A_181] : memref<64x80xi32, #tpu.memory_space<vmem>> -> memref<1x80xi32, #tpu.memory_space<vmem>>
      %dma_start3A_183 = tpu.memref_squeeze %dma_start3A_182 : memref<1x80xi32, #tpu.memory_space<vmem>> -> memref<80xi32, #tpu.memory_space<vmem>>
      %dma_start3A_184 = arith.constant 0 : i32
      %dma_start3A_185 = arith.constant 0 : i32
      %dma_start3A_186 = tpu.memref_slice %arg7[%dma_start3A_184, %dma_start3A_185] : memref<10112x128xf32, #tpu.memory_space<vmem_shared>> -> memref<10112x128xf32, #tpu.memory_space<vmem_shared>>
      tpu.enqueue_indirect_dma source(%arg10 : memref<80x128xf32, #tpu.memory_space<vmem>>) target(%dma_start3A_186 : memref<10112x128xf32, #tpu.memory_space<vmem_shared>>) offsets(%dma_start3A_183 : memref<80xi32, #tpu.memory_space<vmem>>) semaphore(%run_scoped3A_180 : memref<!tpu.dma_semaphore, #tpu.memory_space<semaphore_mem>>) {add = true}
      %dma_wait3A_187 = arith.constant 0 : i32
      %dma_wait3A_188 = tpu.memref_slice %arg9[%run_scoped3A_80, %dma_wait3A_187] : memref<64x80xi32, #tpu.memory_space<vmem>> -> memref<1x80xi32, #tpu.memory_space<vmem>>
      %dma_wait3A_189 = tpu.memref_squeeze %dma_wait3A_188 : memref<1x80xi32, #tpu.memory_space<vmem>> -> memref<80xi32, #tpu.memory_space<vmem>>
      %dma_wait3A_190 = arith.constant 0 : i32
      %dma_wait3A_191 = arith.constant 0 : i32
      %dma_wait3A_192 = tpu.memref_slice %arg7[%dma_wait3A_190, %dma_wait3A_191] : memref<10112x128xf32, #tpu.memory_space<vmem_shared>> -> memref<10112x128xf32, #tpu.memory_space<vmem_shared>>
      tpu.wait_indirect_dma semaphore(%run_scoped3A_180 : memref<!tpu.dma_semaphore, #tpu.memory_space<semaphore_mem>>) src(%arg10 : memref<80x128xf32, #tpu.memory_space<vmem>>) dst(%dma_wait3A_192 : memref<10112x128xf32, #tpu.memory_space<vmem_shared>>)
      tpu.yield
    }) : () -> ()
    "tpu.region"() ({
      %run_scoped3A_180 = tpu.sem_alloc : memref<!tpu.dma_semaphore, #tpu.memory_space<semaphore_mem>>
      %dma_start3A_181 = arith.constant 0 : i32
      %dma_start3A_182 = arith.constant 0 : i32
      %dma_start3A_183 = tpu.memref_slice %arg8[%dma_start3A_181, %dma_start3A_182] : memref<64x80xi32, #tpu.memory_space<vmem>> -> memref<61x80xi32, #tpu.memory_space<vmem>>
      %dma_start3A_184 = arith.constant 64 : i32
      %dma_start3A_185 = arith.constant 0 : i32
      %dma_start3A_186 = tpu.memref_slice %arg3[%add3A, %dma_start3A_184, %dma_start3A_185] : memref<32x125x80xi32, #tpu.memory_space<hbm>> -> memref<1x61x80xi32, #tpu.memory_space<hbm>>
      %dma_start3A_187 = tpu.memref_squeeze %dma_start3A_186 : memref<1x61x80xi32, #tpu.memory_space<hbm>> -> memref<61x80xi32, #tpu.memory_space<hbm>>
      %dma_start3A_188 = arith.constant 0 : i32
      %dma_start3A_189 = arith.constant 0 : i32
      %dma_start3A_190 = tpu.memref_slice %arg8[%dma_start3A_188, %dma_start3A_189] : memref<64x80xi32, #tpu.memory_space<vmem>> -> memref<61x80xi32, #tpu.memory_space<vmem>>
      %dma_start3A_191 = arith.constant 64 : i32
      %dma_start3A_192 = arith.constant 0 : i32
      %dma_start3A_193 = tpu.memref_slice %arg3[%add3A, %dma_start3A_191, %dma_start3A_192] : memref<32x125x80xi32, #tpu.memory_space<hbm>> -> memref<1x61x80xi32, #tpu.memory_space<hbm>>
      %dma_start3A_194 = tpu.memref_squeeze %dma_start3A_193 : memref<1x61x80xi32, #tpu.memory_space<hbm>> -> memref<61x80xi32, #tpu.memory_space<hbm>>
      tpu.enqueue_dma source(%dma_start3A_194 : memref<61x80xi32, #tpu.memory_space<hbm>>) target(%dma_start3A_190 : memref<61x80xi32, #tpu.memory_space<vmem>>) target_semaphore(%run_scoped3A_180 : memref<!tpu.dma_semaphore, #tpu.memory_space<semaphore_mem>>)
      %dma_wait3A_195 = arith.constant 0 : i32
      %dma_wait3A_196 = arith.constant 0 : i32
      %dma_wait3A_197 = tpu.memref_slice %arg8[%dma_wait3A_195, %dma_wait3A_196] : memref<64x80xi32, #tpu.memory_space<vmem>> -> memref<61x80xi32, #tpu.memory_space<vmem>>
      %dma_wait3A_198 = arith.constant 64 : i32
      %dma_wait3A_199 = arith.constant 0 : i32
      %dma_wait3A_200 = tpu.memref_slice %arg3[%add3A, %dma_wait3A_198, %dma_wait3A_199] : memref<32x125x80xi32, #tpu.memory_space<hbm>> -> memref<1x61x80xi32, #tpu.memory_space<hbm>>
      %dma_wait3A_201 = tpu.memref_squeeze %dma_wait3A_200 : memref<1x61x80xi32, #tpu.memory_space<hbm>> -> memref<61x80xi32, #tpu.memory_space<hbm>>
      %dma_wait3A_202 = arith.constant 0 : i32
      %dma_wait3A_203 = arith.constant 0 : i32
      %dma_wait3A_204 = tpu.memref_slice %arg8[%dma_wait3A_202, %dma_wait3A_203] : memref<64x80xi32, #tpu.memory_space<vmem>> -> memref<61x80xi32, #tpu.memory_space<vmem>>
      %dma_wait3A_205 = arith.constant 64 : i32
      %dma_wait3A_206 = arith.constant 0 : i32
      %dma_wait3A_207 = tpu.memref_slice %arg3[%add3A, %dma_wait3A_205, %dma_wait3A_206] : memref<32x125x80xi32, #tpu.memory_space<hbm>> -> memref<1x61x80xi32, #tpu.memory_space<hbm>>
      %dma_wait3A_208 = tpu.memref_squeeze %dma_wait3A_207 : memref<1x61x80xi32, #tpu.memory_space<hbm>> -> memref<61x80xi32, #tpu.memory_space<hbm>>
      tpu.wait_dma2 semaphore(%run_scoped3A_180 : memref<!tpu.dma_semaphore, #tpu.memory_space<semaphore_mem>>) src(%dma_wait3A_208 : memref<61x80xi32, #tpu.memory_space<hbm>>) dst(%dma_wait3A_204 : memref<61x80xi32, #tpu.memory_space<vmem>>)
      tpu.yield
    }) : () -> ()
    "tpu.region"() ({
      %run_scoped3A_180 = tpu.sem_alloc : memref<!tpu.dma_semaphore, #tpu.memory_space<semaphore_mem>>
      %dma_start3A_181 = arith.constant 0 : i32
      %dma_start3A_182 = arith.constant 0 : i32
      %dma_start3A_183 = tpu.memref_slice %arg9[%dma_start3A_181, %dma_start3A_182] : memref<64x80xi32, #tpu.memory_space<vmem>> -> memref<61x80xi32, #tpu.memory_space<vmem>>
      %dma_start3A_184 = arith.constant 64 : i32
      %dma_start3A_185 = arith.constant 0 : i32
      %dma_start3A_186 = tpu.memref_slice %arg4[%add3A, %dma_start3A_184, %dma_start3A_185] : memref<32x125x80xi32, #tpu.memory_space<hbm>> -> memref<1x61x80xi32, #tpu.memory_space<hbm>>
      %dma_start3A_187 = tpu.memref_squeeze %dma_start3A_186 : memref<1x61x80xi32, #tpu.memory_space<hbm>> -> memref<61x80xi32, #tpu.memory_space<hbm>>
      %dma_start3A_188 = arith.constant 0 : i32
      %dma_start3A_189 = arith.constant 0 : i32
      %dma_start3A_190 = tpu.memref_slice %arg9[%dma_start3A_188, %dma_start3A_189] : memref<64x80xi32, #tpu.memory_space<vmem>> -> memref<61x80xi32, #tpu.memory_space<vmem>>
      %dma_start3A_191 = arith.constant 64 : i32
      %dma_start3A_192 = arith.constant 0 : i32
      %dma_start3A_193 = tpu.memref_slice %arg4[%add3A, %dma_start3A_191, %dma_start3A_192] : memref<32x125x80xi32, #tpu.memory_space<hbm>> -> memref<1x61x80xi32, #tpu.memory_space<hbm>>
      %dma_start3A_194 = tpu.memref_squeeze %dma_start3A_193 : memref<1x61x80xi32, #tpu.memory_space<hbm>> -> memref<61x80xi32, #tpu.memory_space<hbm>>
      tpu.enqueue_dma source(%dma_start3A_194 : memref<61x80xi32, #tpu.memory_space<hbm>>) target(%dma_start3A_190 : memref<61x80xi32, #tpu.memory_space<vmem>>) target_semaphore(%run_scoped3A_180 : memref<!tpu.dma_semaphore, #tpu.memory_space<semaphore_mem>>)
      %dma_wait3A_195 = arith.constant 0 : i32
      %dma_wait3A_196 = arith.constant 0 : i32
      %dma_wait3A_197 = tpu.memref_slice %arg9[%dma_wait3A_195, %dma_wait3A_196] : memref<64x80xi32, #tpu.memory_space<vmem>> -> memref<61x80xi32, #tpu.memory_space<vmem>>
      %dma_wait3A_198 = arith.constant 64 : i32
      %dma_wait3A_199 = arith.constant 0 : i32
      %dma_wait3A_200 = tpu.memref_slice %arg4[%add3A, %dma_wait3A_198, %dma_wait3A_199] : memref<32x125x80xi32, #tpu.memory_space<hbm>> -> memref<1x61x80xi32, #tpu.memory_space<hbm>>
      %dma_wait3A_201 = tpu.memref_squeeze %dma_wait3A_200 : memref<1x61x80xi32, #tpu.memory_space<hbm>> -> memref<61x80xi32, #tpu.memory_space<hbm>>
      %dma_wait3A_202 = arith.constant 0 : i32
      %dma_wait3A_203 = arith.constant 0 : i32
      %dma_wait3A_204 = tpu.memref_slice %arg9[%dma_wait3A_202, %dma_wait3A_203] : memref<64x80xi32, #tpu.memory_space<vmem>> -> memref<61x80xi32, #tpu.memory_space<vmem>>
      %dma_wait3A_205 = arith.constant 64 : i32
      %dma_wait3A_206 = arith.constant 0 : i32
      %dma_wait3A_207 = tpu.memref_slice %arg4[%add3A, %dma_wait3A_205, %dma_wait3A_206] : memref<32x125x80xi32, #tpu.memory_space<hbm>> -> memref<1x61x80xi32, #tpu.memory_space<hbm>>
      %dma_wait3A_208 = tpu.memref_squeeze %dma_wait3A_207 : memref<1x61x80xi32, #tpu.memory_space<hbm>> -> memref<61x80xi32, #tpu.memory_space<hbm>>
      tpu.wait_dma2 semaphore(%run_scoped3A_180 : memref<!tpu.dma_semaphore, #tpu.memory_space<semaphore_mem>>) src(%dma_wait3A_208 : memref<61x80xi32, #tpu.memory_space<hbm>>) dst(%dma_wait3A_204 : memref<61x80xi32, #tpu.memory_space<vmem>>)
      tpu.yield
    }) : () -> ()
    %dma_start3A_81 = arith.constant 0 : i32
    %dma_start3A_82 = arith.constant 0 : i32
    %dma_start3A_83 = tpu.memref_slice %arg8[%dma_start3A_81, %dma_start3A_82] : memref<64x80xi32, #tpu.memory_space<vmem>> -> memref<1x80xi32, #tpu.memory_space<vmem>>
    %dma_start3A_84 = tpu.memref_squeeze %dma_start3A_83 : memref<1x80xi32, #tpu.memory_space<vmem>> -> memref<80xi32, #tpu.memory_space<vmem>>
    %dma_start3A_85 = arith.constant 0 : i32
    %dma_start3A_86 = arith.constant 0 : i32
    %dma_start3A_87 = tpu.memref_slice %arg2[%dma_start3A_85, %dma_start3A_86] : memref<10112x128xf32, #tpu.memory_space<hbm>> -> memref<10112x128xf32, #tpu.memory_space<hbm>>
    tpu.enqueue_indirect_dma source(%dma_start3A_87 : memref<10112x128xf32, #tpu.memory_space<hbm>>) target(%arg10 : memref<80x128xf32, #tpu.memory_space<vmem>>) offsets(%dma_start3A_84 : memref<80xi32, #tpu.memory_space<vmem>>) semaphore(%arg13 : memref<!tpu.dma_semaphore, #tpu.memory_space<semaphore_mem>>)
    %dma_start3A_88 = arith.constant 1 : i32
    %dma_start3A_89 = arith.constant 0 : i32
    %dma_start3A_90 = tpu.memref_slice %arg8[%dma_start3A_88, %dma_start3A_89] : memref<64x80xi32, #tpu.memory_space<vmem>> -> memref<1x80xi32, #tpu.memory_space<vmem>>
    %dma_start3A_91 = tpu.memref_squeeze %dma_start3A_90 : memref<1x80xi32, #tpu.memory_space<vmem>> -> memref<80xi32, #tpu.memory_space<vmem>>
    %dma_start3A_92 = arith.constant 0 : i32
    %dma_start3A_93 = arith.constant 0 : i32
    %dma_start3A_94 = tpu.memref_slice %arg2[%dma_start3A_92, %dma_start3A_93] : memref<10112x128xf32, #tpu.memory_space<hbm>> -> memref<10112x128xf32, #tpu.memory_space<hbm>>
    tpu.enqueue_indirect_dma source(%dma_start3A_94 : memref<10112x128xf32, #tpu.memory_space<hbm>>) target(%arg11 : memref<80x128xf32, #tpu.memory_space<vmem>>) offsets(%dma_start3A_91 : memref<80xi32, #tpu.memory_space<vmem>>) semaphore(%arg14 : memref<!tpu.dma_semaphore, #tpu.memory_space<semaphore_mem>>)
    %scan3A_95 = arith.constant 0 : i32
    %scan3A_96 = arith.constant 0 : i32
    %scan3A_97 = arith.constant 19 : i32
    %scan3A_98 = arith.addi %scan3A_96, %scan3A_97 : i32
    %scan3A_99 = arith.constant 1 : i32
    scf.for %scan3A_180 = %scan3A_96 to %scan3A_98 step %scan3A_99  : i32 {
      %mul3A_181 = arith.constant 3 : i32
      %mul3A_182 = arith.muli %mul3A_181, %scan3A_180 : i32
      %add3A_183 = arith.constant 0 : i32
      %add3A_184 = arith.addi %mul3A_182, %add3A_183 : i32
      %dma_wait3A_185 = arith.constant 0 : i32
      %dma_wait3A_186 = tpu.memref_slice %arg8[%add3A_184, %dma_wait3A_185] : memref<64x80xi32, #tpu.memory_space<vmem>> -> memref<1x80xi32, #tpu.memory_space<vmem>>
      %dma_wait3A_187 = tpu.memref_squeeze %dma_wait3A_186 : memref<1x80xi32, #tpu.memory_space<vmem>> -> memref<80xi32, #tpu.memory_space<vmem>>
      %dma_wait3A_188 = arith.constant 0 : i32
      %dma_wait3A_189 = arith.constant 0 : i32
      %dma_wait3A_190 = tpu.memref_slice %arg2[%dma_wait3A_188, %dma_wait3A_189] : memref<10112x128xf32, #tpu.memory_space<hbm>> -> memref<10112x128xf32, #tpu.memory_space<hbm>>
      tpu.wait_indirect_dma semaphore(%arg13 : memref<!tpu.dma_semaphore, #tpu.memory_space<semaphore_mem>>) src(%dma_wait3A_190 : memref<10112x128xf32, #tpu.memory_space<hbm>>) dst(%arg10 : memref<80x128xf32, #tpu.memory_space<vmem>>)
      %add3A_191 = arith.constant 0 : i32
      %add3A_192 = arith.addi %mul3A_182, %add3A_191 : i32
      %add3A_193 = arith.constant 2 : i32
      %add3A_194 = arith.addi %add3A_192, %add3A_193 : i32
      %dma_start3A_195 = arith.constant 0 : i32
      %dma_start3A_196 = tpu.memref_slice %arg8[%add3A_194, %dma_start3A_195] : memref<64x80xi32, #tpu.memory_space<vmem>> -> memref<1x80xi32, #tpu.memory_space<vmem>>
      %dma_start3A_197 = tpu.memref_squeeze %dma_start3A_196 : memref<1x80xi32, #tpu.memory_space<vmem>> -> memref<80xi32, #tpu.memory_space<vmem>>
      %dma_start3A_198 = arith.constant 0 : i32
      %dma_start3A_199 = arith.constant 0 : i32
      %dma_start3A_200 = tpu.memref_slice %arg2[%dma_start3A_198, %dma_start3A_199] : memref<10112x128xf32, #tpu.memory_space<hbm>> -> memref<10112x128xf32, #tpu.memory_space<hbm>>
      tpu.enqueue_indirect_dma source(%dma_start3A_200 : memref<10112x128xf32, #tpu.memory_space<hbm>>) target(%arg12 : memref<80x128xf32, #tpu.memory_space<vmem>>) offsets(%dma_start3A_197 : memref<80xi32, #tpu.memory_space<vmem>>) semaphore(%arg15 : memref<!tpu.dma_semaphore, #tpu.memory_space<semaphore_mem>>)
      %add3A_201 = arith.constant 0 : i32
      %add3A_202 = arith.addi %mul3A_182, %add3A_201 : i32
      "tpu.region"() ({
        %run_scoped3A_243 = tpu.sem_alloc : memref<!tpu.dma_semaphore, #tpu.memory_space<semaphore_mem>>
        %dma_start3A_244 = arith.constant 0 : i32
        %dma_start3A_245 = tpu.memref_slice %arg9[%add3A_202, %dma_start3A_244] : memref<64x80xi32, #tpu.memory_space<vmem>> -> memref<1x80xi32, #tpu.memory_space<vmem>>
        %dma_start3A_246 = tpu.memref_squeeze %dma_start3A_245 : memref<1x80xi32, #tpu.memory_space<vmem>> -> memref<80xi32, #tpu.memory_space<vmem>>
        %dma_start3A_247 = arith.constant 0 : i32
        %dma_start3A_248 = arith.constant 0 : i32
        %dma_start3A_249 = tpu.memref_slice %arg7[%dma_start3A_247, %dma_start3A_248] : memref<10112x128xf32, #tpu.memory_space<vmem_shared>> -> memref<10112x128xf32, #tpu.memory_space<vmem_shared>>
        tpu.enqueue_indirect_dma source(%arg10 : memref<80x128xf32, #tpu.memory_space<vmem>>) target(%dma_start3A_249 : memref<10112x128xf32, #tpu.memory_space<vmem_shared>>) offsets(%dma_start3A_246 : memref<80xi32, #tpu.memory_space<vmem>>) semaphore(%run_scoped3A_243 : memref<!tpu.dma_semaphore, #tpu.memory_space<semaphore_mem>>) {add = true}
        %dma_wait3A_250 = arith.constant 0 : i32
        %dma_wait3A_251 = tpu.memref_slice %arg9[%add3A_202, %dma_wait3A_250] : memref<64x80xi32, #tpu.memory_space<vmem>> -> memref<1x80xi32, #tpu.memory_space<vmem>>
        %dma_wait3A_252 = tpu.memref_squeeze %dma_wait3A_251 : memref<1x80xi32, #tpu.memory_space<vmem>> -> memref<80xi32, #tpu.memory_space<vmem>>
        %dma_wait3A_253 = arith.constant 0 : i32
        %dma_wait3A_254 = arith.constant 0 : i32
        %dma_wait3A_255 = tpu.memref_slice %arg7[%dma_wait3A_253, %dma_wait3A_254] : memref<10112x128xf32, #tpu.memory_space<vmem_shared>> -> memref<10112x128xf32, #tpu.memory_space<vmem_shared>>
        tpu.wait_indirect_dma semaphore(%run_scoped3A_243 : memref<!tpu.dma_semaphore, #tpu.memory_space<semaphore_mem>>) src(%arg10 : memref<80x128xf32, #tpu.memory_space<vmem>>) dst(%dma_wait3A_255 : memref<10112x128xf32, #tpu.memory_space<vmem_shared>>)
        tpu.yield
      }) : () -> ()
      %add3A_203 = arith.constant 1 : i32
      %add3A_204 = arith.addi %mul3A_182, %add3A_203 : i32
      %dma_wait3A_205 = arith.constant 0 : i32
      %dma_wait3A_206 = tpu.memref_slice %arg8[%add3A_204, %dma_wait3A_205] : memref<64x80xi32, #tpu.memory_space<vmem>> -> memref<1x80xi32, #tpu.memory_space<vmem>>
      %dma_wait3A_207 = tpu.memref_squeeze %dma_wait3A_206 : memref<1x80xi32, #tpu.memory_space<vmem>> -> memref<80xi32, #tpu.memory_space<vmem>>
      %dma_wait3A_208 = arith.constant 0 : i32
      %dma_wait3A_209 = arith.constant 0 : i32
      %dma_wait3A_210 = tpu.memref_slice %arg2[%dma_wait3A_208, %dma_wait3A_209] : memref<10112x128xf32, #tpu.memory_space<hbm>> -> memref<10112x128xf32, #tpu.memory_space<hbm>>
      tpu.wait_indirect_dma semaphore(%arg14 : memref<!tpu.dma_semaphore, #tpu.memory_space<semaphore_mem>>) src(%dma_wait3A_210 : memref<10112x128xf32, #tpu.memory_space<hbm>>) dst(%arg11 : memref<80x128xf32, #tpu.memory_space<vmem>>)
      %add3A_211 = arith.constant 1 : i32
      %add3A_212 = arith.addi %mul3A_182, %add3A_211 : i32
      %add3A_213 = arith.constant 2 : i32
      %add3A_214 = arith.addi %add3A_212, %add3A_213 : i32
      %dma_start3A_215 = arith.constant 0 : i32
      %dma_start3A_216 = tpu.memref_slice %arg8[%add3A_214, %dma_start3A_215] : memref<64x80xi32, #tpu.memory_space<vmem>> -> memref<1x80xi32, #tpu.memory_space<vmem>>
      %dma_start3A_217 = tpu.memref_squeeze %dma_start3A_216 : memref<1x80xi32, #tpu.memory_space<vmem>> -> memref<80xi32, #tpu.memory_space<vmem>>
      %dma_start3A_218 = arith.constant 0 : i32
      %dma_start3A_219 = arith.constant 0 : i32
      %dma_start3A_220 = tpu.memref_slice %arg2[%dma_start3A_218, %dma_start3A_219] : memref<10112x128xf32, #tpu.memory_space<hbm>> -> memref<10112x128xf32, #tpu.memory_space<hbm>>
      tpu.enqueue_indirect_dma source(%dma_start3A_220 : memref<10112x128xf32, #tpu.memory_space<hbm>>) target(%arg10 : memref<80x128xf32, #tpu.memory_space<vmem>>) offsets(%dma_start3A_217 : memref<80xi32, #tpu.memory_space<vmem>>) semaphore(%arg13 : memref<!tpu.dma_semaphore, #tpu.memory_space<semaphore_mem>>)
      %add3A_221 = arith.constant 1 : i32
      %add3A_222 = arith.addi %mul3A_182, %add3A_221 : i32
      "tpu.region"() ({
        %run_scoped3A_243 = tpu.sem_alloc : memref<!tpu.dma_semaphore, #tpu.memory_space<semaphore_mem>>
        %dma_start3A_244 = arith.constant 0 : i32
        %dma_start3A_245 = tpu.memref_slice %arg9[%add3A_222, %dma_start3A_244] : memref<64x80xi32, #tpu.memory_space<vmem>> -> memref<1x80xi32, #tpu.memory_space<vmem>>
        %dma_start3A_246 = tpu.memref_squeeze %dma_start3A_245 : memref<1x80xi32, #tpu.memory_space<vmem>> -> memref<80xi32, #tpu.memory_space<vmem>>
        %dma_start3A_247 = arith.constant 0 : i32
        %dma_start3A_248 = arith.constant 0 : i32
        %dma_start3A_249 = tpu.memref_slice %arg7[%dma_start3A_247, %dma_start3A_248] : memref<10112x128xf32, #tpu.memory_space<vmem_shared>> -> memref<10112x128xf32, #tpu.memory_space<vmem_shared>>
        tpu.enqueue_indirect_dma source(%arg11 : memref<80x128xf32, #tpu.memory_space<vmem>>) target(%dma_start3A_249 : memref<10112x128xf32, #tpu.memory_space<vmem_shared>>) offsets(%dma_start3A_246 : memref<80xi32, #tpu.memory_space<vmem>>) semaphore(%run_scoped3A_243 : memref<!tpu.dma_semaphore, #tpu.memory_space<semaphore_mem>>) {add = true}
        %dma_wait3A_250 = arith.constant 0 : i32
        %dma_wait3A_251 = tpu.memref_slice %arg9[%add3A_222, %dma_wait3A_250] : memref<64x80xi32, #tpu.memory_space<vmem>> -> memref<1x80xi32, #tpu.memory_space<vmem>>
        %dma_wait3A_252 = tpu.memref_squeeze %dma_wait3A_251 : memref<1x80xi32, #tpu.memory_space<vmem>> -> memref<80xi32, #tpu.memory_space<vmem>>
        %dma_wait3A_253 = arith.constant 0 : i32
        %dma_wait3A_254 = arith.constant 0 : i32
        %dma_wait3A_255 = tpu.memref_slice %arg7[%dma_wait3A_253, %dma_wait3A_254] : memref<10112x128xf32, #tpu.memory_space<vmem_shared>> -> memref<10112x128xf32, #tpu.memory_space<vmem_shared>>
        tpu.wait_indirect_dma semaphore(%run_scoped3A_243 : memref<!tpu.dma_semaphore, #tpu.memory_space<semaphore_mem>>) src(%arg11 : memref<80x128xf32, #tpu.memory_space<vmem>>) dst(%dma_wait3A_255 : memref<10112x128xf32, #tpu.memory_space<vmem_shared>>)
        tpu.yield
      }) : () -> ()
      %add3A_223 = arith.constant 2 : i32
      %add3A_224 = arith.addi %mul3A_182, %add3A_223 : i32
      %dma_wait3A_225 = arith.constant 0 : i32
      %dma_wait3A_226 = tpu.memref_slice %arg8[%add3A_224, %dma_wait3A_225] : memref<64x80xi32, #tpu.memory_space<vmem>> -> memref<1x80xi32, #tpu.memory_space<vmem>>
      %dma_wait3A_227 = tpu.memref_squeeze %dma_wait3A_226 : memref<1x80xi32, #tpu.memory_space<vmem>> -> memref<80xi32, #tpu.memory_space<vmem>>
      %dma_wait3A_228 = arith.constant 0 : i32
      %dma_wait3A_229 = arith.constant 0 : i32
      %dma_wait3A_230 = tpu.memref_slice %arg2[%dma_wait3A_228, %dma_wait3A_229] : memref<10112x128xf32, #tpu.memory_space<hbm>> -> memref<10112x128xf32, #tpu.memory_space<hbm>>
      tpu.wait_indirect_dma semaphore(%arg15 : memref<!tpu.dma_semaphore, #tpu.memory_space<semaphore_mem>>) src(%dma_wait3A_230 : memref<10112x128xf32, #tpu.memory_space<hbm>>) dst(%arg12 : memref<80x128xf32, #tpu.memory_space<vmem>>)
      %add3A_231 = arith.constant 2 : i32
      %add3A_232 = arith.addi %mul3A_182, %add3A_231 : i32
      %add3A_233 = arith.constant 2 : i32
      %add3A_234 = arith.addi %add3A_232, %add3A_233 : i32
      %dma_start3A_235 = arith.constant 0 : i32
      %dma_start3A_236 = tpu.memref_slice %arg8[%add3A_234, %dma_start3A_235] : memref<64x80xi32, #tpu.memory_space<vmem>> -> memref<1x80xi32, #tpu.memory_space<vmem>>
      %dma_start3A_237 = tpu.memref_squeeze %dma_start3A_236 : memref<1x80xi32, #tpu.memory_space<vmem>> -> memref<80xi32, #tpu.memory_space<vmem>>
      %dma_start3A_238 = arith.constant 0 : i32
      %dma_start3A_239 = arith.constant 0 : i32
      %dma_start3A_240 = tpu.memref_slice %arg2[%dma_start3A_238, %dma_start3A_239] : memref<10112x128xf32, #tpu.memory_space<hbm>> -> memref<10112x128xf32, #tpu.memory_space<hbm>>
      tpu.enqueue_indirect_dma source(%dma_start3A_240 : memref<10112x128xf32, #tpu.memory_space<hbm>>) target(%arg11 : memref<80x128xf32, #tpu.memory_space<vmem>>) offsets(%dma_start3A_237 : memref<80xi32, #tpu.memory_space<vmem>>) semaphore(%arg14 : memref<!tpu.dma_semaphore, #tpu.memory_space<semaphore_mem>>)
      %add3A_241 = arith.constant 2 : i32
      %add3A_242 = arith.addi %mul3A_182, %add3A_241 : i32
      "tpu.region"() ({
        %run_scoped3A_243 = tpu.sem_alloc : memref<!tpu.dma_semaphore, #tpu.memory_space<semaphore_mem>>
        %dma_start3A_244 = arith.constant 0 : i32
        %dma_start3A_245 = tpu.memref_slice %arg9[%add3A_242, %dma_start3A_244] : memref<64x80xi32, #tpu.memory_space<vmem>> -> memref<1x80xi32, #tpu.memory_space<vmem>>
        %dma_start3A_246 = tpu.memref_squeeze %dma_start3A_245 : memref<1x80xi32, #tpu.memory_space<vmem>> -> memref<80xi32, #tpu.memory_space<vmem>>
        %dma_start3A_247 = arith.constant 0 : i32
        %dma_start3A_248 = arith.constant 0 : i32
        %dma_start3A_249 = tpu.memref_slice %arg7[%dma_start3A_247, %dma_start3A_248] : memref<10112x128xf32, #tpu.memory_space<vmem_shared>> -> memref<10112x128xf32, #tpu.memory_space<vmem_shared>>
        tpu.enqueue_indirect_dma source(%arg12 : memref<80x128xf32, #tpu.memory_space<vmem>>) target(%dma_start3A_249 : memref<10112x128xf32, #tpu.memory_space<vmem_shared>>) offsets(%dma_start3A_246 : memref<80xi32, #tpu.memory_space<vmem>>) semaphore(%run_scoped3A_243 : memref<!tpu.dma_semaphore, #tpu.memory_space<semaphore_mem>>) {add = true}
        %dma_wait3A_250 = arith.constant 0 : i32
        %dma_wait3A_251 = tpu.memref_slice %arg9[%add3A_242, %dma_wait3A_250] : memref<64x80xi32, #tpu.memory_space<vmem>> -> memref<1x80xi32, #tpu.memory_space<vmem>>
        %dma_wait3A_252 = tpu.memref_squeeze %dma_wait3A_251 : memref<1x80xi32, #tpu.memory_space<vmem>> -> memref<80xi32, #tpu.memory_space<vmem>>
        %dma_wait3A_253 = arith.constant 0 : i32
        %dma_wait3A_254 = arith.constant 0 : i32
        %dma_wait3A_255 = tpu.memref_slice %arg7[%dma_wait3A_253, %dma_wait3A_254] : memref<10112x128xf32, #tpu.memory_space<vmem_shared>> -> memref<10112x128xf32, #tpu.memory_space<vmem_shared>>
        tpu.wait_indirect_dma semaphore(%run_scoped3A_243 : memref<!tpu.dma_semaphore, #tpu.memory_space<semaphore_mem>>) src(%arg12 : memref<80x128xf32, #tpu.memory_space<vmem>>) dst(%dma_wait3A_255 : memref<10112x128xf32, #tpu.memory_space<vmem_shared>>)
        tpu.yield
      }) : () -> ()
    }
    %scan3A_100 = arith.constant 19 : i32
    %dma_wait3A_101 = arith.constant 57 : i32
    %dma_wait3A_102 = arith.constant 0 : i32
    %dma_wait3A_103 = tpu.memref_slice %arg8[%dma_wait3A_101, %dma_wait3A_102] : memref<64x80xi32, #tpu.memory_space<vmem>> -> memref<1x80xi32, #tpu.memory_space<vmem>>
    %dma_wait3A_104 = tpu.memref_squeeze %dma_wait3A_103 : memref<1x80xi32, #tpu.memory_space<vmem>> -> memref<80xi32, #tpu.memory_space<vmem>>
    %dma_wait3A_105 = arith.constant 0 : i32
    %dma_wait3A_106 = arith.constant 0 : i32
    %dma_wait3A_107 = tpu.memref_slice %arg2[%dma_wait3A_105, %dma_wait3A_106] : memref<10112x128xf32, #tpu.memory_space<hbm>> -> memref<10112x128xf32, #tpu.memory_space<hbm>>
    tpu.wait_indirect_dma semaphore(%arg13 : memref<!tpu.dma_semaphore, #tpu.memory_space<semaphore_mem>>) src(%dma_wait3A_107 : memref<10112x128xf32, #tpu.memory_space<hbm>>) dst(%arg10 : memref<80x128xf32, #tpu.memory_space<vmem>>)
    %run_scoped3A_108 = arith.constant 57 : i32
    "tpu.region"() ({
      %run_scoped3A_180 = tpu.sem_alloc : memref<!tpu.dma_semaphore, #tpu.memory_space<semaphore_mem>>
      %dma_start3A_181 = arith.constant 0 : i32
      %dma_start3A_182 = tpu.memref_slice %arg9[%run_scoped3A_108, %dma_start3A_181] : memref<64x80xi32, #tpu.memory_space<vmem>> -> memref<1x80xi32, #tpu.memory_space<vmem>>
      %dma_start3A_183 = tpu.memref_squeeze %dma_start3A_182 : memref<1x80xi32, #tpu.memory_space<vmem>> -> memref<80xi32, #tpu.memory_space<vmem>>
      %dma_start3A_184 = arith.constant 0 : i32
      %dma_start3A_185 = arith.constant 0 : i32
      %dma_start3A_186 = tpu.memref_slice %arg7[%dma_start3A_184, %dma_start3A_185] : memref<10112x128xf32, #tpu.memory_space<vmem_shared>> -> memref<10112x128xf32, #tpu.memory_space<vmem_shared>>
      tpu.enqueue_indirect_dma source(%arg10 : memref<80x128xf32, #tpu.memory_space<vmem>>) target(%dma_start3A_186 : memref<10112x128xf32, #tpu.memory_space<vmem_shared>>) offsets(%dma_start3A_183 : memref<80xi32, #tpu.memory_space<vmem>>) semaphore(%run_scoped3A_180 : memref<!tpu.dma_semaphore, #tpu.memory_space<semaphore_mem>>) {add = true}
      %dma_wait3A_187 = arith.constant 0 : i32
      %dma_wait3A_188 = tpu.memref_slice %arg9[%run_scoped3A_108, %dma_wait3A_187] : memref<64x80xi32, #tpu.memory_space<vmem>> -> memref<1x80xi32, #tpu.memory_space<vmem>>
      %dma_wait3A_189 = tpu.memref_squeeze %dma_wait3A_188 : memref<1x80xi32, #tpu.memory_space<vmem>> -> memref<80xi32, #tpu.memory_space<vmem>>
      %dma_wait3A_190 = arith.constant 0 : i32
      %dma_wait3A_191 = arith.constant 0 : i32
      %dma_wait3A_192 = tpu.memref_slice %arg7[%dma_wait3A_190, %dma_wait3A_191] : memref<10112x128xf32, #tpu.memory_space<vmem_shared>> -> memref<10112x128xf32, #tpu.memory_space<vmem_shared>>
      tpu.wait_indirect_dma semaphore(%run_scoped3A_180 : memref<!tpu.dma_semaphore, #tpu.memory_space<semaphore_mem>>) src(%arg10 : memref<80x128xf32, #tpu.memory_space<vmem>>) dst(%dma_wait3A_192 : memref<10112x128xf32, #tpu.memory_space<vmem_shared>>)
      tpu.yield
    }) : () -> ()
    %dma_wait3A_109 = arith.constant 58 : i32
    %dma_wait3A_110 = arith.constant 0 : i32
    %dma_wait3A_111 = tpu.memref_slice %arg8[%dma_wait3A_109, %dma_wait3A_110] : memref<64x80xi32, #tpu.memory_space<vmem>> -> memref<1x80xi32, #tpu.memory_space<vmem>>
    %dma_wait3A_112 = tpu.memref_squeeze %dma_wait3A_111 : memref<1x80xi32, #tpu.memory_space<vmem>> -> memref<80xi32, #tpu.memory_space<vmem>>
    %dma_wait3A_113 = arith.constant 0 : i32
    %dma_wait3A_114 = arith.constant 0 : i32
    %dma_wait3A_115 = tpu.memref_slice %arg2[%dma_wait3A_113, %dma_wait3A_114] : memref<10112x128xf32, #tpu.memory_space<hbm>> -> memref<10112x128xf32, #tpu.memory_space<hbm>>
    tpu.wait_indirect_dma semaphore(%arg14 : memref<!tpu.dma_semaphore, #tpu.memory_space<semaphore_mem>>) src(%dma_wait3A_115 : memref<10112x128xf32, #tpu.memory_space<hbm>>) dst(%arg11 : memref<80x128xf32, #tpu.memory_space<vmem>>)
    %run_scoped3A_116 = arith.constant 58 : i32
    "tpu.region"() ({
      %run_scoped3A_180 = tpu.sem_alloc : memref<!tpu.dma_semaphore, #tpu.memory_space<semaphore_mem>>
      %dma_start3A_181 = arith.constant 0 : i32
      %dma_start3A_182 = tpu.memref_slice %arg9[%run_scoped3A_116, %dma_start3A_181] : memref<64x80xi32, #tpu.memory_space<vmem>> -> memref<1x80xi32, #tpu.memory_space<vmem>>
      %dma_start3A_183 = tpu.memref_squeeze %dma_start3A_182 : memref<1x80xi32, #tpu.memory_space<vmem>> -> memref<80xi32, #tpu.memory_space<vmem>>
      %dma_start3A_184 = arith.constant 0 : i32
      %dma_start3A_185 = arith.constant 0 : i32
      %dma_start3A_186 = tpu.memref_slice %arg7[%dma_start3A_184, %dma_start3A_185] : memref<10112x128xf32, #tpu.memory_space<vmem_shared>> -> memref<10112x128xf32, #tpu.memory_space<vmem_shared>>
      tpu.enqueue_indirect_dma source(%arg11 : memref<80x128xf32, #tpu.memory_space<vmem>>) target(%dma_start3A_186 : memref<10112x128xf32, #tpu.memory_space<vmem_shared>>) offsets(%dma_start3A_183 : memref<80xi32, #tpu.memory_space<vmem>>) semaphore(%run_scoped3A_180 : memref<!tpu.dma_semaphore, #tpu.memory_space<semaphore_mem>>) {add = true}
      %dma_wait3A_187 = arith.constant 0 : i32
      %dma_wait3A_188 = tpu.memref_slice %arg9[%run_scoped3A_116, %dma_wait3A_187] : memref<64x80xi32, #tpu.memory_space<vmem>> -> memref<1x80xi32, #tpu.memory_space<vmem>>
      %dma_wait3A_189 = tpu.memref_squeeze %dma_wait3A_188 : memref<1x80xi32, #tpu.memory_space<vmem>> -> memref<80xi32, #tpu.memory_space<vmem>>
      %dma_wait3A_190 = arith.constant 0 : i32
      %dma_wait3A_191 = arith.constant 0 : i32
      %dma_wait3A_192 = tpu.memref_slice %arg7[%dma_wait3A_190, %dma_wait3A_191] : memref<10112x128xf32, #tpu.memory_space<vmem_shared>> -> memref<10112x128xf32, #tpu.memory_space<vmem_shared>>
      tpu.wait_indirect_dma semaphore(%run_scoped3A_180 : memref<!tpu.dma_semaphore, #tpu.memory_space<semaphore_mem>>) src(%arg11 : memref<80x128xf32, #tpu.memory_space<vmem>>) dst(%dma_wait3A_192 : memref<10112x128xf32, #tpu.memory_space<vmem_shared>>)
      tpu.yield
    }) : () -> ()
    %dma_start3A_117 = arith.constant 59 : i32
    %dma_start3A_118 = arith.constant 0 : i32
    %dma_start3A_119 = tpu.memref_slice %arg8[%dma_start3A_117, %dma_start3A_118] : memref<64x80xi32, #tpu.memory_space<vmem>> -> memref<1x80xi32, #tpu.memory_space<vmem>>
    %dma_start3A_120 = tpu.memref_squeeze %dma_start3A_119 : memref<1x80xi32, #tpu.memory_space<vmem>> -> memref<80xi32, #tpu.memory_space<vmem>>
    %dma_start3A_121 = arith.constant 0 : i32
    %dma_start3A_122 = arith.constant 0 : i32
    %dma_start3A_123 = tpu.memref_slice %arg2[%dma_start3A_121, %dma_start3A_122] : memref<10112x128xf32, #tpu.memory_space<hbm>> -> memref<10112x128xf32, #tpu.memory_space<hbm>>
    tpu.enqueue_indirect_dma source(%dma_start3A_123 : memref<10112x128xf32, #tpu.memory_space<hbm>>) target(%arg12 : memref<80x128xf32, #tpu.memory_space<vmem>>) offsets(%dma_start3A_120 : memref<80xi32, #tpu.memory_space<vmem>>) semaphore(%arg15 : memref<!tpu.dma_semaphore, #tpu.memory_space<semaphore_mem>>)
    %dma_wait3A_124 = arith.constant 59 : i32
    %dma_wait3A_125 = arith.constant 0 : i32
    %dma_wait3A_126 = tpu.memref_slice %arg8[%dma_wait3A_124, %dma_wait3A_125] : memref<64x80xi32, #tpu.memory_space<vmem>> -> memref<1x80xi32, #tpu.memory_space<vmem>>
    %dma_wait3A_127 = tpu.memref_squeeze %dma_wait3A_126 : memref<1x80xi32, #tpu.memory_space<vmem>> -> memref<80xi32, #tpu.memory_space<vmem>>
    %dma_wait3A_128 = arith.constant 0 : i32
    %dma_wait3A_129 = arith.constant 0 : i32
    %dma_wait3A_130 = tpu.memref_slice %arg2[%dma_wait3A_128, %dma_wait3A_129] : memref<10112x128xf32, #tpu.memory_space<hbm>> -> memref<10112x128xf32, #tpu.memory_space<hbm>>
    tpu.wait_indirect_dma semaphore(%arg15 : memref<!tpu.dma_semaphore, #tpu.memory_space<semaphore_mem>>) src(%dma_wait3A_130 : memref<10112x128xf32, #tpu.memory_space<hbm>>) dst(%arg12 : memref<80x128xf32, #tpu.memory_space<vmem>>)
    %run_scoped3A_131 = arith.constant 59 : i32
    "tpu.region"() ({
      %run_scoped3A_180 = tpu.sem_alloc : memref<!tpu.dma_semaphore, #tpu.memory_space<semaphore_mem>>
      %dma_start3A_181 = arith.constant 0 : i32
      %dma_start3A_182 = tpu.memref_slice %arg9[%run_scoped3A_131, %dma_start3A_181] : memref<64x80xi32, #tpu.memory_space<vmem>> -> memref<1x80xi32, #tpu.memory_space<vmem>>
      %dma_start3A_183 = tpu.memref_squeeze %dma_start3A_182 : memref<1x80xi32, #tpu.memory_space<vmem>> -> memref<80xi32, #tpu.memory_space<vmem>>
      %dma_start3A_184 = arith.constant 0 : i32
      %dma_start3A_185 = arith.constant 0 : i32
      %dma_start3A_186 = tpu.memref_slice %arg7[%dma_start3A_184, %dma_start3A_185] : memref<10112x128xf32, #tpu.memory_space<vmem_shared>> -> memref<10112x128xf32, #tpu.memory_space<vmem_shared>>
      tpu.enqueue_indirect_dma source(%arg12 : memref<80x128xf32, #tpu.memory_space<vmem>>) target(%dma_start3A_186 : memref<10112x128xf32, #tpu.memory_space<vmem_shared>>) offsets(%dma_start3A_183 : memref<80xi32, #tpu.memory_space<vmem>>) semaphore(%run_scoped3A_180 : memref<!tpu.dma_semaphore, #tpu.memory_space<semaphore_mem>>) {add = true}
      %dma_wait3A_187 = arith.constant 0 : i32
      %dma_wait3A_188 = tpu.memref_slice %arg9[%run_scoped3A_131, %dma_wait3A_187] : memref<64x80xi32, #tpu.memory_space<vmem>> -> memref<1x80xi32, #tpu.memory_space<vmem>>
      %dma_wait3A_189 = tpu.memref_squeeze %dma_wait3A_188 : memref<1x80xi32, #tpu.memory_space<vmem>> -> memref<80xi32, #tpu.memory_space<vmem>>
      %dma_wait3A_190 = arith.constant 0 : i32
      %dma_wait3A_191 = arith.constant 0 : i32
      %dma_wait3A_192 = tpu.memref_slice %arg7[%dma_wait3A_190, %dma_wait3A_191] : memref<10112x128xf32, #tpu.memory_space<vmem_shared>> -> memref<10112x128xf32, #tpu.memory_space<vmem_shared>>
      tpu.wait_indirect_dma semaphore(%run_scoped3A_180 : memref<!tpu.dma_semaphore, #tpu.memory_space<semaphore_mem>>) src(%arg12 : memref<80x128xf32, #tpu.memory_space<vmem>>) dst(%dma_wait3A_192 : memref<10112x128xf32, #tpu.memory_space<vmem_shared>>)
      tpu.yield
    }) : () -> ()
    %dma_start3A_132 = arith.constant 60 : i32
    %dma_start3A_133 = arith.constant 0 : i32
    %dma_start3A_134 = tpu.memref_slice %arg8[%dma_start3A_132, %dma_start3A_133] : memref<64x80xi32, #tpu.memory_space<vmem>> -> memref<1x80xi32, #tpu.memory_space<vmem>>
    %dma_start3A_135 = tpu.memref_squeeze %dma_start3A_134 : memref<1x80xi32, #tpu.memory_space<vmem>> -> memref<80xi32, #tpu.memory_space<vmem>>
    %dma_start3A_136 = arith.constant 0 : i32
    %dma_start3A_137 = arith.constant 0 : i32
    %dma_start3A_138 = tpu.memref_slice %arg2[%dma_start3A_136, %dma_start3A_137] : memref<10112x128xf32, #tpu.memory_space<hbm>> -> memref<10112x128xf32, #tpu.memory_space<hbm>>
    tpu.enqueue_indirect_dma source(%dma_start3A_138 : memref<10112x128xf32, #tpu.memory_space<hbm>>) target(%arg10 : memref<80x128xf32, #tpu.memory_space<vmem>>) offsets(%dma_start3A_135 : memref<80xi32, #tpu.memory_space<vmem>>) semaphore(%arg13 : memref<!tpu.dma_semaphore, #tpu.memory_space<semaphore_mem>>)
    %dma_wait3A_139 = arith.constant 60 : i32
    %dma_wait3A_140 = arith.constant 0 : i32
    %dma_wait3A_141 = tpu.memref_slice %arg8[%dma_wait3A_139, %dma_wait3A_140] : memref<64x80xi32, #tpu.memory_space<vmem>> -> memref<1x80xi32, #tpu.memory_space<vmem>>
    %dma_wait3A_142 = tpu.memref_squeeze %dma_wait3A_141 : memref<1x80xi32, #tpu.memory_space<vmem>> -> memref<80xi32, #tpu.memory_space<vmem>>
    %dma_wait3A_143 = arith.constant 0 : i32
    %dma_wait3A_144 = arith.constant 0 : i32
    %dma_wait3A_145 = tpu.memref_slice %arg2[%dma_wait3A_143, %dma_wait3A_144] : memref<10112x128xf32, #tpu.memory_space<hbm>> -> memref<10112x128xf32, #tpu.memory_space<hbm>>
    tpu.wait_indirect_dma semaphore(%arg13 : memref<!tpu.dma_semaphore, #tpu.memory_space<semaphore_mem>>) src(%dma_wait3A_145 : memref<10112x128xf32, #tpu.memory_space<hbm>>) dst(%arg10 : memref<80x128xf32, #tpu.memory_space<vmem>>)
    %run_scoped3A_146 = arith.constant 60 : i32
    "tpu.region"() ({
      %run_scoped3A_180 = tpu.sem_alloc : memref<!tpu.dma_semaphore, #tpu.memory_space<semaphore_mem>>
      %dma_start3A_181 = arith.constant 0 : i32
      %dma_start3A_182 = tpu.memref_slice %arg9[%run_scoped3A_146, %dma_start3A_181] : memref<64x80xi32, #tpu.memory_space<vmem>> -> memref<1x80xi32, #tpu.memory_space<vmem>>
      %dma_start3A_183 = tpu.memref_squeeze %dma_start3A_182 : memref<1x80xi32, #tpu.memory_space<vmem>> -> memref<80xi32, #tpu.memory_space<vmem>>
      %dma_start3A_184 = arith.constant 0 : i32
      %dma_start3A_185 = arith.constant 0 : i32
      %dma_start3A_186 = tpu.memref_slice %arg7[%dma_start3A_184, %dma_start3A_185] : memref<10112x128xf32, #tpu.memory_space<vmem_shared>> -> memref<10112x128xf32, #tpu.memory_space<vmem_shared>>
      tpu.enqueue_indirect_dma source(%arg10 : memref<80x128xf32, #tpu.memory_space<vmem>>) target(%dma_start3A_186 : memref<10112x128xf32, #tpu.memory_space<vmem_shared>>) offsets(%dma_start3A_183 : memref<80xi32, #tpu.memory_space<vmem>>) semaphore(%run_scoped3A_180 : memref<!tpu.dma_semaphore, #tpu.memory_space<semaphore_mem>>) {add = true}
      %dma_wait3A_187 = arith.constant 0 : i32
      %dma_wait3A_188 = tpu.memref_slice %arg9[%run_scoped3A_146, %dma_wait3A_187] : memref<64x80xi32, #tpu.memory_space<vmem>> -> memref<1x80xi32, #tpu.memory_space<vmem>>
      %dma_wait3A_189 = tpu.memref_squeeze %dma_wait3A_188 : memref<1x80xi32, #tpu.memory_space<vmem>> -> memref<80xi32, #tpu.memory_space<vmem>>
      %dma_wait3A_190 = arith.constant 0 : i32
      %dma_wait3A_191 = arith.constant 0 : i32
      %dma_wait3A_192 = tpu.memref_slice %arg7[%dma_wait3A_190, %dma_wait3A_191] : memref<10112x128xf32, #tpu.memory_space<vmem_shared>> -> memref<10112x128xf32, #tpu.memory_space<vmem_shared>>
      tpu.wait_indirect_dma semaphore(%run_scoped3A_180 : memref<!tpu.dma_semaphore, #tpu.memory_space<semaphore_mem>>) src(%arg10 : memref<80x128xf32, #tpu.memory_space<vmem>>) dst(%dma_wait3A_192 : memref<10112x128xf32, #tpu.memory_space<vmem_shared>>)
      tpu.yield
    }) : () -> ()
    %barrier3A_147 = arith.constant 0 : index
    tpu.barrier barrier_id(%barrier3A_147)
    %add3A_148 = arith.constant 0 : i32
    %add3A_149 = arith.addi %mul3A_2, %add3A_148 : i32
    "tpu.region"() ({
      %run_scoped3A_180 = tpu.sem_alloc : memref<!tpu.dma_semaphore, #tpu.memory_space<semaphore_mem>>
      %dma_start3A_181 = arith.constant 0 : i32
      %dma_start3A_182 = arith.constant 0 : i32
      %dma_start3A_183 = tpu.memref_slice %arg10[%dma_start3A_181, %dma_start3A_182] : memref<80x128xf32, #tpu.memory_space<vmem>> -> memref<80x128xf32, #tpu.memory_space<vmem>>
      %dma_start3A_184 = arith.constant 0 : i32
      %dma_start3A_185 = tpu.memref_slice %arg7[%add3A_149, %dma_start3A_184] : memref<10112x128xf32, #tpu.memory_space<vmem_shared>> -> memref<80x128xf32, #tpu.memory_space<vmem_shared>>
      %dma_start3A_186 = arith.constant 0 : i32
      %dma_start3A_187 = arith.constant 0 : i32
      %dma_start3A_188 = tpu.memref_slice %arg10[%dma_start3A_186, %dma_start3A_187] : memref<80x128xf32, #tpu.memory_space<vmem>> -> memref<80x128xf32, #tpu.memory_space<vmem>>
      %dma_start3A_189 = arith.constant 0 : i32
      %dma_start3A_190 = tpu.memref_slice %arg7[%add3A_149, %dma_start3A_189] : memref<10112x128xf32, #tpu.memory_space<vmem_shared>> -> memref<80x128xf32, #tpu.memory_space<vmem_shared>>
      tpu.enqueue_dma source(%dma_start3A_190 : memref<80x128xf32, #tpu.memory_space<vmem_shared>>) target(%dma_start3A_188 : memref<80x128xf32, #tpu.memory_space<vmem>>) target_semaphore(%run_scoped3A_180 : memref<!tpu.dma_semaphore, #tpu.memory_space<semaphore_mem>>)
      %dma_wait3A_191 = arith.constant 0 : i32
      %dma_wait3A_192 = arith.constant 0 : i32
      %dma_wait3A_193 = tpu.memref_slice %arg10[%dma_wait3A_191, %dma_wait3A_192] : memref<80x128xf32, #tpu.memory_space<vmem>> -> memref<80x128xf32, #tpu.memory_space<vmem>>
      %dma_wait3A_194 = arith.constant 0 : i32
      %dma_wait3A_195 = tpu.memref_slice %arg7[%add3A_149, %dma_wait3A_194] : memref<10112x128xf32, #tpu.memory_space<vmem_shared>> -> memref<80x128xf32, #tpu.memory_space<vmem_shared>>
      %dma_wait3A_196 = arith.constant 0 : i32
      %dma_wait3A_197 = arith.constant 0 : i32
      %dma_wait3A_198 = tpu.memref_slice %arg10[%dma_wait3A_196, %dma_wait3A_197] : memref<80x128xf32, #tpu.memory_space<vmem>> -> memref<80x128xf32, #tpu.memory_space<vmem>>
      %dma_wait3A_199 = arith.constant 0 : i32
      %dma_wait3A_200 = tpu.memref_slice %arg7[%add3A_149, %dma_wait3A_199] : memref<10112x128xf32, #tpu.memory_space<vmem_shared>> -> memref<80x128xf32, #tpu.memory_space<vmem_shared>>
      tpu.wait_dma2 semaphore(%run_scoped3A_180 : memref<!tpu.dma_semaphore, #tpu.memory_space<semaphore_mem>>) src(%dma_wait3A_200 : memref<80x128xf32, #tpu.memory_space<vmem_shared>>) dst(%dma_wait3A_198 : memref<80x128xf32, #tpu.memory_space<vmem>>)
      tpu.yield
    }) : () -> ()
    %add3A_150 = arith.constant 0 : i32
    %add3A_151 = arith.addi %mul3A_2, %add3A_150 : i32
    "tpu.region"() ({
      %run_scoped3A_180 = tpu.sem_alloc : memref<!tpu.dma_semaphore, #tpu.memory_space<semaphore_mem>>
      %dma_start3A_181 = arith.constant 0 : i32
      %dma_start3A_182 = arith.constant 0 : i32
      %dma_start3A_183 = tpu.memref_slice %arg10[%dma_start3A_181, %dma_start3A_182] : memref<80x128xf32, #tpu.memory_space<vmem>> -> memref<80x128xf32, #tpu.memory_space<vmem>>
      %dma_start3A_184 = arith.constant 0 : i32
      %dma_start3A_185 = tpu.memref_slice %arg6[%arg0, %add3A_151, %dma_start3A_184] : memref<2x10112x128xf32, #tpu.memory_space<hbm>> -> memref<1x80x128xf32, #tpu.memory_space<hbm>>
      %dma_start3A_186 = tpu.memref_squeeze %dma_start3A_185 : memref<1x80x128xf32, #tpu.memory_space<hbm>> -> memref<80x128xf32, #tpu.memory_space<hbm>>
      %dma_start3A_187 = arith.constant 0 : i32
      %dma_start3A_188 = tpu.memref_slice %arg6[%arg0, %add3A_151, %dma_start3A_187] : memref<2x10112x128xf32, #tpu.memory_space<hbm>> -> memref<1x80x128xf32, #tpu.memory_space<hbm>>
      %dma_start3A_189 = tpu.memref_squeeze %dma_start3A_188 : memref<1x80x128xf32, #tpu.memory_space<hbm>> -> memref<80x128xf32, #tpu.memory_space<hbm>>
      %dma_start3A_190 = arith.constant 0 : i32
      %dma_start3A_191 = arith.constant 0 : i32
      %dma_start3A_192 = tpu.memref_slice %arg10[%dma_start3A_190, %dma_start3A_191] : memref<80x128xf32, #tpu.memory_space<vmem>> -> memref<80x128xf32, #tpu.memory_space<vmem>>
      tpu.enqueue_dma source(%dma_start3A_192 : memref<80x128xf32, #tpu.memory_space<vmem>>) target(%dma_start3A_189 : memref<80x128xf32, #tpu.memory_space<hbm>>) target_semaphore(%run_scoped3A_180 : memref<!tpu.dma_semaphore, #tpu.memory_space<semaphore_mem>>)
      %dma_wait3A_193 = arith.constant 0 : i32
      %dma_wait3A_194 = arith.constant 0 : i32
      %dma_wait3A_195 = tpu.memref_slice %arg10[%dma_wait3A_193, %dma_wait3A_194] : memref<80x128xf32, #tpu.memory_space<vmem>> -> memref<80x128xf32, #tpu.memory_space<vmem>>
      %dma_wait3A_196 = arith.constant 0 : i32
      %dma_wait3A_197 = tpu.memref_slice %arg6[%arg0, %add3A_151, %dma_wait3A_196] : memref<2x10112x128xf32, #tpu.memory_space<hbm>> -> memref<1x80x128xf32, #tpu.memory_space<hbm>>
      %dma_wait3A_198 = tpu.memref_squeeze %dma_wait3A_197 : memref<1x80x128xf32, #tpu.memory_space<hbm>> -> memref<80x128xf32, #tpu.memory_space<hbm>>
      %dma_wait3A_199 = arith.constant 0 : i32
      %dma_wait3A_200 = tpu.memref_slice %arg6[%arg0, %add3A_151, %dma_wait3A_199] : memref<2x10112x128xf32, #tpu.memory_space<hbm>> -> memref<1x80x128xf32, #tpu.memory_space<hbm>>
      %dma_wait3A_201 = tpu.memref_squeeze %dma_wait3A_200 : memref<1x80x128xf32, #tpu.memory_space<hbm>> -> memref<80x128xf32, #tpu.memory_space<hbm>>
      %dma_wait3A_202 = arith.constant 0 : i32
      %dma_wait3A_203 = arith.constant 0 : i32
      %dma_wait3A_204 = tpu.memref_slice %arg10[%dma_wait3A_202, %dma_wait3A_203] : memref<80x128xf32, #tpu.memory_space<vmem>> -> memref<80x128xf32, #tpu.memory_space<vmem>>
      tpu.wait_dma2 semaphore(%run_scoped3A_180 : memref<!tpu.dma_semaphore, #tpu.memory_space<semaphore_mem>>) src(%dma_wait3A_204 : memref<80x128xf32, #tpu.memory_space<vmem>>) dst(%dma_wait3A_201 : memref<80x128xf32, #tpu.memory_space<hbm>>)
      tpu.yield
    }) : () -> ()
    %add3A_152 = arith.constant 80 : i32
    %add3A_153 = arith.addi %mul3A_2, %add3A_152 : i32
    "tpu.region"() ({
      %run_scoped3A_180 = tpu.sem_alloc : memref<!tpu.dma_semaphore, #tpu.memory_space<semaphore_mem>>
      %dma_start3A_181 = arith.constant 0 : i32
      %dma_start3A_182 = arith.constant 0 : i32
      %dma_start3A_183 = tpu.memref_slice %arg10[%dma_start3A_181, %dma_start3A_182] : memref<80x128xf32, #tpu.memory_space<vmem>> -> memref<80x128xf32, #tpu.memory_space<vmem>>
      %dma_start3A_184 = arith.constant 0 : i32
      %dma_start3A_185 = tpu.memref_slice %arg7[%add3A_153, %dma_start3A_184] : memref<10112x128xf32, #tpu.memory_space<vmem_shared>> -> memref<80x128xf32, #tpu.memory_space<vmem_shared>>
      %dma_start3A_186 = arith.constant 0 : i32
      %dma_start3A_187 = arith.constant 0 : i32
      %dma_start3A_188 = tpu.memref_slice %arg10[%dma_start3A_186, %dma_start3A_187] : memref<80x128xf32, #tpu.memory_space<vmem>> -> memref<80x128xf32, #tpu.memory_space<vmem>>
      %dma_start3A_189 = arith.constant 0 : i32
      %dma_start3A_190 = tpu.memref_slice %arg7[%add3A_153, %dma_start3A_189] : memref<10112x128xf32, #tpu.memory_space<vmem_shared>> -> memref<80x128xf32, #tpu.memory_space<vmem_shared>>
      tpu.enqueue_dma source(%dma_start3A_190 : memref<80x128xf32, #tpu.memory_space<vmem_shared>>) target(%dma_start3A_188 : memref<80x128xf32, #tpu.memory_space<vmem>>) target_semaphore(%run_scoped3A_180 : memref<!tpu.dma_semaphore, #tpu.memory_space<semaphore_mem>>)
      %dma_wait3A_191 = arith.constant 0 : i32
      %dma_wait3A_192 = arith.constant 0 : i32
      %dma_wait3A_193 = tpu.memref_slice %arg10[%dma_wait3A_191, %dma_wait3A_192] : memref<80x128xf32, #tpu.memory_space<vmem>> -> memref<80x128xf32, #tpu.memory_space<vmem>>
      %dma_wait3A_194 = arith.constant 0 : i32
      %dma_wait3A_195 = tpu.memref_slice %arg7[%add3A_153, %dma_wait3A_194] : memref<10112x128xf32, #tpu.memory_space<vmem_shared>> -> memref<80x128xf32, #tpu.memory_space<vmem_shared>>
      %dma_wait3A_196 = arith.constant 0 : i32
      %dma_wait3A_197 = arith.constant 0 : i32
      %dma_wait3A_198 = tpu.memref_slice %arg10[%dma_wait3A_196, %dma_wait3A_197] : memref<80x128xf32, #tpu.memory_space<vmem>> -> memref<80x128xf32, #tpu.memory_space<vmem>>
      %dma_wait3A_199 = arith.constant 0 : i32
      %dma_wait3A_200 = tpu.memref_slice %arg7[%add3A_153, %dma_wait3A_199] : memref<10112x128xf32, #tpu.memory_space<vmem_shared>> -> memref<80x128xf32, #tpu.memory_space<vmem_shared>>
      tpu.wait_dma2 semaphore(%run_scoped3A_180 : memref<!tpu.dma_semaphore, #tpu.memory_space<semaphore_mem>>) src(%dma_wait3A_200 : memref<80x128xf32, #tpu.memory_space<vmem_shared>>) dst(%dma_wait3A_198 : memref<80x128xf32, #tpu.memory_space<vmem>>)
      tpu.yield
    }) : () -> ()
    %add3A_154 = arith.constant 80 : i32
    %add3A_155 = arith.addi %mul3A_2, %add3A_154 : i32
    "tpu.region"() ({
      %run_scoped3A_180 = tpu.sem_alloc : memref<!tpu.dma_semaphore, #tpu.memory_space<semaphore_mem>>
      %dma_start3A_181 = arith.constant 0 : i32
      %dma_start3A_182 = arith.constant 0 : i32
      %dma_start3A_183 = tpu.memref_slice %arg10[%dma_start3A_181, %dma_start3A_182] : memref<80x128xf32, #tpu.memory_space<vmem>> -> memref<80x128xf32, #tpu.memory_space<vmem>>
      %dma_start3A_184 = arith.constant 0 : i32
      %dma_start3A_185 = tpu.memref_slice %arg6[%arg0, %add3A_155, %dma_start3A_184] : memref<2x10112x128xf32, #tpu.memory_space<hbm>> -> memref<1x80x128xf32, #tpu.memory_space<hbm>>
      %dma_start3A_186 = tpu.memref_squeeze %dma_start3A_185 : memref<1x80x128xf32, #tpu.memory_space<hbm>> -> memref<80x128xf32, #tpu.memory_space<hbm>>
      %dma_start3A_187 = arith.constant 0 : i32
      %dma_start3A_188 = tpu.memref_slice %arg6[%arg0, %add3A_155, %dma_start3A_187] : memref<2x10112x128xf32, #tpu.memory_space<hbm>> -> memref<1x80x128xf32, #tpu.memory_space<hbm>>
      %dma_start3A_189 = tpu.memref_squeeze %dma_start3A_188 : memref<1x80x128xf32, #tpu.memory_space<hbm>> -> memref<80x128xf32, #tpu.memory_space<hbm>>
      %dma_start3A_190 = arith.constant 0 : i32
      %dma_start3A_191 = arith.constant 0 : i32
      %dma_start3A_192 = tpu.memref_slice %arg10[%dma_start3A_190, %dma_start3A_191] : memref<80x128xf32, #tpu.memory_space<vmem>> -> memref<80x128xf32, #tpu.memory_space<vmem>>
      tpu.enqueue_dma source(%dma_start3A_192 : memref<80x128xf32, #tpu.memory_space<vmem>>) target(%dma_start3A_189 : memref<80x128xf32, #tpu.memory_space<hbm>>) target_semaphore(%run_scoped3A_180 : memref<!tpu.dma_semaphore, #tpu.memory_space<semaphore_mem>>)
      %dma_wait3A_193 = arith.constant 0 : i32
      %dma_wait3A_194 = arith.constant 0 : i32
      %dma_wait3A_195 = tpu.memref_slice %arg10[%dma_wait3A_193, %dma_wait3A_194] : memref<80x128xf32, #tpu.memory_space<vmem>> -> memref<80x128xf32, #tpu.memory_space<vmem>>
      %dma_wait3A_196 = arith.constant 0 : i32
      %dma_wait3A_197 = tpu.memref_slice %arg6[%arg0, %add3A_155, %dma_wait3A_196] : memref<2x10112x128xf32, #tpu.memory_space<hbm>> -> memref<1x80x128xf32, #tpu.memory_space<hbm>>
      %dma_wait3A_198 = tpu.memref_squeeze %dma_wait3A_197 : memref<1x80x128xf32, #tpu.memory_space<hbm>> -> memref<80x128xf32, #tpu.memory_space<hbm>>
      %dma_wait3A_199 = arith.constant 0 : i32
      %dma_wait3A_200 = tpu.memref_slice %arg6[%arg0, %add3A_155, %dma_wait3A_199] : memref<2x10112x128xf32, #tpu.memory_space<hbm>> -> memref<1x80x128xf32, #tpu.memory_space<hbm>>
      %dma_wait3A_201 = tpu.memref_squeeze %dma_wait3A_200 : memref<1x80x128xf32, #tpu.memory_space<hbm>> -> memref<80x128xf32, #tpu.memory_space<hbm>>
      %dma_wait3A_202 = arith.constant 0 : i32
      %dma_wait3A_203 = arith.constant 0 : i32
      %dma_wait3A_204 = tpu.memref_slice %arg10[%dma_wait3A_202, %dma_wait3A_203] : memref<80x128xf32, #tpu.memory_space<vmem>> -> memref<80x128xf32, #tpu.memory_space<vmem>>
      tpu.wait_dma2 semaphore(%run_scoped3A_180 : memref<!tpu.dma_semaphore, #tpu.memory_space<semaphore_mem>>) src(%dma_wait3A_204 : memref<80x128xf32, #tpu.memory_space<vmem>>) dst(%dma_wait3A_201 : memref<80x128xf32, #tpu.memory_space<hbm>>)
      tpu.yield
    }) : () -> ()
    %add3A_156 = arith.constant 160 : i32
    %add3A_157 = arith.addi %mul3A_2, %add3A_156 : i32
    "tpu.region"() ({
      %run_scoped3A_180 = tpu.sem_alloc : memref<!tpu.dma_semaphore, #tpu.memory_space<semaphore_mem>>
      %dma_start3A_181 = arith.constant 0 : i32
      %dma_start3A_182 = arith.constant 0 : i32
      %dma_start3A_183 = tpu.memref_slice %arg10[%dma_start3A_181, %dma_start3A_182] : memref<80x128xf32, #tpu.memory_space<vmem>> -> memref<80x128xf32, #tpu.memory_space<vmem>>
      %dma_start3A_184 = arith.constant 0 : i32
      %dma_start3A_185 = tpu.memref_slice %arg7[%add3A_157, %dma_start3A_184] : memref<10112x128xf32, #tpu.memory_space<vmem_shared>> -> memref<80x128xf32, #tpu.memory_space<vmem_shared>>
      %dma_start3A_186 = arith.constant 0 : i32
      %dma_start3A_187 = arith.constant 0 : i32
      %dma_start3A_188 = tpu.memref_slice %arg10[%dma_start3A_186, %dma_start3A_187] : memref<80x128xf32, #tpu.memory_space<vmem>> -> memref<80x128xf32, #tpu.memory_space<vmem>>
      %dma_start3A_189 = arith.constant 0 : i32
      %dma_start3A_190 = tpu.memref_slice %arg7[%add3A_157, %dma_start3A_189] : memref<10112x128xf32, #tpu.memory_space<vmem_shared>> -> memref<80x128xf32, #tpu.memory_space<vmem_shared>>
      tpu.enqueue_dma source(%dma_start3A_190 : memref<80x128xf32, #tpu.memory_space<vmem_shared>>) target(%dma_start3A_188 : memref<80x128xf32, #tpu.memory_space<vmem>>) target_semaphore(%run_scoped3A_180 : memref<!tpu.dma_semaphore, #tpu.memory_space<semaphore_mem>>)
      %dma_wait3A_191 = arith.constant 0 : i32
      %dma_wait3A_192 = arith.constant 0 : i32
      %dma_wait3A_193 = tpu.memref_slice %arg10[%dma_wait3A_191, %dma_wait3A_192] : memref<80x128xf32, #tpu.memory_space<vmem>> -> memref<80x128xf32, #tpu.memory_space<vmem>>
      %dma_wait3A_194 = arith.constant 0 : i32
      %dma_wait3A_195 = tpu.memref_slice %arg7[%add3A_157, %dma_wait3A_194] : memref<10112x128xf32, #tpu.memory_space<vmem_shared>> -> memref<80x128xf32, #tpu.memory_space<vmem_shared>>
      %dma_wait3A_196 = arith.constant 0 : i32
      %dma_wait3A_197 = arith.constant 0 : i32
      %dma_wait3A_198 = tpu.memref_slice %arg10[%dma_wait3A_196, %dma_wait3A_197] : memref<80x128xf32, #tpu.memory_space<vmem>> -> memref<80x128xf32, #tpu.memory_space<vmem>>
      %dma_wait3A_199 = arith.constant 0 : i32
      %dma_wait3A_200 = tpu.memref_slice %arg7[%add3A_157, %dma_wait3A_199] : memref<10112x128xf32, #tpu.memory_space<vmem_shared>> -> memref<80x128xf32, #tpu.memory_space<vmem_shared>>
      tpu.wait_dma2 semaphore(%run_scoped3A_180 : memref<!tpu.dma_semaphore, #tpu.memory_space<semaphore_mem>>) src(%dma_wait3A_200 : memref<80x128xf32, #tpu.memory_space<vmem_shared>>) dst(%dma_wait3A_198 : memref<80x128xf32, #tpu.memory_space<vmem>>)
      tpu.yield
    }) : () -> ()
    %add3A_158 = arith.constant 160 : i32
    %add3A_159 = arith.addi %mul3A_2, %add3A_158 : i32
    "tpu.region"() ({
      %run_scoped3A_180 = tpu.sem_alloc : memref<!tpu.dma_semaphore, #tpu.memory_space<semaphore_mem>>
      %dma_start3A_181 = arith.constant 0 : i32
      %dma_start3A_182 = arith.constant 0 : i32
      %dma_start3A_183 = tpu.memref_slice %arg10[%dma_start3A_181, %dma_start3A_182] : memref<80x128xf32, #tpu.memory_space<vmem>> -> memref<80x128xf32, #tpu.memory_space<vmem>>
      %dma_start3A_184 = arith.constant 0 : i32
      %dma_start3A_185 = tpu.memref_slice %arg6[%arg0, %add3A_159, %dma_start3A_184] : memref<2x10112x128xf32, #tpu.memory_space<hbm>> -> memref<1x80x128xf32, #tpu.memory_space<hbm>>
      %dma_start3A_186 = tpu.memref_squeeze %dma_start3A_185 : memref<1x80x128xf32, #tpu.memory_space<hbm>> -> memref<80x128xf32, #tpu.memory_space<hbm>>
      %dma_start3A_187 = arith.constant 0 : i32
      %dma_start3A_188 = tpu.memref_slice %arg6[%arg0, %add3A_159, %dma_start3A_187] : memref<2x10112x128xf32, #tpu.memory_space<hbm>> -> memref<1x80x128xf32, #tpu.memory_space<hbm>>
      %dma_start3A_189 = tpu.memref_squeeze %dma_start3A_188 : memref<1x80x128xf32, #tpu.memory_space<hbm>> -> memref<80x128xf32, #tpu.memory_space<hbm>>
      %dma_start3A_190 = arith.constant 0 : i32
      %dma_start3A_191 = arith.constant 0 : i32
      %dma_start3A_192 = tpu.memref_slice %arg10[%dma_start3A_190, %dma_start3A_191] : memref<80x128xf32, #tpu.memory_space<vmem>> -> memref<80x128xf32, #tpu.memory_space<vmem>>
      tpu.enqueue_dma source(%dma_start3A_192 : memref<80x128xf32, #tpu.memory_space<vmem>>) target(%dma_start3A_189 : memref<80x128xf32, #tpu.memory_space<hbm>>) target_semaphore(%run_scoped3A_180 : memref<!tpu.dma_semaphore, #tpu.memory_space<semaphore_mem>>)
      %dma_wait3A_193 = arith.constant 0 : i32
      %dma_wait3A_194 = arith.constant 0 : i32
      %dma_wait3A_195 = tpu.memref_slice %arg10[%dma_wait3A_193, %dma_wait3A_194] : memref<80x128xf32, #tpu.memory_space<vmem>> -> memref<80x128xf32, #tpu.memory_space<vmem>>
      %dma_wait3A_196 = arith.constant 0 : i32
      %dma_wait3A_197 = tpu.memref_slice %arg6[%arg0, %add3A_159, %dma_wait3A_196] : memref<2x10112x128xf32, #tpu.memory_space<hbm>> -> memref<1x80x128xf32, #tpu.memory_space<hbm>>
      %dma_wait3A_198 = tpu.memref_squeeze %dma_wait3A_197 : memref<1x80x128xf32, #tpu.memory_space<hbm>> -> memref<80x128xf32, #tpu.memory_space<hbm>>
      %dma_wait3A_199 = arith.constant 0 : i32
      %dma_wait3A_200 = tpu.memref_slice %arg6[%arg0, %add3A_159, %dma_wait3A_199] : memref<2x10112x128xf32, #tpu.memory_space<hbm>> -> memref<1x80x128xf32, #tpu.memory_space<hbm>>
      %dma_wait3A_201 = tpu.memref_squeeze %dma_wait3A_200 : memref<1x80x128xf32, #tpu.memory_space<hbm>> -> memref<80x128xf32, #tpu.memory_space<hbm>>
      %dma_wait3A_202 = arith.constant 0 : i32
      %dma_wait3A_203 = arith.constant 0 : i32
      %dma_wait3A_204 = tpu.memref_slice %arg10[%dma_wait3A_202, %dma_wait3A_203] : memref<80x128xf32, #tpu.memory_space<vmem>> -> memref<80x128xf32, #tpu.memory_space<vmem>>
      tpu.wait_dma2 semaphore(%run_scoped3A_180 : memref<!tpu.dma_semaphore, #tpu.memory_space<semaphore_mem>>) src(%dma_wait3A_204 : memref<80x128xf32, #tpu.memory_space<vmem>>) dst(%dma_wait3A_201 : memref<80x128xf32, #tpu.memory_space<hbm>>)
      tpu.yield
    }) : () -> ()
    %add3A_160 = arith.constant 240 : i32
    %add3A_161 = arith.addi %mul3A_2, %add3A_160 : i32
    "tpu.region"() ({
      %run_scoped3A_180 = tpu.sem_alloc : memref<!tpu.dma_semaphore, #tpu.memory_space<semaphore_mem>>
      %dma_start3A_181 = arith.constant 0 : i32
      %dma_start3A_182 = arith.constant 0 : i32
      %dma_start3A_183 = tpu.memref_slice %arg10[%dma_start3A_181, %dma_start3A_182] : memref<80x128xf32, #tpu.memory_space<vmem>> -> memref<80x128xf32, #tpu.memory_space<vmem>>
      %dma_start3A_184 = arith.constant 0 : i32
      %dma_start3A_185 = tpu.memref_slice %arg7[%add3A_161, %dma_start3A_184] : memref<10112x128xf32, #tpu.memory_space<vmem_shared>> -> memref<80x128xf32, #tpu.memory_space<vmem_shared>>
      %dma_start3A_186 = arith.constant 0 : i32
      %dma_start3A_187 = arith.constant 0 : i32
      %dma_start3A_188 = tpu.memref_slice %arg10[%dma_start3A_186, %dma_start3A_187] : memref<80x128xf32, #tpu.memory_space<vmem>> -> memref<80x128xf32, #tpu.memory_space<vmem>>
      %dma_start3A_189 = arith.constant 0 : i32
      %dma_start3A_190 = tpu.memref_slice %arg7[%add3A_161, %dma_start3A_189] : memref<10112x128xf32, #tpu.memory_space<vmem_shared>> -> memref<80x128xf32, #tpu.memory_space<vmem_shared>>
      tpu.enqueue_dma source(%dma_start3A_190 : memref<80x128xf32, #tpu.memory_space<vmem_shared>>) target(%dma_start3A_188 : memref<80x128xf32, #tpu.memory_space<vmem>>) target_semaphore(%run_scoped3A_180 : memref<!tpu.dma_semaphore, #tpu.memory_space<semaphore_mem>>)
      %dma_wait3A_191 = arith.constant 0 : i32
      %dma_wait3A_192 = arith.constant 0 : i32
      %dma_wait3A_193 = tpu.memref_slice %arg10[%dma_wait3A_191, %dma_wait3A_192] : memref<80x128xf32, #tpu.memory_space<vmem>> -> memref<80x128xf32, #tpu.memory_space<vmem>>
      %dma_wait3A_194 = arith.constant 0 : i32
      %dma_wait3A_195 = tpu.memref_slice %arg7[%add3A_161, %dma_wait3A_194] : memref<10112x128xf32, #tpu.memory_space<vmem_shared>> -> memref<80x128xf32, #tpu.memory_space<vmem_shared>>
      %dma_wait3A_196 = arith.constant 0 : i32
      %dma_wait3A_197 = arith.constant 0 : i32
      %dma_wait3A_198 = tpu.memref_slice %arg10[%dma_wait3A_196, %dma_wait3A_197] : memref<80x128xf32, #tpu.memory_space<vmem>> -> memref<80x128xf32, #tpu.memory_space<vmem>>
      %dma_wait3A_199 = arith.constant 0 : i32
      %dma_wait3A_200 = tpu.memref_slice %arg7[%add3A_161, %dma_wait3A_199] : memref<10112x128xf32, #tpu.memory_space<vmem_shared>> -> memref<80x128xf32, #tpu.memory_space<vmem_shared>>
      tpu.wait_dma2 semaphore(%run_scoped3A_180 : memref<!tpu.dma_semaphore, #tpu.memory_space<semaphore_mem>>) src(%dma_wait3A_200 : memref<80x128xf32, #tpu.memory_space<vmem_shared>>) dst(%dma_wait3A_198 : memref<80x128xf32, #tpu.memory_space<vmem>>)
      tpu.yield
    }) : () -> ()
    %add3A_162 = arith.constant 240 : i32
    %add3A_163 = arith.addi %mul3A_2, %add3A_162 : i32
    "tpu.region"() ({
      %run_scoped3A_180 = tpu.sem_alloc : memref<!tpu.dma_semaphore, #tpu.memory_space<semaphore_mem>>
      %dma_start3A_181 = arith.constant 0 : i32
      %dma_start3A_182 = arith.constant 0 : i32
      %dma_start3A_183 = tpu.memref_slice %arg10[%dma_start3A_181, %dma_start3A_182] : memref<80x128xf32, #tpu.memory_space<vmem>> -> memref<80x128xf32, #tpu.memory_space<vmem>>
      %dma_start3A_184 = arith.constant 0 : i32
      %dma_start3A_185 = tpu.memref_slice %arg6[%arg0, %add3A_163, %dma_start3A_184] : memref<2x10112x128xf32, #tpu.memory_space<hbm>> -> memref<1x80x128xf32, #tpu.memory_space<hbm>>
      %dma_start3A_186 = tpu.memref_squeeze %dma_start3A_185 : memref<1x80x128xf32, #tpu.memory_space<hbm>> -> memref<80x128xf32, #tpu.memory_space<hbm>>
      %dma_start3A_187 = arith.constant 0 : i32
      %dma_start3A_188 = tpu.memref_slice %arg6[%arg0, %add3A_163, %dma_start3A_187] : memref<2x10112x128xf32, #tpu.memory_space<hbm>> -> memref<1x80x128xf32, #tpu.memory_space<hbm>>
      %dma_start3A_189 = tpu.memref_squeeze %dma_start3A_188 : memref<1x80x128xf32, #tpu.memory_space<hbm>> -> memref<80x128xf32, #tpu.memory_space<hbm>>
      %dma_start3A_190 = arith.constant 0 : i32
      %dma_start3A_191 = arith.constant 0 : i32
      %dma_start3A_192 = tpu.memref_slice %arg10[%dma_start3A_190, %dma_start3A_191] : memref<80x128xf32, #tpu.memory_space<vmem>> -> memref<80x128xf32, #tpu.memory_space<vmem>>
      tpu.enqueue_dma source(%dma_start3A_192 : memref<80x128xf32, #tpu.memory_space<vmem>>) target(%dma_start3A_189 : memref<80x128xf32, #tpu.memory_space<hbm>>) target_semaphore(%run_scoped3A_180 : memref<!tpu.dma_semaphore, #tpu.memory_space<semaphore_mem>>)
      %dma_wait3A_193 = arith.constant 0 : i32
      %dma_wait3A_194 = arith.constant 0 : i32
      %dma_wait3A_195 = tpu.memref_slice %arg10[%dma_wait3A_193, %dma_wait3A_194] : memref<80x128xf32, #tpu.memory_space<vmem>> -> memref<80x128xf32, #tpu.memory_space<vmem>>
      %dma_wait3A_196 = arith.constant 0 : i32
      %dma_wait3A_197 = tpu.memref_slice %arg6[%arg0, %add3A_163, %dma_wait3A_196] : memref<2x10112x128xf32, #tpu.memory_space<hbm>> -> memref<1x80x128xf32, #tpu.memory_space<hbm>>
      %dma_wait3A_198 = tpu.memref_squeeze %dma_wait3A_197 : memref<1x80x128xf32, #tpu.memory_space<hbm>> -> memref<80x128xf32, #tpu.memory_space<hbm>>
      %dma_wait3A_199 = arith.constant 0 : i32
      %dma_wait3A_200 = tpu.memref_slice %arg6[%arg0, %add3A_163, %dma_wait3A_199] : memref<2x10112x128xf32, #tpu.memory_space<hbm>> -> memref<1x80x128xf32, #tpu.memory_space<hbm>>
      %dma_wait3A_201 = tpu.memref_squeeze %dma_wait3A_200 : memref<1x80x128xf32, #tpu.memory_space<hbm>> -> memref<80x128xf32, #tpu.memory_space<hbm>>
      %dma_wait3A_202 = arith.constant 0 : i32
      %dma_wait3A_203 = arith.constant 0 : i32
      %dma_wait3A_204 = tpu.memref_slice %arg10[%dma_wait3A_202, %dma_wait3A_203] : memref<80x128xf32, #tpu.memory_space<vmem>> -> memref<80x128xf32, #tpu.memory_space<vmem>>
      tpu.wait_dma2 semaphore(%run_scoped3A_180 : memref<!tpu.dma_semaphore, #tpu.memory_space<semaphore_mem>>) src(%dma_wait3A_204 : memref<80x128xf32, #tpu.memory_space<vmem>>) dst(%dma_wait3A_201 : memref<80x128xf32, #tpu.memory_space<hbm>>)
      tpu.yield
    }) : () -> ()
    %add3A_164 = arith.constant 320 : i32
    %add3A_165 = arith.addi %mul3A_2, %add3A_164 : i32
    "tpu.region"() ({
      %run_scoped3A_180 = tpu.sem_alloc : memref<!tpu.dma_semaphore, #tpu.memory_space<semaphore_mem>>
      %dma_start3A_181 = arith.constant 0 : i32
      %dma_start3A_182 = arith.constant 0 : i32
      %dma_start3A_183 = tpu.memref_slice %arg10[%dma_start3A_181, %dma_start3A_182] : memref<80x128xf32, #tpu.memory_space<vmem>> -> memref<80x128xf32, #tpu.memory_space<vmem>>
      %dma_start3A_184 = arith.constant 0 : i32
      %dma_start3A_185 = tpu.memref_slice %arg7[%add3A_165, %dma_start3A_184] : memref<10112x128xf32, #tpu.memory_space<vmem_shared>> -> memref<80x128xf32, #tpu.memory_space<vmem_shared>>
      %dma_start3A_186 = arith.constant 0 : i32
      %dma_start3A_187 = arith.constant 0 : i32
      %dma_start3A_188 = tpu.memref_slice %arg10[%dma_start3A_186, %dma_start3A_187] : memref<80x128xf32, #tpu.memory_space<vmem>> -> memref<80x128xf32, #tpu.memory_space<vmem>>
      %dma_start3A_189 = arith.constant 0 : i32
      %dma_start3A_190 = tpu.memref_slice %arg7[%add3A_165, %dma_start3A_189] : memref<10112x128xf32, #tpu.memory_space<vmem_shared>> -> memref<80x128xf32, #tpu.memory_space<vmem_shared>>
      tpu.enqueue_dma source(%dma_start3A_190 : memref<80x128xf32, #tpu.memory_space<vmem_shared>>) target(%dma_start3A_188 : memref<80x128xf32, #tpu.memory_space<vmem>>) target_semaphore(%run_scoped3A_180 : memref<!tpu.dma_semaphore, #tpu.memory_space<semaphore_mem>>)
      %dma_wait3A_191 = arith.constant 0 : i32
      %dma_wait3A_192 = arith.constant 0 : i32
      %dma_wait3A_193 = tpu.memref_slice %arg10[%dma_wait3A_191, %dma_wait3A_192] : memref<80x128xf32, #tpu.memory_space<vmem>> -> memref<80x128xf32, #tpu.memory_space<vmem>>
      %dma_wait3A_194 = arith.constant 0 : i32
      %dma_wait3A_195 = tpu.memref_slice %arg7[%add3A_165, %dma_wait3A_194] : memref<10112x128xf32, #tpu.memory_space<vmem_shared>> -> memref<80x128xf32, #tpu.memory_space<vmem_shared>>
      %dma_wait3A_196 = arith.constant 0 : i32
      %dma_wait3A_197 = arith.constant 0 : i32
      %dma_wait3A_198 = tpu.memref_slice %arg10[%dma_wait3A_196, %dma_wait3A_197] : memref<80x128xf32, #tpu.memory_space<vmem>> -> memref<80x128xf32, #tpu.memory_space<vmem>>
      %dma_wait3A_199 = arith.constant 0 : i32
      %dma_wait3A_200 = tpu.memref_slice %arg7[%add3A_165, %dma_wait3A_199] : memref<10112x128xf32, #tpu.memory_space<vmem_shared>> -> memref<80x128xf32, #tpu.memory_space<vmem_shared>>
      tpu.wait_dma2 semaphore(%run_scoped3A_180 : memref<!tpu.dma_semaphore, #tpu.memory_space<semaphore_mem>>) src(%dma_wait3A_200 : memref<80x128xf32, #tpu.memory_space<vmem_shared>>) dst(%dma_wait3A_198 : memref<80x128xf32, #tpu.memory_space<vmem>>)
      tpu.yield
    }) : () -> ()
    %add3A_166 = arith.constant 320 : i32
    %add3A_167 = arith.addi %mul3A_2, %add3A_166 : i32
    "tpu.region"() ({
      %run_scoped3A_180 = tpu.sem_alloc : memref<!tpu.dma_semaphore, #tpu.memory_space<semaphore_mem>>
      %dma_start3A_181 = arith.constant 0 : i32
      %dma_start3A_182 = arith.constant 0 : i32
      %dma_start3A_183 = tpu.memref_slice %arg10[%dma_start3A_181, %dma_start3A_182] : memref<80x128xf32, #tpu.memory_space<vmem>> -> memref<80x128xf32, #tpu.memory_space<vmem>>
      %dma_start3A_184 = arith.constant 0 : i32
      %dma_start3A_185 = tpu.memref_slice %arg6[%arg0, %add3A_167, %dma_start3A_184] : memref<2x10112x128xf32, #tpu.memory_space<hbm>> -> memref<1x80x128xf32, #tpu.memory_space<hbm>>
      %dma_start3A_186 = tpu.memref_squeeze %dma_start3A_185 : memref<1x80x128xf32, #tpu.memory_space<hbm>> -> memref<80x128xf32, #tpu.memory_space<hbm>>
      %dma_start3A_187 = arith.constant 0 : i32
      %dma_start3A_188 = tpu.memref_slice %arg6[%arg0, %add3A_167, %dma_start3A_187] : memref<2x10112x128xf32, #tpu.memory_space<hbm>> -> memref<1x80x128xf32, #tpu.memory_space<hbm>>
      %dma_start3A_189 = tpu.memref_squeeze %dma_start3A_188 : memref<1x80x128xf32, #tpu.memory_space<hbm>> -> memref<80x128xf32, #tpu.memory_space<hbm>>
      %dma_start3A_190 = arith.constant 0 : i32
      %dma_start3A_191 = arith.constant 0 : i32
      %dma_start3A_192 = tpu.memref_slice %arg10[%dma_start3A_190, %dma_start3A_191] : memref<80x128xf32, #tpu.memory_space<vmem>> -> memref<80x128xf32, #tpu.memory_space<vmem>>
      tpu.enqueue_dma source(%dma_start3A_192 : memref<80x128xf32, #tpu.memory_space<vmem>>) target(%dma_start3A_189 : memref<80x128xf32, #tpu.memory_space<hbm>>) target_semaphore(%run_scoped3A_180 : memref<!tpu.dma_semaphore, #tpu.memory_space<semaphore_mem>>)
      %dma_wait3A_193 = arith.constant 0 : i32
      %dma_wait3A_194 = arith.constant 0 : i32
      %dma_wait3A_195 = tpu.memref_slice %arg10[%dma_wait3A_193, %dma_wait3A_194] : memref<80x128xf32, #tpu.memory_space<vmem>> -> memref<80x128xf32, #tpu.memory_space<vmem>>
      %dma_wait3A_196 = arith.constant 0 : i32
      %dma_wait3A_197 = tpu.memref_slice %arg6[%arg0, %add3A_167, %dma_wait3A_196] : memref<2x10112x128xf32, #tpu.memory_space<hbm>> -> memref<1x80x128xf32, #tpu.memory_space<hbm>>
      %dma_wait3A_198 = tpu.memref_squeeze %dma_wait3A_197 : memref<1x80x128xf32, #tpu.memory_space<hbm>> -> memref<80x128xf32, #tpu.memory_space<hbm>>
      %dma_wait3A_199 = arith.constant 0 : i32
      %dma_wait3A_200 = tpu.memref_slice %arg6[%arg0, %add3A_167, %dma_wait3A_199] : memref<2x10112x128xf32, #tpu.memory_space<hbm>> -> memref<1x80x128xf32, #tpu.memory_space<hbm>>
      %dma_wait3A_201 = tpu.memref_squeeze %dma_wait3A_200 : memref<1x80x128xf32, #tpu.memory_space<hbm>> -> memref<80x128xf32, #tpu.memory_space<hbm>>
      %dma_wait3A_202 = arith.constant 0 : i32
      %dma_wait3A_203 = arith.constant 0 : i32
      %dma_wait3A_204 = tpu.memref_slice %arg10[%dma_wait3A_202, %dma_wait3A_203] : memref<80x128xf32, #tpu.memory_space<vmem>> -> memref<80x128xf32, #tpu.memory_space<vmem>>
      tpu.wait_dma2 semaphore(%run_scoped3A_180 : memref<!tpu.dma_semaphore, #tpu.memory_space<semaphore_mem>>) src(%dma_wait3A_204 : memref<80x128xf32, #tpu.memory_space<vmem>>) dst(%dma_wait3A_201 : memref<80x128xf32, #tpu.memory_space<hbm>>)
      tpu.yield
    }) : () -> ()
    %add3A_168 = arith.constant 400 : i32
    %add3A_169 = arith.addi %mul3A_2, %add3A_168 : i32
    "tpu.region"() ({
      %run_scoped3A_180 = tpu.sem_alloc : memref<!tpu.dma_semaphore, #tpu.memory_space<semaphore_mem>>
      %dma_start3A_181 = arith.constant 0 : i32
      %dma_start3A_182 = arith.constant 0 : i32
      %dma_start3A_183 = tpu.memref_slice %arg10[%dma_start3A_181, %dma_start3A_182] : memref<80x128xf32, #tpu.memory_space<vmem>> -> memref<80x128xf32, #tpu.memory_space<vmem>>
      %dma_start3A_184 = arith.constant 0 : i32
      %dma_start3A_185 = tpu.memref_slice %arg7[%add3A_169, %dma_start3A_184] : memref<10112x128xf32, #tpu.memory_space<vmem_shared>> -> memref<80x128xf32, #tpu.memory_space<vmem_shared>>
      %dma_start3A_186 = arith.constant 0 : i32
      %dma_start3A_187 = arith.constant 0 : i32
      %dma_start3A_188 = tpu.memref_slice %arg10[%dma_start3A_186, %dma_start3A_187] : memref<80x128xf32, #tpu.memory_space<vmem>> -> memref<80x128xf32, #tpu.memory_space<vmem>>
      %dma_start3A_189 = arith.constant 0 : i32
      %dma_start3A_190 = tpu.memref_slice %arg7[%add3A_169, %dma_start3A_189] : memref<10112x128xf32, #tpu.memory_space<vmem_shared>> -> memref<80x128xf32, #tpu.memory_space<vmem_shared>>
      tpu.enqueue_dma source(%dma_start3A_190 : memref<80x128xf32, #tpu.memory_space<vmem_shared>>) target(%dma_start3A_188 : memref<80x128xf32, #tpu.memory_space<vmem>>) target_semaphore(%run_scoped3A_180 : memref<!tpu.dma_semaphore, #tpu.memory_space<semaphore_mem>>)
      %dma_wait3A_191 = arith.constant 0 : i32
      %dma_wait3A_192 = arith.constant 0 : i32
      %dma_wait3A_193 = tpu.memref_slice %arg10[%dma_wait3A_191, %dma_wait3A_192] : memref<80x128xf32, #tpu.memory_space<vmem>> -> memref<80x128xf32, #tpu.memory_space<vmem>>
      %dma_wait3A_194 = arith.constant 0 : i32
      %dma_wait3A_195 = tpu.memref_slice %arg7[%add3A_169, %dma_wait3A_194] : memref<10112x128xf32, #tpu.memory_space<vmem_shared>> -> memref<80x128xf32, #tpu.memory_space<vmem_shared>>
      %dma_wait3A_196 = arith.constant 0 : i32
      %dma_wait3A_197 = arith.constant 0 : i32
      %dma_wait3A_198 = tpu.memref_slice %arg10[%dma_wait3A_196, %dma_wait3A_197] : memref<80x128xf32, #tpu.memory_space<vmem>> -> memref<80x128xf32, #tpu.memory_space<vmem>>
      %dma_wait3A_199 = arith.constant 0 : i32
      %dma_wait3A_200 = tpu.memref_slice %arg7[%add3A_169, %dma_wait3A_199] : memref<10112x128xf32, #tpu.memory_space<vmem_shared>> -> memref<80x128xf32, #tpu.memory_space<vmem_shared>>
      tpu.wait_dma2 semaphore(%run_scoped3A_180 : memref<!tpu.dma_semaphore, #tpu.memory_space<semaphore_mem>>) src(%dma_wait3A_200 : memref<80x128xf32, #tpu.memory_space<vmem_shared>>) dst(%dma_wait3A_198 : memref<80x128xf32, #tpu.memory_space<vmem>>)
      tpu.yield
    }) : () -> ()
    %add3A_170 = arith.constant 400 : i32
    %add3A_171 = arith.addi %mul3A_2, %add3A_170 : i32
    "tpu.region"() ({
      %run_scoped3A_180 = tpu.sem_alloc : memref<!tpu.dma_semaphore, #tpu.memory_space<semaphore_mem>>
      %dma_start3A_181 = arith.constant 0 : i32
      %dma_start3A_182 = arith.constant 0 : i32
      %dma_start3A_183 = tpu.memref_slice %arg10[%dma_start3A_181, %dma_start3A_182] : memref<80x128xf32, #tpu.memory_space<vmem>> -> memref<80x128xf32, #tpu.memory_space<vmem>>
      %dma_start3A_184 = arith.constant 0 : i32
      %dma_start3A_185 = tpu.memref_slice %arg6[%arg0, %add3A_171, %dma_start3A_184] : memref<2x10112x128xf32, #tpu.memory_space<hbm>> -> memref<1x80x128xf32, #tpu.memory_space<hbm>>
      %dma_start3A_186 = tpu.memref_squeeze %dma_start3A_185 : memref<1x80x128xf32, #tpu.memory_space<hbm>> -> memref<80x128xf32, #tpu.memory_space<hbm>>
      %dma_start3A_187 = arith.constant 0 : i32
      %dma_start3A_188 = tpu.memref_slice %arg6[%arg0, %add3A_171, %dma_start3A_187] : memref<2x10112x128xf32, #tpu.memory_space<hbm>> -> memref<1x80x128xf32, #tpu.memory_space<hbm>>
      %dma_start3A_189 = tpu.memref_squeeze %dma_start3A_188 : memref<1x80x128xf32, #tpu.memory_space<hbm>> -> memref<80x128xf32, #tpu.memory_space<hbm>>
      %dma_start3A_190 = arith.constant 0 : i32
      %dma_start3A_191 = arith.constant 0 : i32
      %dma_start3A_192 = tpu.memref_slice %arg10[%dma_start3A_190, %dma_start3A_191] : memref<80x128xf32, #tpu.memory_space<vmem>> -> memref<80x128xf32, #tpu.memory_space<vmem>>
      tpu.enqueue_dma source(%dma_start3A_192 : memref<80x128xf32, #tpu.memory_space<vmem>>) target(%dma_start3A_189 : memref<80x128xf32, #tpu.memory_space<hbm>>) target_semaphore(%run_scoped3A_180 : memref<!tpu.dma_semaphore, #tpu.memory_space<semaphore_mem>>)
      %dma_wait3A_193 = arith.constant 0 : i32
      %dma_wait3A_194 = arith.constant 0 : i32
      %dma_wait3A_195 = tpu.memref_slice %arg10[%dma_wait3A_193, %dma_wait3A_194] : memref<80x128xf32, #tpu.memory_space<vmem>> -> memref<80x128xf32, #tpu.memory_space<vmem>>
      %dma_wait3A_196 = arith.constant 0 : i32
      %dma_wait3A_197 = tpu.memref_slice %arg6[%arg0, %add3A_171, %dma_wait3A_196] : memref<2x10112x128xf32, #tpu.memory_space<hbm>> -> memref<1x80x128xf32, #tpu.memory_space<hbm>>
      %dma_wait3A_198 = tpu.memref_squeeze %dma_wait3A_197 : memref<1x80x128xf32, #tpu.memory_space<hbm>> -> memref<80x128xf32, #tpu.memory_space<hbm>>
      %dma_wait3A_199 = arith.constant 0 : i32
      %dma_wait3A_200 = tpu.memref_slice %arg6[%arg0, %add3A_171, %dma_wait3A_199] : memref<2x10112x128xf32, #tpu.memory_space<hbm>> -> memref<1x80x128xf32, #tpu.memory_space<hbm>>
      %dma_wait3A_201 = tpu.memref_squeeze %dma_wait3A_200 : memref<1x80x128xf32, #tpu.memory_space<hbm>> -> memref<80x128xf32, #tpu.memory_space<hbm>>
      %dma_wait3A_202 = arith.constant 0 : i32
      %dma_wait3A_203 = arith.constant 0 : i32
      %dma_wait3A_204 = tpu.memref_slice %arg10[%dma_wait3A_202, %dma_wait3A_203] : memref<80x128xf32, #tpu.memory_space<vmem>> -> memref<80x128xf32, #tpu.memory_space<vmem>>
      tpu.wait_dma2 semaphore(%run_scoped3A_180 : memref<!tpu.dma_semaphore, #tpu.memory_space<semaphore_mem>>) src(%dma_wait3A_204 : memref<80x128xf32, #tpu.memory_space<vmem>>) dst(%dma_wait3A_201 : memref<80x128xf32, #tpu.memory_space<hbm>>)
      tpu.yield
    }) : () -> ()
    %add3A_172 = arith.constant 480 : i32
    %add3A_173 = arith.addi %mul3A_2, %add3A_172 : i32
    "tpu.region"() ({
      %run_scoped3A_180 = tpu.sem_alloc : memref<!tpu.dma_semaphore, #tpu.memory_space<semaphore_mem>>
      %dma_start3A_181 = arith.constant 0 : i32
      %dma_start3A_182 = arith.constant 0 : i32
      %dma_start3A_183 = tpu.memref_slice %arg10[%dma_start3A_181, %dma_start3A_182] : memref<80x128xf32, #tpu.memory_space<vmem>> -> memref<80x128xf32, #tpu.memory_space<vmem>>
      %dma_start3A_184 = arith.constant 0 : i32
      %dma_start3A_185 = tpu.memref_slice %arg7[%add3A_173, %dma_start3A_184] : memref<10112x128xf32, #tpu.memory_space<vmem_shared>> -> memref<80x128xf32, #tpu.memory_space<vmem_shared>>
      %dma_start3A_186 = arith.constant 0 : i32
      %dma_start3A_187 = arith.constant 0 : i32
      %dma_start3A_188 = tpu.memref_slice %arg10[%dma_start3A_186, %dma_start3A_187] : memref<80x128xf32, #tpu.memory_space<vmem>> -> memref<80x128xf32, #tpu.memory_space<vmem>>
      %dma_start3A_189 = arith.constant 0 : i32
      %dma_start3A_190 = tpu.memref_slice %arg7[%add3A_173, %dma_start3A_189] : memref<10112x128xf32, #tpu.memory_space<vmem_shared>> -> memref<80x128xf32, #tpu.memory_space<vmem_shared>>
      tpu.enqueue_dma source(%dma_start3A_190 : memref<80x128xf32, #tpu.memory_space<vmem_shared>>) target(%dma_start3A_188 : memref<80x128xf32, #tpu.memory_space<vmem>>) target_semaphore(%run_scoped3A_180 : memref<!tpu.dma_semaphore, #tpu.memory_space<semaphore_mem>>)
      %dma_wait3A_191 = arith.constant 0 : i32
      %dma_wait3A_192 = arith.constant 0 : i32
      %dma_wait3A_193 = tpu.memref_slice %arg10[%dma_wait3A_191, %dma_wait3A_192] : memref<80x128xf32, #tpu.memory_space<vmem>> -> memref<80x128xf32, #tpu.memory_space<vmem>>
      %dma_wait3A_194 = arith.constant 0 : i32
      %dma_wait3A_195 = tpu.memref_slice %arg7[%add3A_173, %dma_wait3A_194] : memref<10112x128xf32, #tpu.memory_space<vmem_shared>> -> memref<80x128xf32, #tpu.memory_space<vmem_shared>>
      %dma_wait3A_196 = arith.constant 0 : i32
      %dma_wait3A_197 = arith.constant 0 : i32
      %dma_wait3A_198 = tpu.memref_slice %arg10[%dma_wait3A_196, %dma_wait3A_197] : memref<80x128xf32, #tpu.memory_space<vmem>> -> memref<80x128xf32, #tpu.memory_space<vmem>>
      %dma_wait3A_199 = arith.constant 0 : i32
      %dma_wait3A_200 = tpu.memref_slice %arg7[%add3A_173, %dma_wait3A_199] : memref<10112x128xf32, #tpu.memory_space<vmem_shared>> -> memref<80x128xf32, #tpu.memory_space<vmem_shared>>
      tpu.wait_dma2 semaphore(%run_scoped3A_180 : memref<!tpu.dma_semaphore, #tpu.memory_space<semaphore_mem>>) src(%dma_wait3A_200 : memref<80x128xf32, #tpu.memory_space<vmem_shared>>) dst(%dma_wait3A_198 : memref<80x128xf32, #tpu.memory_space<vmem>>)
      tpu.yield
    }) : () -> ()
    %add3A_174 = arith.constant 480 : i32
    %add3A_175 = arith.addi %mul3A_2, %add3A_174 : i32
    "tpu.region"() ({
      %run_scoped3A_180 = tpu.sem_alloc : memref<!tpu.dma_semaphore, #tpu.memory_space<semaphore_mem>>
      %dma_start3A_181 = arith.constant 0 : i32
      %dma_start3A_182 = arith.constant 0 : i32
      %dma_start3A_183 = tpu.memref_slice %arg10[%dma_start3A_181, %dma_start3A_182] : memref<80x128xf32, #tpu.memory_space<vmem>> -> memref<80x128xf32, #tpu.memory_space<vmem>>
      %dma_start3A_184 = arith.constant 0 : i32
      %dma_start3A_185 = tpu.memref_slice %arg6[%arg0, %add3A_175, %dma_start3A_184] : memref<2x10112x128xf32, #tpu.memory_space<hbm>> -> memref<1x80x128xf32, #tpu.memory_space<hbm>>
      %dma_start3A_186 = tpu.memref_squeeze %dma_start3A_185 : memref<1x80x128xf32, #tpu.memory_space<hbm>> -> memref<80x128xf32, #tpu.memory_space<hbm>>
      %dma_start3A_187 = arith.constant 0 : i32
      %dma_start3A_188 = tpu.memref_slice %arg6[%arg0, %add3A_175, %dma_start3A_187] : memref<2x10112x128xf32, #tpu.memory_space<hbm>> -> memref<1x80x128xf32, #tpu.memory_space<hbm>>
      %dma_start3A_189 = tpu.memref_squeeze %dma_start3A_188 : memref<1x80x128xf32, #tpu.memory_space<hbm>> -> memref<80x128xf32, #tpu.memory_space<hbm>>
      %dma_start3A_190 = arith.constant 0 : i32
      %dma_start3A_191 = arith.constant 0 : i32
      %dma_start3A_192 = tpu.memref_slice %arg10[%dma_start3A_190, %dma_start3A_191] : memref<80x128xf32, #tpu.memory_space<vmem>> -> memref<80x128xf32, #tpu.memory_space<vmem>>
      tpu.enqueue_dma source(%dma_start3A_192 : memref<80x128xf32, #tpu.memory_space<vmem>>) target(%dma_start3A_189 : memref<80x128xf32, #tpu.memory_space<hbm>>) target_semaphore(%run_scoped3A_180 : memref<!tpu.dma_semaphore, #tpu.memory_space<semaphore_mem>>)
      %dma_wait3A_193 = arith.constant 0 : i32
      %dma_wait3A_194 = arith.constant 0 : i32
      %dma_wait3A_195 = tpu.memref_slice %arg10[%dma_wait3A_193, %dma_wait3A_194] : memref<80x128xf32, #tpu.memory_space<vmem>> -> memref<80x128xf32, #tpu.memory_space<vmem>>
      %dma_wait3A_196 = arith.constant 0 : i32
      %dma_wait3A_197 = tpu.memref_slice %arg6[%arg0, %add3A_175, %dma_wait3A_196] : memref<2x10112x128xf32, #tpu.memory_space<hbm>> -> memref<1x80x128xf32, #tpu.memory_space<hbm>>
      %dma_wait3A_198 = tpu.memref_squeeze %dma_wait3A_197 : memref<1x80x128xf32, #tpu.memory_space<hbm>> -> memref<80x128xf32, #tpu.memory_space<hbm>>
      %dma_wait3A_199 = arith.constant 0 : i32
      %dma_wait3A_200 = tpu.memref_slice %arg6[%arg0, %add3A_175, %dma_wait3A_199] : memref<2x10112x128xf32, #tpu.memory_space<hbm>> -> memref<1x80x128xf32, #tpu.memory_space<hbm>>
      %dma_wait3A_201 = tpu.memref_squeeze %dma_wait3A_200 : memref<1x80x128xf32, #tpu.memory_space<hbm>> -> memref<80x128xf32, #tpu.memory_space<hbm>>
      %dma_wait3A_202 = arith.constant 0 : i32
      %dma_wait3A_203 = arith.constant 0 : i32
      %dma_wait3A_204 = tpu.memref_slice %arg10[%dma_wait3A_202, %dma_wait3A_203] : memref<80x128xf32, #tpu.memory_space<vmem>> -> memref<80x128xf32, #tpu.memory_space<vmem>>
      tpu.wait_dma2 semaphore(%run_scoped3A_180 : memref<!tpu.dma_semaphore, #tpu.memory_space<semaphore_mem>>) src(%dma_wait3A_204 : memref<80x128xf32, #tpu.memory_space<vmem>>) dst(%dma_wait3A_201 : memref<80x128xf32, #tpu.memory_space<hbm>>)
      tpu.yield
    }) : () -> ()
    %add3A_176 = arith.constant 560 : i32
    %add3A_177 = arith.addi %mul3A_2, %add3A_176 : i32
    "tpu.region"() ({
      %run_scoped3A_180 = tpu.sem_alloc : memref<!tpu.dma_semaphore, #tpu.memory_space<semaphore_mem>>
      %dma_start3A_181 = arith.constant 0 : i32
      %dma_start3A_182 = arith.constant 0 : i32
      %dma_start3A_183 = tpu.memref_slice %arg10[%dma_start3A_181, %dma_start3A_182] : memref<80x128xf32, #tpu.memory_space<vmem>> -> memref<72x128xf32, #tpu.memory_space<vmem>>
      %dma_start3A_184 = arith.constant 0 : i32
      %dma_start3A_185 = tpu.memref_slice %arg7[%add3A_177, %dma_start3A_184] : memref<10112x128xf32, #tpu.memory_space<vmem_shared>> -> memref<72x128xf32, #tpu.memory_space<vmem_shared>>
      %dma_start3A_186 = arith.constant 0 : i32
      %dma_start3A_187 = arith.constant 0 : i32
      %dma_start3A_188 = tpu.memref_slice %arg10[%dma_start3A_186, %dma_start3A_187] : memref<80x128xf32, #tpu.memory_space<vmem>> -> memref<72x128xf32, #tpu.memory_space<vmem>>
      %dma_start3A_189 = arith.constant 0 : i32
      %dma_start3A_190 = tpu.memref_slice %arg7[%add3A_177, %dma_start3A_189] : memref<10112x128xf32, #tpu.memory_space<vmem_shared>> -> memref<72x128xf32, #tpu.memory_space<vmem_shared>>
      tpu.enqueue_dma source(%dma_start3A_190 : memref<72x128xf32, #tpu.memory_space<vmem_shared>>) target(%dma_start3A_188 : memref<72x128xf32, #tpu.memory_space<vmem>>) target_semaphore(%run_scoped3A_180 : memref<!tpu.dma_semaphore, #tpu.memory_space<semaphore_mem>>)
      %dma_wait3A_191 = arith.constant 0 : i32
      %dma_wait3A_192 = arith.constant 0 : i32
      %dma_wait3A_193 = tpu.memref_slice %arg10[%dma_wait3A_191, %dma_wait3A_192] : memref<80x128xf32, #tpu.memory_space<vmem>> -> memref<72x128xf32, #tpu.memory_space<vmem>>
      %dma_wait3A_194 = arith.constant 0 : i32
      %dma_wait3A_195 = tpu.memref_slice %arg7[%add3A_177, %dma_wait3A_194] : memref<10112x128xf32, #tpu.memory_space<vmem_shared>> -> memref<72x128xf32, #tpu.memory_space<vmem_shared>>
      %dma_wait3A_196 = arith.constant 0 : i32
      %dma_wait3A_197 = arith.constant 0 : i32
      %dma_wait3A_198 = tpu.memref_slice %arg10[%dma_wait3A_196, %dma_wait3A_197] : memref<80x128xf32, #tpu.memory_space<vmem>> -> memref<72x128xf32, #tpu.memory_space<vmem>>
      %dma_wait3A_199 = arith.constant 0 : i32
      %dma_wait3A_200 = tpu.memref_slice %arg7[%add3A_177, %dma_wait3A_199] : memref<10112x128xf32, #tpu.memory_space<vmem_shared>> -> memref<72x128xf32, #tpu.memory_space<vmem_shared>>
      tpu.wait_dma2 semaphore(%run_scoped3A_180 : memref<!tpu.dma_semaphore, #tpu.memory_space<semaphore_mem>>) src(%dma_wait3A_200 : memref<72x128xf32, #tpu.memory_space<vmem_shared>>) dst(%dma_wait3A_198 : memref<72x128xf32, #tpu.memory_space<vmem>>)
      tpu.yield
    }) : () -> ()
    %add3A_178 = arith.constant 560 : i32
    %add3A_179 = arith.addi %mul3A_2, %add3A_178 : i32
    "tpu.region"() ({
      %run_scoped3A_180 = tpu.sem_alloc : memref<!tpu.dma_semaphore, #tpu.memory_space<semaphore_mem>>
      %dma_start3A_181 = arith.constant 0 : i32
      %dma_start3A_182 = arith.constant 0 : i32
      %dma_start3A_183 = tpu.memref_slice %arg10[%dma_start3A_181, %dma_start3A_182] : memref<80x128xf32, #tpu.memory_space<vmem>> -> memref<72x128xf32, #tpu.memory_space<vmem>>
      %dma_start3A_184 = arith.constant 0 : i32
      %dma_start3A_185 = tpu.memref_slice %arg6[%arg0, %add3A_179, %dma_start3A_184] : memref<2x10112x128xf32, #tpu.memory_space<hbm>> -> memref<1x72x128xf32, #tpu.memory_space<hbm>>
      %dma_start3A_186 = tpu.memref_squeeze %dma_start3A_185 : memref<1x72x128xf32, #tpu.memory_space<hbm>> -> memref<72x128xf32, #tpu.memory_space<hbm>>
      %dma_start3A_187 = arith.constant 0 : i32
      %dma_start3A_188 = tpu.memref_slice %arg6[%arg0, %add3A_179, %dma_start3A_187] : memref<2x10112x128xf32, #tpu.memory_space<hbm>> -> memref<1x72x128xf32, #tpu.memory_space<hbm>>
      %dma_start3A_189 = tpu.memref_squeeze %dma_start3A_188 : memref<1x72x128xf32, #tpu.memory_space<hbm>> -> memref<72x128xf32, #tpu.memory_space<hbm>>
      %dma_start3A_190 = arith.constant 0 : i32
      %dma_start3A_191 = arith.constant 0 : i32
      %dma_start3A_192 = tpu.memref_slice %arg10[%dma_start3A_190, %dma_start3A_191] : memref<80x128xf32, #tpu.memory_space<vmem>> -> memref<72x128xf32, #tpu.memory_space<vmem>>
      tpu.enqueue_dma source(%dma_start3A_192 : memref<72x128xf32, #tpu.memory_space<vmem>>) target(%dma_start3A_189 : memref<72x128xf32, #tpu.memory_space<hbm>>) target_semaphore(%run_scoped3A_180 : memref<!tpu.dma_semaphore, #tpu.memory_space<semaphore_mem>>)
      %dma_wait3A_193 = arith.constant 0 : i32
      %dma_wait3A_194 = arith.constant 0 : i32
      %dma_wait3A_195 = tpu.memref_slice %arg10[%dma_wait3A_193, %dma_wait3A_194] : memref<80x128xf32, #tpu.memory_space<vmem>> -> memref<72x128xf32, #tpu.memory_space<vmem>>
      %dma_wait3A_196 = arith.constant 0 : i32
      %dma_wait3A_197 = tpu.memref_slice %arg6[%arg0, %add3A_179, %dma_wait3A_196] : memref<2x10112x128xf32, #tpu.memory_space<hbm>> -> memref<1x72x128xf32, #tpu.memory_space<hbm>>
      %dma_wait3A_198 = tpu.memref_squeeze %dma_wait3A_197 : memref<1x72x128xf32, #tpu.memory_space<hbm>> -> memref<72x128xf32, #tpu.memory_space<hbm>>
      %dma_wait3A_199 = arith.constant 0 : i32
      %dma_wait3A_200 = tpu.memref_slice %arg6[%arg0, %add3A_179, %dma_wait3A_199] : memref<2x10112x128xf32, #tpu.memory_space<hbm>> -> memref<1x72x128xf32, #tpu.memory_space<hbm>>
      %dma_wait3A_201 = tpu.memref_squeeze %dma_wait3A_200 : memref<1x72x128xf32, #tpu.memory_space<hbm>> -> memref<72x128xf32, #tpu.memory_space<hbm>>
      %dma_wait3A_202 = arith.constant 0 : i32
      %dma_wait3A_203 = arith.constant 0 : i32
      %dma_wait3A_204 = tpu.memref_slice %arg10[%dma_wait3A_202, %dma_wait3A_203] : memref<80x128xf32, #tpu.memory_space<vmem>> -> memref<72x128xf32, #tpu.memory_space<vmem>>
      tpu.wait_dma2 semaphore(%run_scoped3A_180 : memref<!tpu.dma_semaphore, #tpu.memory_space<semaphore_mem>>) src(%dma_wait3A_204 : memref<72x128xf32, #tpu.memory_space<vmem>>) dst(%dma_wait3A_201 : memref<72x128xf32, #tpu.memory_space<hbm>>)
      tpu.yield
    }) : () -> ()
    return
  }
}

module attributes {stable_mosaic.version = 14 : i64} {
  func.func @_l1_body(%arg0: memref<2x10112x128xf32, #tpu.memory_space<vmem>>, %arg1: memref<2x10112x16xf32, #tpu.memory_space<vmem>>, %arg2: memref<10112x128xf32, #tpu.memory_space<vmem>>, %arg3: memref<128x128xf32, #tpu.memory_space<vmem>>, %arg4: memref<128xf32, #tpu.memory_space<vmem>>, %arg5: memref<128x128xf32, #tpu.memory_space<vmem>>, %arg6: memref<128xf32, #tpu.memory_space<vmem>>, %arg7: memref<128xf32, #tpu.memory_space<vmem>>, %arg8: memref<128xf32, #tpu.memory_space<vmem>>, %arg9: memref<10112x128xf32, #tpu.memory_space<vmem>>) attributes {dimension_semantics = [], scalar_prefetch = 0 : i64, scratch_operands = 0 : i64, tpu.core_type = #tpu.core_type<tc>} {
    %iota3A = tpu.iota {dimensions = array<i32: 0>} : vector<10112x1xi32>
    %lt3A = arith.constant 10000 : i32
    %lt3A_0 = vector.broadcast %lt3A : i32 to vector<10112x1xi32>
    %lt3A_1 = arith.cmpi slt, %iota3A, %lt3A_0 : vector<10112x1xi32>
    %convert_element_type3A = arith.extui %lt3A_1 : vector<10112x1xi1> to vector<10112x1xi32>
    %convert_element_type3A_2 = arith.sitofp %convert_element_type3A : vector<10112x1xi32> to vector<10112x1xf32>
    %get3A = arith.constant 0 : index
    %get3A_3 = arith.constant 0 : index
    %get3A_4 = arith.constant 0 : index
    %get3A_5 = vector.load %arg1[%get3A, %get3A_3, %get3A_4] : memref<2x10112x16xf32, #tpu.memory_space<vmem>>, vector<1x10112x1xf32>
    %get3A_6 = vector.shape_cast %get3A_5 : vector<1x10112x1xf32> to vector<10112x1xf32>
    %get3A_7 = arith.constant 1 : index
    %get3A_8 = arith.constant 0 : index
    %get3A_9 = arith.constant 0 : index
    %get3A_10 = vector.load %arg1[%get3A_7, %get3A_8, %get3A_9] : memref<2x10112x16xf32, #tpu.memory_space<vmem>>, vector<1x10112x1xf32>
    %get3A_11 = vector.shape_cast %get3A_10 : vector<1x10112x1xf32> to vector<10112x1xf32>
    %add3A = arith.addf %get3A_6, %get3A_11 : vector<10112x1xf32>
    %get3A_12 = arith.constant 0 : index
    %get3A_13 = arith.constant 0 : index
    %get3A_14 = arith.constant 0 : index
    %get3A_15 = vector.load %arg0[%get3A_12, %get3A_13, %get3A_14] : memref<2x10112x128xf32, #tpu.memory_space<vmem>>, vector<2x10112x128xf32>
    %get3A_16 = arith.constant 0 : index
    %get3A_17 = arith.constant 0 : index
    %get3A_18 = vector.load %arg2[%get3A_16, %get3A_17] : memref<10112x128xf32, #tpu.memory_space<vmem>>, vector<10112x128xf32>
    %get3A_19 = arith.constant 0 : index
    %get3A_20 = arith.constant 0 : index
    %get3A_21 = vector.load %arg3[%get3A_19, %get3A_20] : memref<128x128xf32, #tpu.memory_space<vmem>>, vector<128x128xf32>
    %get3A_22 = arith.constant 0 : index
    %get3A_23 = vector.load %arg4[%get3A_22] : memref<128xf32, #tpu.memory_space<vmem>>, vector<128xf32>
    %get3A_24 = arith.constant 0 : index
    %get3A_25 = arith.constant 0 : index
    %get3A_26 = vector.load %arg5[%get3A_24, %get3A_25] : memref<128x128xf32, #tpu.memory_space<vmem>>, vector<128x128xf32>
    %get3A_27 = arith.constant 0 : index
    %get3A_28 = vector.load %arg6[%get3A_27] : memref<128xf32, #tpu.memory_space<vmem>>, vector<128xf32>
    %get3A_29 = arith.constant 0 : index
    %get3A_30 = vector.load %arg7[%get3A_29] : memref<128xf32, #tpu.memory_space<vmem>>, vector<128xf32>
    %get3A_31 = arith.constant 0 : index
    %get3A_32 = vector.load %arg8[%get3A_31] : memref<128xf32, #tpu.memory_space<vmem>>, vector<128xf32>
    %slice3A = vector.extract_strided_slice %get3A_15 {offsets = [0, 0, 0], sizes = [1, 10112, 128], strides = [1, 1, 1]} : vector<2x10112x128xf32> to vector<1x10112x128xf32>
    %squeeze3A = vector.shape_cast %slice3A : vector<1x10112x128xf32> to vector<10112x128xf32>
    %slice3A_33 = vector.extract_strided_slice %get3A_15 {offsets = [1, 0, 0], sizes = [1, 10112, 128], strides = [1, 1, 1]} : vector<2x10112x128xf32> to vector<1x10112x128xf32>
    %squeeze3A_34 = vector.shape_cast %slice3A_33 : vector<1x10112x128xf32> to vector<10112x128xf32>
    %add3A_35 = arith.addf %squeeze3A, %squeeze3A_34 : vector<10112x128xf32>
    %max3A = arith.constant 1.000000e+00 : f32
    %max3A_36 = vector.broadcast %max3A : f32 to vector<10112x1xf32>
    %max3A_37 = arith.maximumf %add3A, %max3A_36 : vector<10112x1xf32>
    %div3A = vector.broadcast %max3A_37 : vector<10112x1xf32> to vector<10112x128xf32>
    %div3A_38 = arith.divf %add3A_35, %div3A : vector<10112x128xf32>
    %dot_general3A = arith.constant dense<0.000000e+00> : vector<10112x128xf32>
    %dot_general3A_39 = tpu.matmul %div3A_38, %get3A_21, %dot_general3A {dimension_numbers = #tpu.dot_dimension_numbers<[1], [1], [0], [0], [0, 0, 1, 0], [], []>, transpose_lhs_hint = false} : vector<10112x128xf32>, vector<128x128xf32>, vector<10112x128xf32> -> vector<10112x128xf32>
    %broadcast_in_dim3A = vector.shape_cast %get3A_23 : vector<128xf32> to vector<1x128xf32>
    %add3A_40 = vector.broadcast %broadcast_in_dim3A : vector<1x128xf32> to vector<10112x128xf32>
    %add3A_41 = arith.addf %dot_general3A_39, %add3A_40 : vector<10112x128xf32>
    %dot_general3A_42 = arith.constant dense<0.000000e+00> : vector<10112x128xf32>
    %dot_general3A_43 = tpu.matmul %get3A_18, %get3A_26, %dot_general3A_42 {dimension_numbers = #tpu.dot_dimension_numbers<[1], [1], [0], [0], [0, 0, 1, 0], [], []>, transpose_lhs_hint = false} : vector<10112x128xf32>, vector<128x128xf32>, vector<10112x128xf32> -> vector<10112x128xf32>
    %add3A_44 = arith.addf %add3A_41, %dot_general3A_43 : vector<10112x128xf32>
    %mul3A = vector.broadcast %convert_element_type3A_2 : vector<10112x1xf32> to vector<10112x128xf32>
    %mul3A_45 = arith.mulf %add3A_44, %mul3A : vector<10112x128xf32>
    %reduce_sum3A = arith.constant dense<0.000000e+00> : vector<128xf32>
    %reduce_sum3A_46 = vector.multi_reduction <add>, %mul3A_45, %reduce_sum3A [0] : vector<10112x128xf32> to vector<128xf32>
    %broadcast_in_dim3A_47 = vector.shape_cast %reduce_sum3A_46 : vector<128xf32> to vector<1x128xf32>
    %div3A_48 = arith.constant 1.000000e+04 : f32
    %div3A_49 = vector.broadcast %div3A_48 : f32 to vector<1x128xf32>
    %div3A_50 = arith.divf %broadcast_in_dim3A_47, %div3A_49 : vector<1x128xf32>
    %broadcast_in_dim3A_51 = vector.shape_cast %get3A_32 : vector<128xf32> to vector<1x128xf32>
    %mul3A_52 = arith.mulf %broadcast_in_dim3A_51, %div3A_50 : vector<1x128xf32>
    %sub3A = vector.broadcast %mul3A_52 : vector<1x128xf32> to vector<10112x128xf32>
    %sub3A_53 = arith.subf %add3A_44, %sub3A : vector<10112x128xf32>
    %mul3A_54 = arith.mulf %sub3A_53, %sub3A_53 : vector<10112x128xf32>
    %mul3A_55 = vector.broadcast %convert_element_type3A_2 : vector<10112x1xf32> to vector<10112x128xf32>
    %mul3A_56 = arith.mulf %mul3A_54, %mul3A_55 : vector<10112x128xf32>
    %reduce_sum3A_57 = arith.constant dense<0.000000e+00> : vector<128xf32>
    %reduce_sum3A_58 = vector.multi_reduction <add>, %mul3A_56, %reduce_sum3A_57 [0] : vector<10112x128xf32> to vector<128xf32>
    %broadcast_in_dim3A_59 = vector.shape_cast %reduce_sum3A_58 : vector<128xf32> to vector<1x128xf32>
    %div3A_60 = arith.constant 1.000000e+04 : f32
    %div3A_61 = vector.broadcast %div3A_60 : f32 to vector<1x128xf32>
    %div3A_62 = arith.divf %broadcast_in_dim3A_59, %div3A_61 : vector<1x128xf32>
    %broadcast_in_dim3A_63 = vector.shape_cast %get3A_28 : vector<128xf32> to vector<1x128xf32>
    %mul3A_64 = vector.broadcast %broadcast_in_dim3A_63 : vector<1x128xf32> to vector<10112x128xf32>
    %mul3A_65 = arith.mulf %mul3A_64, %sub3A_53 : vector<10112x128xf32>
    %add3A_66 = arith.constant 9.99999974E-6 : f32
    %add3A_67 = vector.broadcast %add3A_66 : f32 to vector<1x128xf32>
    %add3A_68 = arith.addf %div3A_62, %add3A_67 : vector<1x128xf32>
    %rsqrt3A = math.rsqrt %add3A_68 : vector<1x128xf32>
    %mul3A_69 = vector.broadcast %rsqrt3A : vector<1x128xf32> to vector<10112x128xf32>
    %mul3A_70 = arith.mulf %mul3A_65, %mul3A_69 : vector<10112x128xf32>
    %broadcast_in_dim3A_71 = vector.shape_cast %get3A_30 : vector<128xf32> to vector<1x128xf32>
    %add3A_72 = vector.broadcast %broadcast_in_dim3A_71 : vector<1x128xf32> to vector<10112x128xf32>
    %add3A_73 = arith.addf %mul3A_70, %add3A_72 : vector<10112x128xf32>
    %ge3A = arith.constant 0.000000e+00 : f32
    %ge3A_74 = vector.broadcast %ge3A : f32 to vector<10112x128xf32>
    %ge3A_75 = arith.cmpf oge, %add3A_73, %ge3A_74 : vector<10112x128xf32>
    %mul3A_76 = arith.constant 0.00999999977 : f32
    %mul3A_77 = vector.broadcast %mul3A_76 : f32 to vector<10112x128xf32>
    %mul3A_78 = arith.mulf %mul3A_77, %add3A_73 : vector<10112x128xf32>
    %select_n3A = arith.select %ge3A_75, %add3A_73, %mul3A_78 : vector<10112x128xi1>, vector<10112x128xf32>
    %mul3A_79 = vector.broadcast %convert_element_type3A_2 : vector<10112x1xf32> to vector<10112x128xf32>
    %mul3A_80 = arith.mulf %select_n3A, %mul3A_79 : vector<10112x128xf32>
    %swap3A = arith.constant 0 : index
    %swap3A_81 = arith.constant 0 : index
    %swap3A_82 = vector.load %arg9[%swap3A, %swap3A_81] : memref<10112x128xf32, #tpu.memory_space<vmem>>, vector<10112x128xf32>
    tpu.vector_store %arg9[%swap3A, %swap3A_81], %mul3A_80 {strides = array<i32>} : memref<10112x128xf32, #tpu.memory_space<vmem>>, vector<10112x128xf32>,
    return
  }
}

module attributes {stable_mosaic.version = 14 : i64} {
  func.func @_l2_body(%arg0: memref<2x10112x128xf32, #tpu.memory_space<vmem>>, %arg1: memref<2x10112x16xf32, #tpu.memory_space<vmem>>, %arg2: memref<10112x128xf32, #tpu.memory_space<vmem>>, %arg3: memref<128x128xf32, #tpu.memory_space<vmem>>, %arg4: memref<128xf32, #tpu.memory_space<vmem>>, %arg5: memref<128x128xf32, #tpu.memory_space<vmem>>, %arg6: memref<128xf32, #tpu.memory_space<vmem>>, %arg7: memref<128xf32, #tpu.memory_space<vmem>>, %arg8: memref<128xf32, #tpu.memory_space<vmem>>, %arg9: memref<64x128xf32, #tpu.memory_space<vmem>>, %arg10: memref<64xf32, #tpu.memory_space<vmem>>, %arg11: memref<64xf32, #tpu.memory_space<vmem>>, %arg12: memref<64xf32, #tpu.memory_space<vmem>>, %arg13: memref<32x64xf32, #tpu.memory_space<vmem>>, %arg14: memref<32xf32, #tpu.memory_space<vmem>>, %arg15: memref<32xf32, #tpu.memory_space<vmem>>, %arg16: memref<32xf32, #tpu.memory_space<vmem>>, %arg17: memref<1x32xf32, #tpu.memory_space<vmem>>, %arg18: memref<1xf32, #tpu.memory_space<vmem>>, %arg19: memref<10112x1xf32, #tpu.memory_space<vmem>>) attributes {dimension_semantics = [], scalar_prefetch = 0 : i64, scratch_operands = 0 : i64, tpu.core_type = #tpu.core_type<tc>} {
    %iota3A = tpu.iota {dimensions = array<i32: 0>} : vector<10112x1xi32>
    %lt3A = arith.constant 10000 : i32
    %lt3A_0 = vector.broadcast %lt3A : i32 to vector<10112x1xi32>
    %lt3A_1 = arith.cmpi slt, %iota3A, %lt3A_0 : vector<10112x1xi32>
    %convert_element_type3A = arith.extui %lt3A_1 : vector<10112x1xi1> to vector<10112x1xi32>
    %convert_element_type3A_2 = arith.sitofp %convert_element_type3A : vector<10112x1xi32> to vector<10112x1xf32>
    %get3A = arith.constant 0 : index
    %get3A_3 = arith.constant 0 : index
    %get3A_4 = arith.constant 0 : index
    %get3A_5 = vector.load %arg1[%get3A, %get3A_3, %get3A_4] : memref<2x10112x16xf32, #tpu.memory_space<vmem>>, vector<1x10112x1xf32>
    %get3A_6 = vector.shape_cast %get3A_5 : vector<1x10112x1xf32> to vector<10112x1xf32>
    %get3A_7 = arith.constant 1 : index
    %get3A_8 = arith.constant 0 : index
    %get3A_9 = arith.constant 0 : index
    %get3A_10 = vector.load %arg1[%get3A_7, %get3A_8, %get3A_9] : memref<2x10112x16xf32, #tpu.memory_space<vmem>>, vector<1x10112x1xf32>
    %get3A_11 = vector.shape_cast %get3A_10 : vector<1x10112x1xf32> to vector<10112x1xf32>
    %add3A = arith.addf %get3A_6, %get3A_11 : vector<10112x1xf32>
    %get3A_12 = arith.constant 0 : index
    %get3A_13 = arith.constant 0 : index
    %get3A_14 = arith.constant 0 : index
    %get3A_15 = vector.load %arg0[%get3A_12, %get3A_13, %get3A_14] : memref<2x10112x128xf32, #tpu.memory_space<vmem>>, vector<2x10112x128xf32>
    %get3A_16 = arith.constant 0 : index
    %get3A_17 = arith.constant 0 : index
    %get3A_18 = vector.load %arg2[%get3A_16, %get3A_17] : memref<10112x128xf32, #tpu.memory_space<vmem>>, vector<10112x128xf32>
    %get3A_19 = arith.constant 0 : index
    %get3A_20 = arith.constant 0 : index
    %get3A_21 = vector.load %arg3[%get3A_19, %get3A_20] : memref<128x128xf32, #tpu.memory_space<vmem>>, vector<128x128xf32>
    %get3A_22 = arith.constant 0 : index
    %get3A_23 = vector.load %arg4[%get3A_22] : memref<128xf32, #tpu.memory_space<vmem>>, vector<128xf32>
    %get3A_24 = arith.constant 0 : index
    %get3A_25 = arith.constant 0 : index
    %get3A_26 = vector.load %arg5[%get3A_24, %get3A_25] : memref<128x128xf32, #tpu.memory_space<vmem>>, vector<128x128xf32>
    %get3A_27 = arith.constant 0 : index
    %get3A_28 = vector.load %arg6[%get3A_27] : memref<128xf32, #tpu.memory_space<vmem>>, vector<128xf32>
    %get3A_29 = arith.constant 0 : index
    %get3A_30 = vector.load %arg7[%get3A_29] : memref<128xf32, #tpu.memory_space<vmem>>, vector<128xf32>
    %get3A_31 = arith.constant 0 : index
    %get3A_32 = vector.load %arg8[%get3A_31] : memref<128xf32, #tpu.memory_space<vmem>>, vector<128xf32>
    %slice3A = vector.extract_strided_slice %get3A_15 {offsets = [0, 0, 0], sizes = [1, 10112, 128], strides = [1, 1, 1]} : vector<2x10112x128xf32> to vector<1x10112x128xf32>
    %squeeze3A = vector.shape_cast %slice3A : vector<1x10112x128xf32> to vector<10112x128xf32>
    %slice3A_33 = vector.extract_strided_slice %get3A_15 {offsets = [1, 0, 0], sizes = [1, 10112, 128], strides = [1, 1, 1]} : vector<2x10112x128xf32> to vector<1x10112x128xf32>
    %squeeze3A_34 = vector.shape_cast %slice3A_33 : vector<1x10112x128xf32> to vector<10112x128xf32>
    %add3A_35 = arith.addf %squeeze3A, %squeeze3A_34 : vector<10112x128xf32>
    %max3A = arith.constant 1.000000e+00 : f32
    %max3A_36 = vector.broadcast %max3A : f32 to vector<10112x1xf32>
    %max3A_37 = arith.maximumf %add3A, %max3A_36 : vector<10112x1xf32>
    %div3A = vector.broadcast %max3A_37 : vector<10112x1xf32> to vector<10112x128xf32>
    %div3A_38 = arith.divf %add3A_35, %div3A : vector<10112x128xf32>
    %dot_general3A = arith.constant dense<0.000000e+00> : vector<10112x128xf32>
    %dot_general3A_39 = tpu.matmul %div3A_38, %get3A_21, %dot_general3A {dimension_numbers = #tpu.dot_dimension_numbers<[1], [1], [0], [0], [0, 0, 1, 0], [], []>, transpose_lhs_hint = false} : vector<10112x128xf32>, vector<128x128xf32>, vector<10112x128xf32> -> vector<10112x128xf32>
    %broadcast_in_dim3A = vector.shape_cast %get3A_23 : vector<128xf32> to vector<1x128xf32>
    %add3A_40 = vector.broadcast %broadcast_in_dim3A : vector<1x128xf32> to vector<10112x128xf32>
    %add3A_41 = arith.addf %dot_general3A_39, %add3A_40 : vector<10112x128xf32>
    %dot_general3A_42 = arith.constant dense<0.000000e+00> : vector<10112x128xf32>
    %dot_general3A_43 = tpu.matmul %get3A_18, %get3A_26, %dot_general3A_42 {dimension_numbers = #tpu.dot_dimension_numbers<[1], [1], [0], [0], [0, 0, 1, 0], [], []>, transpose_lhs_hint = false} : vector<10112x128xf32>, vector<128x128xf32>, vector<10112x128xf32> -> vector<10112x128xf32>
    %add3A_44 = arith.addf %add3A_41, %dot_general3A_43 : vector<10112x128xf32>
    %mul3A = vector.broadcast %convert_element_type3A_2 : vector<10112x1xf32> to vector<10112x128xf32>
    %mul3A_45 = arith.mulf %add3A_44, %mul3A : vector<10112x128xf32>
    %reduce_sum3A = arith.constant dense<0.000000e+00> : vector<128xf32>
    %reduce_sum3A_46 = vector.multi_reduction <add>, %mul3A_45, %reduce_sum3A [0] : vector<10112x128xf32> to vector<128xf32>
    %broadcast_in_dim3A_47 = vector.shape_cast %reduce_sum3A_46 : vector<128xf32> to vector<1x128xf32>
    %div3A_48 = arith.constant 1.000000e+04 : f32
    %div3A_49 = vector.broadcast %div3A_48 : f32 to vector<1x128xf32>
    %div3A_50 = arith.divf %broadcast_in_dim3A_47, %div3A_49 : vector<1x128xf32>
    %broadcast_in_dim3A_51 = vector.shape_cast %get3A_32 : vector<128xf32> to vector<1x128xf32>
    %mul3A_52 = arith.mulf %broadcast_in_dim3A_51, %div3A_50 : vector<1x128xf32>
    %sub3A = vector.broadcast %mul3A_52 : vector<1x128xf32> to vector<10112x128xf32>
    %sub3A_53 = arith.subf %add3A_44, %sub3A : vector<10112x128xf32>
    %mul3A_54 = arith.mulf %sub3A_53, %sub3A_53 : vector<10112x128xf32>
    %mul3A_55 = vector.broadcast %convert_element_type3A_2 : vector<10112x1xf32> to vector<10112x128xf32>
    %mul3A_56 = arith.mulf %mul3A_54, %mul3A_55 : vector<10112x128xf32>
    %reduce_sum3A_57 = arith.constant dense<0.000000e+00> : vector<128xf32>
    %reduce_sum3A_58 = vector.multi_reduction <add>, %mul3A_56, %reduce_sum3A_57 [0] : vector<10112x128xf32> to vector<128xf32>
    %broadcast_in_dim3A_59 = vector.shape_cast %reduce_sum3A_58 : vector<128xf32> to vector<1x128xf32>
    %div3A_60 = arith.constant 1.000000e+04 : f32
    %div3A_61 = vector.broadcast %div3A_60 : f32 to vector<1x128xf32>
    %div3A_62 = arith.divf %broadcast_in_dim3A_59, %div3A_61 : vector<1x128xf32>
    %broadcast_in_dim3A_63 = vector.shape_cast %get3A_28 : vector<128xf32> to vector<1x128xf32>
    %mul3A_64 = vector.broadcast %broadcast_in_dim3A_63 : vector<1x128xf32> to vector<10112x128xf32>
    %mul3A_65 = arith.mulf %mul3A_64, %sub3A_53 : vector<10112x128xf32>
    %add3A_66 = arith.constant 9.99999974E-6 : f32
    %add3A_67 = vector.broadcast %add3A_66 : f32 to vector<1x128xf32>
    %add3A_68 = arith.addf %div3A_62, %add3A_67 : vector<1x128xf32>
    %rsqrt3A = math.rsqrt %add3A_68 : vector<1x128xf32>
    %mul3A_69 = vector.broadcast %rsqrt3A : vector<1x128xf32> to vector<10112x128xf32>
    %mul3A_70 = arith.mulf %mul3A_65, %mul3A_69 : vector<10112x128xf32>
    %broadcast_in_dim3A_71 = vector.shape_cast %get3A_30 : vector<128xf32> to vector<1x128xf32>
    %add3A_72 = vector.broadcast %broadcast_in_dim3A_71 : vector<1x128xf32> to vector<10112x128xf32>
    %add3A_73 = arith.addf %mul3A_70, %add3A_72 : vector<10112x128xf32>
    %ge3A = arith.constant 0.000000e+00 : f32
    %ge3A_74 = vector.broadcast %ge3A : f32 to vector<10112x128xf32>
    %ge3A_75 = arith.cmpf oge, %add3A_73, %ge3A_74 : vector<10112x128xf32>
    %mul3A_76 = arith.constant 0.00999999977 : f32
    %mul3A_77 = vector.broadcast %mul3A_76 : f32 to vector<10112x128xf32>
    %mul3A_78 = arith.mulf %mul3A_77, %add3A_73 : vector<10112x128xf32>
    %select_n3A = arith.select %ge3A_75, %add3A_73, %mul3A_78 : vector<10112x128xi1>, vector<10112x128xf32>
    %mul3A_79 = vector.broadcast %convert_element_type3A_2 : vector<10112x1xf32> to vector<10112x128xf32>
    %mul3A_80 = arith.mulf %select_n3A, %mul3A_79 : vector<10112x128xf32>
    %get3A_81 = arith.constant 0 : index
    %get3A_82 = arith.constant 0 : index
    %get3A_83 = vector.load %arg9[%get3A_81, %get3A_82] : memref<64x128xf32, #tpu.memory_space<vmem>>, vector<64x128xf32>
    %dot_general3A_84 = arith.constant dense<0.000000e+00> : vector<10112x64xf32>
    %dot_general3A_85 = tpu.matmul %mul3A_80, %get3A_83, %dot_general3A_84 {dimension_numbers = #tpu.dot_dimension_numbers<[1], [1], [0], [0], [0, 0, 1, 0], [], []>, transpose_lhs_hint = false} : vector<10112x128xf32>, vector<64x128xf32>, vector<10112x64xf32> -> vector<10112x64xf32>
    %get3A_86 = arith.constant 0 : index
    %get3A_87 = vector.load %arg10[%get3A_86] : memref<64xf32, #tpu.memory_space<vmem>>, vector<64xf32>
    %broadcast_in_dim3A_88 = vector.shape_cast %get3A_87 : vector<64xf32> to vector<1x64xf32>
    %add3A_89 = vector.broadcast %broadcast_in_dim3A_88 : vector<1x64xf32> to vector<10112x64xf32>
    %add3A_90 = arith.addf %dot_general3A_85, %add3A_89 : vector<10112x64xf32>
    %get3A_91 = arith.constant 0 : index
    %get3A_92 = vector.load %arg11[%get3A_91] : memref<64xf32, #tpu.memory_space<vmem>>, vector<64xf32>
    %get3A_93 = arith.constant 0 : index
    %get3A_94 = vector.load %arg12[%get3A_93] : memref<64xf32, #tpu.memory_space<vmem>>, vector<64xf32>
    %mul3A_95 = vector.broadcast %convert_element_type3A_2 : vector<10112x1xf32> to vector<10112x64xf32>
    %mul3A_96 = arith.mulf %add3A_90, %mul3A_95 : vector<10112x64xf32>
    %reduce_sum3A_97 = arith.constant dense<0.000000e+00> : vector<64xf32>
    %reduce_sum3A_98 = vector.multi_reduction <add>, %mul3A_96, %reduce_sum3A_97 [0] : vector<10112x64xf32> to vector<64xf32>
    %broadcast_in_dim3A_99 = vector.shape_cast %reduce_sum3A_98 : vector<64xf32> to vector<1x64xf32>
    %div3A_100 = arith.constant 1.000000e+04 : f32
    %div3A_101 = vector.broadcast %div3A_100 : f32 to vector<1x64xf32>
    %div3A_102 = arith.divf %broadcast_in_dim3A_99, %div3A_101 : vector<1x64xf32>
    %sub3A_103 = vector.broadcast %div3A_102 : vector<1x64xf32> to vector<10112x64xf32>
    %sub3A_104 = arith.subf %add3A_90, %sub3A_103 : vector<10112x64xf32>
    %mul3A_105 = arith.mulf %sub3A_104, %sub3A_104 : vector<10112x64xf32>
    %mul3A_106 = vector.broadcast %convert_element_type3A_2 : vector<10112x1xf32> to vector<10112x64xf32>
    %mul3A_107 = arith.mulf %mul3A_105, %mul3A_106 : vector<10112x64xf32>
    %reduce_sum3A_108 = arith.constant dense<0.000000e+00> : vector<64xf32>
    %reduce_sum3A_109 = vector.multi_reduction <add>, %mul3A_107, %reduce_sum3A_108 [0] : vector<10112x64xf32> to vector<64xf32>
    %broadcast_in_dim3A_110 = vector.shape_cast %reduce_sum3A_109 : vector<64xf32> to vector<1x64xf32>
    %div3A_111 = arith.constant 1.000000e+04 : f32
    %div3A_112 = vector.broadcast %div3A_111 : f32 to vector<1x64xf32>
    %div3A_113 = arith.divf %broadcast_in_dim3A_110, %div3A_112 : vector<1x64xf32>
    %broadcast_in_dim3A_114 = vector.shape_cast %get3A_92 : vector<64xf32> to vector<1x64xf32>
    %mul3A_115 = vector.broadcast %broadcast_in_dim3A_114 : vector<1x64xf32> to vector<10112x64xf32>
    %mul3A_116 = arith.mulf %mul3A_115, %sub3A_104 : vector<10112x64xf32>
    %add3A_117 = arith.constant 9.99999974E-6 : f32
    %add3A_118 = vector.broadcast %add3A_117 : f32 to vector<1x64xf32>
    %add3A_119 = arith.addf %div3A_113, %add3A_118 : vector<1x64xf32>
    %rsqrt3A_120 = math.rsqrt %add3A_119 : vector<1x64xf32>
    %mul3A_121 = vector.broadcast %rsqrt3A_120 : vector<1x64xf32> to vector<10112x64xf32>
    %mul3A_122 = arith.mulf %mul3A_116, %mul3A_121 : vector<10112x64xf32>
    %broadcast_in_dim3A_123 = vector.shape_cast %get3A_94 : vector<64xf32> to vector<1x64xf32>
    %add3A_124 = vector.broadcast %broadcast_in_dim3A_123 : vector<1x64xf32> to vector<10112x64xf32>
    %add3A_125 = arith.addf %mul3A_122, %add3A_124 : vector<10112x64xf32>
    %max3A_126 = arith.constant 0.000000e+00 : f32
    %max3A_127 = vector.broadcast %max3A_126 : f32 to vector<10112x64xf32>
    %max3A_128 = arith.maximumf %add3A_125, %max3A_127 : vector<10112x64xf32>
    %get3A_129 = arith.constant 0 : index
    %get3A_130 = arith.constant 0 : index
    %get3A_131 = vector.load %arg13[%get3A_129, %get3A_130] : memref<32x64xf32, #tpu.memory_space<vmem>>, vector<32x64xf32>
    %dot_general3A_132 = arith.constant dense<0.000000e+00> : vector<10112x32xf32>
    %dot_general3A_133 = tpu.matmul %max3A_128, %get3A_131, %dot_general3A_132 {dimension_numbers = #tpu.dot_dimension_numbers<[1], [1], [0], [0], [0, 0, 1, 0], [], []>, transpose_lhs_hint = false} : vector<10112x64xf32>, vector<32x64xf32>, vector<10112x32xf32> -> vector<10112x32xf32>
    %get3A_134 = arith.constant 0 : index
    %get3A_135 = vector.load %arg14[%get3A_134] : memref<32xf32, #tpu.memory_space<vmem>>, vector<32xf32>
    %broadcast_in_dim3A_136 = vector.shape_cast %get3A_135 : vector<32xf32> to vector<1x32xf32>
    %add3A_137 = vector.broadcast %broadcast_in_dim3A_136 : vector<1x32xf32> to vector<10112x32xf32>
    %add3A_138 = arith.addf %dot_general3A_133, %add3A_137 : vector<10112x32xf32>
    %get3A_139 = arith.constant 0 : index
    %get3A_140 = vector.load %arg15[%get3A_139] : memref<32xf32, #tpu.memory_space<vmem>>, vector<32xf32>
    %get3A_141 = arith.constant 0 : index
    %get3A_142 = vector.load %arg16[%get3A_141] : memref<32xf32, #tpu.memory_space<vmem>>, vector<32xf32>
    %mul3A_143 = vector.broadcast %convert_element_type3A_2 : vector<10112x1xf32> to vector<10112x32xf32>
    %mul3A_144 = arith.mulf %add3A_138, %mul3A_143 : vector<10112x32xf32>
    %reduce_sum3A_145 = arith.constant dense<0.000000e+00> : vector<32xf32>
    %reduce_sum3A_146 = vector.multi_reduction <add>, %mul3A_144, %reduce_sum3A_145 [0] : vector<10112x32xf32> to vector<32xf32>
    %broadcast_in_dim3A_147 = vector.shape_cast %reduce_sum3A_146 : vector<32xf32> to vector<1x32xf32>
    %div3A_148 = arith.constant 1.000000e+04 : f32
    %div3A_149 = vector.broadcast %div3A_148 : f32 to vector<1x32xf32>
    %div3A_150 = arith.divf %broadcast_in_dim3A_147, %div3A_149 : vector<1x32xf32>
    %sub3A_151 = vector.broadcast %div3A_150 : vector<1x32xf32> to vector<10112x32xf32>
    %sub3A_152 = arith.subf %add3A_138, %sub3A_151 : vector<10112x32xf32>
    %mul3A_153 = arith.mulf %sub3A_152, %sub3A_152 : vector<10112x32xf32>
    %mul3A_154 = vector.broadcast %convert_element_type3A_2 : vector<10112x1xf32> to vector<10112x32xf32>
    %mul3A_155 = arith.mulf %mul3A_153, %mul3A_154 : vector<10112x32xf32>
    %reduce_sum3A_156 = arith.constant dense<0.000000e+00> : vector<32xf32>
    %reduce_sum3A_157 = vector.multi_reduction <add>, %mul3A_155, %reduce_sum3A_156 [0] : vector<10112x32xf32> to vector<32xf32>
    %broadcast_in_dim3A_158 = vector.shape_cast %reduce_sum3A_157 : vector<32xf32> to vector<1x32xf32>
    %div3A_159 = arith.constant 1.000000e+04 : f32
    %div3A_160 = vector.broadcast %div3A_159 : f32 to vector<1x32xf32>
    %div3A_161 = arith.divf %broadcast_in_dim3A_158, %div3A_160 : vector<1x32xf32>
    %broadcast_in_dim3A_162 = vector.shape_cast %get3A_140 : vector<32xf32> to vector<1x32xf32>
    %mul3A_163 = vector.broadcast %broadcast_in_dim3A_162 : vector<1x32xf32> to vector<10112x32xf32>
    %mul3A_164 = arith.mulf %mul3A_163, %sub3A_152 : vector<10112x32xf32>
    %add3A_165 = arith.constant 9.99999974E-6 : f32
    %add3A_166 = vector.broadcast %add3A_165 : f32 to vector<1x32xf32>
    %add3A_167 = arith.addf %div3A_161, %add3A_166 : vector<1x32xf32>
    %rsqrt3A_168 = math.rsqrt %add3A_167 : vector<1x32xf32>
    %mul3A_169 = vector.broadcast %rsqrt3A_168 : vector<1x32xf32> to vector<10112x32xf32>
    %mul3A_170 = arith.mulf %mul3A_164, %mul3A_169 : vector<10112x32xf32>
    %broadcast_in_dim3A_171 = vector.shape_cast %get3A_142 : vector<32xf32> to vector<1x32xf32>
    %add3A_172 = vector.broadcast %broadcast_in_dim3A_171 : vector<1x32xf32> to vector<10112x32xf32>
    %add3A_173 = arith.addf %mul3A_170, %add3A_172 : vector<10112x32xf32>
    %max3A_174 = arith.constant 0.000000e+00 : f32
    %max3A_175 = vector.broadcast %max3A_174 : f32 to vector<10112x32xf32>
    %max3A_176 = arith.maximumf %add3A_173, %max3A_175 : vector<10112x32xf32>
    %get3A_177 = arith.constant 0 : index
    %get3A_178 = arith.constant 0 : index
    %get3A_179 = vector.load %arg17[%get3A_177, %get3A_178] : memref<1x32xf32, #tpu.memory_space<vmem>>, vector<1x32xf32>
    %get3A_180 = vector.shape_cast %get3A_179 : vector<1x32xf32> to vector<32xf32>
    %broadcast_in_dim3A_181 = vector.shape_cast %get3A_180 : vector<32xf32> to vector<1x32xf32>
    %mul3A_182 = vector.broadcast %broadcast_in_dim3A_181 : vector<1x32xf32> to vector<10112x32xf32>
    %mul3A_183 = arith.mulf %max3A_176, %mul3A_182 : vector<10112x32xf32>
    %reduce_sum3A_184 = arith.constant dense<0.000000e+00> : vector<10112xf32>
    %reduce_sum3A_185 = vector.multi_reduction <add>, %mul3A_183, %reduce_sum3A_184 [1] : vector<10112x32xf32> to vector<10112xf32>
    %broadcast_in_dim3A_186 = vector.shape_cast %reduce_sum3A_185 : vector<10112xf32> to vector<10112x1xf32>
    %get3A_187 = arith.constant 0 : index
    %get3A_188 = vector.load %arg18[%get3A_187] : memref<1xf32, #tpu.memory_space<vmem>>, vector<1xf32>
    %get3A_189 = vector.extract %get3A_188[0] : f32 from vector<1xf32>
    %add3A_190 = vector.broadcast %get3A_189 : f32 to vector<10112x1xf32>
    %add3A_191 = arith.addf %broadcast_in_dim3A_186, %add3A_190 : vector<10112x1xf32>
    %swap3A = arith.constant 0 : index
    %swap3A_192 = arith.constant 0 : index
    %swap3A_193 = vector.load %arg19[%swap3A, %swap3A_192] : memref<10112x1xf32, #tpu.memory_space<vmem>>, vector<10112x1xf32>
    tpu.vector_store %arg19[%swap3A, %swap3A_192], %add3A_191 {strides = array<i32>} : memref<10112x1xf32, #tpu.memory_space<vmem>>, vector<10112x1xf32>,
    return
  }
}

</mosaic_0001>

<sc_bundles>
// kernel: kernel.10.cloned.1.call-start
scs
__scs_entry_jumppad:
0x0: {  	(pc) =	sbr.rel $0x88, $3  }
0x1: {  	(tag) =	ssettag $0x0;
	lr =	simm.s32 $0x1  }
0x2: {  	[smem:$0x3F89] =	sst lr;
	_ =	strace $0xD0000000  }
0x3: {  	_ = 	snop  }
0x4: {  	_ = 	snop  }
0x5: {  	_ = 	snop  }
0x6: {  	_ = 	snop  }
0x7: {  	_ = 	snop  }
__scs_overlays_trampoline_lowered:
0x8: {  	[smem:$0x3F98] =	sst s0  }
0x9: {  	[smem:$0x3F99] =	sst s1  }
0xa: {  	[smem:$0x3F9A] =	sst s2  }
0xb: {  	[smem:$0x3F9B] =	sst s3  }
0xc: {  	[smem:$0x3F9C] =	sst s4  }
0xd: {  	[smem:$0x3F9D] =	sst s5  }
0xe: {  	[smem:$0x3F9E] =	sst s6  }
0xf: {  	[smem:$0x3F9F] =	sst s7  }
0x10: {  	[smem:$0x3FA0] =	sst s8  }
0x11: {  	[smem:$0x3FA1] =	sst s9;
	s0 =	simm.s32 @!p0 $0x0  }
0x12: {  	s1 =	sld [smem:$0x3F87];
	s0 =	simm.s32 @p0 $0x1  }
0x13: {  	[smem:$0x3FA2] =	sst s0;
	s0 =	simm.s32 @!p1 $0x0  }
0x14: {  	s2 =	sld [smem:$0x3F86];
	s0 =	simm.s32 @p1 $0x1  }
0x15: {  	[smem:$0x3FA3] =	sst s0;
	s0 =	simm.s32 @!p2 $0x0  }
0x16: {  	s3 =	sld [smem:$0x3FDB];
	s0 =	simm.s32 @p2 $0x1  }
0x17: {  	s4 =	simm.s32 $0x1BF5;
	[smem:$0x3FA5] =	sst s0  }
0x18: {  	s0 =	sld [smem:$0x3F88];
	_ =	swait.ge [sflag:s4], $0x0  }
0x19: {  	s7 =	sld [smem:$0x3F89]  }
0x1a: {  	s8 =	sadd.s32 $0xFFFFE003, lr  }
0x1b: {  	s9 =	sadd.s32 $0xFFFFFEF7, lr;
	s5 =	simm.s32 $0xFFFFFFFF;
	p2 =	slt.u32 s8, $0xFFFFF086  }
0x1c: {  	p1 =	slt.u32 s9, $0xF7A;
	s5 =	simm.s32 @!p2 $0x0  }
0x1d: {  	s5 =	simm.s32 @p1 $0x1;
	p0 =	seq.s32 s7, s2  }
0x1e: {  	s7 =	smul.u32 @!p0 $0xF7A, s2;
	p2 =	seq.s32 @!p0 s5, $0x0  }
0x1f: {  	s9 =	smul.u32 $0xF7A, s1;
	s8 =	simm.s32 @!p0 $0x1BF5;
	p2 =	por !p2, p0  }
0x20: {  	[sflag:s8] =	ssyncset.s32 @!p0 $0xFFFFF086;
	s6 =	sadd.s32 @!p0 s3, s7;
	s7 =	simm.s32 @!p0 $0x108  }
0x21: {  	s3 =	sadd.s32 s3, s9;
	s6 =	sadd.s32 @!p0 $0x88, s6;
	s7 =	simm.s32 @p2 $0x1082  }
0x22: {  	[simem:s7], [sflag:s8] =	dma.local @!p0 [hbm:s6], $0xF7A  }
0x23: {  	s9 =	sor.u32 $0xD0000000, s2;
	s6 =	simm.s32 $0x108;
	_ =	swait.ge @!p0 [sflag:s8], $0x0  }
0x24: {  	s3 =	sadd.s32 $0x88, s3;
	s6 =	simm.s32 @!p1 $0x1082;
	[sflag:s4] =	ssyncset.s32 $0xFFFFF086  }
0x25: {  	[simem:s6], [sflag:s4] =	dma.local [hbm:s3], $0xF7A  }
0x26: {  	[smem:$0x3F89] =	sst s1;
	(tag) =	ssettag s2;
	_ =	strace s9  }
0x27: {  	s1 =	sld [smem:$0x3F99]  }
0x28: {  	s2 =	sld [smem:$0x3F9A]  }
0x29: {  	s4 =	sld [smem:$0x3F9C]  }
0x2a: {  	p0 =	seq.s32 s5, $0x0;
	s5 =	sld [smem:$0x3F9D]  }
0x2b: {  	s6 =	sld [smem:$0x3F9E]  }
0x2c: {  	s7 =	sld [smem:$0x3F9F]  }
0x2d: {  	s3 =	simm.s32 $0x108;
	s8 =	sld [smem:$0x3FA0]  }
0x2e: {  	s3 =	simm.s32 @!p0 $0x1082;
	s9 =	sld [smem:$0x3FA1]  }
0x2f: {  	lr =	sadd.s32 s0, s3;
	s0 =	sld [smem:$0x3F98]  }
0x30: {  	s3 =	sld [smem:$0x3F9B]  }
0x31: {  	[smem:$0x3FA4] =	sst s10  }
0x32: {  	s10 =	sld [smem:$0x3FA2];
	_ =	sdelay $0x3  }
0x33: {  	p0 =	seq.s32 s10, $0x1;
	s10 =	sld [smem:$0x3FA4];
	_ =	sdelay $0x3  }
0x34: {  	[smem:$0x3FA4] =	sst s10  }
0x35: {  	s10 =	sld [smem:$0x3FA3];
	_ =	sdelay $0x3  }
0x36: {  	p1 =	seq.s32 s10, $0x1;
	s10 =	sld [smem:$0x3FA4];
	_ =	sdelay $0x3  }
0x37: {  	[smem:$0x3FA4] =	sst s10  }
0x38: {  	s10 =	sld [smem:$0x3FA5]  }
0x39: {  	_ = 	snop;
	(pc) =	sbr.ind lr, $3  }
0x3a: {  	_ = 	snop  }
0x3b: {  	_ = 	snop  }
0x3c: {  	p2 =	seq.s32 s10, $0x1;
	s10 =	sld [smem:$0x3FA4]  }
0x3d: {  	_ =	shalt  }
0x3e: {  	_ =	shalt  }
0x3f: {  	_ =	shalt  }
0x40: {  	_ =	shalt  }
0x41: {  	_ =	shalt  }
0x42: {  	_ =	shalt  }
0x43: {  	_ =	shalt  }
0x44: {  	_ =	shalt  }
0x45: {  	_ =	shalt  }
0x46: {  	_ =	shalt  }
0x47: {  	_ =	shalt  }
0x48: {  	_ =	shalt  }
0x49: {  	_ =	shalt  }
0x4a: {  	_ =	shalt  }
0x4b: {  	_ =	shalt  }
0x4c: {  	_ =	shalt  }
0x4d: {  	_ =	shalt  }
0x4e: {  	_ =	shalt  }
0x4f: {  	_ =	shalt  }
0x50: {  	_ =	shalt  }
0x51: {  	_ =	shalt  }
0x52: {  	_ =	shalt  }
0x53: {  	_ =	shalt  }
0x54: {  	_ =	shalt  }
0x55: {  	_ =	shalt  }
0x56: {  	_ =	shalt  }
0x57: {  	_ =	shalt  }
0x58: {  	_ =	shalt  }
0x59: {  	_ =	shalt  }
0x5a: {  	_ =	shalt  }
0x5b: {  	_ =	shalt  }
0x5c: {  	_ =	shalt  }
0x5d: {  	_ =	shalt  }
0x5e: {  	_ =	shalt  }
0x5f: {  	_ =	shalt  }
0x60: {  	_ =	shalt  }
0x61: {  	_ =	shalt  }
0x62: {  	_ =	shalt  }
0x63: {  	_ =	shalt  }
0x64: {  	_ =	shalt  }
0x65: {  	_ =	shalt  }
0x66: {  	_ =	shalt  }
0x67: {  	_ =	shalt  }
0x68: {  	_ =	shalt  }
0x69: {  	_ =	shalt  }
0x6a: {  	_ =	shalt  }
0x6b: {  	_ =	shalt  }
0x6c: {  	_ =	shalt  }
0x6d: {  	_ =	shalt  }
0x6e: {  	_ =	shalt  }
0x6f: {  	_ =	shalt  }
0x70: {  	_ =	shalt  }
0x71: {  	_ =	shalt  }
0x72: {  	_ =	shalt  }
0x73: {  	_ =	shalt  }
0x74: {  	_ =	shalt  }
0x75: {  	_ =	shalt  }
0x76: {  	_ =	shalt  }
0x77: {  	_ =	shalt  }
0x78: {  	_ =	shalt  }
0x79: {  	_ =	shalt  }
0x7a: {  	_ =	shalt  }
0x7b: {  	_ =	shalt  }
0x7c: {  	_ =	shalt  }
0x7d: {  	_ =	shalt  }
0x7e: {  	_ =	shalt  }
0x7f: {  	_ =	shalt  }
0x80: {  	_ =	shalt  }
0x81: {  	_ =	shalt  }
0x82: {  	_ =	shalt  }
0x83: {  	_ =	shalt  }
0x84: {  	_ =	shalt  }
0x85: {  	_ =	shalt  }
0x86: {  	_ =	shalt  }
0x87: {  	_ =	shalt  }
.Lfunc_end0:
.L_simem_size_0:
called_computation.1_lowered:
.L_overlay_start_0:
0x88: {  	s2 =	sld [smem:$0x3FD9]  }
0x89: {  	s3 =	sld [smem:$0x3FFE];
	_ =	sdelay $0x1  }
0x8a: {  	s1 =	srdreg.scid  }
0x8b: {  	s0 =	sand.u32 $0x1, s1  }
0x8c: {  	s17 =	sshll.u32 s0, $0xA;
	s2 =	sadd.s32 s3, s2  }
0x8d: {  	s2 =	sadd.s32 s2, s17  }
0x8e: {  	[smem:$0x3FB0] =	sst s2  }
0x8f: {  	_ = 	snop  }
0x90: {  	s2 =	sld [smem:$0x3FC9];
	(tm) =	ssettm $0x1  }
0x91: {  	s18 =	sld [smem:$0x3FFB];
	_ =	sdelay $0x3  }
0x92: {  	_ =	strace s18  }
0x93: {  	s3 =	sld [smem:$0x3FFC];
	_ =	sdelay $0x3  }
0x94: {  	_ =	strace s3  }
0x95: {  	s3 =	sld [smem:$0x3FFD];
	_ =	sdelay $0x3  }
0x96: {  	_ =	strace s3  }
0x97: {  	_ =	strace $0x8FFFFFFF  }
0x98: {  	s19 =	sld [smem:$0x3FDB];
	_ =	sdelay $0x1  }
0x99: {  	s4 =	simm.s32 $_scs_section_size  }
0x9a: {  	s5 =	simm.s32 $_size__tile_overlayer_lowered;
	s6 =	simm.s32 $_tile_overlayer_lowered  }
0x9b: {  	s22 =	simm.s32 $0x1BFF;
	s21 =	sshll.u32 s6, $0x1;
	s3 =	sadd.s32 s4, s19  }
0x9c: {  	s7 =	simm.s32 $0x0;
	s20 =	sshll.u32 s5, $0x1;
	s5 =	sadd.s32 s21, s3  }
0x9d: {  	[timem:s7], [sflag:s22] =	dma.local [hbm:s5], s20  }
0x9e: {  	_ =	swait.ge [sflag:s22], s20  }
0x9f: {  	s4 =	ssub.s32 $0x0, s20;
	[sflag:s22] =	ssyncset.done $0x0  }
0xa0: {  	[sflag:s22] =	ssyncadd.s32 s4;
	_ =	sdelay $0x1  }
0xa1: {  	s23 =	simm.s32 $0x1B8B  }
0xa2: {  	_ =	swait.ge [sflag:s23], $0x1  }
0xa3: {  	[sflag:s23] =	ssyncset.done $0x0  }
0xa4: {  	s25 =	simm.s32 $0x1B8E;
	s24 =	sld [smem:$0x3FFE];
	[sflag:s23] =	ssyncadd.s32 $0xFFFFFFFF  }
0xa5: {  	s26 =	simm.s32 $execute0_lowered;
	[smem:$0x3FD2] =	sst s25  }
0xa6: {  	s5 =	sshll.u32 s26, $0x1;
	_ =	strace $0x80000046;
	[dreg:$0x1] =	wrdreg $0xFFFFFFFF  }
0xa7: {  	s28 =	simm.s32 $_size_execute0_lowered;
	s3 =	sadd.s32 s3, s5;
	[dreg:$0x0] =	wrdreg $0x0  }
0xa8: {  	s5 =	sshll.u32 s28, $0x1;
	[dreg:$0x2] =	wrdreg s3  }
0xa9: {  	[dreg:$0x3] =	wrdreg s5  }
0xaa: {  	[dreg:$0x4] =	wrdreg $0xC0  }
0xab: {  	_ =	task [dreg:s7], $0x5FFFF  }
0xac: {  	[dreg:$0x1] =	wrdreg $0xFFFFFFFF  }
0xad: {  	[dreg:$0x0] =	wrdreg $0x60  }
0xae: {  	[dreg:$0x2] =	wrdreg s2  }
0xaf: {  	[dreg:$0x3] =	wrdreg s24  }
0xb0: {  	[dreg:$0x4] =	wrdreg $0x0  }
0xb1: {  	[dreg:$0x5] =	wrdreg $0xA  }
0xb2: {  	_ =	task.clear_ibuf [dreg:s7], $0x6FFFF;
	_ =	strace $0x90000046  }
0xb3: {  	s29 =	simm.s32 $0xA;
	_ =	strace $0x80000048  }
0xb4: {  	_ =	swait.ge [sflag:s29], $0x1  }
0xb5: {  	[sflag:s29] =	ssyncadd.s32 $0xFFFFFFFF  }
0xb6: {  	_ =	strace $0x90000048  }
0xb7: {  	_ =	sfence  }
0xb8: {  	s30 =	sld [smem:$0x0];
	_ =	sdelay $0x2  }
0xb9: {  	s31 =	sshll.u32 s1, $0xD;
	s1 =	sshrl.u32 s1, $0x2  }
0xba: {  	s3 =	sand.u32 $0x4000, s31;
	s1 =	sadd.s32 s1, s30  }
0xbb: {  	s0 =	sor.u32 s3, s0;
	s1 =	sshll.u32 s1, $0x11  }
0xbc: {  	s0 =	sor.u32 s1, s0  }
0xbd: {  	s0 =	sadd.s32 $0x8F2B, s0  }
0xbe: {  	[sflag:s0] =	ssyncadd.remote.s32 $0x1  }
0xbf: {  	_ =	sfence.sel $0xFFFF  }
0xc0: {  	[dreg:$0x0] =	wrdreg $0xFFFFFFFF;
	(pc) =	sbr.abs _section_cstart, $3  }
0xc1: {  	[dreg:$0x1] =	wrdreg $0xFFFFFFFF  }
0xc2: {  	_ =	task.clear_ibuf [dreg:s7], $0x2FFFF;
	_ =	strace $0x9FFFFFFF  }
0xc3: {  	(tm) =	ssettm $0x7FFFFFFF  }
tec
execute0_lowered:
.L_overlay_start_1:
0x0: {  	(tag) =	ssettag $0x1  }
0x1: {  	s0 =	rddreg [dreg:$0x0]  }
0x2: {  	s1 =	rddreg [dreg:$0x1]  }
0x3: {  	s2 =	rddreg [dreg:$0x2];
	s3 =	simm.s32 $0x0  }
0x4: {  	s4 =	srdreg.scid;
	s15 =	stileid.u32;
	s28 =	simm.s32 $0x17C00  }
0x5: {  	s29 =	simm.s32 $0x4;
	s30 =	simm.s32 $0x13C00;
	s31 =	simm.s32 $0x15C00  }
0x6: {  	[smem:$0x7FF] =	sst s3;
	s4 =	sand.u32 $0x1, s4;
	s5 =	sadd.s32 $0x13E00, s1  }
0x7: {  	s7 =	smul.u32 $0x13C00, s15;
	s8 =	sadd.s32 $0x3E00, s1;
	s9 =	sadd.s32 $0x24400, s1  }
0x8: {  	s13 =	sshll.u32 s15, $0xB;
	s6 =	ssub.s32 $0x2, s4;
	s12 =	sshll.u32 s4, $0xF  }
0x9: {  	s4 =	smul.u32 $0x13C000, s4;
	s10 =	sshrl.u32 s6, $0x1;
	s11 =	sadd.s32 $0x5000, s7  }
0xa: {  	s14 =	sadd.s32 $0x7800, s7;
	s22 =	sadd.s32 $0xA000, s7;
	s23 =	sadd.s32 $0xC800, s7  }
0xb: {  	s24 =	sadd.s32 $0xF000, s7;
	s25 =	sadd.s32 $0x11800, s7;
	s12 =	sor.u32 s13, s12  }
0xc: {  	s6 =	ssub.s32 s6, s10;
	s10 =	sadd.s32 $0x2800, s7;
	s13 =	sadd.s32 s5, s12  }
0xd: {  	s16 =	sadd.s32 s8, s12;
	s12 =	sor.u32 $0x400, s12;
	s18 =	sadd.s32 s7, s4  }
0xe: {  	s20 =	sadd.s32 s4, s11;
	s7 =	simm.s32 $0x2;
	[dreg:$0x4] =	wrdreg s13  }
0xf: {  	[dreg:$0x5] =	wrdreg s16;
	s5 =	sadd.s32 s5, s12;
	s17 =	sadd.s32 s8, s12  }
0x10: {  	s19 =	sadd.s32 s4, s10;
	s26 =	sshrl.u32 s20, $0x3;
	s12 =	sadd.s32 s4, s14  }
0x11: {  	s13 =	sadd.s32 s4, s22;
	s16 =	sadd.s32 s4, s23;
	s20 =	sadd.s32 s4, s24  }
0x12: {  	s4 =	sadd.s32 s4, s25;
	s22 =	sadd.s32 s22, s2;
	s23 =	sadd.s32 s23, s2  }
0x13: {  	s24 =	sadd.s32 s24, s2;
	s25 =	sadd.s32 s25, s2;
	[dreg:$0x6] =	wrdreg s5  }
0x14: {  	[dreg:$0x7] =	wrdreg s17;
	s5 =	sshrl.u32 s18, $0x3;
	s21 =	sshrl.u32 s19, $0x3  }
0x15: {  	s8 =	sadd.s32 s9, s26;
	s17 =	sshrl.u32 s13, $0x3;
	s18 =	sshrl.u32 s16, $0x3  }
0x16: {  	s4 =	sshrl.u32 s4, $0x3;
	s5 =	sadd.s32 s9, s5;
	[dreg:$0xa] =	wrdreg s8  }
0x17: {  	s19 =	sadd.s32 s9, s18;
	s16 =	sadd.s32 s9, s4;
	s4 =	simm.s32 $0x1A400  }
0x18: {  	s8 =	simm.s32 $0x3;
	[dreg:$0x8] =	wrdreg s5;
	s5 =	sadd.s32 s9, s21  }
0x19: {  	[dreg:$0xd] =	wrdreg s19;
	s21 =	smul.u32 $0x4F000, s15;
	s19 =	sadd.s32 s10, s2  }
0x1a: {  	s10 =	simm.s32 $0x0;
	[dreg:$0x9] =	wrdreg s5;
	s5 =	sshrl.u32 s12, $0x3  }
0x1b: {  	s5 =	sadd.s32 s9, s5;
	s26 =	sshrl.u32 s21, $0x2;
	s21 =	sadd.s32 s14, s2  }
0x1c: {  	s14 =	simm.s32 $0x50;
	[dreg:$0xb] =	wrdreg s5;
	s5 =	sadd.s32 s9, s17  }
0x1d: {  	s17 =	sadd.s32 $0x23E00, s1;
	s18 =	sadd.s32 s26, s2;
	s26 =	smax.u32 s6, $0x1  }
0x1e: {  	s1 =	simm.s32 $0x13C80;
	[dreg:$0xc] =	wrdreg s5;
	s5 =	sshrl.u32 s20, $0x3  }
0x1f: {  	s6 =	simm.s32 $0x1CC00;
	s20 =	sadd.s32 s11, s2;
	s15 =	sadd.s32 s9, s5  }
0x20: {  	_ =	strace $0x80000047;
	s5 =	simm.s32 $0x1;
	s9 =	simm.s32 $0x17A00  }
.LBB2_1:
0x21: {  	[tilespmem:s28], [sflag:$0x4] =	stream.linear.gather [hbm4b:s17+s3], $0x2800, $0x38;
	[tilespmem:$0x1F400] =	vst v63  }
0x22: {  	_ =	swait.ge [sflag:s29], $0x2800  }
0x23: {  	[sflag:s29] =	ssyncset.done $0x0  }
0x24: {  	[sflag:s29] =	ssyncadd.s32 $0xFFFFD800  }
0x25: {  	[spmem:s18] =	stream.linear.scatter [tilespmem:s28], [sflag:$0x4], $0x2800, $0x38;
	[tilespmem:$0x1F400] =	vst v63  }
0x26: {  	_ =	swait.ge [sflag:s29], $0x2800  }
0x27: {  	[sflag:s29] =	ssyncset.done $0x0  }
0x28: {  	[sflag:s29] =	ssyncadd.s32 $0xFFFFD800  }
0x29: {  	[spmem:s19] =	stream.linear.scatter [tilespmem:s28], [sflag:$0x4], $0x2800, $0x38;
	[tilespmem:$0x1F400] =	vst v63  }
0x2a: {  	_ =	swait.ge [sflag:s29], $0x2800  }
0x2b: {  	[sflag:s29] =	ssyncset.done $0x0  }
0x2c: {  	[sflag:s29] =	ssyncadd.s32 $0xFFFFD800  }
0x2d: {  	[spmem:s20] =	stream.linear.scatter [tilespmem:s28], [sflag:$0x4], $0x2800, $0x38;
	[tilespmem:$0x1F400] =	vst v63  }
0x2e: {  	_ =	swait.ge [sflag:s29], $0x2800  }
0x2f: {  	[sflag:s29] =	ssyncset.done $0x0  }
0x30: {  	[sflag:s29] =	ssyncadd.s32 $0xFFFFD800  }
0x31: {  	[spmem:s21] =	stream.linear.scatter [tilespmem:s28], [sflag:$0x4], $0x2800, $0x38;
	[tilespmem:$0x1F400] =	vst v63  }
0x32: {  	_ =	swait.ge [sflag:s29], $0x2800  }
0x33: {  	[sflag:s29] =	ssyncset.done $0x0  }
0x34: {  	[sflag:s29] =	ssyncadd.s32 $0xFFFFD800  }
0x35: {  	[spmem:s22] =	stream.linear.scatter [tilespmem:s28], [sflag:$0x4], $0x2800, $0x38;
	[tilespmem:$0x1F400] =	vst v63  }
0x36: {  	_ =	swait.ge [sflag:s29], $0x2800  }
0x37: {  	[sflag:s29] =	ssyncset.done $0x0  }
0x38: {  	[sflag:s29] =	ssyncadd.s32 $0xFFFFD800  }
0x39: {  	[spmem:s23] =	stream.linear.scatter [tilespmem:s28], [sflag:$0x4], $0x2800, $0x38;
	[tilespmem:$0x1F400] =	vst v63  }
0x3a: {  	_ =	swait.ge [sflag:s29], $0x2800  }
0x3b: {  	[sflag:s29] =	ssyncset.done $0x0  }
0x3c: {  	[sflag:s29] =	ssyncadd.s32 $0xFFFFD800  }
0x3d: {  	[spmem:s24] =	stream.linear.scatter [tilespmem:s28], [sflag:$0x4], $0x2800, $0x38;
	[tilespmem:$0x1F400] =	vst v63  }
0x3e: {  	_ =	swait.ge [sflag:s29], $0x2800  }
0x3f: {  	[sflag:s29] =	ssyncset.done $0x0  }
0x40: {  	[sflag:s29] =	ssyncadd.s32 $0xFFFFD800  }
0x41: {  	[spmem:s25] =	stream.linear.scatter [tilespmem:s28], [sflag:$0x4], $0x2400, $0x38;
	[tilespmem:$0x1F400] =	vst v63  }
0x42: {  	_ =	swait.ge [sflag:s29], $0x2400  }
0x43: {  	[sflag:s29] =	ssyncset.done $0x0  }
0x44: {  	[sflag:s29] =	ssyncadd.s32 $0xFFFFDC00  }
0x45: {  	[bflag:$0x0] =	sbarrier.arrive $0xFFFF  }
0x46: {  	s11 =	rddreg [dreg:$0x4]  }
0x47: {  	[tilespmem:s30], [sflag:$0x4] =	stream.linear.gather [hbm4b:s11+s3], $0x2000, $0x38;
	[tilespmem:$0x1F400] =	vst v63  }
0x48: {  	_ =	swait.ge [sflag:s29], $0x2000  }
0x49: {  	[sflag:s29] =	ssyncset.done $0x0  }
0x4a: {  	s13 =	rddreg [dreg:$0x5];
	[sflag:s29] =	ssyncadd.s32 $0xFFFFE000  }
0x4b: {  	[tilespmem:s31], [sflag:$0x4] =	stream.linear.gather [hbm4b:s13+s3], $0x2000, $0x38;
	[tilespmem:$0x1F400] =	vst v63  }
0x4c: {  	_ =	swait.ge [sflag:s29], $0x2000  }
0x4d: {  	[sflag:s29] =	ssyncset.done $0x0  }
0x4e: {  	[sflag:s29] =	ssyncadd.s32 $0xFFFFE000  }
0x4f: {  	[tilespmem:s28], [sflag:$0x1] =	stream.indirect.gather [hbm4b:s0+s14], $0x80, s30, s14, $0xb8;
	[tilespmem:$0x1F400] =	vst v63  }
0x50: {  	_ = 	snop  }
0x51: {  	[tilespmem:s4], [sflag:$0x2] =	stream.indirect.gather [hbm4b:s0+s14], $0x80, s1, s14, $0xb8;
	[tilespmem:$0x1F400] =	vst v63  }
0x52: {  	_ =	swait.ge [sflag:s5], $0x2800  }
0x53: {  	[sflag:s5] =	ssyncset.done $0x0  }
0x54: {  	s12 =	simm.s32 $0x13D00;
	[sflag:s5] =	ssyncadd.s32 $0xFFFFD800  }
0x55: {  	[tilespmem:s6], [sflag:$0x3] =	stream.indirect.gather [hbm4b:s0+s14], $0x80, s12, s14, $0xb8;
	[tilespmem:$0x1F400] =	vst v63  }
0x56: {  	s13 =	simm.s32 $0x15C00  }
0x57: {  	[spmem:s2] =	stream.indirect.scatter.add.f32 [tilespmem:s28], [sflag:$0x4], $0x80, s13, s14, $0xb8;
	[tilespmem:$0x1F400] =	vst v63  }
0x58: {  	_ =	swait.ge [sflag:s29], $0x2800  }
0x59: {  	[sflag:s29] =	ssyncset.done $0x0  }
0x5a: {  	[sflag:s29] =	ssyncadd.s32 $0xFFFFD800  }
0x5b: {  	_ =	swait.ge [sflag:s7], $0x2800  }
0x5c: {  	[sflag:s7] =	ssyncset.done $0x0  }
0x5d: {  	s12 =	simm.s32 $0x13D80;
	[sflag:s7] =	ssyncadd.s32 $0xFFFFD800  }
0x5e: {  	[tilespmem:s28], [sflag:$0x1] =	stream.indirect.gather [hbm4b:s0+s14], $0x80, s12, s14, $0xb8;
	[tilespmem:$0x1F400] =	vst v63  }
0x5f: {  	s13 =	simm.s32 $0x15C80  }
0x60: {  	[spmem:s2] =	stream.indirect.scatter.add.f32 [tilespmem:s4], [sflag:$0x4], $0x80, s13, s14, $0xb8;
	[tilespmem:$0x1F400] =	vst v63  }
0x61: {  	_ =	swait.ge [sflag:s29], $0x2800  }
0x62: {  	[sflag:s29] =	ssyncset.done $0x0  }
0x63: {  	[sflag:s29] =	ssyncadd.s32 $0xFFFFD800  }
0x64: {  	_ =	swait.ge [sflag:s8], $0x2800  }
0x65: {  	[sflag:s8] =	ssyncset.done $0x0  }
0x66: {  	s12 =	simm.s32 $0x13E00;
	[sflag:s8] =	ssyncadd.s32 $0xFFFFD800  }
0x67: {  	[tilespmem:s4], [sflag:$0x2] =	stream.indirect.gather [hbm4b:s0+s14], $0x80, s12, s14, $0xb8;
	[tilespmem:$0x1F400] =	vst v63  }
0x68: {  	s13 =	simm.s32 $0x15D00  }
0x69: {  	[spmem:s2] =	stream.indirect.scatter.add.f32 [tilespmem:s6], [sflag:$0x4], $0x80, s13, s14, $0xb8;
	[tilespmem:$0x1F400] =	vst v63  }
0x6a: {  	_ =	swait.ge [sflag:s29], $0x2800  }
0x6b: {  	s11 =	simm.s32 $0x600;
	[sflag:s29] =	ssyncset.done $0x0  }
.LBB2_2:
0x6c: {  	p0 =	sne.s32 s11, $0x7200  }
0x6d: {  	[sflag:s29] =	ssyncadd.s32 $0xFFFFD800;
	s12 =	smov.u32 s11;
	s11 =	sadd.s32 $0x600, s11  }
0x6e: {  	_ = 	snop  }
0x6f: {  	_ =	swait.ge [sflag:s5], $0x2800  }
0x70: {  	s12 =	sshra.s32 s12, $0x2;
	[sflag:s5] =	ssyncset.done $0x0  }
0x71: {  	s13 =	sadd.s32 $0x13D00, s12;
	[sflag:s5] =	ssyncadd.s32 $0xFFFFD800  }
0x72: {  	[tilespmem:s6], [sflag:$0x3] =	stream.indirect.gather [hbm4b:s0+s14], $0x80, s13, s14, $0xb8;
	[tilespmem:$0x1F400] =	vst v63  }
0x73: {  	s13 =	sadd.s32 $0x15C00, s12  }
0x74: {  	[spmem:s2] =	stream.indirect.scatter.add.f32 [tilespmem:s28], [sflag:$0x4], $0x80, s13, s14, $0xb8;
	[tilespmem:$0x1F400] =	vst v63  }
0x75: {  	_ =	swait.ge [sflag:s29], $0x2800  }
0x76: {  	[sflag:s29] =	ssyncset.done $0x0  }
0x77: {  	[sflag:s29] =	ssyncadd.s32 $0xFFFFD800  }
0x78: {  	_ =	swait.ge [sflag:s7], $0x2800  }
0x79: {  	[sflag:s7] =	ssyncset.done $0x0  }
0x7a: {  	s13 =	sadd.s32 $0x13D80, s12;
	[sflag:s7] =	ssyncadd.s32 $0xFFFFD800  }
0x7b: {  	[tilespmem:s28], [sflag:$0x1] =	stream.indirect.gather [hbm4b:s0+s14], $0x80, s13, s14, $0xb8;
	[tilespmem:$0x1F400] =	vst v63  }
0x7c: {  	s13 =	sadd.s32 $0x15C80, s12  }
0x7d: {  	[spmem:s2] =	stream.indirect.scatter.add.f32 [tilespmem:s4], [sflag:$0x4], $0x80, s13, s14, $0xb8;
	[tilespmem:$0x1F400] =	vst v63  }
0x7e: {  	_ =	swait.ge [sflag:s29], $0x2800  }
0x7f: {  	[sflag:s29] =	ssyncset.done $0x0  }
0x80: {  	[sflag:s29] =	ssyncadd.s32 $0xFFFFD800  }
0x81: {  	_ =	swait.ge [sflag:s8], $0x2800  }
0x82: {  	[sflag:s8] =	ssyncset.done $0x0  }
0x83: {  	s13 =	sadd.s32 $0x13E00, s12;
	[sflag:s8] =	ssyncadd.s32 $0xFFFFD800  }
0x84: {  	[tilespmem:s4], [sflag:$0x2] =	stream.indirect.gather [hbm4b:s0+s14], $0x80, s13, s14, $0xb8;
	[tilespmem:$0x1F400] =	vst v63  }
.Ltmp0:
0x85: {  	_ = 	snop;
	(pc) =	sbr.rel @p0 .LBB2_2-.Ltmp0, $4  }
0x86: {  	s12 =	sadd.s32 $0x15D00, s12  }
0x87: {  	[spmem:s2] =	stream.indirect.scatter.add.f32 [tilespmem:s6], [sflag:$0x4], $0x80, s12, s14, $0xb8;
	[tilespmem:$0x1F400] =	vst v63  }
0x88: {  	_ =	swait.ge [sflag:s29], $0x2800  }
0x89: {  	[sflag:s29] =	ssyncset.done $0x0  }
0x8a: {  	[sflag:s29] =	ssyncadd.s32 $0xFFFFD800  }
0x8b: {  	_ =	swait.ge [sflag:s5], $0x2800  }
0x8c: {  	[sflag:s5] =	ssyncset.done $0x0  }
0x8d: {  	[sflag:s5] =	ssyncadd.s32 $0xFFFFD800  }
0x8e: {  	[spmem:s2] =	stream.indirect.scatter.add.f32 [tilespmem:s28], [sflag:$0x4], $0x80, s9, s14, $0xb8;
	[tilespmem:$0x1F400] =	vst v63  }
0x8f: {  	_ =	swait.ge [sflag:s29], $0x2800  }
0x90: {  	[sflag:s29] =	ssyncset.done $0x0  }
0x91: {  	[sflag:s29] =	ssyncadd.s32 $0xFFFFD800  }
0x92: {  	_ =	swait.ge [sflag:s7], $0x2800  }
0x93: {  	[sflag:s7] =	ssyncset.done $0x0  }
0x94: {  	s11 =	simm.s32 $0x17A80;
	[sflag:s7] =	ssyncadd.s32 $0xFFFFD800  }
0x95: {  	[spmem:s2] =	stream.indirect.scatter.add.f32 [tilespmem:s4], [sflag:$0x4], $0x80, s11, s14, $0xb8;
	[tilespmem:$0x1F400] =	vst v63  }
0x96: {  	_ =	swait.ge [sflag:s29], $0x2800  }
0x97: {  	[sflag:s29] =	ssyncset.done $0x0  }
0x98: {  	s13 =	simm.s32 $0x15B00;
	[sflag:s29] =	ssyncadd.s32 $0xFFFFD800  }
0x99: {  	[tilespmem:s6], [sflag:$0x3] =	stream.indirect.gather [hbm4b:s0+s14], $0x80, s13, s14, $0xb8;
	[tilespmem:$0x1F400] =	vst v63  }
0x9a: {  	_ =	swait.ge [sflag:s8], $0x2800  }
0x9b: {  	[sflag:s8] =	ssyncset.done $0x0  }
0x9c: {  	s12 =	simm.s32 $0x17B00;
	[sflag:s8] =	ssyncadd.s32 $0xFFFFD800  }
0x9d: {  	[spmem:s2] =	stream.indirect.scatter.add.f32 [tilespmem:s6], [sflag:$0x4], $0x80, s12, s14, $0xb8;
	[tilespmem:$0x1F400] =	vst v63  }
0x9e: {  	_ =	swait.ge [sflag:s29], $0x2800  }
0x9f: {  	[sflag:s29] =	ssyncset.done $0x0  }
0xa0: {  	s13 =	simm.s32 $0x15B80;
	[sflag:s29] =	ssyncadd.s32 $0xFFFFD800  }
0xa1: {  	[tilespmem:s28], [sflag:$0x1] =	stream.indirect.gather [hbm4b:s0+s14], $0x80, s13, s14, $0xb8;
	[tilespmem:$0x1F400] =	vst v63  }
0xa2: {  	_ =	swait.ge [sflag:s5], $0x2800  }
0xa3: {  	[sflag:s5] =	ssyncset.done $0x0  }
0xa4: {  	s12 =	simm.s32 $0x17B80;
	[sflag:s5] =	ssyncadd.s32 $0xFFFFD800  }
0xa5: {  	[spmem:s2] =	stream.indirect.scatter.add.f32 [tilespmem:s28], [sflag:$0x4], $0x80, s12, s14, $0xb8;
	[tilespmem:$0x1F400] =	vst v63  }
0xa6: {  	_ =	swait.ge [sflag:s29], $0x2800  }
0xa7: {  	[sflag:s29] =	ssyncset.done $0x0  }
0xa8: {  	s11 =	simm.s32 $0x0;
	s12 =	rddreg [dreg:$0x6];
	[sflag:s29] =	ssyncadd.s32 $0xFFFFD800  }
0xa9: {  	[tilespmem:s30], [sflag:$0x4] =	stream.linear.gather [hbm4b:s12+s11], $0x1E80, $0x38;
	[tilespmem:$0x1F400] =	vst v63  }
0xaa: {  	_ =	swait.ge [sflag:s29], $0x1E80  }
0xab: {  	[sflag:s29] =	ssyncset.done $0x0  }
0xac: {  	s13 =	rddreg [dreg:$0x7];
	[sflag:s29] =	ssyncadd.s32 $0xFFFFE180  }
0xad: {  	[tilespmem:s31], [sflag:$0x4] =	stream.linear.gather [hbm4b:s13+s11], $0x1E80, $0x38;
	[tilespmem:$0x1F400] =	vst v63  }
0xae: {  	_ =	swait.ge [sflag:s29], $0x1E80  }
0xaf: {  	[sflag:s29] =	ssyncset.done $0x0  }
0xb0: {  	[sflag:s29] =	ssyncadd.s32 $0xFFFFE180  }
0xb1: {  	[tilespmem:s28], [sflag:$0x1] =	stream.indirect.gather [hbm4b:s0+s14], $0x80, s30, s14, $0xb8;
	[tilespmem:$0x1F400] =	vst v63  }
0xb2: {  	_ = 	snop  }
0xb3: {  	[tilespmem:s4], [sflag:$0x2] =	stream.indirect.gather [hbm4b:s0+s14], $0x80, s1, s14, $0xb8;
	[tilespmem:$0x1F400] =	vst v63  }
0xb4: {  	_ =	swait.ge [sflag:s5], $0x2800  }
0xb5: {  	[sflag:s5] =	ssyncset.done $0x0  }
0xb6: {  	s12 =	simm.s32 $0x13D00;
	[sflag:s5] =	ssyncadd.s32 $0xFFFFD800  }
0xb7: {  	[tilespmem:s6], [sflag:$0x3] =	stream.indirect.gather [hbm4b:s0+s14], $0x80, s12, s14, $0xb8;
	[tilespmem:$0x1F400] =	vst v63  }
0xb8: {  	s13 =	simm.s32 $0x15C00  }
0xb9: {  	[spmem:s2] =	stream.indirect.scatter.add.f32 [tilespmem:s28], [sflag:$0x4], $0x80, s13, s14, $0xb8;
	[tilespmem:$0x1F400] =	vst v63  }
0xba: {  	_ =	swait.ge [sflag:s29], $0x2800  }
0xbb: {  	[sflag:s29] =	ssyncset.done $0x0  }
0xbc: {  	[sflag:s29] =	ssyncadd.s32 $0xFFFFD800  }
0xbd: {  	_ =	swait.ge [sflag:s7], $0x2800  }
0xbe: {  	[sflag:s7] =	ssyncset.done $0x0  }
0xbf: {  	s12 =	simm.s32 $0x13D80;
	[sflag:s7] =	ssyncadd.s32 $0xFFFFD800  }
0xc0: {  	[tilespmem:s28], [sflag:$0x1] =	stream.indirect.gather [hbm4b:s0+s14], $0x80, s12, s14, $0xb8;
	[tilespmem:$0x1F400] =	vst v63  }
0xc1: {  	s13 =	simm.s32 $0x15C80  }
0xc2: {  	[spmem:s2] =	stream.indirect.scatter.add.f32 [tilespmem:s4], [sflag:$0x4], $0x80, s13, s14, $0xb8;
	[tilespmem:$0x1F400] =	vst v63  }
0xc3: {  	_ =	swait.ge [sflag:s29], $0x2800  }
0xc4: {  	[sflag:s29] =	ssyncset.done $0x0  }
0xc5: {  	[sflag:s29] =	ssyncadd.s32 $0xFFFFD800  }
0xc6: {  	_ =	swait.ge [sflag:s8], $0x2800  }
0xc7: {  	[sflag:s8] =	ssyncset.done $0x0  }
0xc8: {  	s12 =	simm.s32 $0x13E00;
	[sflag:s8] =	ssyncadd.s32 $0xFFFFD800  }
0xc9: {  	[tilespmem:s4], [sflag:$0x2] =	stream.indirect.gather [hbm4b:s0+s14], $0x80, s12, s14, $0xb8;
	[tilespmem:$0x1F400] =	vst v63  }
0xca: {  	s13 =	simm.s32 $0x15D00  }
0xcb: {  	[spmem:s2] =	stream.indirect.scatter.add.f32 [tilespmem:s6], [sflag:$0x4], $0x80, s13, s14, $0xb8;
	[tilespmem:$0x1F400] =	vst v63  }
0xcc: {  	_ =	swait.ge [sflag:s29], $0x2800  }
0xcd: {  	s11 =	simm.s32 $0x600;
	[sflag:s29] =	ssyncset.done $0x0  }
.LBB2_4:
0xce: {  	p0 =	sne.s32 s11, $0x6C00  }
0xcf: {  	[sflag:s29] =	ssyncadd.s32 $0xFFFFD800;
	s12 =	smov.u32 s11;
	s11 =	sadd.s32 $0x600, s11  }
0xd0: {  	_ = 	snop  }
0xd1: {  	_ =	swait.ge [sflag:s5], $0x2800  }
0xd2: {  	s12 =	sshra.s32 s12, $0x2;
	[sflag:s5] =	ssyncset.done $0x0  }
0xd3: {  	s13 =	sadd.s32 $0x13D00, s12;
	[sflag:s5] =	ssyncadd.s32 $0xFFFFD800  }
0xd4: {  	[tilespmem:s6], [sflag:$0x3] =	stream.indirect.gather [hbm4b:s0+s14], $0x80, s13, s14, $0xb8;
	[tilespmem:$0x1F400] =	vst v63  }
0xd5: {  	s13 =	sadd.s32 $0x15C00, s12  }
0xd6: {  	[spmem:s2] =	stream.indirect.scatter.add.f32 [tilespmem:s28], [sflag:$0x4], $0x80, s13, s14, $0xb8;
	[tilespmem:$0x1F400] =	vst v63  }
0xd7: {  	_ =	swait.ge [sflag:s29], $0x2800  }
0xd8: {  	[sflag:s29] =	ssyncset.done $0x0  }
0xd9: {  	[sflag:s29] =	ssyncadd.s32 $0xFFFFD800  }
0xda: {  	_ =	swait.ge [sflag:s7], $0x2800  }
0xdb: {  	[sflag:s7] =	ssyncset.done $0x0  }
0xdc: {  	s13 =	sadd.s32 $0x13D80, s12;
	[sflag:s7] =	ssyncadd.s32 $0xFFFFD800  }
0xdd: {  	[tilespmem:s28], [sflag:$0x1] =	stream.indirect.gather [hbm4b:s0+s14], $0x80, s13, s14, $0xb8;
	[tilespmem:$0x1F400] =	vst v63  }
0xde: {  	s13 =	sadd.s32 $0x15C80, s12  }
0xdf: {  	[spmem:s2] =	stream.indirect.scatter.add.f32 [tilespmem:s4], [sflag:$0x4], $0x80, s13, s14, $0xb8;
	[tilespmem:$0x1F400] =	vst v63  }
0xe0: {  	_ =	swait.ge [sflag:s29], $0x2800  }
0xe1: {  	[sflag:s29] =	ssyncset.done $0x0  }
0xe2: {  	[sflag:s29] =	ssyncadd.s32 $0xFFFFD800  }
0xe3: {  	_ =	swait.ge [sflag:s8], $0x2800  }
0xe4: {  	[sflag:s8] =	ssyncset.done $0x0  }
0xe5: {  	s13 =	sadd.s32 $0x13E00, s12;
	[sflag:s8] =	ssyncadd.s32 $0xFFFFD800  }
0xe6: {  	[tilespmem:s4], [sflag:$0x2] =	stream.indirect.gather [hbm4b:s0+s14], $0x80, s13, s14, $0xb8;
	[tilespmem:$0x1F400] =	vst v63  }
.Ltmp1:
0xe7: {  	_ = 	snop;
	(pc) =	sbr.rel @p0 .LBB2_4-.Ltmp1, $4  }
0xe8: {  	s12 =	sadd.s32 $0x15D00, s12  }
0xe9: {  	[spmem:s2] =	stream.indirect.scatter.add.f32 [tilespmem:s6], [sflag:$0x4], $0x80, s12, s14, $0xb8;
	[tilespmem:$0x1F400] =	vst v63  }
0xea: {  	_ =	swait.ge [sflag:s29], $0x2800  }
0xeb: {  	[sflag:s29] =	ssyncset.done $0x0  }
0xec: {  	[sflag:s29] =	ssyncadd.s32 $0xFFFFD800  }
0xed: {  	_ =	swait.ge [sflag:s5], $0x2800  }
0xee: {  	[sflag:s5] =	ssyncset.done $0x0  }
0xef: {  	s11 =	simm.s32 $0x17880;
	[sflag:s5] =	ssyncadd.s32 $0xFFFFD800  }
0xf0: {  	[spmem:s2] =	stream.indirect.scatter.add.f32 [tilespmem:s28], [sflag:$0x4], $0x80, s11, s14, $0xb8;
	[tilespmem:$0x1F400] =	vst v63  }
0xf1: {  	_ =	swait.ge [sflag:s29], $0x2800  }
0xf2: {  	[sflag:s29] =	ssyncset.done $0x0  }
0xf3: {  	[sflag:s29] =	ssyncadd.s32 $0xFFFFD800  }
0xf4: {  	_ =	swait.ge [sflag:s7], $0x2800  }
0xf5: {  	[sflag:s7] =	ssyncset.done $0x0  }
0xf6: {  	s12 =	simm.s32 $0x17900;
	[sflag:s7] =	ssyncadd.s32 $0xFFFFD800  }
0xf7: {  	[spmem:s2] =	stream.indirect.scatter.add.f32 [tilespmem:s4], [sflag:$0x4], $0x80, s12, s14, $0xb8;
	[tilespmem:$0x1F400] =	vst v63  }
0xf8: {  	_ =	swait.ge [sflag:s29], $0x2800  }
0xf9: {  	[sflag:s29] =	ssyncset.done $0x0  }
0xfa: {  	s13 =	simm.s32 $0x15980;
	[sflag:s29] =	ssyncadd.s32 $0xFFFFD800  }
0xfb: {  	[tilespmem:s6], [sflag:$0x3] =	stream.indirect.gather [hbm4b:s0+s14], $0x80, s13, s14, $0xb8;
	[tilespmem:$0x1F400] =	vst v63  }
0xfc: {  	_ =	swait.ge [sflag:s8], $0x2800  }
0xfd: {  	[sflag:s8] =	ssyncset.done $0x0  }
0xfe: {  	s12 =	simm.s32 $0x17980;
	[sflag:s8] =	ssyncadd.s32 $0xFFFFD800  }
0xff: {  	[spmem:s2] =	stream.indirect.scatter.add.f32 [tilespmem:s6], [sflag:$0x4], $0x80, s12, s14, $0xb8;
	[tilespmem:$0x1F400] =	vst v63  }
0x100: {  	_ =	swait.ge [sflag:s29], $0x2800  }
0x101: {  	[sflag:s29] =	ssyncset.done $0x0  }
0x102: {  	s13 =	simm.s32 $0x15A00;
	[sflag:s29] =	ssyncadd.s32 $0xFFFFD800  }
0x103: {  	[tilespmem:s28], [sflag:$0x1] =	stream.indirect.gather [hbm4b:s0+s14], $0x80, s13, s14, $0xb8;
	[tilespmem:$0x1F400] =	vst v63  }
0x104: {  	_ =	swait.ge [sflag:s5], $0x2800  }
0x105: {  	[sflag:s5] =	ssyncset.done $0x0  }
0x106: {  	[sflag:s5] =	ssyncadd.s32 $0xFFFFD800  }
0x107: {  	[spmem:s2] =	stream.indirect.scatter.add.f32 [tilespmem:s28], [sflag:$0x4], $0x80, s9, s14, $0xb8;
	[tilespmem:$0x1F400] =	vst v63  }
0x108: {  	_ =	swait.ge [sflag:s29], $0x2800  }
0x109: {  	[sflag:s29] =	ssyncset.done $0x0  }
0x10a: {  	[sflag:s29] =	ssyncadd.s32 $0xFFFFD800  }
0x10b: {  	[bflag:$0x0] =	sbarrier.arrive $0xFFFF  }
0x10c: {  	[tilespmem:s28], [sflag:$0x4] =	stream.linear.gather [spmem:s18], $0x2800, $0x38;
	[tilespmem:$0x1F400] =	vst v63  }
0x10d: {  	_ =	swait.ge [sflag:s29], $0x2800  }
0x10e: {  	[sflag:s29] =	ssyncset.done $0x0  }
0x10f: {  	s12 =	rddreg [dreg:$0x8];
	[sflag:s29] =	ssyncadd.s32 $0xFFFFD800  }
0x110: {  	[hbm4b:s12+s3] =	stream.linear.scatter [tilespmem:s28], [sflag:$0x4], $0x2800, $0x38;
	[tilespmem:$0x1F400] =	vst v63  }
0x111: {  	_ =	swait.ge [sflag:s29], $0x2800  }
0x112: {  	[sflag:s29] =	ssyncset.done $0x0  }
0x113: {  	[sflag:s29] =	ssyncadd.s32 $0xFFFFD800  }
0x114: {  	[tilespmem:s28], [sflag:$0x4] =	stream.linear.gather [spmem:s19], $0x2800, $0x38;
	[tilespmem:$0x1F400] =	vst v63  }
0x115: {  	_ =	swait.ge [sflag:s29], $0x2800  }
0x116: {  	[sflag:s29] =	ssyncset.done $0x0  }
0x117: {  	s13 =	rddreg [dreg:$0x9];
	[sflag:s29] =	ssyncadd.s32 $0xFFFFD800  }
0x118: {  	[hbm4b:s13+s3] =	stream.linear.scatter [tilespmem:s28], [sflag:$0x4], $0x2800, $0x38;
	[tilespmem:$0x1F400] =	vst v63  }
0x119: {  	_ =	swait.ge [sflag:s29], $0x2800  }
0x11a: {  	[sflag:s29] =	ssyncset.done $0x0  }
0x11b: {  	[sflag:s29] =	ssyncadd.s32 $0xFFFFD800  }
0x11c: {  	[tilespmem:s28], [sflag:$0x4] =	stream.linear.gather [spmem:s20], $0x2800, $0x38;
	[tilespmem:$0x1F400] =	vst v63  }
0x11d: {  	_ =	swait.ge [sflag:s29], $0x2800  }
0x11e: {  	[sflag:s29] =	ssyncset.done $0x0  }
0x11f: {  	s12 =	rddreg [dreg:$0xa];
	[sflag:s29] =	ssyncadd.s32 $0xFFFFD800  }
0x120: {  	[hbm4b:s12+s3] =	stream.linear.scatter [tilespmem:s28], [sflag:$0x4], $0x2800, $0x38;
	[tilespmem:$0x1F400] =	vst v63  }
0x121: {  	_ =	swait.ge [sflag:s29], $0x2800  }
0x122: {  	[sflag:s29] =	ssyncset.done $0x0  }
0x123: {  	[sflag:s29] =	ssyncadd.s32 $0xFFFFD800  }
0x124: {  	[tilespmem:s28], [sflag:$0x4] =	stream.linear.gather [spmem:s21], $0x2800, $0x38;
	[tilespmem:$0x1F400] =	vst v63  }
0x125: {  	_ =	swait.ge [sflag:s29], $0x2800  }
0x126: {  	[sflag:s29] =	ssyncset.done $0x0  }
0x127: {  	s13 =	rddreg [dreg:$0xb];
	[sflag:s29] =	ssyncadd.s32 $0xFFFFD800  }
0x128: {  	[hbm4b:s13+s3] =	stream.linear.scatter [tilespmem:s28], [sflag:$0x4], $0x2800, $0x38;
	[tilespmem:$0x1F400] =	vst v63  }
0x129: {  	_ =	swait.ge [sflag:s29], $0x2800  }
0x12a: {  	[sflag:s29] =	ssyncset.done $0x0  }
0x12b: {  	[sflag:s29] =	ssyncadd.s32 $0xFFFFD800  }
0x12c: {  	[tilespmem:s28], [sflag:$0x4] =	stream.linear.gather [spmem:s22], $0x2800, $0x38;
	[tilespmem:$0x1F400] =	vst v63  }
0x12d: {  	_ =	swait.ge [sflag:s29], $0x2800  }
0x12e: {  	[sflag:s29] =	ssyncset.done $0x0  }
0x12f: {  	s12 =	rddreg [dreg:$0xc];
	[sflag:s29] =	ssyncadd.s32 $0xFFFFD800  }
0x130: {  	[hbm4b:s12+s3] =	stream.linear.scatter [tilespmem:s28], [sflag:$0x4], $0x2800, $0x38;
	[tilespmem:$0x1F400] =	vst v63  }
0x131: {  	_ =	swait.ge [sflag:s29], $0x2800  }
0x132: {  	[sflag:s29] =	ssyncset.done $0x0  }
0x133: {  	[sflag:s29] =	ssyncadd.s32 $0xFFFFD800  }
0x134: {  	[tilespmem:s28], [sflag:$0x4] =	stream.linear.gather [spmem:s23], $0x2800, $0x38;
	[tilespmem:$0x1F400] =	vst v63  }
0x135: {  	_ =	swait.ge [sflag:s29], $0x2800  }
0x136: {  	[sflag:s29] =	ssyncset.done $0x0  }
0x137: {  	s13 =	rddreg [dreg:$0xd];
	[sflag:s29] =	ssyncadd.s32 $0xFFFFD800  }
0x138: {  	[hbm4b:s13+s3] =	stream.linear.scatter [tilespmem:s28], [sflag:$0x4], $0x2800, $0x38;
	[tilespmem:$0x1F400] =	vst v63  }
0x139: {  	_ =	swait.ge [sflag:s29], $0x2800  }
0x13a: {  	[sflag:s29] =	ssyncset.done $0x0  }
0x13b: {  	[sflag:s29] =	ssyncadd.s32 $0xFFFFD800  }
0x13c: {  	[tilespmem:s28], [sflag:$0x4] =	stream.linear.gather [spmem:s24], $0x2800, $0x38;
	[tilespmem:$0x1F400] =	vst v63  }
0x13d: {  	_ =	swait.ge [sflag:s29], $0x2800  }
0x13e: {  	[sflag:s29] =	ssyncset.done $0x0  }
0x13f: {  	[sflag:s29] =	ssyncadd.s32 $0xFFFFD800  }
0x140: {  	[hbm4b:s15+s3] =	stream.linear.scatter [tilespmem:s28], [sflag:$0x4], $0x2800, $0x38;
	[tilespmem:$0x1F400] =	vst v63  }
0x141: {  	_ =	swait.ge [sflag:s29], $0x2800  }
0x142: {  	[sflag:s29] =	ssyncset.done $0x0  }
0x143: {  	[sflag:s29] =	ssyncadd.s32 $0xFFFFD800  }
0x144: {  	[tilespmem:s28], [sflag:$0x4] =	stream.linear.gather [spmem:s25], $0x2400, $0x38;
	[tilespmem:$0x1F400] =	vst v63  }
0x145: {  	s10 =	sadd.s32 $0x1, s10;
	_ =	swait.ge [sflag:s29], $0x2400  }
0x146: {  	p0 =	sne.s32 s10, s26;
	[sflag:s29] =	ssyncset.done $0x0  }
.Ltmp2:
0x147: {  	[sflag:s29] =	ssyncadd.s32 $0xFFFFDC00;
	(pc) =	sbr.rel @p0 .LBB2_1-.Ltmp2, $4  }
0x148: {  	[hbm4b:s16+s3] =	stream.linear.scatter [tilespmem:s28], [sflag:$0x4], $0x2400, $0x38;
	[tilespmem:$0x1F400] =	vst v63  }
0x149: {  	_ =	swait.ge [sflag:s29], $0x2400  }
0x14a: {  	[sflag:s29] =	ssyncset.done $0x0  }
0x14b: {  	[sflag:s29] =	ssyncadd.s32 $0xFFFFDC00  }
0x14c: {  	_ =	sfence.sel $0x180000  }
0x14d: {  	[bflag:$0x0] =	sbarrier.arrive $0xFFFF  }
0x14e: {  	_ =	strace $0x90000047  }
0x14f: {  	s0 =	stileid.u32;
	[bflag:$0x2] =	sbarrier.arrive $0xFFFF  }
0x150: {  	p0 =	sne.s32 s0, $0x0;
	s0 =	rddreg [dreg:$0x3]  }
0x151: {  	s0 =	sadd.s32 @!p0 $0x100000, s0  }
0x152: {  	[sflag:s0] =	ssyncadd.tile.s32 @!p0 $0x1;
	_ =	shalt  }
.Lfunc_end2:
_tile_overlayer_lowered:
.L_overlay_start_2:
0x153: {  	(tag) =	ssettag $0x2  }
0x154: {  	s0 =	rddreg [dreg:$0x0];
	s2 =	stileid.u32  }
0x155: {  	s1 =	rddreg [dreg:$0x1];
	p0 =	sne.s32 s2, $0x0  }
0x156: {  	s3 =	rddreg [dreg:$0x2];
	[bflag:$0x3] =	sbarrier.arrive $0xFFFF;
	s2 =	simm.s32 @!p0 $0x1C04  }
0x157: {  	[timem:s3], [sflag:s2] =	dma.local @!p0 [hbm:s0], s1  }
0x158: {  	s0 =	simm.s32 @!p0 $0x4  }
0x159: {  	_ =	swait.ge @!p0 [sflag:s0], s1  }
0x15a: {  	s1 =	ssub.s32 @!p0 $0x0, s1;
	[sflag:s0] =	ssyncset.done @!p0 $0x0  }
0x15b: {  	[sflag:s0] =	ssyncadd.s32 @!p0 s1  }
0x15c: {  	[bflag:$0x3] =	sbarrier.arrive $0xFFFF  }
0x15d: {  	_ =	shalt  }

// kernel: kernel.13.cloned.1.call-start
scs
__scs_entry_jumppad:
0x0: {  	(pc) =	sbr.rel $0x88, $3  }
0x1: {  	(tag) =	ssettag $0x0;
	lr =	simm.s32 $0x1  }
0x2: {  	[smem:$0x3F89] =	sst lr;
	_ =	strace $0xD0000000  }
0x3: {  	_ = 	snop  }
0x4: {  	_ = 	snop  }
0x5: {  	_ = 	snop  }
0x6: {  	_ = 	snop  }
0x7: {  	_ = 	snop  }
__scs_overlays_trampoline_lowered:
0x8: {  	[smem:$0x3F98] =	sst s0  }
0x9: {  	[smem:$0x3F99] =	sst s1  }
0xa: {  	[smem:$0x3F9A] =	sst s2  }
0xb: {  	[smem:$0x3F9B] =	sst s3  }
0xc: {  	[smem:$0x3F9C] =	sst s4  }
0xd: {  	[smem:$0x3F9D] =	sst s5  }
0xe: {  	[smem:$0x3F9E] =	sst s6  }
0xf: {  	[smem:$0x3F9F] =	sst s7  }
0x10: {  	[smem:$0x3FA0] =	sst s8  }
0x11: {  	[smem:$0x3FA1] =	sst s9;
	s0 =	simm.s32 @!p0 $0x0  }
0x12: {  	s1 =	sld [smem:$0x3F87];
	s0 =	simm.s32 @p0 $0x1  }
0x13: {  	[smem:$0x3FA2] =	sst s0;
	s0 =	simm.s32 @!p1 $0x0  }
0x14: {  	s2 =	sld [smem:$0x3F86];
	s0 =	simm.s32 @p1 $0x1  }
0x15: {  	[smem:$0x3FA3] =	sst s0;
	s0 =	simm.s32 @!p2 $0x0  }
0x16: {  	s3 =	sld [smem:$0x3FDB];
	s0 =	simm.s32 @p2 $0x1  }
0x17: {  	s4 =	simm.s32 $0x1BF5;
	[smem:$0x3FA5] =	sst s0  }
0x18: {  	s0 =	sld [smem:$0x3F88];
	_ =	swait.ge [sflag:s4], $0x0  }
0x19: {  	s7 =	sld [smem:$0x3F89]  }
0x1a: {  	s8 =	sadd.s32 $0xFFFFE003, lr  }
0x1b: {  	s9 =	sadd.s32 $0xFFFFFEF7, lr;
	s5 =	simm.s32 $0xFFFFFFFF;
	p2 =	slt.u32 s8, $0xFFFFF086  }
0x1c: {  	p1 =	slt.u32 s9, $0xF7A;
	s5 =	simm.s32 @!p2 $0x0  }
0x1d: {  	s5 =	simm.s32 @p1 $0x1;
	p0 =	seq.s32 s7, s2  }
0x1e: {  	s7 =	smul.u32 @!p0 $0xF7A, s2;
	p2 =	seq.s32 @!p0 s5, $0x0  }
0x1f: {  	s9 =	smul.u32 $0xF7A, s1;
	s8 =	simm.s32 @!p0 $0x1BF5;
	p2 =	por !p2, p0  }
0x20: {  	[sflag:s8] =	ssyncset.s32 @!p0 $0xFFFFF086;
	s6 =	sadd.s32 @!p0 s3, s7;
	s7 =	simm.s32 @!p0 $0x108  }
0x21: {  	s3 =	sadd.s32 s3, s9;
	s6 =	sadd.s32 @!p0 $0x88, s6;
	s7 =	simm.s32 @p2 $0x1082  }
0x22: {  	[simem:s7], [sflag:s8] =	dma.local @!p0 [hbm:s6], $0xF7A  }
0x23: {  	s9 =	sor.u32 $0xD0000000, s2;
	s6 =	simm.s32 $0x108;
	_ =	swait.ge @!p0 [sflag:s8], $0x0  }
0x24: {  	s3 =	sadd.s32 $0x88, s3;
	s6 =	simm.s32 @!p1 $0x1082;
	[sflag:s4] =	ssyncset.s32 $0xFFFFF086  }
0x25: {  	[simem:s6], [sflag:s4] =	dma.local [hbm:s3], $0xF7A  }
0x26: {  	[smem:$0x3F89] =	sst s1;
	(tag) =	ssettag s2;
	_ =	strace s9  }
0x27: {  	s1 =	sld [smem:$0x3F99]  }
0x28: {  	s2 =	sld [smem:$0x3F9A]  }
0x29: {  	s4 =	sld [smem:$0x3F9C]  }
0x2a: {  	p0 =	seq.s32 s5, $0x0;
	s5 =	sld [smem:$0x3F9D]  }
0x2b: {  	s6 =	sld [smem:$0x3F9E]  }
0x2c: {  	s7 =	sld [smem:$0x3F9F]  }
0x2d: {  	s3 =	simm.s32 $0x108;
	s8 =	sld [smem:$0x3FA0]  }
0x2e: {  	s3 =	simm.s32 @!p0 $0x1082;
	s9 =	sld [smem:$0x3FA1]  }
0x2f: {  	lr =	sadd.s32 s0, s3;
	s0 =	sld [smem:$0x3F98]  }
0x30: {  	s3 =	sld [smem:$0x3F9B]  }
0x31: {  	[smem:$0x3FA4] =	sst s10  }
0x32: {  	s10 =	sld [smem:$0x3FA2];
	_ =	sdelay $0x3  }
0x33: {  	p0 =	seq.s32 s10, $0x1;
	s10 =	sld [smem:$0x3FA4];
	_ =	sdelay $0x3  }
0x34: {  	[smem:$0x3FA4] =	sst s10  }
0x35: {  	s10 =	sld [smem:$0x3FA3];
	_ =	sdelay $0x3  }
0x36: {  	p1 =	seq.s32 s10, $0x1;
	s10 =	sld [smem:$0x3FA4];
	_ =	sdelay $0x3  }
0x37: {  	[smem:$0x3FA4] =	sst s10  }
0x38: {  	s10 =	sld [smem:$0x3FA5]  }
0x39: {  	_ = 	snop;
	(pc) =	sbr.ind lr, $3  }
0x3a: {  	_ = 	snop  }
0x3b: {  	_ = 	snop  }
0x3c: {  	p2 =	seq.s32 s10, $0x1;
	s10 =	sld [smem:$0x3FA4]  }
0x3d: {  	_ =	shalt  }
0x3e: {  	_ =	shalt  }
0x3f: {  	_ =	shalt  }
0x40: {  	_ =	shalt  }
0x41: {  	_ =	shalt  }
0x42: {  	_ =	shalt  }
0x43: {  	_ =	shalt  }
0x44: {  	_ =	shalt  }
0x45: {  	_ =	shalt  }
0x46: {  	_ =	shalt  }
0x47: {  	_ =	shalt  }
0x48: {  	_ =	shalt  }
0x49: {  	_ =	shalt  }
0x4a: {  	_ =	shalt  }
0x4b: {  	_ =	shalt  }
0x4c: {  	_ =	shalt  }
0x4d: {  	_ =	shalt  }
0x4e: {  	_ =	shalt  }
0x4f: {  	_ =	shalt  }
0x50: {  	_ =	shalt  }
0x51: {  	_ =	shalt  }
0x52: {  	_ =	shalt  }
0x53: {  	_ =	shalt  }
0x54: {  	_ =	shalt  }
0x55: {  	_ =	shalt  }
0x56: {  	_ =	shalt  }
0x57: {  	_ =	shalt  }
0x58: {  	_ =	shalt  }
0x59: {  	_ =	shalt  }
0x5a: {  	_ =	shalt  }
0x5b: {  	_ =	shalt  }
0x5c: {  	_ =	shalt  }
0x5d: {  	_ =	shalt  }
0x5e: {  	_ =	shalt  }
0x5f: {  	_ =	shalt  }
0x60: {  	_ =	shalt  }
0x61: {  	_ =	shalt  }
0x62: {  	_ =	shalt  }
0x63: {  	_ =	shalt  }
0x64: {  	_ =	shalt  }
0x65: {  	_ =	shalt  }
0x66: {  	_ =	shalt  }
0x67: {  	_ =	shalt  }
0x68: {  	_ =	shalt  }
0x69: {  	_ =	shalt  }
0x6a: {  	_ =	shalt  }
0x6b: {  	_ =	shalt  }
0x6c: {  	_ =	shalt  }
0x6d: {  	_ =	shalt  }
0x6e: {  	_ =	shalt  }
0x6f: {  	_ =	shalt  }
0x70: {  	_ =	shalt  }
0x71: {  	_ =	shalt  }
0x72: {  	_ =	shalt  }
0x73: {  	_ =	shalt  }
0x74: {  	_ =	shalt  }
0x75: {  	_ =	shalt  }
0x76: {  	_ =	shalt  }
0x77: {  	_ =	shalt  }
0x78: {  	_ =	shalt  }
0x79: {  	_ =	shalt  }
0x7a: {  	_ =	shalt  }
0x7b: {  	_ =	shalt  }
0x7c: {  	_ =	shalt  }
0x7d: {  	_ =	shalt  }
0x7e: {  	_ =	shalt  }
0x7f: {  	_ =	shalt  }
0x80: {  	_ =	shalt  }
0x81: {  	_ =	shalt  }
0x82: {  	_ =	shalt  }
0x83: {  	_ =	shalt  }
0x84: {  	_ =	shalt  }
0x85: {  	_ =	shalt  }
0x86: {  	_ =	shalt  }
0x87: {  	_ =	shalt  }
.Lfunc_end0:
.L_simem_size_0:
called_computation.2_lowered:
.L_overlay_start_0:
0x88: {  	s2 =	sld [smem:$0x3FD9]  }
0x89: {  	s3 =	sld [smem:$0x3FFE];
	_ =	sdelay $0x1  }
0x8a: {  	s1 =	srdreg.scid  }
0x8b: {  	s0 =	sand.u32 $0x1, s1  }
0x8c: {  	s16 =	sshll.u32 s0, $0xA;
	s2 =	sadd.s32 s3, s2  }
0x8d: {  	s2 =	sadd.s32 s2, s16  }
0x8e: {  	[smem:$0x3FB0] =	sst s2  }
0x8f: {  	_ = 	snop  }
0x90: {  	(tm) =	ssettm $0x1  }
0x91: {  	s17 =	sld [smem:$0x3FFB];
	_ =	sdelay $0x3  }
0x92: {  	_ =	strace s17  }
0x93: {  	s2 =	sld [smem:$0x3FFC];
	_ =	sdelay $0x3  }
0x94: {  	_ =	strace s2  }
0x95: {  	s2 =	sld [smem:$0x3FFD];
	_ =	sdelay $0x3  }
0x96: {  	_ =	strace s2  }
0x97: {  	_ =	strace $0x8FFFFFFF  }
0x98: {  	s18 =	sld [smem:$0x3FDB];
	_ =	sdelay $0x1  }
0x99: {  	s19 =	simm.s32 $_scs_section_size  }
0x9a: {  	s4 =	simm.s32 $_size__tile_overlayer_lowered;
	s5 =	simm.s32 $_tile_overlayer_lowered  }
0x9b: {  	s22 =	simm.s32 $0x1BFF;
	s21 =	sshll.u32 s5, $0x1;
	s2 =	sadd.s32 s19, s18  }
0x9c: {  	s6 =	simm.s32 $0x0;
	s20 =	sshll.u32 s4, $0x1;
	s4 =	sadd.s32 s21, s2  }
0x9d: {  	[timem:s6], [sflag:s22] =	dma.local [hbm:s4], s20  }
0x9e: {  	_ =	swait.ge [sflag:s22], s20  }
0x9f: {  	s3 =	ssub.s32 $0x0, s20;
	[sflag:s22] =	ssyncset.done $0x0  }
0xa0: {  	[sflag:s22] =	ssyncadd.s32 s3;
	_ =	sdelay $0x1  }
0xa1: {  	s23 =	simm.s32 $0x1B8B  }
0xa2: {  	_ =	swait.ge [sflag:s23], $0x1  }
0xa3: {  	[sflag:s23] =	ssyncset.done $0x0  }
0xa4: {  	s25 =	simm.s32 $0x1B8E;
	s24 =	sld [smem:$0x3FFE];
	[sflag:s23] =	ssyncadd.s32 $0xFFFFFFFF  }
0xa5: {  	s26 =	simm.s32 $execute0_lowered;
	[smem:$0x3FD2] =	sst s25  }
0xa6: {  	s4 =	sshll.u32 s26, $0x1;
	_ =	strace $0x8000004C;
	[dreg:$0x1] =	wrdreg $0xFFFFFFFF  }
0xa7: {  	s28 =	simm.s32 $_size_execute0_lowered;
	s2 =	sadd.s32 s2, s4;
	[dreg:$0x0] =	wrdreg $0x0  }
0xa8: {  	s4 =	sshll.u32 s28, $0x1;
	[dreg:$0x2] =	wrdreg s2  }
0xa9: {  	[dreg:$0x3] =	wrdreg s4  }
0xaa: {  	[dreg:$0x4] =	wrdreg $0xC0  }
0xab: {  	_ =	task [dreg:s6], $0x5FFFF  }
0xac: {  	[dreg:$0x1] =	wrdreg $0xFFFFFFFF  }
0xad: {  	[dreg:$0x0] =	wrdreg $0x60  }
0xae: {  	[dreg:$0x2] =	wrdreg s24  }
0xaf: {  	[dreg:$0x3] =	wrdreg $0x0  }
0xb0: {  	[dreg:$0x4] =	wrdreg $0x9  }
0xb1: {  	_ =	task.clear_ibuf [dreg:s6], $0x5FFFF;
	_ =	strace $0x9000004C  }
0xb2: {  	s29 =	simm.s32 $0x9;
	_ =	strace $0x8000004E  }
0xb3: {  	_ =	swait.ge [sflag:s29], $0x1  }
0xb4: {  	[sflag:s29] =	ssyncadd.s32 $0xFFFFFFFF  }
0xb5: {  	_ =	strace $0x9000004E  }
0xb6: {  	_ =	sfence  }
0xb7: {  	s30 =	sld [smem:$0x0];
	_ =	sdelay $0x2  }
0xb8: {  	s31 =	sshll.u32 s1, $0xD;
	s1 =	sshrl.u32 s1, $0x2  }
0xb9: {  	s3 =	sand.u32 $0x4000, s31;
	s1 =	sadd.s32 s1, s30  }
0xba: {  	s0 =	sor.u32 s3, s0;
	s1 =	sshll.u32 s1, $0x11  }
0xbb: {  	s0 =	sor.u32 s1, s0  }
0xbc: {  	s0 =	sadd.s32 $0x8F2B, s0  }
0xbd: {  	[sflag:s0] =	ssyncadd.remote.s32 $0x1  }
0xbe: {  	_ =	sfence.sel $0xFFFF  }
0xbf: {  	[dreg:$0x0] =	wrdreg $0xFFFFFFFF;
	(pc) =	sbr.abs _section_cstart, $3  }
0xc0: {  	[dreg:$0x1] =	wrdreg $0xFFFFFFFF  }
0xc1: {  	_ =	task.clear_ibuf [dreg:s6], $0x2FFFF;
	_ =	strace $0x9FFFFFFF  }
0xc2: {  	(tm) =	ssettm $0x7FFFFFFF  }
0xc3: {  	_ =	shalt  }
tec
execute0_lowered:
.L_overlay_start_1:
0x0: {  	(tag) =	ssettag $0x1  }
0x1: {  	s0 =	rddreg [dreg:$0x0]  }
0x2: {  	s1 =	rddreg [dreg:$0x1];
	s2 =	srdreg.scid;
	s3 =	simm.s32 $0x0  }
0x3: {  	s14 =	stileid.u32;
	s28 =	simm.s32 $0x17C00;
	s29 =	simm.s32 $0x4  }
0x4: {  	s30 =	simm.s32 $0x13C00;
	s31 =	simm.s32 $0x15C00;
	s2 =	sand.u32 $0x1, s2  }
0x5: {  	s5 =	sadd.s32 $0x13E00, s0;
	s7 =	smul.u32 $0x13C00, s14;
	s8 =	sadd.s32 $0x3E00, s0  }
0x6: {  	s9 =	sadd.s32 $0xC2A00, s0;
	s13 =	sshll.u32 s14, $0xB;
	[smem:$0x7FF] =	sst s3  }
0x7: {  	s4 =	ssub.s32 $0x2, s2;
	s12 =	sshll.u32 s2, $0xF;
	s2 =	smul.u32 $0x13C000, s2  }
0x8: {  	s6 =	sshrl.u32 s4, $0x1;
	s10 =	sadd.s32 $0x5000, s7;
	s11 =	sadd.s32 $0x7800, s7  }
0x9: {  	s22 =	sadd.s32 $0xA000, s7;
	s23 =	sadd.s32 $0xC800, s7;
	s24 =	sadd.s32 $0xF000, s7  }
0xa: {  	s12 =	sor.u32 s13, s12;
	s25 =	sadd.s32 $0x11800, s7;
	s4 =	ssub.s32 s4, s6  }
0xb: {  	s6 =	sadd.s32 $0x2800, s7;
	s13 =	sor.u32 $0x400, s12;
	s15 =	sadd.s32 s5, s12  }
0xc: {  	s12 =	sadd.s32 s8, s12;
	s20 =	sadd.s32 s7, s2;
	s26 =	sadd.s32 s2, s10  }
0xd: {  	s16 =	sadd.s32 s2, s22;
	s17 =	sadd.s32 s2, s23;
	[dreg:$0x3] =	wrdreg s15  }
0xe: {  	s22 =	sadd.s32 s22, s1;
	s23 =	sadd.s32 s23, s1;
	[dreg:$0x4] =	wrdreg s12  }
0xf: {  	s5 =	sadd.s32 s5, s13;
	s19 =	sadd.s32 s8, s13;
	s21 =	sadd.s32 s2, s6  }
0x10: {  	s13 =	sshrl.u32 s26, $0x3;
	s15 =	sadd.s32 s2, s11;
	[dreg:$0x5] =	wrdreg s5  }
0x11: {  	s8 =	simm.s32 $0x3;
	[dreg:$0x6] =	wrdreg s19;
	s5 =	sshrl.u32 s20, $0x3  }
0x12: {  	s7 =	sshrl.u32 s21, $0x3;
	s19 =	sshrl.u32 s17, $0x3;
	s20 =	sadd.s32 s2, s24  }
0x13: {  	s2 =	sadd.s32 s2, s25;
	s21 =	smul.u32 $0x4F000, s14;
	s17 =	sadd.s32 $0x23E00, s0  }
0x14: {  	s24 =	sadd.s32 s24, s1;
	s25 =	sadd.s32 s25, s1;
	s5 =	sadd.s32 s9, s5  }
0x15: {  	s12 =	sadd.s32 s9, s7;
	s7 =	sshrl.u32 s16, $0x3;
	s2 =	sshrl.u32 s2, $0x3  }
0x16: {  	s16 =	sadd.s32 $0x24400, s0;
	s0 =	simm.s32 $0x50;
	[dreg:$0x7] =	wrdreg s5  }
0x17: {  	[dreg:$0x8] =	wrdreg s12;
	s5 =	sadd.s32 s9, s13;
	s18 =	sadd.s32 s9, s7  }
0x18: {  	s26 =	sshrl.u32 s21, $0x2;
	s21 =	sadd.s32 s11, s1;
	[dreg:$0x9] =	wrdreg s5  }
0x19: {  	s7 =	simm.s32 $0x2;
	s5 =	sshrl.u32 s15, $0x3;
	[dreg:$0xb] =	wrdreg s18  }
0x1a: {  	s15 =	sadd.s32 s9, s2;
	s18 =	sadd.s32 s26, s1;
	s26 =	smax.u32 s4, $0x1  }
0x1b: {  	s2 =	simm.s32 $0x13C80;
	s4 =	simm.s32 $0x1A400;
	s5 =	sadd.s32 s9, s5  }
0x1c: {  	[dreg:$0xa] =	wrdreg s5;
	s5 =	sadd.s32 s9, s19;
	s19 =	sadd.s32 s6, s1  }
0x1d: {  	s6 =	simm.s32 $0x1CC00;
	[dreg:$0xc] =	wrdreg s5;
	s5 =	sshrl.u32 s20, $0x3  }
0x1e: {  	s20 =	sadd.s32 s10, s1;
	s10 =	simm.s32 $0x0;
	s14 =	sadd.s32 s9, s5  }
0x1f: {  	_ =	strace $0x8000004D;
	s5 =	simm.s32 $0x1;
	s9 =	simm.s32 $0x17A00  }
.LBB2_1:
0x20: {  	[tilespmem:s28], [sflag:$0x4] =	stream.linear.gather [hbm4b:s17+s3], $0x2800, $0x38;
	[tilespmem:$0x1F400] =	vst v63  }
0x21: {  	_ =	swait.ge [sflag:s29], $0x2800  }
0x22: {  	[sflag:s29] =	ssyncset.done $0x0  }
0x23: {  	[sflag:s29] =	ssyncadd.s32 $0xFFFFD800  }
0x24: {  	[spmem:s18] =	stream.linear.scatter [tilespmem:s28], [sflag:$0x4], $0x2800, $0x38;
	[tilespmem:$0x1F400] =	vst v63  }
0x25: {  	_ =	swait.ge [sflag:s29], $0x2800  }
0x26: {  	[sflag:s29] =	ssyncset.done $0x0  }
0x27: {  	[sflag:s29] =	ssyncadd.s32 $0xFFFFD800  }
0x28: {  	[spmem:s19] =	stream.linear.scatter [tilespmem:s28], [sflag:$0x4], $0x2800, $0x38;
	[tilespmem:$0x1F400] =	vst v63  }
0x29: {  	_ =	swait.ge [sflag:s29], $0x2800  }
0x2a: {  	[sflag:s29] =	ssyncset.done $0x0  }
0x2b: {  	[sflag:s29] =	ssyncadd.s32 $0xFFFFD800  }
0x2c: {  	[spmem:s20] =	stream.linear.scatter [tilespmem:s28], [sflag:$0x4], $0x2800, $0x38;
	[tilespmem:$0x1F400] =	vst v63  }
0x2d: {  	_ =	swait.ge [sflag:s29], $0x2800  }
0x2e: {  	[sflag:s29] =	ssyncset.done $0x0  }
0x2f: {  	[sflag:s29] =	ssyncadd.s32 $0xFFFFD800  }
0x30: {  	[spmem:s21] =	stream.linear.scatter [tilespmem:s28], [sflag:$0x4], $0x2800, $0x38;
	[tilespmem:$0x1F400] =	vst v63  }
0x31: {  	_ =	swait.ge [sflag:s29], $0x2800  }
0x32: {  	[sflag:s29] =	ssyncset.done $0x0  }
0x33: {  	[sflag:s29] =	ssyncadd.s32 $0xFFFFD800  }
0x34: {  	[spmem:s22] =	stream.linear.scatter [tilespmem:s28], [sflag:$0x4], $0x2800, $0x38;
	[tilespmem:$0x1F400] =	vst v63  }
0x35: {  	_ =	swait.ge [sflag:s29], $0x2800  }
0x36: {  	[sflag:s29] =	ssyncset.done $0x0  }
0x37: {  	[sflag:s29] =	ssyncadd.s32 $0xFFFFD800  }
0x38: {  	[spmem:s23] =	stream.linear.scatter [tilespmem:s28], [sflag:$0x4], $0x2800, $0x38;
	[tilespmem:$0x1F400] =	vst v63  }
0x39: {  	_ =	swait.ge [sflag:s29], $0x2800  }
0x3a: {  	[sflag:s29] =	ssyncset.done $0x0  }
0x3b: {  	[sflag:s29] =	ssyncadd.s32 $0xFFFFD800  }
0x3c: {  	[spmem:s24] =	stream.linear.scatter [tilespmem:s28], [sflag:$0x4], $0x2800, $0x38;
	[tilespmem:$0x1F400] =	vst v63  }
0x3d: {  	_ =	swait.ge [sflag:s29], $0x2800  }
0x3e: {  	[sflag:s29] =	ssyncset.done $0x0  }
0x3f: {  	[sflag:s29] =	ssyncadd.s32 $0xFFFFD800  }
0x40: {  	[spmem:s25] =	stream.linear.scatter [tilespmem:s28], [sflag:$0x4], $0x2400, $0x38;
	[tilespmem:$0x1F400] =	vst v63  }
0x41: {  	_ =	swait.ge [sflag:s29], $0x2400  }
0x42: {  	[sflag:s29] =	ssyncset.done $0x0  }
0x43: {  	[sflag:s29] =	ssyncadd.s32 $0xFFFFDC00  }
0x44: {  	[bflag:$0x0] =	sbarrier.arrive $0xFFFF  }
0x45: {  	s11 =	rddreg [dreg:$0x3]  }
0x46: {  	[tilespmem:s30], [sflag:$0x4] =	stream.linear.gather [hbm4b:s11+s3], $0x2000, $0x38;
	[tilespmem:$0x1F400] =	vst v63  }
0x47: {  	_ =	swait.ge [sflag:s29], $0x2000  }
0x48: {  	[sflag:s29] =	ssyncset.done $0x0  }
0x49: {  	s13 =	rddreg [dreg:$0x4];
	[sflag:s29] =	ssyncadd.s32 $0xFFFFE000  }
0x4a: {  	[tilespmem:s31], [sflag:$0x4] =	stream.linear.gather [hbm4b:s13+s3], $0x2000, $0x38;
	[tilespmem:$0x1F400] =	vst v63  }
0x4b: {  	_ =	swait.ge [sflag:s29], $0x2000  }
0x4c: {  	[sflag:s29] =	ssyncset.done $0x0  }
0x4d: {  	[sflag:s29] =	ssyncadd.s32 $0xFFFFE000  }
0x4e: {  	[tilespmem:s28], [sflag:$0x1] =	stream.indirect.gather [hbm4b:s16+s0], $0x80, s30, s0, $0xb8;
	[tilespmem:$0x1F400] =	vst v63  }
0x4f: {  	_ = 	snop  }
0x50: {  	[tilespmem:s4], [sflag:$0x2] =	stream.indirect.gather [hbm4b:s16+s0], $0x80, s2, s0, $0xb8;
	[tilespmem:$0x1F400] =	vst v63  }
0x51: {  	_ =	swait.ge [sflag:s5], $0x2800  }
0x52: {  	[sflag:s5] =	ssyncset.done $0x0  }
0x53: {  	s12 =	simm.s32 $0x13D00;
	[sflag:s5] =	ssyncadd.s32 $0xFFFFD800  }
0x54: {  	[tilespmem:s6], [sflag:$0x3] =	stream.indirect.gather [hbm4b:s16+s0], $0x80, s12, s0, $0xb8;
	[tilespmem:$0x1F400] =	vst v63  }
0x55: {  	s13 =	simm.s32 $0x15C00  }
0x56: {  	[spmem:s1] =	stream.indirect.scatter.add.f32 [tilespmem:s28], [sflag:$0x4], $0x80, s13, s0, $0xb8;
	[tilespmem:$0x1F400] =	vst v63  }
0x57: {  	_ =	swait.ge [sflag:s29], $0x2800  }
0x58: {  	[sflag:s29] =	ssyncset.done $0x0  }
0x59: {  	[sflag:s29] =	ssyncadd.s32 $0xFFFFD800  }
0x5a: {  	_ =	swait.ge [sflag:s7], $0x2800  }
0x5b: {  	[sflag:s7] =	ssyncset.done $0x0  }
0x5c: {  	s12 =	simm.s32 $0x13D80;
	[sflag:s7] =	ssyncadd.s32 $0xFFFFD800  }
0x5d: {  	[tilespmem:s28], [sflag:$0x1] =	stream.indirect.gather [hbm4b:s16+s0], $0x80, s12, s0, $0xb8;
	[tilespmem:$0x1F400] =	vst v63  }
0x5e: {  	s13 =	simm.s32 $0x15C80  }
0x5f: {  	[spmem:s1] =	stream.indirect.scatter.add.f32 [tilespmem:s4], [sflag:$0x4], $0x80, s13, s0, $0xb8;
	[tilespmem:$0x1F400] =	vst v63  }
0x60: {  	_ =	swait.ge [sflag:s29], $0x2800  }
0x61: {  	[sflag:s29] =	ssyncset.done $0x0  }
0x62: {  	[sflag:s29] =	ssyncadd.s32 $0xFFFFD800  }
0x63: {  	_ =	swait.ge [sflag:s8], $0x2800  }
0x64: {  	[sflag:s8] =	ssyncset.done $0x0  }
0x65: {  	s12 =	simm.s32 $0x13E00;
	[sflag:s8] =	ssyncadd.s32 $0xFFFFD800  }
0x66: {  	[tilespmem:s4], [sflag:$0x2] =	stream.indirect.gather [hbm4b:s16+s0], $0x80, s12, s0, $0xb8;
	[tilespmem:$0x1F400] =	vst v63  }
0x67: {  	s13 =	simm.s32 $0x15D00  }
0x68: {  	[spmem:s1] =	stream.indirect.scatter.add.f32 [tilespmem:s6], [sflag:$0x4], $0x80, s13, s0, $0xb8;
	[tilespmem:$0x1F400] =	vst v63  }
0x69: {  	_ =	swait.ge [sflag:s29], $0x2800  }
0x6a: {  	s11 =	simm.s32 $0x600;
	[sflag:s29] =	ssyncset.done $0x0  }
.LBB2_2:
0x6b: {  	p0 =	sne.s32 s11, $0x7200  }
0x6c: {  	[sflag:s29] =	ssyncadd.s32 $0xFFFFD800;
	s12 =	smov.u32 s11;
	s11 =	sadd.s32 $0x600, s11  }
0x6d: {  	_ = 	snop  }
0x6e: {  	_ =	swait.ge [sflag:s5], $0x2800  }
0x6f: {  	s12 =	sshra.s32 s12, $0x2;
	[sflag:s5] =	ssyncset.done $0x0  }
0x70: {  	s13 =	sadd.s32 $0x13D00, s12;
	[sflag:s5] =	ssyncadd.s32 $0xFFFFD800  }
0x71: {  	[tilespmem:s6], [sflag:$0x3] =	stream.indirect.gather [hbm4b:s16+s0], $0x80, s13, s0, $0xb8;
	[tilespmem:$0x1F400] =	vst v63  }
0x72: {  	s13 =	sadd.s32 $0x15C00, s12  }
0x73: {  	[spmem:s1] =	stream.indirect.scatter.add.f32 [tilespmem:s28], [sflag:$0x4], $0x80, s13, s0, $0xb8;
	[tilespmem:$0x1F400] =	vst v63  }
0x74: {  	_ =	swait.ge [sflag:s29], $0x2800  }
0x75: {  	[sflag:s29] =	ssyncset.done $0x0  }
0x76: {  	[sflag:s29] =	ssyncadd.s32 $0xFFFFD800  }
0x77: {  	_ =	swait.ge [sflag:s7], $0x2800  }
0x78: {  	[sflag:s7] =	ssyncset.done $0x0  }
0x79: {  	s13 =	sadd.s32 $0x13D80, s12;
	[sflag:s7] =	ssyncadd.s32 $0xFFFFD800  }
0x7a: {  	[tilespmem:s28], [sflag:$0x1] =	stream.indirect.gather [hbm4b:s16+s0], $0x80, s13, s0, $0xb8;
	[tilespmem:$0x1F400] =	vst v63  }
0x7b: {  	s13 =	sadd.s32 $0x15C80, s12  }
0x7c: {  	[spmem:s1] =	stream.indirect.scatter.add.f32 [tilespmem:s4], [sflag:$0x4], $0x80, s13, s0, $0xb8;
	[tilespmem:$0x1F400] =	vst v63  }
0x7d: {  	_ =	swait.ge [sflag:s29], $0x2800  }
0x7e: {  	[sflag:s29] =	ssyncset.done $0x0  }
0x7f: {  	[sflag:s29] =	ssyncadd.s32 $0xFFFFD800  }
0x80: {  	_ =	swait.ge [sflag:s8], $0x2800  }
0x81: {  	[sflag:s8] =	ssyncset.done $0x0  }
0x82: {  	s13 =	sadd.s32 $0x13E00, s12;
	[sflag:s8] =	ssyncadd.s32 $0xFFFFD800  }
0x83: {  	[tilespmem:s4], [sflag:$0x2] =	stream.indirect.gather [hbm4b:s16+s0], $0x80, s13, s0, $0xb8;
	[tilespmem:$0x1F400] =	vst v63  }
.Ltmp0:
0x84: {  	_ = 	snop;
	(pc) =	sbr.rel @p0 .LBB2_2-.Ltmp0, $4  }
0x85: {  	s12 =	sadd.s32 $0x15D00, s12  }
0x86: {  	[spmem:s1] =	stream.indirect.scatter.add.f32 [tilespmem:s6], [sflag:$0x4], $0x80, s12, s0, $0xb8;
	[tilespmem:$0x1F400] =	vst v63  }
0x87: {  	_ =	swait.ge [sflag:s29], $0x2800  }
0x88: {  	[sflag:s29] =	ssyncset.done $0x0  }
0x89: {  	[sflag:s29] =	ssyncadd.s32 $0xFFFFD800  }
0x8a: {  	_ =	swait.ge [sflag:s5], $0x2800  }
0x8b: {  	[sflag:s5] =	ssyncset.done $0x0  }
0x8c: {  	[sflag:s5] =	ssyncadd.s32 $0xFFFFD800  }
0x8d: {  	[spmem:s1] =	stream.indirect.scatter.add.f32 [tilespmem:s28], [sflag:$0x4], $0x80, s9, s0, $0xb8;
	[tilespmem:$0x1F400] =	vst v63  }
0x8e: {  	_ =	swait.ge [sflag:s29], $0x2800  }
0x8f: {  	[sflag:s29] =	ssyncset.done $0x0  }
0x90: {  	[sflag:s29] =	ssyncadd.s32 $0xFFFFD800  }
0x91: {  	_ =	swait.ge [sflag:s7], $0x2800  }
0x92: {  	[sflag:s7] =	ssyncset.done $0x0  }
0x93: {  	s11 =	simm.s32 $0x17A80;
	[sflag:s7] =	ssyncadd.s32 $0xFFFFD800  }
0x94: {  	[spmem:s1] =	stream.indirect.scatter.add.f32 [tilespmem:s4], [sflag:$0x4], $0x80, s11, s0, $0xb8;
	[tilespmem:$0x1F400] =	vst v63  }
0x95: {  	_ =	swait.ge [sflag:s29], $0x2800  }
0x96: {  	[sflag:s29] =	ssyncset.done $0x0  }
0x97: {  	s13 =	simm.s32 $0x15B00;
	[sflag:s29] =	ssyncadd.s32 $0xFFFFD800  }
0x98: {  	[tilespmem:s6], [sflag:$0x3] =	stream.indirect.gather [hbm4b:s16+s0], $0x80, s13, s0, $0xb8;
	[tilespmem:$0x1F400] =	vst v63  }
0x99: {  	_ =	swait.ge [sflag:s8], $0x2800  }
0x9a: {  	[sflag:s8] =	ssyncset.done $0x0  }
0x9b: {  	s12 =	simm.s32 $0x17B00;
	[sflag:s8] =	ssyncadd.s32 $0xFFFFD800  }
0x9c: {  	[spmem:s1] =	stream.indirect.scatter.add.f32 [tilespmem:s6], [sflag:$0x4], $0x80, s12, s0, $0xb8;
	[tilespmem:$0x1F400] =	vst v63  }
0x9d: {  	_ =	swait.ge [sflag:s29], $0x2800  }
0x9e: {  	[sflag:s29] =	ssyncset.done $0x0  }
0x9f: {  	s13 =	simm.s32 $0x15B80;
	[sflag:s29] =	ssyncadd.s32 $0xFFFFD800  }
0xa0: {  	[tilespmem:s28], [sflag:$0x1] =	stream.indirect.gather [hbm4b:s16+s0], $0x80, s13, s0, $0xb8;
	[tilespmem:$0x1F400] =	vst v63  }
0xa1: {  	_ =	swait.ge [sflag:s5], $0x2800  }
0xa2: {  	[sflag:s5] =	ssyncset.done $0x0  }
0xa3: {  	s12 =	simm.s32 $0x17B80;
	[sflag:s5] =	ssyncadd.s32 $0xFFFFD800  }
0xa4: {  	[spmem:s1] =	stream.indirect.scatter.add.f32 [tilespmem:s28], [sflag:$0x4], $0x80, s12, s0, $0xb8;
	[tilespmem:$0x1F400] =	vst v63  }
0xa5: {  	_ =	swait.ge [sflag:s29], $0x2800  }
0xa6: {  	[sflag:s29] =	ssyncset.done $0x0  }
0xa7: {  	s11 =	simm.s32 $0x0;
	s12 =	rddreg [dreg:$0x5];
	[sflag:s29] =	ssyncadd.s32 $0xFFFFD800  }
0xa8: {  	[tilespmem:s30], [sflag:$0x4] =	stream.linear.gather [hbm4b:s12+s11], $0x1E80, $0x38;
	[tilespmem:$0x1F400] =	vst v63  }
0xa9: {  	_ =	swait.ge [sflag:s29], $0x1E80  }
0xaa: {  	[sflag:s29] =	ssyncset.done $0x0  }
0xab: {  	s13 =	rddreg [dreg:$0x6];
	[sflag:s29] =	ssyncadd.s32 $0xFFFFE180  }
0xac: {  	[tilespmem:s31], [sflag:$0x4] =	stream.linear.gather [hbm4b:s13+s11], $0x1E80, $0x38;
	[tilespmem:$0x1F400] =	vst v63  }
0xad: {  	_ =	swait.ge [sflag:s29], $0x1E80  }
0xae: {  	[sflag:s29] =	ssyncset.done $0x0  }
0xaf: {  	[sflag:s29] =	ssyncadd.s32 $0xFFFFE180  }
0xb0: {  	[tilespmem:s28], [sflag:$0x1] =	stream.indirect.gather [hbm4b:s16+s0], $0x80, s30, s0, $0xb8;
	[tilespmem:$0x1F400] =	vst v63  }
0xb1: {  	_ = 	snop  }
0xb2: {  	[tilespmem:s4], [sflag:$0x2] =	stream.indirect.gather [hbm4b:s16+s0], $0x80, s2, s0, $0xb8;
	[tilespmem:$0x1F400] =	vst v63  }
0xb3: {  	_ =	swait.ge [sflag:s5], $0x2800  }
0xb4: {  	[sflag:s5] =	ssyncset.done $0x0  }
0xb5: {  	s12 =	simm.s32 $0x13D00;
	[sflag:s5] =	ssyncadd.s32 $0xFFFFD800  }
0xb6: {  	[tilespmem:s6], [sflag:$0x3] =	stream.indirect.gather [hbm4b:s16+s0], $0x80, s12, s0, $0xb8;
	[tilespmem:$0x1F400] =	vst v63  }
0xb7: {  	s13 =	simm.s32 $0x15C00  }
0xb8: {  	[spmem:s1] =	stream.indirect.scatter.add.f32 [tilespmem:s28], [sflag:$0x4], $0x80, s13, s0, $0xb8;
	[tilespmem:$0x1F400] =	vst v63  }
0xb9: {  	_ =	swait.ge [sflag:s29], $0x2800  }
0xba: {  	[sflag:s29] =	ssyncset.done $0x0  }
0xbb: {  	[sflag:s29] =	ssyncadd.s32 $0xFFFFD800  }
0xbc: {  	_ =	swait.ge [sflag:s7], $0x2800  }
0xbd: {  	[sflag:s7] =	ssyncset.done $0x0  }
0xbe: {  	s12 =	simm.s32 $0x13D80;
	[sflag:s7] =	ssyncadd.s32 $0xFFFFD800  }
0xbf: {  	[tilespmem:s28], [sflag:$0x1] =	stream.indirect.gather [hbm4b:s16+s0], $0x80, s12, s0, $0xb8;
	[tilespmem:$0x1F400] =	vst v63  }
0xc0: {  	s13 =	simm.s32 $0x15C80  }
0xc1: {  	[spmem:s1] =	stream.indirect.scatter.add.f32 [tilespmem:s4], [sflag:$0x4], $0x80, s13, s0, $0xb8;
	[tilespmem:$0x1F400] =	vst v63  }
0xc2: {  	_ =	swait.ge [sflag:s29], $0x2800  }
0xc3: {  	[sflag:s29] =	ssyncset.done $0x0  }
0xc4: {  	[sflag:s29] =	ssyncadd.s32 $0xFFFFD800  }
0xc5: {  	_ =	swait.ge [sflag:s8], $0x2800  }
0xc6: {  	[sflag:s8] =	ssyncset.done $0x0  }
0xc7: {  	s12 =	simm.s32 $0x13E00;
	[sflag:s8] =	ssyncadd.s32 $0xFFFFD800  }
0xc8: {  	[tilespmem:s4], [sflag:$0x2] =	stream.indirect.gather [hbm4b:s16+s0], $0x80, s12, s0, $0xb8;
	[tilespmem:$0x1F400] =	vst v63  }
0xc9: {  	s13 =	simm.s32 $0x15D00  }
0xca: {  	[spmem:s1] =	stream.indirect.scatter.add.f32 [tilespmem:s6], [sflag:$0x4], $0x80, s13, s0, $0xb8;
	[tilespmem:$0x1F400] =	vst v63  }
0xcb: {  	_ =	swait.ge [sflag:s29], $0x2800  }
0xcc: {  	s11 =	simm.s32 $0x600;
	[sflag:s29] =	ssyncset.done $0x0  }
.LBB2_4:
0xcd: {  	p0 =	sne.s32 s11, $0x6C00  }
0xce: {  	[sflag:s29] =	ssyncadd.s32 $0xFFFFD800;
	s12 =	smov.u32 s11;
	s11 =	sadd.s32 $0x600, s11  }
0xcf: {  	_ = 	snop  }
0xd0: {  	_ =	swait.ge [sflag:s5], $0x2800  }
0xd1: {  	s12 =	sshra.s32 s12, $0x2;
	[sflag:s5] =	ssyncset.done $0x0  }
0xd2: {  	s13 =	sadd.s32 $0x13D00, s12;
	[sflag:s5] =	ssyncadd.s32 $0xFFFFD800  }
0xd3: {  	[tilespmem:s6], [sflag:$0x3] =	stream.indirect.gather [hbm4b:s16+s0], $0x80, s13, s0, $0xb8;
	[tilespmem:$0x1F400] =	vst v63  }
0xd4: {  	s13 =	sadd.s32 $0x15C00, s12  }
0xd5: {  	[spmem:s1] =	stream.indirect.scatter.add.f32 [tilespmem:s28], [sflag:$0x4], $0x80, s13, s0, $0xb8;
	[tilespmem:$0x1F400] =	vst v63  }
0xd6: {  	_ =	swait.ge [sflag:s29], $0x2800  }
0xd7: {  	[sflag:s29] =	ssyncset.done $0x0  }
0xd8: {  	[sflag:s29] =	ssyncadd.s32 $0xFFFFD800  }
0xd9: {  	_ =	swait.ge [sflag:s7], $0x2800  }
0xda: {  	[sflag:s7] =	ssyncset.done $0x0  }
0xdb: {  	s13 =	sadd.s32 $0x13D80, s12;
	[sflag:s7] =	ssyncadd.s32 $0xFFFFD800  }
0xdc: {  	[tilespmem:s28], [sflag:$0x1] =	stream.indirect.gather [hbm4b:s16+s0], $0x80, s13, s0, $0xb8;
	[tilespmem:$0x1F400] =	vst v63  }
0xdd: {  	s13 =	sadd.s32 $0x15C80, s12  }
0xde: {  	[spmem:s1] =	stream.indirect.scatter.add.f32 [tilespmem:s4], [sflag:$0x4], $0x80, s13, s0, $0xb8;
	[tilespmem:$0x1F400] =	vst v63  }
0xdf: {  	_ =	swait.ge [sflag:s29], $0x2800  }
0xe0: {  	[sflag:s29] =	ssyncset.done $0x0  }
0xe1: {  	[sflag:s29] =	ssyncadd.s32 $0xFFFFD800  }
0xe2: {  	_ =	swait.ge [sflag:s8], $0x2800  }
0xe3: {  	[sflag:s8] =	ssyncset.done $0x0  }
0xe4: {  	s13 =	sadd.s32 $0x13E00, s12;
	[sflag:s8] =	ssyncadd.s32 $0xFFFFD800  }
0xe5: {  	[tilespmem:s4], [sflag:$0x2] =	stream.indirect.gather [hbm4b:s16+s0], $0x80, s13, s0, $0xb8;
	[tilespmem:$0x1F400] =	vst v63  }
.Ltmp1:
0xe6: {  	_ = 	snop;
	(pc) =	sbr.rel @p0 .LBB2_4-.Ltmp1, $4  }
0xe7: {  	s12 =	sadd.s32 $0x15D00, s12  }
0xe8: {  	[spmem:s1] =	stream.indirect.scatter.add.f32 [tilespmem:s6], [sflag:$0x4], $0x80, s12, s0, $0xb8;
	[tilespmem:$0x1F400] =	vst v63  }
0xe9: {  	_ =	swait.ge [sflag:s29], $0x2800  }
0xea: {  	[sflag:s29] =	ssyncset.done $0x0  }
0xeb: {  	[sflag:s29] =	ssyncadd.s32 $0xFFFFD800  }
0xec: {  	_ =	swait.ge [sflag:s5], $0x2800  }
0xed: {  	[sflag:s5] =	ssyncset.done $0x0  }
0xee: {  	s11 =	simm.s32 $0x17880;
	[sflag:s5] =	ssyncadd.s32 $0xFFFFD800  }
0xef: {  	[spmem:s1] =	stream.indirect.scatter.add.f32 [tilespmem:s28], [sflag:$0x4], $0x80, s11, s0, $0xb8;
	[tilespmem:$0x1F400] =	vst v63  }
0xf0: {  	_ =	swait.ge [sflag:s29], $0x2800  }
0xf1: {  	[sflag:s29] =	ssyncset.done $0x0  }
0xf2: {  	[sflag:s29] =	ssyncadd.s32 $0xFFFFD800  }
0xf3: {  	_ =	swait.ge [sflag:s7], $0x2800  }
0xf4: {  	[sflag:s7] =	ssyncset.done $0x0  }
0xf5: {  	s12 =	simm.s32 $0x17900;
	[sflag:s7] =	ssyncadd.s32 $0xFFFFD800  }
0xf6: {  	[spmem:s1] =	stream.indirect.scatter.add.f32 [tilespmem:s4], [sflag:$0x4], $0x80, s12, s0, $0xb8;
	[tilespmem:$0x1F400] =	vst v63  }
0xf7: {  	_ =	swait.ge [sflag:s29], $0x2800  }
0xf8: {  	[sflag:s29] =	ssyncset.done $0x0  }
0xf9: {  	s13 =	simm.s32 $0x15980;
	[sflag:s29] =	ssyncadd.s32 $0xFFFFD800  }
0xfa: {  	[tilespmem:s6], [sflag:$0x3] =	stream.indirect.gather [hbm4b:s16+s0], $0x80, s13, s0, $0xb8;
	[tilespmem:$0x1F400] =	vst v63  }
0xfb: {  	_ =	swait.ge [sflag:s8], $0x2800  }
0xfc: {  	[sflag:s8] =	ssyncset.done $0x0  }
0xfd: {  	s12 =	simm.s32 $0x17980;
	[sflag:s8] =	ssyncadd.s32 $0xFFFFD800  }
0xfe: {  	[spmem:s1] =	stream.indirect.scatter.add.f32 [tilespmem:s6], [sflag:$0x4], $0x80, s12, s0, $0xb8;
	[tilespmem:$0x1F400] =	vst v63  }
0xff: {  	_ =	swait.ge [sflag:s29], $0x2800  }
0x100: {  	[sflag:s29] =	ssyncset.done $0x0  }
0x101: {  	s13 =	simm.s32 $0x15A00;
	[sflag:s29] =	ssyncadd.s32 $0xFFFFD800  }
0x102: {  	[tilespmem:s28], [sflag:$0x1] =	stream.indirect.gather [hbm4b:s16+s0], $0x80, s13, s0, $0xb8;
	[tilespmem:$0x1F400] =	vst v63  }
0x103: {  	_ =	swait.ge [sflag:s5], $0x2800  }
0x104: {  	[sflag:s5] =	ssyncset.done $0x0  }
0x105: {  	[sflag:s5] =	ssyncadd.s32 $0xFFFFD800  }
0x106: {  	[spmem:s1] =	stream.indirect.scatter.add.f32 [tilespmem:s28], [sflag:$0x4], $0x80, s9, s0, $0xb8;
	[tilespmem:$0x1F400] =	vst v63  }
0x107: {  	_ =	swait.ge [sflag:s29], $0x2800  }
0x108: {  	[sflag:s29] =	ssyncset.done $0x0  }
0x109: {  	[sflag:s29] =	ssyncadd.s32 $0xFFFFD800  }
0x10a: {  	[bflag:$0x0] =	sbarrier.arrive $0xFFFF  }
0x10b: {  	[tilespmem:s28], [sflag:$0x4] =	stream.linear.gather [spmem:s18], $0x2800, $0x38;
	[tilespmem:$0x1F400] =	vst v63  }
0x10c: {  	_ =	swait.ge [sflag:s29], $0x2800  }
0x10d: {  	[sflag:s29] =	ssyncset.done $0x0  }
0x10e: {  	s12 =	rddreg [dreg:$0x7];
	[sflag:s29] =	ssyncadd.s32 $0xFFFFD800  }
0x10f: {  	[hbm4b:s12+s3] =	stream.linear.scatter [tilespmem:s28], [sflag:$0x4], $0x2800, $0x38;
	[tilespmem:$0x1F400] =	vst v63  }
0x110: {  	_ =	swait.ge [sflag:s29], $0x2800  }
0x111: {  	[sflag:s29] =	ssyncset.done $0x0  }
0x112: {  	[sflag:s29] =	ssyncadd.s32 $0xFFFFD800  }
0x113: {  	[tilespmem:s28], [sflag:$0x4] =	stream.linear.gather [spmem:s19], $0x2800, $0x38;
	[tilespmem:$0x1F400] =	vst v63  }
0x114: {  	_ =	swait.ge [sflag:s29], $0x2800  }
0x115: {  	[sflag:s29] =	ssyncset.done $0x0  }
0x116: {  	s13 =	rddreg [dreg:$0x8];
	[sflag:s29] =	ssyncadd.s32 $0xFFFFD800  }
0x117: {  	[hbm4b:s13+s3] =	stream.linear.scatter [tilespmem:s28], [sflag:$0x4], $0x2800, $0x38;
	[tilespmem:$0x1F400] =	vst v63  }
0x118: {  	_ =	swait.ge [sflag:s29], $0x2800  }
0x119: {  	[sflag:s29] =	ssyncset.done $0x0  }
0x11a: {  	[sflag:s29] =	ssyncadd.s32 $0xFFFFD800  }
0x11b: {  	[tilespmem:s28], [sflag:$0x4] =	stream.linear.gather [spmem:s20], $0x2800, $0x38;
	[tilespmem:$0x1F400] =	vst v63  }
0x11c: {  	_ =	swait.ge [sflag:s29], $0x2800  }
0x11d: {  	[sflag:s29] =	ssyncset.done $0x0  }
0x11e: {  	s12 =	rddreg [dreg:$0x9];
	[sflag:s29] =	ssyncadd.s32 $0xFFFFD800  }
0x11f: {  	[hbm4b:s12+s3] =	stream.linear.scatter [tilespmem:s28], [sflag:$0x4], $0x2800, $0x38;
	[tilespmem:$0x1F400] =	vst v63  }
0x120: {  	_ =	swait.ge [sflag:s29], $0x2800  }
0x121: {  	[sflag:s29] =	ssyncset.done $0x0  }
0x122: {  	[sflag:s29] =	ssyncadd.s32 $0xFFFFD800  }
0x123: {  	[tilespmem:s28], [sflag:$0x4] =	stream.linear.gather [spmem:s21], $0x2800, $0x38;
	[tilespmem:$0x1F400] =	vst v63  }
0x124: {  	_ =	swait.ge [sflag:s29], $0x2800  }
0x125: {  	[sflag:s29] =	ssyncset.done $0x0  }
0x126: {  	s13 =	rddreg [dreg:$0xa];
	[sflag:s29] =	ssyncadd.s32 $0xFFFFD800  }
0x127: {  	[hbm4b:s13+s3] =	stream.linear.scatter [tilespmem:s28], [sflag:$0x4], $0x2800, $0x38;
	[tilespmem:$0x1F400] =	vst v63  }
0x128: {  	_ =	swait.ge [sflag:s29], $0x2800  }
0x129: {  	[sflag:s29] =	ssyncset.done $0x0  }
0x12a: {  	[sflag:s29] =	ssyncadd.s32 $0xFFFFD800  }
0x12b: {  	[tilespmem:s28], [sflag:$0x4] =	stream.linear.gather [spmem:s22], $0x2800, $0x38;
	[tilespmem:$0x1F400] =	vst v63  }
0x12c: {  	_ =	swait.ge [sflag:s29], $0x2800  }
0x12d: {  	[sflag:s29] =	ssyncset.done $0x0  }
0x12e: {  	s12 =	rddreg [dreg:$0xb];
	[sflag:s29] =	ssyncadd.s32 $0xFFFFD800  }
0x12f: {  	[hbm4b:s12+s3] =	stream.linear.scatter [tilespmem:s28], [sflag:$0x4], $0x2800, $0x38;
	[tilespmem:$0x1F400] =	vst v63  }
0x130: {  	_ =	swait.ge [sflag:s29], $0x2800  }
0x131: {  	[sflag:s29] =	ssyncset.done $0x0  }
0x132: {  	[sflag:s29] =	ssyncadd.s32 $0xFFFFD800  }
0x133: {  	[tilespmem:s28], [sflag:$0x4] =	stream.linear.gather [spmem:s23], $0x2800, $0x38;
	[tilespmem:$0x1F400] =	vst v63  }
0x134: {  	_ =	swait.ge [sflag:s29], $0x2800  }
0x135: {  	[sflag:s29] =	ssyncset.done $0x0  }
0x136: {  	s13 =	rddreg [dreg:$0xc];
	[sflag:s29] =	ssyncadd.s32 $0xFFFFD800  }
0x137: {  	[hbm4b:s13+s3] =	stream.linear.scatter [tilespmem:s28], [sflag:$0x4], $0x2800, $0x38;
	[tilespmem:$0x1F400] =	vst v63  }
0x138: {  	_ =	swait.ge [sflag:s29], $0x2800  }
0x139: {  	[sflag:s29] =	ssyncset.done $0x0  }
0x13a: {  	[sflag:s29] =	ssyncadd.s32 $0xFFFFD800  }
0x13b: {  	[tilespmem:s28], [sflag:$0x4] =	stream.linear.gather [spmem:s24], $0x2800, $0x38;
	[tilespmem:$0x1F400] =	vst v63  }
0x13c: {  	_ =	swait.ge [sflag:s29], $0x2800  }
0x13d: {  	[sflag:s29] =	ssyncset.done $0x0  }
0x13e: {  	[sflag:s29] =	ssyncadd.s32 $0xFFFFD800  }
0x13f: {  	[hbm4b:s14+s3] =	stream.linear.scatter [tilespmem:s28], [sflag:$0x4], $0x2800, $0x38;
	[tilespmem:$0x1F400] =	vst v63  }
0x140: {  	_ =	swait.ge [sflag:s29], $0x2800  }
0x141: {  	[sflag:s29] =	ssyncset.done $0x0  }
0x142: {  	[sflag:s29] =	ssyncadd.s32 $0xFFFFD800  }
0x143: {  	[tilespmem:s28], [sflag:$0x4] =	stream.linear.gather [spmem:s25], $0x2400, $0x38;
	[tilespmem:$0x1F400] =	vst v63  }
0x144: {  	s10 =	sadd.s32 $0x1, s10;
	_ =	swait.ge [sflag:s29], $0x2400  }
0x145: {  	p0 =	sne.s32 s10, s26;
	[sflag:s29] =	ssyncset.done $0x0  }
.Ltmp2:
0x146: {  	[sflag:s29] =	ssyncadd.s32 $0xFFFFDC00;
	(pc) =	sbr.rel @p0 .LBB2_1-.Ltmp2, $4  }
0x147: {  	[hbm4b:s15+s3] =	stream.linear.scatter [tilespmem:s28], [sflag:$0x4], $0x2400, $0x38;
	[tilespmem:$0x1F400] =	vst v63  }
0x148: {  	_ =	swait.ge [sflag:s29], $0x2400  }
0x149: {  	[sflag:s29] =	ssyncset.done $0x0  }
0x14a: {  	[sflag:s29] =	ssyncadd.s32 $0xFFFFDC00  }
0x14b: {  	_ =	sfence.sel $0x180000  }
0x14c: {  	[bflag:$0x0] =	sbarrier.arrive $0xFFFF  }
0x14d: {  	_ =	strace $0x9000004D  }
0x14e: {  	s0 =	stileid.u32;
	[bflag:$0x2] =	sbarrier.arrive $0xFFFF  }
0x14f: {  	p0 =	sne.s32 s0, $0x0;
	s0 =	rddreg [dreg:$0x2]  }
0x150: {  	s0 =	sadd.s32 @!p0 $0x100000, s0  }
0x151: {  	[sflag:s0] =	ssyncadd.tile.s32 @!p0 $0x1;
	_ =	shalt  }
.Lfunc_end2:
_tile_overlayer_lowered:
.L_overlay_start_2:
0x152: {  	(tag) =	ssettag $0x2  }
0x153: {  	s0 =	rddreg [dreg:$0x0];
	s2 =	stileid.u32  }
0x154: {  	s1 =	rddreg [dreg:$0x1];
	p0 =	sne.s32 s2, $0x0  }
0x155: {  	s3 =	rddreg [dreg:$0x2];
	[bflag:$0x3] =	sbarrier.arrive $0xFFFF;
	s2 =	simm.s32 @!p0 $0x1C04  }
0x156: {  	[timem:s3], [sflag:s2] =	dma.local @!p0 [hbm:s0], s1  }
0x157: {  	s0 =	simm.s32 @!p0 $0x4  }
0x158: {  	_ =	swait.ge @!p0 [sflag:s0], s1  }
0x159: {  	s1 =	ssub.s32 @!p0 $0x0, s1;
	[sflag:s0] =	ssyncset.done @!p0 $0x0  }
0x15a: {  	[sflag:s0] =	ssyncadd.s32 @!p0 s1  }
0x15b: {  	[bflag:$0x3] =	sbarrier.arrive $0xFFFF  }
0x15c: {  	_ =	shalt  }

// kernel: kernel.7.cloned.1.call-start
scs
__scs_entry_jumppad:
0x0: {  	(pc) =	sbr.rel $0x88, $3  }
0x1: {  	(tag) =	ssettag $0x0;
	lr =	simm.s32 $0x1  }
0x2: {  	[smem:$0x3F89] =	sst lr;
	_ =	strace $0xD0000000  }
0x3: {  	_ = 	snop  }
0x4: {  	_ = 	snop  }
0x5: {  	_ = 	snop  }
0x6: {  	_ = 	snop  }
0x7: {  	_ = 	snop  }
__scs_overlays_trampoline_lowered:
0x8: {  	[smem:$0x3F98] =	sst s0  }
0x9: {  	[smem:$0x3F99] =	sst s1  }
0xa: {  	[smem:$0x3F9A] =	sst s2  }
0xb: {  	[smem:$0x3F9B] =	sst s3  }
0xc: {  	[smem:$0x3F9C] =	sst s4  }
0xd: {  	[smem:$0x3F9D] =	sst s5  }
0xe: {  	[smem:$0x3F9E] =	sst s6  }
0xf: {  	[smem:$0x3F9F] =	sst s7  }
0x10: {  	[smem:$0x3FA0] =	sst s8  }
0x11: {  	[smem:$0x3FA1] =	sst s9;
	s0 =	simm.s32 @!p0 $0x0  }
0x12: {  	s1 =	sld [smem:$0x3F87];
	s0 =	simm.s32 @p0 $0x1  }
0x13: {  	[smem:$0x3FA2] =	sst s0;
	s0 =	simm.s32 @!p1 $0x0  }
0x14: {  	s2 =	sld [smem:$0x3F86];
	s0 =	simm.s32 @p1 $0x1  }
0x15: {  	[smem:$0x3FA3] =	sst s0;
	s0 =	simm.s32 @!p2 $0x0  }
0x16: {  	s3 =	sld [smem:$0x3FDB];
	s0 =	simm.s32 @p2 $0x1  }
0x17: {  	s4 =	simm.s32 $0x1BF5;
	[smem:$0x3FA5] =	sst s0  }
0x18: {  	s0 =	sld [smem:$0x3F88];
	_ =	swait.ge [sflag:s4], $0x0  }
0x19: {  	s7 =	sld [smem:$0x3F89]  }
0x1a: {  	s8 =	sadd.s32 $0xFFFFE003, lr  }
0x1b: {  	s9 =	sadd.s32 $0xFFFFFEF7, lr;
	s5 =	simm.s32 $0xFFFFFFFF;
	p2 =	slt.u32 s8, $0xFFFFF086  }
0x1c: {  	p1 =	slt.u32 s9, $0xF7A;
	s5 =	simm.s32 @!p2 $0x0  }
0x1d: {  	s5 =	simm.s32 @p1 $0x1;
	p0 =	seq.s32 s7, s2  }
0x1e: {  	s7 =	smul.u32 @!p0 $0xF7A, s2;
	p2 =	seq.s32 @!p0 s5, $0x0  }
0x1f: {  	s9 =	smul.u32 $0xF7A, s1;
	s8 =	simm.s32 @!p0 $0x1BF5;
	p2 =	por !p2, p0  }
0x20: {  	[sflag:s8] =	ssyncset.s32 @!p0 $0xFFFFF086;
	s6 =	sadd.s32 @!p0 s3, s7;
	s7 =	simm.s32 @!p0 $0x108  }
0x21: {  	s3 =	sadd.s32 s3, s9;
	s6 =	sadd.s32 @!p0 $0x88, s6;
	s7 =	simm.s32 @p2 $0x1082  }
0x22: {  	[simem:s7], [sflag:s8] =	dma.local @!p0 [hbm:s6], $0xF7A  }
0x23: {  	s9 =	sor.u32 $0xD0000000, s2;
	s6 =	simm.s32 $0x108;
	_ =	swait.ge @!p0 [sflag:s8], $0x0  }
0x24: {  	s3 =	sadd.s32 $0x88, s3;
	s6 =	simm.s32 @!p1 $0x1082;
	[sflag:s4] =	ssyncset.s32 $0xFFFFF086  }
0x25: {  	[simem:s6], [sflag:s4] =	dma.local [hbm:s3], $0xF7A  }
0x26: {  	[smem:$0x3F89] =	sst s1;
	(tag) =	ssettag s2;
	_ =	strace s9  }
0x27: {  	s1 =	sld [smem:$0x3F99]  }
0x28: {  	s2 =	sld [smem:$0x3F9A]  }
0x29: {  	s4 =	sld [smem:$0x3F9C]  }
0x2a: {  	p0 =	seq.s32 s5, $0x0;
	s5 =	sld [smem:$0x3F9D]  }
0x2b: {  	s6 =	sld [smem:$0x3F9E]  }
0x2c: {  	s7 =	sld [smem:$0x3F9F]  }
0x2d: {  	s3 =	simm.s32 $0x108;
	s8 =	sld [smem:$0x3FA0]  }
0x2e: {  	s3 =	simm.s32 @!p0 $0x1082;
	s9 =	sld [smem:$0x3FA1]  }
0x2f: {  	lr =	sadd.s32 s0, s3;
	s0 =	sld [smem:$0x3F98]  }
0x30: {  	s3 =	sld [smem:$0x3F9B]  }
0x31: {  	[smem:$0x3FA4] =	sst s10  }
0x32: {  	s10 =	sld [smem:$0x3FA2];
	_ =	sdelay $0x3  }
0x33: {  	p0 =	seq.s32 s10, $0x1;
	s10 =	sld [smem:$0x3FA4];
	_ =	sdelay $0x3  }
0x34: {  	[smem:$0x3FA4] =	sst s10  }
0x35: {  	s10 =	sld [smem:$0x3FA3];
	_ =	sdelay $0x3  }
0x36: {  	p1 =	seq.s32 s10, $0x1;
	s10 =	sld [smem:$0x3FA4];
	_ =	sdelay $0x3  }
0x37: {  	[smem:$0x3FA4] =	sst s10  }
0x38: {  	s10 =	sld [smem:$0x3FA5]  }
0x39: {  	_ = 	snop;
	(pc) =	sbr.ind lr, $3  }
0x3a: {  	_ = 	snop  }
0x3b: {  	_ = 	snop  }
0x3c: {  	p2 =	seq.s32 s10, $0x1;
	s10 =	sld [smem:$0x3FA4]  }
0x3d: {  	_ =	shalt  }
0x3e: {  	_ =	shalt  }
0x3f: {  	_ =	shalt  }
0x40: {  	_ =	shalt  }
0x41: {  	_ =	shalt  }
0x42: {  	_ =	shalt  }
0x43: {  	_ =	shalt  }
0x44: {  	_ =	shalt  }
0x45: {  	_ =	shalt  }
0x46: {  	_ =	shalt  }
0x47: {  	_ =	shalt  }
0x48: {  	_ =	shalt  }
0x49: {  	_ =	shalt  }
0x4a: {  	_ =	shalt  }
0x4b: {  	_ =	shalt  }
0x4c: {  	_ =	shalt  }
0x4d: {  	_ =	shalt  }
0x4e: {  	_ =	shalt  }
0x4f: {  	_ =	shalt  }
0x50: {  	_ =	shalt  }
0x51: {  	_ =	shalt  }
0x52: {  	_ =	shalt  }
0x53: {  	_ =	shalt  }
0x54: {  	_ =	shalt  }
0x55: {  	_ =	shalt  }
0x56: {  	_ =	shalt  }
0x57: {  	_ =	shalt  }
0x58: {  	_ =	shalt  }
0x59: {  	_ =	shalt  }
0x5a: {  	_ =	shalt  }
0x5b: {  	_ =	shalt  }
0x5c: {  	_ =	shalt  }
0x5d: {  	_ =	shalt  }
0x5e: {  	_ =	shalt  }
0x5f: {  	_ =	shalt  }
0x60: {  	_ =	shalt  }
0x61: {  	_ =	shalt  }
0x62: {  	_ =	shalt  }
0x63: {  	_ =	shalt  }
0x64: {  	_ =	shalt  }
0x65: {  	_ =	shalt  }
0x66: {  	_ =	shalt  }
0x67: {  	_ =	shalt  }
0x68: {  	_ =	shalt  }
0x69: {  	_ =	shalt  }
0x6a: {  	_ =	shalt  }
0x6b: {  	_ =	shalt  }
0x6c: {  	_ =	shalt  }
0x6d: {  	_ =	shalt  }
0x6e: {  	_ =	shalt  }
0x6f: {  	_ =	shalt  }
0x70: {  	_ =	shalt  }
0x71: {  	_ =	shalt  }
0x72: {  	_ =	shalt  }
0x73: {  	_ =	shalt  }
0x74: {  	_ =	shalt  }
0x75: {  	_ =	shalt  }
0x76: {  	_ =	shalt  }
0x77: {  	_ =	shalt  }
0x78: {  	_ =	shalt  }
0x79: {  	_ =	shalt  }
0x7a: {  	_ =	shalt  }
0x7b: {  	_ =	shalt  }
0x7c: {  	_ =	shalt  }
0x7d: {  	_ =	shalt  }
0x7e: {  	_ =	shalt  }
0x7f: {  	_ =	shalt  }
0x80: {  	_ =	shalt  }
0x81: {  	_ =	shalt  }
0x82: {  	_ =	shalt  }
0x83: {  	_ =	shalt  }
0x84: {  	_ =	shalt  }
0x85: {  	_ =	shalt  }
0x86: {  	_ =	shalt  }
0x87: {  	_ =	shalt  }
.Lfunc_end0:
.L_simem_size_0:
called_computation_lowered:
.L_overlay_start_0:
0x88: {  	s2 =	sld [smem:$0x3FD9]  }
0x89: {  	s3 =	sld [smem:$0x3FFE];
	_ =	sdelay $0x1  }
0x8a: {  	s1 =	srdreg.scid  }
0x8b: {  	s0 =	sand.u32 $0x1, s1  }
0x8c: {  	s17 =	sshll.u32 s0, $0xA;
	s2 =	sadd.s32 s3, s2  }
0x8d: {  	s2 =	sadd.s32 s2, s17  }
0x8e: {  	[smem:$0x3FB0] =	sst s2  }
0x8f: {  	_ = 	snop  }
0x90: {  	(tm) =	ssettm $0x1  }
0x91: {  	s18 =	sld [smem:$0x3FFB];
	_ =	sdelay $0x3  }
0x92: {  	_ =	strace s18  }
0x93: {  	s2 =	sld [smem:$0x3FFC];
	_ =	sdelay $0x3  }
0x94: {  	_ =	strace s2  }
0x95: {  	s2 =	sld [smem:$0x3FFD];
	_ =	sdelay $0x3  }
0x96: {  	_ =	strace s2  }
0x97: {  	_ =	strace $0x8FFFFFFF  }
0x98: {  	s19 =	sld [smem:$0x3FDB];
	_ =	sdelay $0x1  }
0x99: {  	s20 =	simm.s32 $_scs_section_size  }
0x9a: {  	s4 =	simm.s32 $_size__tile_overlayer_lowered;
	s5 =	simm.s32 $_tile_overlayer_lowered  }
0x9b: {  	s6 =	simm.s32 $0x1BFF;
	s21 =	sshll.u32 s5, $0x1;
	s3 =	sadd.s32 s20, s19  }
0x9c: {  	s22 =	simm.s32 $0x0;
	s4 =	sshll.u32 s4, $0x1;
	s5 =	sadd.s32 s21, s3  }
0x9d: {  	[timem:s22], [sflag:s6] =	dma.local [hbm:s5], s4  }
0x9e: {  	_ =	swait.ge [sflag:s6], s4  }
0x9f: {  	s4 =	ssub.s32 $0x0, s4;
	[sflag:s6] =	ssyncset.done $0x0  }
0xa0: {  	[sflag:s6] =	ssyncadd.s32 s4;
	_ =	sdelay $0x1  }
0xa1: {  	s23 =	simm.s32 $0x1B8B  }
0xa2: {  	_ =	swait.ge [sflag:s23], $0x1  }
0xa3: {  	[sflag:s23] =	ssyncset.done $0x0  }
0xa4: {  	[sflag:s23] =	ssyncadd.s32 $0xFFFFFFFF  }
0xa5: {  	s4 =	sld [smem:$0x0]  }
0xa6: {  	s5 =	sand.u32 $0xFFFFFFFE, s1  }
0xa7: {  	p0 =	sne.s32 s1, s5  }
0xa8: {  	s5 =	sshll.u32 @p0 s5, $0xE  }
0xa9: {  	s5 =	sadd.s32 @p0 $0x11B8D, s5;
	s6 =	sshll.u32 @p0 s4, $0x11  }
0xaa: {  	s5 =	sor.u32 @p0 s6, s5  }
0xab: {  	[sflag:s5] =	ssyncadd.remote.s32 @p0 $0x1;
	_ =	sdelay $0x1  }
0xac: {  	s5 =	simm.s32 @p0 $0x1B8D  }
0xad: {  	_ =	swait.eq @p0 [sflag:s5], $0x1  }
0xae: {  	[sflag:s5] =	ssyncadd.s32 @p0 $0xFFFFFFFF  }
0xaf: {  	s6 =	sshll.u32 @!p0 s1, $0xE  }
0xb0: {  	s6 =	sor.u32 @!p0 $0x4000, s6;
	s5 =	simm.s32 @!p0 $0x1B8D  }
0xb1: {  	s4 =	sshll.u32 @!p0 s4, $0x11;
	s6 =	sadd.s32 @!p0 $0x11B8D, s6;
	_ =	swait.eq @!p0 [sflag:s5], $0x1  }
0xb2: {  	s4 =	sor.u32 @!p0 s4, s6;
	[sflag:s5] =	ssyncadd.s32 @!p0 $0xFFFFFFFF  }
0xb3: {  	s25 =	simm.s32 $0x1B8E;
	s24 =	sld [smem:$0x3FFE];
	[sflag:s4] =	ssyncadd.remote.s32 @!p0 $0x1  }
0xb4: {  	s26 =	simm.s32 $execute0_lowered;
	[smem:$0x3FD2] =	sst s25  }
0xb5: {  	s5 =	sshll.u32 s26, $0x1;
	_ =	strace $0x80000049;
	[dreg:$0x1] =	wrdreg $0xFFFFFFFF  }
0xb6: {  	s28 =	simm.s32 $_size_execute0_lowered;
	s3 =	sadd.s32 s3, s5;
	[dreg:$0x0] =	wrdreg $0x0  }
0xb7: {  	s5 =	sshll.u32 s28, $0x1;
	[dreg:$0x2] =	wrdreg s3  }
0xb8: {  	[dreg:$0x3] =	wrdreg s5  }
0xb9: {  	[dreg:$0x4] =	wrdreg $0xC0  }
0xba: {  	_ =	task [dreg:s22], $0x5FFFF  }
0xbb: {  	[dreg:$0x1] =	wrdreg $0xFFFFFFFF  }
0xbc: {  	[dreg:$0x0] =	wrdreg $0x60  }
0xbd: {  	[dreg:$0x2] =	wrdreg s24  }
0xbe: {  	[dreg:$0x3] =	wrdreg $0x0  }
0xbf: {  	[dreg:$0x4] =	wrdreg $0x9  }
0xc0: {  	_ =	task.clear_ibuf [dreg:s22], $0x5FFFF;
	_ =	strace $0x90000049  }
0xc1: {  	s29 =	simm.s32 $0x9;
	_ =	strace $0x8000004B  }
0xc2: {  	_ =	swait.ge [sflag:s29], $0x1  }
0xc3: {  	[sflag:s29] =	ssyncadd.s32 $0xFFFFFFFF  }
0xc4: {  	_ =	strace $0x9000004B  }
0xc5: {  	_ =	sfence  }
0xc6: {  	s30 =	sld [smem:$0x0];
	_ =	sdelay $0x2  }
0xc7: {  	s31 =	sshll.u32 s1, $0xD;
	s1 =	sshrl.u32 s1, $0x2  }
0xc8: {  	s4 =	sand.u32 $0x4000, s31;
	s1 =	sadd.s32 s1, s30  }
0xc9: {  	s0 =	sor.u32 s4, s0;
	s1 =	sshll.u32 s1, $0x11  }
0xca: {  	s0 =	sor.u32 s1, s0  }
0xcb: {  	s0 =	sadd.s32 $0x8F2B, s0  }
0xcc: {  	[sflag:s0] =	ssyncadd.remote.s32 $0x1  }
0xcd: {  	_ =	sfence.sel $0xFFFF  }
0xce: {  	[dreg:$0x0] =	wrdreg $0xFFFFFFFF;
	(pc) =	sbr.abs _section_cstart, $3  }
0xcf: {  	[dreg:$0x1] =	wrdreg $0xFFFFFFFF  }
0xd0: {  	_ =	task.clear_ibuf [dreg:s22], $0x2FFFF;
	_ =	strace $0x9FFFFFFF  }
0xd1: {  	(tm) =	ssettm $0x7FFFFFFF  }
tec
execute0_lowered:
.L_overlay_start_1:
0x0: {  	(tag) =	ssettag $0x1  }
0x1: {  	s6 =	rddreg [dreg:$0x0]  }
0x2: {  	s2 =	rddreg [dreg:$0x1];
	s3 =	simm.s32 $0x0  }
0x3: {  	s1 =	stileid.u32;
	s8 =	srdreg.scid;
	s28 =	simm.s32 $0x1A400  }
0x4: {  	s29 =	simm.s32 $0x50;
	s30 =	simm.s32 $0x0;
	[smem:$0x7FF] =	sst s3  }
0x5: {  	s4 =	sshll.u32 s1, $0xB;
	s5 =	sadd.s32 $0x73400, s6;
	s25 =	smul.u32 $0x4F000, s1  }
0x6: {  	s11 =	sand.u32 $0x1, s8;
	s22 =	sadd.s32 $0x73A00, s6;
	s14 =	smul.u32 $0x13C00, s1  }
0x7: {  	_ =	strace $0x8000004A;
	s7 =	sadd.s32 s4, s6;
	s24 =	ssub.s32 $0x2, s11  }
0x8: {  	s4 =	sadd.s32 $0x23E00, s6;
	s10 =	sshll.u32 s11, $0xF;
	s9 =	sshrl.u32 s24, $0x1  }
0x9: {  	s26 =	sadd.s32 s10, s7;
	s31 =	sshrl.u32 s25, $0x2;
	s15 =	sadd.s32 $0x2800, s14  }
0xa: {  	s17 =	sadd.s32 $0x5000, s14;
	s18 =	sadd.s32 $0x7800, s14;
	s19 =	sadd.s32 $0xA000, s14  }
0xb: {  	s20 =	sadd.s32 $0xC800, s14;
	s21 =	sadd.s32 $0xF000, s14;
	s25 =	sadd.s32 $0x11800, s14  }
0xc: {  	s23 =	ssub.s32 s24, s9;
	s6 =	sadd.s32 $0x3E00, s26;
	s7 =	sadd.s32 s31, s2  }
0xd: {  	s8 =	sadd.s32 s15, s2;
	s9 =	sadd.s32 s17, s2;
	s24 =	smul.u32 $0x13C000, s11  }
0xe: {  	s10 =	sadd.s32 s18, s2;
	s11 =	sadd.s32 s19, s2;
	s12 =	sadd.s32 s20, s2  }
0xf: {  	s13 =	sadd.s32 s21, s2;
	s23 =	smax.u32 s23, $0x1;
	s16 =	sadd.s32 s14, s24  }
0x10: {  	s15 =	sadd.s32 s24, s15;
	s14 =	sadd.s32 s25, s2;
	s17 =	sadd.s32 s24, s17  }
0x11: {  	s18 =	sadd.s32 s24, s18;
	s19 =	sadd.s32 s24, s19;
	s20 =	sadd.s32 s24, s20  }
0x12: {  	s21 =	sadd.s32 s24, s21;
	s24 =	sadd.s32 s24, s25;
	s25 =	simm.s32 $0x1  }
0x13: {  	s16 =	sshrl.u32 s16, $0x3;
	s26 =	sshrl.u32 s15, $0x3;
	s17 =	sshrl.u32 s17, $0x3  }
0x14: {  	s18 =	sshrl.u32 s18, $0x3;
	s19 =	sshrl.u32 s19, $0x3;
	s20 =	sshrl.u32 s20, $0x3  }
0x15: {  	s21 =	sshrl.u32 s21, $0x3;
	s24 =	sshrl.u32 s24, $0x3;
	s15 =	sadd.s32 s22, s16  }
0x16: {  	s16 =	sadd.s32 s22, s26;
	s17 =	sadd.s32 s22, s17;
	s18 =	sadd.s32 s22, s18  }
0x17: {  	s19 =	sadd.s32 s22, s19;
	s20 =	sadd.s32 s22, s20;
	s21 =	sadd.s32 s22, s21  }
0x18: {  	s22 =	sadd.s32 s22, s24;
	s24 =	simm.s32 $0x13C00;
	s26 =	simm.s32 $0x17C00  }
.LBB2_1:
0x19: {  	[tilespmem:s24], [sflag:$0x1] =	stream.linear.gather [hbm4b:s6+s3], $0x3E80, $0x38;
	[tilespmem:$0x1CC00] =	vst v63  }
0x1a: {  	_ =	swait.ge [sflag:s25], $0x3E80  }
0x1b: {  	[sflag:s25] =	ssyncset.done $0x0  }
0x1c: {  	[sflag:s25] =	ssyncadd.s32 $0xFFFFC180  }
0x1d: {  	[tilespmem:s26], [sflag:$0x1] =	stream.linear.gather [hbm4b:s4+s3], $0x2800, $0x38;
	[tilespmem:$0x1CC00] =	vst v63  }
0x1e: {  	_ =	swait.ge [sflag:s25], $0x2800  }
0x1f: {  	[sflag:s25] =	ssyncset.done $0x0  }
0x20: {  	[sflag:s25] =	ssyncadd.s32 $0xFFFFD800  }
0x21: {  	[tilespmem:s28], [sflag:$0x1] =	stream.linear.gather [hbm4b:s5+s3], $0x2800, $0x38;
	[tilespmem:$0x1CC00] =	vst v63  }
0x22: {  	_ =	swait.ge [sflag:s25], $0x2800  }
0x23: {  	[sflag:s25] =	ssyncset.done $0x0  }
0x24: {  	[sflag:s25] =	ssyncadd.s32 $0xFFFFD800  }
0x25: {  	[spmem:s7] =	stream.linear.scatter [tilespmem:s26], [sflag:$0x1], $0x2800, $0x38;
	[tilespmem:$0x1CC00] =	vst v63  }
0x26: {  	_ =	swait.ge [sflag:s25], $0x2800  }
0x27: {  	[sflag:s25] =	ssyncset.done $0x0  }
0x28: {  	[sflag:s25] =	ssyncadd.s32 $0xFFFFD800  }
0x29: {  	[spmem:s8] =	stream.linear.scatter [tilespmem:s26], [sflag:$0x1], $0x2800, $0x38;
	[tilespmem:$0x1CC00] =	vst v63  }
0x2a: {  	_ =	swait.ge [sflag:s25], $0x2800  }
0x2b: {  	[sflag:s25] =	ssyncset.done $0x0  }
0x2c: {  	[sflag:s25] =	ssyncadd.s32 $0xFFFFD800  }
0x2d: {  	[spmem:s9] =	stream.linear.scatter [tilespmem:s26], [sflag:$0x1], $0x2800, $0x38;
	[tilespmem:$0x1CC00] =	vst v63  }
0x2e: {  	_ =	swait.ge [sflag:s25], $0x2800  }
0x2f: {  	[sflag:s25] =	ssyncset.done $0x0  }
0x30: {  	[sflag:s25] =	ssyncadd.s32 $0xFFFFD800  }
0x31: {  	[spmem:s10] =	stream.linear.scatter [tilespmem:s26], [sflag:$0x1], $0x2800, $0x38;
	[tilespmem:$0x1CC00] =	vst v63  }
0x32: {  	_ =	swait.ge [sflag:s25], $0x2800  }
0x33: {  	[sflag:s25] =	ssyncset.done $0x0  }
0x34: {  	[sflag:s25] =	ssyncadd.s32 $0xFFFFD800  }
0x35: {  	[spmem:s11] =	stream.linear.scatter [tilespmem:s26], [sflag:$0x1], $0x2800, $0x38;
	[tilespmem:$0x1CC00] =	vst v63  }
0x36: {  	_ =	swait.ge [sflag:s25], $0x2800  }
0x37: {  	[sflag:s25] =	ssyncset.done $0x0  }
0x38: {  	[sflag:s25] =	ssyncadd.s32 $0xFFFFD800  }
0x39: {  	[spmem:s12] =	stream.linear.scatter [tilespmem:s26], [sflag:$0x1], $0x2800, $0x38;
	[tilespmem:$0x1CC00] =	vst v63  }
0x3a: {  	_ =	swait.ge [sflag:s25], $0x2800  }
0x3b: {  	[sflag:s25] =	ssyncset.done $0x0  }
0x3c: {  	[sflag:s25] =	ssyncadd.s32 $0xFFFFD800  }
0x3d: {  	[spmem:s13] =	stream.linear.scatter [tilespmem:s26], [sflag:$0x1], $0x2800, $0x38;
	[tilespmem:$0x1CC00] =	vst v63  }
0x3e: {  	_ =	swait.ge [sflag:s25], $0x2800  }
0x3f: {  	[sflag:s25] =	ssyncset.done $0x0  }
0x40: {  	[sflag:s25] =	ssyncadd.s32 $0xFFFFD800  }
0x41: {  	[spmem:s14] =	stream.linear.scatter [tilespmem:s26], [sflag:$0x1], $0x2400, $0x38;
	[tilespmem:$0x1CC00] =	vst v63  }
0x42: {  	_ =	swait.ge [sflag:s25], $0x2400  }
0x43: {  	[sflag:s25] =	ssyncset.done $0x0  }
0x44: {  	[sflag:s25] =	ssyncadd.s32 $0xFFFFDC00  }
0x45: {  	s31 =	simm.s32 $0x13C00;
	[bflag:$0x0] =	sbarrier.arrive $0xFFFF  }
0x46: {  	[spmem:s2] =	stream.indirect.scatter.add.f32 [tilespmem:s28], [sflag:$0x1], $0x80, s31, s29, $0xb8;
	[tilespmem:$0x1CC00] =	vst v63  }
0x47: {  	s31 =	simm.s32 $0x200;
	_ =	swait.ge [sflag:s25], $0x2800  }
.LBB2_2:
0x48: {  	s0 =	sshra.s32 s31, $0x2;
	[sflag:s25] =	ssyncset.done $0x0;
	p0 =	sne.s32 s31, $0xF800  }
.Ltmp0:
0x49: {  	s0 =	sadd.s32 $0x13C00, s0;
	[sflag:s25] =	ssyncadd.s32 $0xFFFFD800;
	(pc) =	sbr.rel @p0 .LBB2_2-.Ltmp0, $3  }
0x4a: {  	[spmem:s2] =	stream.indirect.scatter.add.f32 [tilespmem:s28], [sflag:$0x1], $0x80, s0, s29, $0xb8;
	[tilespmem:$0x1CC00] =	vst v63  }
0x4b: {  	s31 =	sadd.s32 $0x200, s31;
	_ =	sdelay $0x1  }
0x4c: {  	_ =	swait.ge [sflag:s25], $0x2800  }
0x4d: {  	[sflag:s25] =	ssyncset.done $0x0  }
0x4e: {  	[sflag:s25] =	ssyncadd.s32 $0xFFFFD800  }
0x4f: {  	[bflag:$0x0] =	sbarrier.arrive $0xFFFF  }
0x50: {  	[tilespmem:s26], [sflag:$0x1] =	stream.linear.gather [spmem:s7], $0x2800, $0x38;
	[tilespmem:$0x1CC00] =	vst v63  }
0x51: {  	_ =	swait.ge [sflag:s25], $0x2800  }
0x52: {  	[sflag:s25] =	ssyncset.done $0x0  }
0x53: {  	[sflag:s25] =	ssyncadd.s32 $0xFFFFD800  }
0x54: {  	[hbm4b:s15+s3] =	stream.linear.scatter [tilespmem:s26], [sflag:$0x1], $0x2800, $0x38;
	[tilespmem:$0x1CC00] =	vst v63  }
0x55: {  	_ =	swait.ge [sflag:s25], $0x2800  }
0x56: {  	[sflag:s25] =	ssyncset.done $0x0  }
0x57: {  	[sflag:s25] =	ssyncadd.s32 $0xFFFFD800  }
0x58: {  	[tilespmem:s26], [sflag:$0x1] =	stream.linear.gather [spmem:s8], $0x2800, $0x38;
	[tilespmem:$0x1CC00] =	vst v63  }
0x59: {  	_ =	swait.ge [sflag:s25], $0x2800  }
0x5a: {  	[sflag:s25] =	ssyncset.done $0x0  }
0x5b: {  	[sflag:s25] =	ssyncadd.s32 $0xFFFFD800  }
0x5c: {  	[hbm4b:s16+s3] =	stream.linear.scatter [tilespmem:s26], [sflag:$0x1], $0x2800, $0x38;
	[tilespmem:$0x1CC00] =	vst v63  }
0x5d: {  	_ =	swait.ge [sflag:s25], $0x2800  }
0x5e: {  	[sflag:s25] =	ssyncset.done $0x0  }
0x5f: {  	[sflag:s25] =	ssyncadd.s32 $0xFFFFD800  }
0x60: {  	[tilespmem:s26], [sflag:$0x1] =	stream.linear.gather [spmem:s9], $0x2800, $0x38;
	[tilespmem:$0x1CC00] =	vst v63  }
0x61: {  	_ =	swait.ge [sflag:s25], $0x2800  }
0x62: {  	[sflag:s25] =	ssyncset.done $0x0  }
0x63: {  	[sflag:s25] =	ssyncadd.s32 $0xFFFFD800  }
0x64: {  	[hbm4b:s17+s3] =	stream.linear.scatter [tilespmem:s26], [sflag:$0x1], $0x2800, $0x38;
	[tilespmem:$0x1CC00] =	vst v63  }
0x65: {  	_ =	swait.ge [sflag:s25], $0x2800  }
0x66: {  	[sflag:s25] =	ssyncset.done $0x0  }
0x67: {  	[sflag:s25] =	ssyncadd.s32 $0xFFFFD800  }
0x68: {  	[tilespmem:s26], [sflag:$0x1] =	stream.linear.gather [spmem:s10], $0x2800, $0x38;
	[tilespmem:$0x1CC00] =	vst v63  }
0x69: {  	_ =	swait.ge [sflag:s25], $0x2800  }
0x6a: {  	[sflag:s25] =	ssyncset.done $0x0  }
0x6b: {  	[sflag:s25] =	ssyncadd.s32 $0xFFFFD800  }
0x6c: {  	[hbm4b:s18+s3] =	stream.linear.scatter [tilespmem:s26], [sflag:$0x1], $0x2800, $0x38;
	[tilespmem:$0x1CC00] =	vst v63  }
0x6d: {  	_ =	swait.ge [sflag:s25], $0x2800  }
0x6e: {  	[sflag:s25] =	ssyncset.done $0x0  }
0x6f: {  	[sflag:s25] =	ssyncadd.s32 $0xFFFFD800  }
0x70: {  	[tilespmem:s26], [sflag:$0x1] =	stream.linear.gather [spmem:s11], $0x2800, $0x38;
	[tilespmem:$0x1CC00] =	vst v63  }
0x71: {  	_ =	swait.ge [sflag:s25], $0x2800  }
0x72: {  	[sflag:s25] =	ssyncset.done $0x0  }
0x73: {  	[sflag:s25] =	ssyncadd.s32 $0xFFFFD800  }
0x74: {  	[hbm4b:s19+s3] =	stream.linear.scatter [tilespmem:s26], [sflag:$0x1], $0x2800, $0x38;
	[tilespmem:$0x1CC00] =	vst v63  }
0x75: {  	_ =	swait.ge [sflag:s25], $0x2800  }
0x76: {  	[sflag:s25] =	ssyncset.done $0x0  }
0x77: {  	[sflag:s25] =	ssyncadd.s32 $0xFFFFD800  }
0x78: {  	[tilespmem:s26], [sflag:$0x1] =	stream.linear.gather [spmem:s12], $0x2800, $0x38;
	[tilespmem:$0x1CC00] =	vst v63  }
0x79: {  	_ =	swait.ge [sflag:s25], $0x2800  }
0x7a: {  	[sflag:s25] =	ssyncset.done $0x0  }
0x7b: {  	[sflag:s25] =	ssyncadd.s32 $0xFFFFD800  }
0x7c: {  	[hbm4b:s20+s3] =	stream.linear.scatter [tilespmem:s26], [sflag:$0x1], $0x2800, $0x38;
	[tilespmem:$0x1CC00] =	vst v63  }
0x7d: {  	_ =	swait.ge [sflag:s25], $0x2800  }
0x7e: {  	[sflag:s25] =	ssyncset.done $0x0  }
0x7f: {  	[sflag:s25] =	ssyncadd.s32 $0xFFFFD800  }
0x80: {  	[tilespmem:s26], [sflag:$0x1] =	stream.linear.gather [spmem:s13], $0x2800, $0x38;
	[tilespmem:$0x1CC00] =	vst v63  }
0x81: {  	_ =	swait.ge [sflag:s25], $0x2800  }
0x82: {  	[sflag:s25] =	ssyncset.done $0x0  }
0x83: {  	[sflag:s25] =	ssyncadd.s32 $0xFFFFD800  }
0x84: {  	[hbm4b:s21+s3] =	stream.linear.scatter [tilespmem:s26], [sflag:$0x1], $0x2800, $0x38;
	[tilespmem:$0x1CC00] =	vst v63  }
0x85: {  	_ =	swait.ge [sflag:s25], $0x2800  }
0x86: {  	[sflag:s25] =	ssyncset.done $0x0  }
0x87: {  	[sflag:s25] =	ssyncadd.s32 $0xFFFFD800  }
0x88: {  	[tilespmem:s26], [sflag:$0x1] =	stream.linear.gather [spmem:s14], $0x2400, $0x38;
	[tilespmem:$0x1CC00] =	vst v63  }
0x89: {  	s30 =	sadd.s32 $0x1, s30;
	_ =	swait.ge [sflag:s25], $0x2400  }
0x8a: {  	p0 =	sne.s32 s30, s23;
	[sflag:s25] =	ssyncset.done $0x0  }
.Ltmp1:
0x8b: {  	[sflag:s25] =	ssyncadd.s32 $0xFFFFDC00;
	(pc) =	sbr.rel @p0 .LBB2_1-.Ltmp1, $4  }
0x8c: {  	[hbm4b:s22+s3] =	stream.linear.scatter [tilespmem:s26], [sflag:$0x1], $0x2400, $0x38;
	[tilespmem:$0x1CC00] =	vst v63  }
0x8d: {  	_ =	swait.ge [sflag:s25], $0x2400  }
0x8e: {  	[sflag:s25] =	ssyncset.done $0x0  }
0x8f: {  	[sflag:s25] =	ssyncadd.s32 $0xFFFFDC00  }
0x90: {  	_ =	sfence.sel $0x180000  }
0x91: {  	[bflag:$0x0] =	sbarrier.arrive $0xFFFF  }
0x92: {  	_ =	strace $0x9000004A  }
0x93: {  	[bflag:$0x2] =	sbarrier.arrive $0xFFFF  }
0x94: {  	p0 =	sne.s32 s1, $0x0;
	s0 =	rddreg [dreg:$0x2]  }
0x95: {  	s0 =	sadd.s32 @!p0 $0x100000, s0  }
0x96: {  	[sflag:s0] =	ssyncadd.tile.s32 @!p0 $0x1;
	_ =	shalt  }
.Lfunc_end2:
_tile_overlayer_lowered:
.L_overlay_start_2:
0x97: {  	(tag) =	ssettag $0x2  }
0x98: {  	s0 =	rddreg [dreg:$0x0];
	s2 =	stileid.u32  }
0x99: {  	s1 =	rddreg [dreg:$0x1];
	p0 =	sne.s32 s2, $0x0  }
0x9a: {  	s3 =	rddreg [dreg:$0x2];
	[bflag:$0x3] =	sbarrier.arrive $0xFFFF;
	s2 =	simm.s32 @!p0 $0x1C01  }
0x9b: {  	[timem:s3], [sflag:s2] =	dma.local @!p0 [hbm:s0], s1  }
0x9c: {  	s0 =	simm.s32 @!p0 $0x1  }
0x9d: {  	_ =	swait.ge @!p0 [sflag:s0], s1  }
0x9e: {  	s1 =	ssub.s32 @!p0 $0x0, s1;
	[sflag:s0] =	ssyncset.done @!p0 $0x0  }
0x9f: {  	[sflag:s0] =	ssyncadd.s32 @!p0 s1  }
0xa0: {  	[bflag:$0x3] =	sbarrier.arrive $0xFFFF  }
0xa1: {  	_ =	shalt  }

</sc_bundles>
